<compile_context>
chip_gen: v7x
topology: tpu7x:2x2x1
jax: 0.10.2.dev20260603
libtpu: 0.0.44.dev20260713+nightly
codegen_flags: <defaults>
</compile_context>

<pallas_src>
import functools

import jax
import jax.numpy as jnp
from jax import lax
from jax.experimental import pallas as pl
from jax.experimental.pallas import tpu as pltpu
from jax.experimental.pallas import tpu_sc as plsc

N = 10000
D = 128
E = 320000
BN_EPS = 1e-5

NC = 2
NS = 16
HD = D // NC
CH = 125
NCHUNK = 160
SR = 128
TAB_ROWS = 10240
ROWS_PER_TILE = TAB_ROWS // NS

BC = 40
NBLK = NCHUNK // BC
PAIRS = BC // 2

_mesh = plsc.VectorSubcoreMesh(core_axis_name="c", subcore_axis_name="s")


@functools.partial(
    pl.kernel,
    out_type=jax.ShapeDtypeStruct((TAB_ROWS, D), jnp.float32),
    mesh=_mesh,
    scratch_types=[
        pltpu.VMEM_SHARED((TAB_ROWS, HD), jnp.float32),
        pltpu.VMEM_SHARED((TAB_ROWS, HD), jnp.float32),
        pltpu.VMEM((BC, CH), jnp.int32),
        pltpu.VMEM((BC, CH), jnp.int32),
        pltpu.VMEM((BC, CH), jnp.int32),
        pltpu.VMEM((BC, CH), jnp.int32),
        pltpu.VMEM((BC, CH), jnp.int32),
        pltpu.VMEM((BC, CH), jnp.int32),
        pltpu.VMEM((SR, HD), jnp.float32),
        pltpu.VMEM((SR, HD), jnp.float32),
        pltpu.SemaphoreType.DMA,
        pltpu.SemaphoreType.DMA,
        pltpu.SemaphoreType.DMA,
        pltpu.SemaphoreType.DMA,
        pltpu.SemaphoreType.DMA,
    ],
    compiler_params=pltpu.CompilerParams(use_tc_tiling_on_sc=False),
)
def _sc_segment_sum(x_hbm, edge_hbm, out_hbm,
                    tab, acc, rowA, rowB, rowC, colA, colB, colC,
                    gbuf0, gbuf1, gsem0, gsem1, isemA, isemB, isemC):
    cid = lax.axis_index("c")
    sid = lax.axis_index("s")
    r0 = sid * ROWS_PER_TILE
    c0col = cid * HD

    for j in range(ROWS_PER_TILE // SR):
        base = r0 + j * SR
        sl = pl.ds(base, SR)

        @pl.when(base + SR <= N)
        def _(sl=sl, base=base):
            pltpu.sync_copy(x_hbm.at[sl, pl.ds(c0col, HD)], gbuf0)
            pltpu.sync_copy(gbuf0, tab.at[sl])
        pltpu.sync_copy(gbuf0, acc.at[sl])

    @pl.when(sid == NS - 1)
    def _():
        tail = N - (N // SR) * SR
        tsl = pl.ds(N - tail, tail)
        pltpu.sync_copy(x_hbm.at[tsl, pl.ds(c0col, HD)],
                        gbuf0.at[pl.ds(0, tail)])
        pltpu.sync_copy(gbuf0.at[pl.ds(0, tail)], tab.at[tsl])
        pltpu.sync_copy(gbuf0.at[pl.ds(0, tail)], acc.at[tsl])

    plsc.subcore_barrier()

    rows = (rowA, rowB, rowC)
    cols = (colA, colB, colC)
    isems = (isemA, isemB, isemC)

    def stage_block(b):
        ib = b % 3
        return (
            pltpu.async_copy(edge_hbm.at[0, sid, pl.ds(b * BC, BC)],
                             rows[ib], isems[ib]),
            pltpu.async_copy(edge_hbm.at[1, sid, pl.ds(b * BC, BC)],
                             cols[ib], isems[ib]),
        )

    for h in stage_block(0):
        h.wait()
    stages = {}
    if NBLK > 1:
        stages[1] = stage_block(1)
    if NBLK > 2:
        stages[2] = stage_block(2)
    pltpu.async_copy(tab.at[colA.at[0]], gbuf0.at[pl.ds(0, CH)], gsem0)

    for b in range(NBLK):
        ib = b % 3
        rv = rows[ib]
        cv = cols[ib]
        if b + 1 < NBLK:
            for h in stages.pop(b + 1):
                h.wait()
        if b >= 1 and b + 2 < NBLK:
            stages[b + 2] = stage_block(b + 2)
        cvn = cols[(b + 1) % 3] if b + 1 < NBLK else None

        def pair_body(p, carry, rv=rv, cv=cv, cvn=cvn):
            c0 = 2 * p
            c1 = c0 + 1
            pltpu.async_copy(tab.at[cv.at[c1]], gbuf1.at[pl.ds(0, CH)], gsem1)
            pltpu.make_async_copy(tab.at[cv.at[c0]], gbuf0.at[pl.ds(0, CH)], gsem0).wait()
            pltpu.sync_copy(gbuf0.at[pl.ds(0, CH)], acc.at[rv.at[c0]], add=True)

            @pl.when(p != PAIRS - 1)
            def _():
                pltpu.async_copy(tab.at[cv.at[c0 + 2]], gbuf0.at[pl.ds(0, CH)], gsem0)

            if cvn is not None:
                @pl.when(p == PAIRS - 1)
                def _():
                    pltpu.async_copy(tab.at[cvn.at[0]], gbuf0.at[pl.ds(0, CH)], gsem0)

            pltpu.make_async_copy(tab.at[cv.at[c1]], gbuf1.at[pl.ds(0, CH)], gsem1).wait()
            pltpu.sync_copy(gbuf1.at[pl.ds(0, CH)], acc.at[rv.at[c1]], add=True)
            return carry

        lax.fori_loop(0, PAIRS, pair_body, 0)

    plsc.subcore_barrier()

    for j in range(ROWS_PER_TILE // SR):
        sl = pl.ds(r0 + j * SR, SR)
        pltpu.sync_copy(acc.at[sl], gbuf0)
        pltpu.sync_copy(gbuf0, out_hbm.at[sl, pl.ds(c0col, HD)])


def _tc_body(x_ref, p_ref, wt_ref, b_ref, g_ref, bt_ref, eps_ref, o_ref):
    xagg = p_ref[:N, :]
    h = eps_ref[0] * x_ref[...] + xagg
    y = jnp.dot(h, wt_ref[...], preferred_element_type=jnp.float32)
    y = y + b_ref[...]
    mu = jnp.mean(y, axis=0, keepdims=True)
    var = jnp.mean((y - mu) * (y - mu), axis=0, keepdims=True)
    yn = g_ref[...] * (y - mu) / jnp.sqrt(var + BN_EPS) + bt_ref[...]
    o_ref[...] = jnp.where(yn > 0.0, yn, jnp.exp(yn) - 1.0)


_tc_layer = pl.pallas_call(
    _tc_body,
    out_shape=jax.ShapeDtypeStruct((N, D), jnp.float32),
    in_specs=[
        pl.BlockSpec(memory_space=pltpu.VMEM),
        pl.BlockSpec(memory_space=pltpu.VMEM),
        pl.BlockSpec(memory_space=pltpu.VMEM),
        pl.BlockSpec(memory_space=pltpu.VMEM),
        pl.BlockSpec(memory_space=pltpu.VMEM),
        pl.BlockSpec(memory_space=pltpu.VMEM),
        pl.BlockSpec(memory_space=pltpu.SMEM),
    ],
    out_specs=pl.BlockSpec(memory_space=pltpu.VMEM),
)


def kernel(x, edge_index, W1, b1, eps1, g1, bt1, W2, b2, eps2, g2, bt2):
    edges = edge_index.reshape(2, NS, NCHUNK, CH)

    p1 = _sc_segment_sum(x, edges)
    h1 = _tc_layer(x, p1, W1.T, b1[None, :], g1[None, :], bt1[None, :],
                   eps1.reshape(1))
    p2 = _sc_segment_sum(h1, edges)
    h2 = _tc_layer(h1, p2, W2.T, b2[None, :], g2[None, :], bt2[None, :],
                   eps2.reshape(1))
    return h2

# --- scband reference (transcript-rebuilt; emitter-appended) ---
"""Pipeline reference for scband-gnnencoder-72550587564440 (READ-ONLY COPY).

The authoritative reference and input builder live on the scoring server;
editing this copy changes nothing except your own understanding.
"""

import jax, jax.numpy as jnp
import numpy as np

N = 10000
E = 320000
D_IN = 128
D_HID = 128
D_OUT = 128
BN_EPS = 1e-5


def setup_inputs(seed: int = 0) -> dict:
    key = jax.random.key(seed)
    ks = jax.random.split(key, 8)
    x = jax.random.normal(ks[0], (N, D_IN), dtype=jnp.float32)
    edge_index = jax.random.randint(ks[1], (2, E), 0, N, dtype=jnp.int32)
    # GINConv 1: Linear(in_channels, hidden_channels), learnable eps (init 0)
    W1 = jax.random.normal(ks[2], (D_HID, D_IN), dtype=jnp.float32) * 0.05
    b1 = jnp.zeros((D_HID,), dtype=jnp.float32)
    eps1 = jnp.zeros((), dtype=jnp.float32)
    g1 = jnp.ones((D_HID,), dtype=jnp.float32)
    bt1 = jnp.zeros((D_HID,), dtype=jnp.float32)
    # GINConv 2: Linear(hidden_channels, out_channels)
    W2 = jax.random.normal(ks[3], (D_OUT, D_HID), dtype=jnp.float32) * 0.05
    b2 = jnp.zeros((D_OUT,), dtype=jnp.float32)
    eps2 = jnp.zeros((), dtype=jnp.float32)
    g2 = jnp.ones((D_OUT,), dtype=jnp.float32)
    bt2 = jnp.zeros((D_OUT,), dtype=jnp.float32)
    return {"x": x, "edge_index": edge_index, "W1": W1, "b1": b1, "eps1": eps1,
            "g1": g1, "bt1": bt1, "W2": W2, "b2": b2, "eps2": eps2,
            "g2": g2, "bt2": bt2}


def _gin_conv(x, edge_index, W, b, eps):
    # SparseTensor.from_edge_index: row = edge_index[0], col = edge_index[1]
    # spmm(adj, x): out[row] += x[col]
    msgs = jnp.take(x, edge_index[1], axis=0)
    agg = jax.ops.segment_sum(msgs, edge_index[0], num_segments=N)
    h = (1.0 + eps) * x + agg
    return h @ W.T + b


def _batch_norm(x, gamma, beta):
    mu = jnp.mean(x, axis=0)
    var = jnp.var(x, axis=0)
    return gamma * (x - mu) / jnp.sqrt(var + BN_EPS) + beta


def reference(x, edge_index, W1, b1, eps1, g1, bt1, W2, b2, eps2, g2, bt2):
    # dropout = identity (eval / reference)
    h = _gin_conv(x, edge_index, W1, b1, eps1)
    h = _batch_norm(h, g1, bt1)
    h = jax.nn.elu(h)
    h = _gin_conv(h, edge_index, W2, b2, eps2)
    h = _batch_norm(h, g2, bt2)
    h = jax.nn.elu(h)
    return h

if __name__ == "__main__":
    import jax
    _d = setup_inputs()
    print(jax.jit(kernel)(*tuple(_d.values())))

</pallas_src>

<mosaic_0001>
#map = affine_map<(d0, d1) -> (0, 0)>
#map1 = affine_map<(d0, d1) -> (0, 0, 0, 0)>
module attributes {stable_mosaic.version = 14 : i64} {
  func.func @_sc_segment_sum(%arg0: i32, %arg1: i32, %arg2: memref<10000x128xf32, #tpu.memory_space<hbm>>, %arg3: memref<2x16x160x125xi32, #tpu.memory_space<hbm>>, %arg4: memref<10240x128xf32, #tpu.memory_space<hbm>>, %arg5: memref<10240x64xf32, #tpu.memory_space<vmem_shared>>, %arg6: memref<10240x64xf32, #tpu.memory_space<vmem_shared>>, %arg7: memref<40x125xi32, #tpu.memory_space<vmem>>, %arg8: memref<40x125xi32, #tpu.memory_space<vmem>>, %arg9: memref<40x125xi32, #tpu.memory_space<vmem>>, %arg10: memref<40x125xi32, #tpu.memory_space<vmem>>, %arg11: memref<40x125xi32, #tpu.memory_space<vmem>>, %arg12: memref<40x125xi32, #tpu.memory_space<vmem>>, %arg13: memref<128x64xf32, #tpu.memory_space<vmem>>, %arg14: memref<128x64xf32, #tpu.memory_space<vmem>>, %arg15: memref<!tpu.dma_semaphore, #tpu.memory_space<semaphore_mem>>, %arg16: memref<!tpu.dma_semaphore, #tpu.memory_space<semaphore_mem>>, %arg17: memref<!tpu.dma_semaphore, #tpu.memory_space<semaphore_mem>>, %arg18: memref<!tpu.dma_semaphore, #tpu.memory_space<semaphore_mem>>, %arg19: memref<!tpu.dma_semaphore, #tpu.memory_space<semaphore_mem>>) attributes {dimension_semantics = [#tpu.dimension_semantics<core_parallel>, #tpu.dimension_semantics<subcore_parallel>], iteration_bounds = array<i64: 2, 16>, scalar_prefetch = 0 : i64, scratch_operands = 15 : i64, tpu.core_type = #tpu.core_type<sc_vector_subcore>, window_params = [{transform_indices = #map}, {transform_indices = #map1}, {transform_indices = #map}]} {
    %mul3A = arith.constant 640 : i32
    %mul3A_0 = arith.muli %arg1, %mul3A : i32
    %mul3A_1 = arith.constant 64 : i32
    %mul3A_2 = arith.muli %arg0, %mul3A_1 : i32
    %add3A = arith.constant 0 : i32
    %add3A_3 = arith.addi %mul3A_0, %add3A : i32
    %add3A_4 = arith.constant 128 : i32
    %add3A_5 = arith.addi %add3A_3, %add3A_4 : i32
    %le3A = arith.constant 10000 : i32
    %le3A_6 = arith.cmpi sle, %add3A_5, %le3A : i32
    %convert_element_type3A = arith.extui %le3A_6 : i1 to i32
    %cond3A = arith.constant 0 : i32
    %cond3A_7 = arith.cmpi ne, %convert_element_type3A, %cond3A : i32
    scf.if %cond3A_7 {
      "tpu.region"() ({
        %run_scoped3A = tpu.sem_alloc : memref<!tpu.dma_semaphore, #tpu.memory_space<semaphore_mem>>
        %dma_start3A_234 = tpu.memref_slice %arg2[%add3A_3, %mul3A_2] : memref<10000x128xf32, #tpu.memory_space<hbm>> -> memref<128x64xf32, #tpu.memory_space<hbm>>
        %dma_start3A_235 = tpu.memref_slice %arg2[%add3A_3, %mul3A_2] : memref<10000x128xf32, #tpu.memory_space<hbm>> -> memref<128x64xf32, #tpu.memory_space<hbm>>
        tpu.enqueue_dma source(%dma_start3A_235 : memref<128x64xf32, #tpu.memory_space<hbm>>) target(%arg13 : memref<128x64xf32, #tpu.memory_space<vmem>>) target_semaphore(%run_scoped3A : memref<!tpu.dma_semaphore, #tpu.memory_space<semaphore_mem>>)
        %dma_wait3A_236 = tpu.memref_slice %arg2[%add3A_3, %mul3A_2] : memref<10000x128xf32, #tpu.memory_space<hbm>> -> memref<128x64xf32, #tpu.memory_space<hbm>>
        %dma_wait3A_237 = tpu.memref_slice %arg2[%add3A_3, %mul3A_2] : memref<10000x128xf32, #tpu.memory_space<hbm>> -> memref<128x64xf32, #tpu.memory_space<hbm>>
        tpu.wait_dma2 semaphore(%run_scoped3A : memref<!tpu.dma_semaphore, #tpu.memory_space<semaphore_mem>>) src(%dma_wait3A_237 : memref<128x64xf32, #tpu.memory_space<hbm>>) dst(%arg13 : memref<128x64xf32, #tpu.memory_space<vmem>>)
        tpu.yield
      }) : () -> ()
      "tpu.region"() ({
        %run_scoped3A = tpu.sem_alloc : memref<!tpu.dma_semaphore, #tpu.memory_space<semaphore_mem>>
        %dma_start3A_234 = arith.constant 0 : i32
        %dma_start3A_235 = tpu.memref_slice %arg5[%add3A_3, %dma_start3A_234] : memref<10240x64xf32, #tpu.memory_space<vmem_shared>> -> memref<128x64xf32, #tpu.memory_space<vmem_shared>>
        %dma_start3A_236 = arith.constant 0 : i32
        %dma_start3A_237 = tpu.memref_slice %arg5[%add3A_3, %dma_start3A_236] : memref<10240x64xf32, #tpu.memory_space<vmem_shared>> -> memref<128x64xf32, #tpu.memory_space<vmem_shared>>
        tpu.enqueue_dma source(%arg13 : memref<128x64xf32, #tpu.memory_space<vmem>>) target(%dma_start3A_237 : memref<128x64xf32, #tpu.memory_space<vmem_shared>>) target_semaphore(%run_scoped3A : memref<!tpu.dma_semaphore, #tpu.memory_space<semaphore_mem>>)
        %dma_wait3A_238 = arith.constant 0 : i32
        %dma_wait3A_239 = tpu.memref_slice %arg5[%add3A_3, %dma_wait3A_238] : memref<10240x64xf32, #tpu.memory_space<vmem_shared>> -> memref<128x64xf32, #tpu.memory_space<vmem_shared>>
        %dma_wait3A_240 = arith.constant 0 : i32
        %dma_wait3A_241 = tpu.memref_slice %arg5[%add3A_3, %dma_wait3A_240] : memref<10240x64xf32, #tpu.memory_space<vmem_shared>> -> memref<128x64xf32, #tpu.memory_space<vmem_shared>>
        tpu.wait_dma2 semaphore(%run_scoped3A : memref<!tpu.dma_semaphore, #tpu.memory_space<semaphore_mem>>) src(%arg13 : memref<128x64xf32, #tpu.memory_space<vmem>>) dst(%dma_wait3A_241 : memref<128x64xf32, #tpu.memory_space<vmem_shared>>)
        tpu.yield
      }) : () -> ()
    } else {
    }
    "tpu.region"() ({
      %run_scoped3A = tpu.sem_alloc : memref<!tpu.dma_semaphore, #tpu.memory_space<semaphore_mem>>
      %dma_start3A_234 = arith.constant 0 : i32
      %dma_start3A_235 = tpu.memref_slice %arg6[%add3A_3, %dma_start3A_234] : memref<10240x64xf32, #tpu.memory_space<vmem_shared>> -> memref<128x64xf32, #tpu.memory_space<vmem_shared>>
      %dma_start3A_236 = arith.constant 0 : i32
      %dma_start3A_237 = tpu.memref_slice %arg6[%add3A_3, %dma_start3A_236] : memref<10240x64xf32, #tpu.memory_space<vmem_shared>> -> memref<128x64xf32, #tpu.memory_space<vmem_shared>>
      tpu.enqueue_dma source(%arg13 : memref<128x64xf32, #tpu.memory_space<vmem>>) target(%dma_start3A_237 : memref<128x64xf32, #tpu.memory_space<vmem_shared>>) target_semaphore(%run_scoped3A : memref<!tpu.dma_semaphore, #tpu.memory_space<semaphore_mem>>)
      %dma_wait3A_238 = arith.constant 0 : i32
      %dma_wait3A_239 = tpu.memref_slice %arg6[%add3A_3, %dma_wait3A_238] : memref<10240x64xf32, #tpu.memory_space<vmem_shared>> -> memref<128x64xf32, #tpu.memory_space<vmem_shared>>
      %dma_wait3A_240 = arith.constant 0 : i32
      %dma_wait3A_241 = tpu.memref_slice %arg6[%add3A_3, %dma_wait3A_240] : memref<10240x64xf32, #tpu.memory_space<vmem_shared>> -> memref<128x64xf32, #tpu.memory_space<vmem_shared>>
      tpu.wait_dma2 semaphore(%run_scoped3A : memref<!tpu.dma_semaphore, #tpu.memory_space<semaphore_mem>>) src(%arg13 : memref<128x64xf32, #tpu.memory_space<vmem>>) dst(%dma_wait3A_241 : memref<128x64xf32, #tpu.memory_space<vmem_shared>>)
      tpu.yield
    }) : () -> ()
    %add3A_8 = arith.constant 128 : i32
    %add3A_9 = arith.addi %mul3A_0, %add3A_8 : i32
    %add3A_10 = arith.constant 128 : i32
    %add3A_11 = arith.addi %add3A_9, %add3A_10 : i32
    %le3A_12 = arith.constant 10000 : i32
    %le3A_13 = arith.cmpi sle, %add3A_11, %le3A_12 : i32
    %convert_element_type3A_14 = arith.extui %le3A_13 : i1 to i32
    %cond3A_15 = arith.constant 0 : i32
    %cond3A_16 = arith.cmpi ne, %convert_element_type3A_14, %cond3A_15 : i32
    scf.if %cond3A_16 {
      "tpu.region"() ({
        %run_scoped3A = tpu.sem_alloc : memref<!tpu.dma_semaphore, #tpu.memory_space<semaphore_mem>>
        %dma_start3A_234 = tpu.memref_slice %arg2[%add3A_9, %mul3A_2] : memref<10000x128xf32, #tpu.memory_space<hbm>> -> memref<128x64xf32, #tpu.memory_space<hbm>>
        %dma_start3A_235 = tpu.memref_slice %arg2[%add3A_9, %mul3A_2] : memref<10000x128xf32, #tpu.memory_space<hbm>> -> memref<128x64xf32, #tpu.memory_space<hbm>>
        tpu.enqueue_dma source(%dma_start3A_235 : memref<128x64xf32, #tpu.memory_space<hbm>>) target(%arg13 : memref<128x64xf32, #tpu.memory_space<vmem>>) target_semaphore(%run_scoped3A : memref<!tpu.dma_semaphore, #tpu.memory_space<semaphore_mem>>)
        %dma_wait3A_236 = tpu.memref_slice %arg2[%add3A_9, %mul3A_2] : memref<10000x128xf32, #tpu.memory_space<hbm>> -> memref<128x64xf32, #tpu.memory_space<hbm>>
        %dma_wait3A_237 = tpu.memref_slice %arg2[%add3A_9, %mul3A_2] : memref<10000x128xf32, #tpu.memory_space<hbm>> -> memref<128x64xf32, #tpu.memory_space<hbm>>
        tpu.wait_dma2 semaphore(%run_scoped3A : memref<!tpu.dma_semaphore, #tpu.memory_space<semaphore_mem>>) src(%dma_wait3A_237 : memref<128x64xf32, #tpu.memory_space<hbm>>) dst(%arg13 : memref<128x64xf32, #tpu.memory_space<vmem>>)
        tpu.yield
      }) : () -> ()
      "tpu.region"() ({
        %run_scoped3A = tpu.sem_alloc : memref<!tpu.dma_semaphore, #tpu.memory_space<semaphore_mem>>
        %dma_start3A_234 = arith.constant 0 : i32
        %dma_start3A_235 = tpu.memref_slice %arg5[%add3A_9, %dma_start3A_234] : memref<10240x64xf32, #tpu.memory_space<vmem_shared>> -> memref<128x64xf32, #tpu.memory_space<vmem_shared>>
        %dma_start3A_236 = arith.constant 0 : i32
        %dma_start3A_237 = tpu.memref_slice %arg5[%add3A_9, %dma_start3A_236] : memref<10240x64xf32, #tpu.memory_space<vmem_shared>> -> memref<128x64xf32, #tpu.memory_space<vmem_shared>>
        tpu.enqueue_dma source(%arg13 : memref<128x64xf32, #tpu.memory_space<vmem>>) target(%dma_start3A_237 : memref<128x64xf32, #tpu.memory_space<vmem_shared>>) target_semaphore(%run_scoped3A : memref<!tpu.dma_semaphore, #tpu.memory_space<semaphore_mem>>)
        %dma_wait3A_238 = arith.constant 0 : i32
        %dma_wait3A_239 = tpu.memref_slice %arg5[%add3A_9, %dma_wait3A_238] : memref<10240x64xf32, #tpu.memory_space<vmem_shared>> -> memref<128x64xf32, #tpu.memory_space<vmem_shared>>
        %dma_wait3A_240 = arith.constant 0 : i32
        %dma_wait3A_241 = tpu.memref_slice %arg5[%add3A_9, %dma_wait3A_240] : memref<10240x64xf32, #tpu.memory_space<vmem_shared>> -> memref<128x64xf32, #tpu.memory_space<vmem_shared>>
        tpu.wait_dma2 semaphore(%run_scoped3A : memref<!tpu.dma_semaphore, #tpu.memory_space<semaphore_mem>>) src(%arg13 : memref<128x64xf32, #tpu.memory_space<vmem>>) dst(%dma_wait3A_241 : memref<128x64xf32, #tpu.memory_space<vmem_shared>>)
        tpu.yield
      }) : () -> ()
    } else {
    }
    "tpu.region"() ({
      %run_scoped3A = tpu.sem_alloc : memref<!tpu.dma_semaphore, #tpu.memory_space<semaphore_mem>>
      %dma_start3A_234 = arith.constant 0 : i32
      %dma_start3A_235 = tpu.memref_slice %arg6[%add3A_9, %dma_start3A_234] : memref<10240x64xf32, #tpu.memory_space<vmem_shared>> -> memref<128x64xf32, #tpu.memory_space<vmem_shared>>
      %dma_start3A_236 = arith.constant 0 : i32
      %dma_start3A_237 = tpu.memref_slice %arg6[%add3A_9, %dma_start3A_236] : memref<10240x64xf32, #tpu.memory_space<vmem_shared>> -> memref<128x64xf32, #tpu.memory_space<vmem_shared>>
      tpu.enqueue_dma source(%arg13 : memref<128x64xf32, #tpu.memory_space<vmem>>) target(%dma_start3A_237 : memref<128x64xf32, #tpu.memory_space<vmem_shared>>) target_semaphore(%run_scoped3A : memref<!tpu.dma_semaphore, #tpu.memory_space<semaphore_mem>>)
      %dma_wait3A_238 = arith.constant 0 : i32
      %dma_wait3A_239 = tpu.memref_slice %arg6[%add3A_9, %dma_wait3A_238] : memref<10240x64xf32, #tpu.memory_space<vmem_shared>> -> memref<128x64xf32, #tpu.memory_space<vmem_shared>>
      %dma_wait3A_240 = arith.constant 0 : i32
      %dma_wait3A_241 = tpu.memref_slice %arg6[%add3A_9, %dma_wait3A_240] : memref<10240x64xf32, #tpu.memory_space<vmem_shared>> -> memref<128x64xf32, #tpu.memory_space<vmem_shared>>
      tpu.wait_dma2 semaphore(%run_scoped3A : memref<!tpu.dma_semaphore, #tpu.memory_space<semaphore_mem>>) src(%arg13 : memref<128x64xf32, #tpu.memory_space<vmem>>) dst(%dma_wait3A_241 : memref<128x64xf32, #tpu.memory_space<vmem_shared>>)
      tpu.yield
    }) : () -> ()
    %add3A_17 = arith.constant 256 : i32
    %add3A_18 = arith.addi %mul3A_0, %add3A_17 : i32
    %add3A_19 = arith.constant 128 : i32
    %add3A_20 = arith.addi %add3A_18, %add3A_19 : i32
    %le3A_21 = arith.constant 10000 : i32
    %le3A_22 = arith.cmpi sle, %add3A_20, %le3A_21 : i32
    %convert_element_type3A_23 = arith.extui %le3A_22 : i1 to i32
    %cond3A_24 = arith.constant 0 : i32
    %cond3A_25 = arith.cmpi ne, %convert_element_type3A_23, %cond3A_24 : i32
    scf.if %cond3A_25 {
      "tpu.region"() ({
        %run_scoped3A = tpu.sem_alloc : memref<!tpu.dma_semaphore, #tpu.memory_space<semaphore_mem>>
        %dma_start3A_234 = tpu.memref_slice %arg2[%add3A_18, %mul3A_2] : memref<10000x128xf32, #tpu.memory_space<hbm>> -> memref<128x64xf32, #tpu.memory_space<hbm>>
        %dma_start3A_235 = tpu.memref_slice %arg2[%add3A_18, %mul3A_2] : memref<10000x128xf32, #tpu.memory_space<hbm>> -> memref<128x64xf32, #tpu.memory_space<hbm>>
        tpu.enqueue_dma source(%dma_start3A_235 : memref<128x64xf32, #tpu.memory_space<hbm>>) target(%arg13 : memref<128x64xf32, #tpu.memory_space<vmem>>) target_semaphore(%run_scoped3A : memref<!tpu.dma_semaphore, #tpu.memory_space<semaphore_mem>>)
        %dma_wait3A_236 = tpu.memref_slice %arg2[%add3A_18, %mul3A_2] : memref<10000x128xf32, #tpu.memory_space<hbm>> -> memref<128x64xf32, #tpu.memory_space<hbm>>
        %dma_wait3A_237 = tpu.memref_slice %arg2[%add3A_18, %mul3A_2] : memref<10000x128xf32, #tpu.memory_space<hbm>> -> memref<128x64xf32, #tpu.memory_space<hbm>>
        tpu.wait_dma2 semaphore(%run_scoped3A : memref<!tpu.dma_semaphore, #tpu.memory_space<semaphore_mem>>) src(%dma_wait3A_237 : memref<128x64xf32, #tpu.memory_space<hbm>>) dst(%arg13 : memref<128x64xf32, #tpu.memory_space<vmem>>)
        tpu.yield
      }) : () -> ()
      "tpu.region"() ({
        %run_scoped3A = tpu.sem_alloc : memref<!tpu.dma_semaphore, #tpu.memory_space<semaphore_mem>>
        %dma_start3A_234 = arith.constant 0 : i32
        %dma_start3A_235 = tpu.memref_slice %arg5[%add3A_18, %dma_start3A_234] : memref<10240x64xf32, #tpu.memory_space<vmem_shared>> -> memref<128x64xf32, #tpu.memory_space<vmem_shared>>
        %dma_start3A_236 = arith.constant 0 : i32
        %dma_start3A_237 = tpu.memref_slice %arg5[%add3A_18, %dma_start3A_236] : memref<10240x64xf32, #tpu.memory_space<vmem_shared>> -> memref<128x64xf32, #tpu.memory_space<vmem_shared>>
        tpu.enqueue_dma source(%arg13 : memref<128x64xf32, #tpu.memory_space<vmem>>) target(%dma_start3A_237 : memref<128x64xf32, #tpu.memory_space<vmem_shared>>) target_semaphore(%run_scoped3A : memref<!tpu.dma_semaphore, #tpu.memory_space<semaphore_mem>>)
        %dma_wait3A_238 = arith.constant 0 : i32
        %dma_wait3A_239 = tpu.memref_slice %arg5[%add3A_18, %dma_wait3A_238] : memref<10240x64xf32, #tpu.memory_space<vmem_shared>> -> memref<128x64xf32, #tpu.memory_space<vmem_shared>>
        %dma_wait3A_240 = arith.constant 0 : i32
        %dma_wait3A_241 = tpu.memref_slice %arg5[%add3A_18, %dma_wait3A_240] : memref<10240x64xf32, #tpu.memory_space<vmem_shared>> -> memref<128x64xf32, #tpu.memory_space<vmem_shared>>
        tpu.wait_dma2 semaphore(%run_scoped3A : memref<!tpu.dma_semaphore, #tpu.memory_space<semaphore_mem>>) src(%arg13 : memref<128x64xf32, #tpu.memory_space<vmem>>) dst(%dma_wait3A_241 : memref<128x64xf32, #tpu.memory_space<vmem_shared>>)
        tpu.yield
      }) : () -> ()
    } else {
    }
    "tpu.region"() ({
      %run_scoped3A = tpu.sem_alloc : memref<!tpu.dma_semaphore, #tpu.memory_space<semaphore_mem>>
      %dma_start3A_234 = arith.constant 0 : i32
      %dma_start3A_235 = tpu.memref_slice %arg6[%add3A_18, %dma_start3A_234] : memref<10240x64xf32, #tpu.memory_space<vmem_shared>> -> memref<128x64xf32, #tpu.memory_space<vmem_shared>>
      %dma_start3A_236 = arith.constant 0 : i32
      %dma_start3A_237 = tpu.memref_slice %arg6[%add3A_18, %dma_start3A_236] : memref<10240x64xf32, #tpu.memory_space<vmem_shared>> -> memref<128x64xf32, #tpu.memory_space<vmem_shared>>
      tpu.enqueue_dma source(%arg13 : memref<128x64xf32, #tpu.memory_space<vmem>>) target(%dma_start3A_237 : memref<128x64xf32, #tpu.memory_space<vmem_shared>>) target_semaphore(%run_scoped3A : memref<!tpu.dma_semaphore, #tpu.memory_space<semaphore_mem>>)
      %dma_wait3A_238 = arith.constant 0 : i32
      %dma_wait3A_239 = tpu.memref_slice %arg6[%add3A_18, %dma_wait3A_238] : memref<10240x64xf32, #tpu.memory_space<vmem_shared>> -> memref<128x64xf32, #tpu.memory_space<vmem_shared>>
      %dma_wait3A_240 = arith.constant 0 : i32
      %dma_wait3A_241 = tpu.memref_slice %arg6[%add3A_18, %dma_wait3A_240] : memref<10240x64xf32, #tpu.memory_space<vmem_shared>> -> memref<128x64xf32, #tpu.memory_space<vmem_shared>>
      tpu.wait_dma2 semaphore(%run_scoped3A : memref<!tpu.dma_semaphore, #tpu.memory_space<semaphore_mem>>) src(%arg13 : memref<128x64xf32, #tpu.memory_space<vmem>>) dst(%dma_wait3A_241 : memref<128x64xf32, #tpu.memory_space<vmem_shared>>)
      tpu.yield
    }) : () -> ()
    %add3A_26 = arith.constant 384 : i32
    %add3A_27 = arith.addi %mul3A_0, %add3A_26 : i32
    %add3A_28 = arith.constant 128 : i32
    %add3A_29 = arith.addi %add3A_27, %add3A_28 : i32
    %le3A_30 = arith.constant 10000 : i32
    %le3A_31 = arith.cmpi sle, %add3A_29, %le3A_30 : i32
    %convert_element_type3A_32 = arith.extui %le3A_31 : i1 to i32
    %cond3A_33 = arith.constant 0 : i32
    %cond3A_34 = arith.cmpi ne, %convert_element_type3A_32, %cond3A_33 : i32
    scf.if %cond3A_34 {
      "tpu.region"() ({
        %run_scoped3A = tpu.sem_alloc : memref<!tpu.dma_semaphore, #tpu.memory_space<semaphore_mem>>
        %dma_start3A_234 = tpu.memref_slice %arg2[%add3A_27, %mul3A_2] : memref<10000x128xf32, #tpu.memory_space<hbm>> -> memref<128x64xf32, #tpu.memory_space<hbm>>
        %dma_start3A_235 = tpu.memref_slice %arg2[%add3A_27, %mul3A_2] : memref<10000x128xf32, #tpu.memory_space<hbm>> -> memref<128x64xf32, #tpu.memory_space<hbm>>
        tpu.enqueue_dma source(%dma_start3A_235 : memref<128x64xf32, #tpu.memory_space<hbm>>) target(%arg13 : memref<128x64xf32, #tpu.memory_space<vmem>>) target_semaphore(%run_scoped3A : memref<!tpu.dma_semaphore, #tpu.memory_space<semaphore_mem>>)
        %dma_wait3A_236 = tpu.memref_slice %arg2[%add3A_27, %mul3A_2] : memref<10000x128xf32, #tpu.memory_space<hbm>> -> memref<128x64xf32, #tpu.memory_space<hbm>>
        %dma_wait3A_237 = tpu.memref_slice %arg2[%add3A_27, %mul3A_2] : memref<10000x128xf32, #tpu.memory_space<hbm>> -> memref<128x64xf32, #tpu.memory_space<hbm>>
        tpu.wait_dma2 semaphore(%run_scoped3A : memref<!tpu.dma_semaphore, #tpu.memory_space<semaphore_mem>>) src(%dma_wait3A_237 : memref<128x64xf32, #tpu.memory_space<hbm>>) dst(%arg13 : memref<128x64xf32, #tpu.memory_space<vmem>>)
        tpu.yield
      }) : () -> ()
      "tpu.region"() ({
        %run_scoped3A = tpu.sem_alloc : memref<!tpu.dma_semaphore, #tpu.memory_space<semaphore_mem>>
        %dma_start3A_234 = arith.constant 0 : i32
        %dma_start3A_235 = tpu.memref_slice %arg5[%add3A_27, %dma_start3A_234] : memref<10240x64xf32, #tpu.memory_space<vmem_shared>> -> memref<128x64xf32, #tpu.memory_space<vmem_shared>>
        %dma_start3A_236 = arith.constant 0 : i32
        %dma_start3A_237 = tpu.memref_slice %arg5[%add3A_27, %dma_start3A_236] : memref<10240x64xf32, #tpu.memory_space<vmem_shared>> -> memref<128x64xf32, #tpu.memory_space<vmem_shared>>
        tpu.enqueue_dma source(%arg13 : memref<128x64xf32, #tpu.memory_space<vmem>>) target(%dma_start3A_237 : memref<128x64xf32, #tpu.memory_space<vmem_shared>>) target_semaphore(%run_scoped3A : memref<!tpu.dma_semaphore, #tpu.memory_space<semaphore_mem>>)
        %dma_wait3A_238 = arith.constant 0 : i32
        %dma_wait3A_239 = tpu.memref_slice %arg5[%add3A_27, %dma_wait3A_238] : memref<10240x64xf32, #tpu.memory_space<vmem_shared>> -> memref<128x64xf32, #tpu.memory_space<vmem_shared>>
        %dma_wait3A_240 = arith.constant 0 : i32
        %dma_wait3A_241 = tpu.memref_slice %arg5[%add3A_27, %dma_wait3A_240] : memref<10240x64xf32, #tpu.memory_space<vmem_shared>> -> memref<128x64xf32, #tpu.memory_space<vmem_shared>>
        tpu.wait_dma2 semaphore(%run_scoped3A : memref<!tpu.dma_semaphore, #tpu.memory_space<semaphore_mem>>) src(%arg13 : memref<128x64xf32, #tpu.memory_space<vmem>>) dst(%dma_wait3A_241 : memref<128x64xf32, #tpu.memory_space<vmem_shared>>)
        tpu.yield
      }) : () -> ()
    } else {
    }
    "tpu.region"() ({
      %run_scoped3A = tpu.sem_alloc : memref<!tpu.dma_semaphore, #tpu.memory_space<semaphore_mem>>
      %dma_start3A_234 = arith.constant 0 : i32
      %dma_start3A_235 = tpu.memref_slice %arg6[%add3A_27, %dma_start3A_234] : memref<10240x64xf32, #tpu.memory_space<vmem_shared>> -> memref<128x64xf32, #tpu.memory_space<vmem_shared>>
      %dma_start3A_236 = arith.constant 0 : i32
      %dma_start3A_237 = tpu.memref_slice %arg6[%add3A_27, %dma_start3A_236] : memref<10240x64xf32, #tpu.memory_space<vmem_shared>> -> memref<128x64xf32, #tpu.memory_space<vmem_shared>>
      tpu.enqueue_dma source(%arg13 : memref<128x64xf32, #tpu.memory_space<vmem>>) target(%dma_start3A_237 : memref<128x64xf32, #tpu.memory_space<vmem_shared>>) target_semaphore(%run_scoped3A : memref<!tpu.dma_semaphore, #tpu.memory_space<semaphore_mem>>)
      %dma_wait3A_238 = arith.constant 0 : i32
      %dma_wait3A_239 = tpu.memref_slice %arg6[%add3A_27, %dma_wait3A_238] : memref<10240x64xf32, #tpu.memory_space<vmem_shared>> -> memref<128x64xf32, #tpu.memory_space<vmem_shared>>
      %dma_wait3A_240 = arith.constant 0 : i32
      %dma_wait3A_241 = tpu.memref_slice %arg6[%add3A_27, %dma_wait3A_240] : memref<10240x64xf32, #tpu.memory_space<vmem_shared>> -> memref<128x64xf32, #tpu.memory_space<vmem_shared>>
      tpu.wait_dma2 semaphore(%run_scoped3A : memref<!tpu.dma_semaphore, #tpu.memory_space<semaphore_mem>>) src(%arg13 : memref<128x64xf32, #tpu.memory_space<vmem>>) dst(%dma_wait3A_241 : memref<128x64xf32, #tpu.memory_space<vmem_shared>>)
      tpu.yield
    }) : () -> ()
    %add3A_35 = arith.constant 512 : i32
    %add3A_36 = arith.addi %mul3A_0, %add3A_35 : i32
    %add3A_37 = arith.constant 128 : i32
    %add3A_38 = arith.addi %add3A_36, %add3A_37 : i32
    %le3A_39 = arith.constant 10000 : i32
    %le3A_40 = arith.cmpi sle, %add3A_38, %le3A_39 : i32
    %convert_element_type3A_41 = arith.extui %le3A_40 : i1 to i32
    %cond3A_42 = arith.constant 0 : i32
    %cond3A_43 = arith.cmpi ne, %convert_element_type3A_41, %cond3A_42 : i32
    scf.if %cond3A_43 {
      "tpu.region"() ({
        %run_scoped3A = tpu.sem_alloc : memref<!tpu.dma_semaphore, #tpu.memory_space<semaphore_mem>>
        %dma_start3A_234 = tpu.memref_slice %arg2[%add3A_36, %mul3A_2] : memref<10000x128xf32, #tpu.memory_space<hbm>> -> memref<128x64xf32, #tpu.memory_space<hbm>>
        %dma_start3A_235 = tpu.memref_slice %arg2[%add3A_36, %mul3A_2] : memref<10000x128xf32, #tpu.memory_space<hbm>> -> memref<128x64xf32, #tpu.memory_space<hbm>>
        tpu.enqueue_dma source(%dma_start3A_235 : memref<128x64xf32, #tpu.memory_space<hbm>>) target(%arg13 : memref<128x64xf32, #tpu.memory_space<vmem>>) target_semaphore(%run_scoped3A : memref<!tpu.dma_semaphore, #tpu.memory_space<semaphore_mem>>)
        %dma_wait3A_236 = tpu.memref_slice %arg2[%add3A_36, %mul3A_2] : memref<10000x128xf32, #tpu.memory_space<hbm>> -> memref<128x64xf32, #tpu.memory_space<hbm>>
        %dma_wait3A_237 = tpu.memref_slice %arg2[%add3A_36, %mul3A_2] : memref<10000x128xf32, #tpu.memory_space<hbm>> -> memref<128x64xf32, #tpu.memory_space<hbm>>
        tpu.wait_dma2 semaphore(%run_scoped3A : memref<!tpu.dma_semaphore, #tpu.memory_space<semaphore_mem>>) src(%dma_wait3A_237 : memref<128x64xf32, #tpu.memory_space<hbm>>) dst(%arg13 : memref<128x64xf32, #tpu.memory_space<vmem>>)
        tpu.yield
      }) : () -> ()
      "tpu.region"() ({
        %run_scoped3A = tpu.sem_alloc : memref<!tpu.dma_semaphore, #tpu.memory_space<semaphore_mem>>
        %dma_start3A_234 = arith.constant 0 : i32
        %dma_start3A_235 = tpu.memref_slice %arg5[%add3A_36, %dma_start3A_234] : memref<10240x64xf32, #tpu.memory_space<vmem_shared>> -> memref<128x64xf32, #tpu.memory_space<vmem_shared>>
        %dma_start3A_236 = arith.constant 0 : i32
        %dma_start3A_237 = tpu.memref_slice %arg5[%add3A_36, %dma_start3A_236] : memref<10240x64xf32, #tpu.memory_space<vmem_shared>> -> memref<128x64xf32, #tpu.memory_space<vmem_shared>>
        tpu.enqueue_dma source(%arg13 : memref<128x64xf32, #tpu.memory_space<vmem>>) target(%dma_start3A_237 : memref<128x64xf32, #tpu.memory_space<vmem_shared>>) target_semaphore(%run_scoped3A : memref<!tpu.dma_semaphore, #tpu.memory_space<semaphore_mem>>)
        %dma_wait3A_238 = arith.constant 0 : i32
        %dma_wait3A_239 = tpu.memref_slice %arg5[%add3A_36, %dma_wait3A_238] : memref<10240x64xf32, #tpu.memory_space<vmem_shared>> -> memref<128x64xf32, #tpu.memory_space<vmem_shared>>
        %dma_wait3A_240 = arith.constant 0 : i32
        %dma_wait3A_241 = tpu.memref_slice %arg5[%add3A_36, %dma_wait3A_240] : memref<10240x64xf32, #tpu.memory_space<vmem_shared>> -> memref<128x64xf32, #tpu.memory_space<vmem_shared>>
        tpu.wait_dma2 semaphore(%run_scoped3A : memref<!tpu.dma_semaphore, #tpu.memory_space<semaphore_mem>>) src(%arg13 : memref<128x64xf32, #tpu.memory_space<vmem>>) dst(%dma_wait3A_241 : memref<128x64xf32, #tpu.memory_space<vmem_shared>>)
        tpu.yield
      }) : () -> ()
    } else {
    }
    "tpu.region"() ({
      %run_scoped3A = tpu.sem_alloc : memref<!tpu.dma_semaphore, #tpu.memory_space<semaphore_mem>>
      %dma_start3A_234 = arith.constant 0 : i32
      %dma_start3A_235 = tpu.memref_slice %arg6[%add3A_36, %dma_start3A_234] : memref<10240x64xf32, #tpu.memory_space<vmem_shared>> -> memref<128x64xf32, #tpu.memory_space<vmem_shared>>
      %dma_start3A_236 = arith.constant 0 : i32
      %dma_start3A_237 = tpu.memref_slice %arg6[%add3A_36, %dma_start3A_236] : memref<10240x64xf32, #tpu.memory_space<vmem_shared>> -> memref<128x64xf32, #tpu.memory_space<vmem_shared>>
      tpu.enqueue_dma source(%arg13 : memref<128x64xf32, #tpu.memory_space<vmem>>) target(%dma_start3A_237 : memref<128x64xf32, #tpu.memory_space<vmem_shared>>) target_semaphore(%run_scoped3A : memref<!tpu.dma_semaphore, #tpu.memory_space<semaphore_mem>>)
      %dma_wait3A_238 = arith.constant 0 : i32
      %dma_wait3A_239 = tpu.memref_slice %arg6[%add3A_36, %dma_wait3A_238] : memref<10240x64xf32, #tpu.memory_space<vmem_shared>> -> memref<128x64xf32, #tpu.memory_space<vmem_shared>>
      %dma_wait3A_240 = arith.constant 0 : i32
      %dma_wait3A_241 = tpu.memref_slice %arg6[%add3A_36, %dma_wait3A_240] : memref<10240x64xf32, #tpu.memory_space<vmem_shared>> -> memref<128x64xf32, #tpu.memory_space<vmem_shared>>
      tpu.wait_dma2 semaphore(%run_scoped3A : memref<!tpu.dma_semaphore, #tpu.memory_space<semaphore_mem>>) src(%arg13 : memref<128x64xf32, #tpu.memory_space<vmem>>) dst(%dma_wait3A_241 : memref<128x64xf32, #tpu.memory_space<vmem_shared>>)
      tpu.yield
    }) : () -> ()
    %eq3A = arith.constant 15 : i32
    %eq3A_44 = arith.cmpi eq, %arg1, %eq3A : i32
    %convert_element_type3A_45 = arith.extui %eq3A_44 : i1 to i32
    %cond3A_46 = arith.constant 0 : i32
    %cond3A_47 = arith.cmpi ne, %convert_element_type3A_45, %cond3A_46 : i32
    scf.if %cond3A_47 {
      "tpu.region"() ({
        %run_scoped3A = tpu.sem_alloc : memref<!tpu.dma_semaphore, #tpu.memory_space<semaphore_mem>>
        %dma_start3A_234 = arith.constant 0 : i32
        %dma_start3A_235 = arith.constant 0 : i32
        %dma_start3A_236 = tpu.memref_slice %arg13[%dma_start3A_234, %dma_start3A_235] : memref<128x64xf32, #tpu.memory_space<vmem>> -> memref<16x64xf32, #tpu.memory_space<vmem>>
        %dma_start3A_237 = arith.constant 9984 : i32
        %dma_start3A_238 = tpu.memref_slice %arg2[%dma_start3A_237, %mul3A_2] : memref<10000x128xf32, #tpu.memory_space<hbm>> -> memref<16x64xf32, #tpu.memory_space<hbm>>
        %dma_start3A_239 = arith.constant 0 : i32
        %dma_start3A_240 = arith.constant 0 : i32
        %dma_start3A_241 = tpu.memref_slice %arg13[%dma_start3A_239, %dma_start3A_240] : memref<128x64xf32, #tpu.memory_space<vmem>> -> memref<16x64xf32, #tpu.memory_space<vmem>>
        %dma_start3A_242 = arith.constant 9984 : i32
        %dma_start3A_243 = tpu.memref_slice %arg2[%dma_start3A_242, %mul3A_2] : memref<10000x128xf32, #tpu.memory_space<hbm>> -> memref<16x64xf32, #tpu.memory_space<hbm>>
        tpu.enqueue_dma source(%dma_start3A_243 : memref<16x64xf32, #tpu.memory_space<hbm>>) target(%dma_start3A_241 : memref<16x64xf32, #tpu.memory_space<vmem>>) target_semaphore(%run_scoped3A : memref<!tpu.dma_semaphore, #tpu.memory_space<semaphore_mem>>)
        %dma_wait3A_244 = arith.constant 0 : i32
        %dma_wait3A_245 = arith.constant 0 : i32
        %dma_wait3A_246 = tpu.memref_slice %arg13[%dma_wait3A_244, %dma_wait3A_245] : memref<128x64xf32, #tpu.memory_space<vmem>> -> memref<16x64xf32, #tpu.memory_space<vmem>>
        %dma_wait3A_247 = arith.constant 9984 : i32
        %dma_wait3A_248 = tpu.memref_slice %arg2[%dma_wait3A_247, %mul3A_2] : memref<10000x128xf32, #tpu.memory_space<hbm>> -> memref<16x64xf32, #tpu.memory_space<hbm>>
        %dma_wait3A_249 = arith.constant 0 : i32
        %dma_wait3A_250 = arith.constant 0 : i32
        %dma_wait3A_251 = tpu.memref_slice %arg13[%dma_wait3A_249, %dma_wait3A_250] : memref<128x64xf32, #tpu.memory_space<vmem>> -> memref<16x64xf32, #tpu.memory_space<vmem>>
        %dma_wait3A_252 = arith.constant 9984 : i32
        %dma_wait3A_253 = tpu.memref_slice %arg2[%dma_wait3A_252, %mul3A_2] : memref<10000x128xf32, #tpu.memory_space<hbm>> -> memref<16x64xf32, #tpu.memory_space<hbm>>
        tpu.wait_dma2 semaphore(%run_scoped3A : memref<!tpu.dma_semaphore, #tpu.memory_space<semaphore_mem>>) src(%dma_wait3A_253 : memref<16x64xf32, #tpu.memory_space<hbm>>) dst(%dma_wait3A_251 : memref<16x64xf32, #tpu.memory_space<vmem>>)
        tpu.yield
      }) : () -> ()
      "tpu.region"() ({
        %run_scoped3A = tpu.sem_alloc : memref<!tpu.dma_semaphore, #tpu.memory_space<semaphore_mem>>
        %dma_start3A_234 = arith.constant 0 : i32
        %dma_start3A_235 = arith.constant 0 : i32
        %dma_start3A_236 = tpu.memref_slice %arg13[%dma_start3A_234, %dma_start3A_235] : memref<128x64xf32, #tpu.memory_space<vmem>> -> memref<16x64xf32, #tpu.memory_space<vmem>>
        %dma_start3A_237 = arith.constant 9984 : i32
        %dma_start3A_238 = arith.constant 0 : i32
        %dma_start3A_239 = tpu.memref_slice %arg5[%dma_start3A_237, %dma_start3A_238] : memref<10240x64xf32, #tpu.memory_space<vmem_shared>> -> memref<16x64xf32, #tpu.memory_space<vmem_shared>>
        %dma_start3A_240 = arith.constant 9984 : i32
        %dma_start3A_241 = arith.constant 0 : i32
        %dma_start3A_242 = tpu.memref_slice %arg5[%dma_start3A_240, %dma_start3A_241] : memref<10240x64xf32, #tpu.memory_space<vmem_shared>> -> memref<16x64xf32, #tpu.memory_space<vmem_shared>>
        %dma_start3A_243 = arith.constant 0 : i32
        %dma_start3A_244 = arith.constant 0 : i32
        %dma_start3A_245 = tpu.memref_slice %arg13[%dma_start3A_243, %dma_start3A_244] : memref<128x64xf32, #tpu.memory_space<vmem>> -> memref<16x64xf32, #tpu.memory_space<vmem>>
        tpu.enqueue_dma source(%dma_start3A_245 : memref<16x64xf32, #tpu.memory_space<vmem>>) target(%dma_start3A_242 : memref<16x64xf32, #tpu.memory_space<vmem_shared>>) target_semaphore(%run_scoped3A : memref<!tpu.dma_semaphore, #tpu.memory_space<semaphore_mem>>)
        %dma_wait3A_246 = arith.constant 0 : i32
        %dma_wait3A_247 = arith.constant 0 : i32
        %dma_wait3A_248 = tpu.memref_slice %arg13[%dma_wait3A_246, %dma_wait3A_247] : memref<128x64xf32, #tpu.memory_space<vmem>> -> memref<16x64xf32, #tpu.memory_space<vmem>>
        %dma_wait3A_249 = arith.constant 9984 : i32
        %dma_wait3A_250 = arith.constant 0 : i32
        %dma_wait3A_251 = tpu.memref_slice %arg5[%dma_wait3A_249, %dma_wait3A_250] : memref<10240x64xf32, #tpu.memory_space<vmem_shared>> -> memref<16x64xf32, #tpu.memory_space<vmem_shared>>
        %dma_wait3A_252 = arith.constant 9984 : i32
        %dma_wait3A_253 = arith.constant 0 : i32
        %dma_wait3A_254 = tpu.memref_slice %arg5[%dma_wait3A_252, %dma_wait3A_253] : memref<10240x64xf32, #tpu.memory_space<vmem_shared>> -> memref<16x64xf32, #tpu.memory_space<vmem_shared>>
        %dma_wait3A_255 = arith.constant 0 : i32
        %dma_wait3A_256 = arith.constant 0 : i32
        %dma_wait3A_257 = tpu.memref_slice %arg13[%dma_wait3A_255, %dma_wait3A_256] : memref<128x64xf32, #tpu.memory_space<vmem>> -> memref<16x64xf32, #tpu.memory_space<vmem>>
        tpu.wait_dma2 semaphore(%run_scoped3A : memref<!tpu.dma_semaphore, #tpu.memory_space<semaphore_mem>>) src(%dma_wait3A_257 : memref<16x64xf32, #tpu.memory_space<vmem>>) dst(%dma_wait3A_254 : memref<16x64xf32, #tpu.memory_space<vmem_shared>>)
        tpu.yield
      }) : () -> ()
      "tpu.region"() ({
        %run_scoped3A = tpu.sem_alloc : memref<!tpu.dma_semaphore, #tpu.memory_space<semaphore_mem>>
        %dma_start3A_234 = arith.constant 0 : i32
        %dma_start3A_235 = arith.constant 0 : i32
        %dma_start3A_236 = tpu.memref_slice %arg13[%dma_start3A_234, %dma_start3A_235] : memref<128x64xf32, #tpu.memory_space<vmem>> -> memref<16x64xf32, #tpu.memory_space<vmem>>
        %dma_start3A_237 = arith.constant 9984 : i32
        %dma_start3A_238 = arith.constant 0 : i32
        %dma_start3A_239 = tpu.memref_slice %arg6[%dma_start3A_237, %dma_start3A_238] : memref<10240x64xf32, #tpu.memory_space<vmem_shared>> -> memref<16x64xf32, #tpu.memory_space<vmem_shared>>
        %dma_start3A_240 = arith.constant 9984 : i32
        %dma_start3A_241 = arith.constant 0 : i32
        %dma_start3A_242 = tpu.memref_slice %arg6[%dma_start3A_240, %dma_start3A_241] : memref<10240x64xf32, #tpu.memory_space<vmem_shared>> -> memref<16x64xf32, #tpu.memory_space<vmem_shared>>
        %dma_start3A_243 = arith.constant 0 : i32
        %dma_start3A_244 = arith.constant 0 : i32
        %dma_start3A_245 = tpu.memref_slice %arg13[%dma_start3A_243, %dma_start3A_244] : memref<128x64xf32, #tpu.memory_space<vmem>> -> memref<16x64xf32, #tpu.memory_space<vmem>>
        tpu.enqueue_dma source(%dma_start3A_245 : memref<16x64xf32, #tpu.memory_space<vmem>>) target(%dma_start3A_242 : memref<16x64xf32, #tpu.memory_space<vmem_shared>>) target_semaphore(%run_scoped3A : memref<!tpu.dma_semaphore, #tpu.memory_space<semaphore_mem>>)
        %dma_wait3A_246 = arith.constant 0 : i32
        %dma_wait3A_247 = arith.constant 0 : i32
        %dma_wait3A_248 = tpu.memref_slice %arg13[%dma_wait3A_246, %dma_wait3A_247] : memref<128x64xf32, #tpu.memory_space<vmem>> -> memref<16x64xf32, #tpu.memory_space<vmem>>
        %dma_wait3A_249 = arith.constant 9984 : i32
        %dma_wait3A_250 = arith.constant 0 : i32
        %dma_wait3A_251 = tpu.memref_slice %arg6[%dma_wait3A_249, %dma_wait3A_250] : memref<10240x64xf32, #tpu.memory_space<vmem_shared>> -> memref<16x64xf32, #tpu.memory_space<vmem_shared>>
        %dma_wait3A_252 = arith.constant 9984 : i32
        %dma_wait3A_253 = arith.constant 0 : i32
        %dma_wait3A_254 = tpu.memref_slice %arg6[%dma_wait3A_252, %dma_wait3A_253] : memref<10240x64xf32, #tpu.memory_space<vmem_shared>> -> memref<16x64xf32, #tpu.memory_space<vmem_shared>>
        %dma_wait3A_255 = arith.constant 0 : i32
        %dma_wait3A_256 = arith.constant 0 : i32
        %dma_wait3A_257 = tpu.memref_slice %arg13[%dma_wait3A_255, %dma_wait3A_256] : memref<128x64xf32, #tpu.memory_space<vmem>> -> memref<16x64xf32, #tpu.memory_space<vmem>>
        tpu.wait_dma2 semaphore(%run_scoped3A : memref<!tpu.dma_semaphore, #tpu.memory_space<semaphore_mem>>) src(%dma_wait3A_257 : memref<16x64xf32, #tpu.memory_space<vmem>>) dst(%dma_wait3A_254 : memref<16x64xf32, #tpu.memory_space<vmem_shared>>)
        tpu.yield
      }) : () -> ()
    } else {
    }
    %barrier3A = arith.constant 0 : index
    tpu.barrier barrier_id(%barrier3A)
    %dma_start3A = arith.constant 0 : i32
    %dma_start3A_48 = arith.constant 0 : i32
    %dma_start3A_49 = arith.constant 0 : i32
    %dma_start3A_50 = tpu.memref_slice %arg3[%dma_start3A, %arg1, %dma_start3A_48, %dma_start3A_49] : memref<2x16x160x125xi32, #tpu.memory_space<hbm>> -> memref<1x1x40x125xi32, #tpu.memory_space<hbm>>
    %dma_start3A_51 = tpu.memref_squeeze %dma_start3A_50 : memref<1x1x40x125xi32, #tpu.memory_space<hbm>> -> memref<40x125xi32, #tpu.memory_space<hbm>>
    %dma_start3A_52 = arith.constant 0 : i32
    %dma_start3A_53 = arith.constant 0 : i32
    %dma_start3A_54 = tpu.memref_slice %arg3[%dma_start3A, %arg1, %dma_start3A_52, %dma_start3A_53] : memref<2x16x160x125xi32, #tpu.memory_space<hbm>> -> memref<1x1x40x125xi32, #tpu.memory_space<hbm>>
    %dma_start3A_55 = tpu.memref_squeeze %dma_start3A_54 : memref<1x1x40x125xi32, #tpu.memory_space<hbm>> -> memref<40x125xi32, #tpu.memory_space<hbm>>
    tpu.enqueue_dma source(%dma_start3A_55 : memref<40x125xi32, #tpu.memory_space<hbm>>) target(%arg7 : memref<40x125xi32, #tpu.memory_space<vmem>>) target_semaphore(%arg17 : memref<!tpu.dma_semaphore, #tpu.memory_space<semaphore_mem>>)
    %dma_start3A_56 = arith.constant 1 : i32
    %dma_start3A_57 = arith.constant 0 : i32
    %dma_start3A_58 = arith.constant 0 : i32
    %dma_start3A_59 = tpu.memref_slice %arg3[%dma_start3A_56, %arg1, %dma_start3A_57, %dma_start3A_58] : memref<2x16x160x125xi32, #tpu.memory_space<hbm>> -> memref<1x1x40x125xi32, #tpu.memory_space<hbm>>
    %dma_start3A_60 = tpu.memref_squeeze %dma_start3A_59 : memref<1x1x40x125xi32, #tpu.memory_space<hbm>> -> memref<40x125xi32, #tpu.memory_space<hbm>>
    %dma_start3A_61 = arith.constant 0 : i32
    %dma_start3A_62 = arith.constant 0 : i32
    %dma_start3A_63 = tpu.memref_slice %arg3[%dma_start3A_56, %arg1, %dma_start3A_61, %dma_start3A_62] : memref<2x16x160x125xi32, #tpu.memory_space<hbm>> -> memref<1x1x40x125xi32, #tpu.memory_space<hbm>>
    %dma_start3A_64 = tpu.memref_squeeze %dma_start3A_63 : memref<1x1x40x125xi32, #tpu.memory_space<hbm>> -> memref<40x125xi32, #tpu.memory_space<hbm>>
    tpu.enqueue_dma source(%dma_start3A_64 : memref<40x125xi32, #tpu.memory_space<hbm>>) target(%arg10 : memref<40x125xi32, #tpu.memory_space<vmem>>) target_semaphore(%arg17 : memref<!tpu.dma_semaphore, #tpu.memory_space<semaphore_mem>>)
    %dma_wait3A = arith.constant 0 : i32
    %dma_wait3A_65 = arith.constant 0 : i32
    %dma_wait3A_66 = arith.constant 0 : i32
    %dma_wait3A_67 = tpu.memref_slice %arg3[%dma_wait3A, %arg1, %dma_wait3A_65, %dma_wait3A_66] : memref<2x16x160x125xi32, #tpu.memory_space<hbm>> -> memref<1x1x40x125xi32, #tpu.memory_space<hbm>>
    %dma_wait3A_68 = tpu.memref_squeeze %dma_wait3A_67 : memref<1x1x40x125xi32, #tpu.memory_space<hbm>> -> memref<40x125xi32, #tpu.memory_space<hbm>>
    %dma_wait3A_69 = arith.constant 0 : i32
    %dma_wait3A_70 = arith.constant 0 : i32
    %dma_wait3A_71 = tpu.memref_slice %arg3[%dma_wait3A, %arg1, %dma_wait3A_69, %dma_wait3A_70] : memref<2x16x160x125xi32, #tpu.memory_space<hbm>> -> memref<1x1x40x125xi32, #tpu.memory_space<hbm>>
    %dma_wait3A_72 = tpu.memref_squeeze %dma_wait3A_71 : memref<1x1x40x125xi32, #tpu.memory_space<hbm>> -> memref<40x125xi32, #tpu.memory_space<hbm>>
    tpu.wait_dma2 semaphore(%arg17 : memref<!tpu.dma_semaphore, #tpu.memory_space<semaphore_mem>>) src(%dma_wait3A_72 : memref<40x125xi32, #tpu.memory_space<hbm>>) dst(%arg7 : memref<40x125xi32, #tpu.memory_space<vmem>>)
    %dma_wait3A_73 = arith.constant 1 : i32
    %dma_wait3A_74 = arith.constant 0 : i32
    %dma_wait3A_75 = arith.constant 0 : i32
    %dma_wait3A_76 = tpu.memref_slice %arg3[%dma_wait3A_73, %arg1, %dma_wait3A_74, %dma_wait3A_75] : memref<2x16x160x125xi32, #tpu.memory_space<hbm>> -> memref<1x1x40x125xi32, #tpu.memory_space<hbm>>
    %dma_wait3A_77 = tpu.memref_squeeze %dma_wait3A_76 : memref<1x1x40x125xi32, #tpu.memory_space<hbm>> -> memref<40x125xi32, #tpu.memory_space<hbm>>
    %dma_wait3A_78 = arith.constant 0 : i32
    %dma_wait3A_79 = arith.constant 0 : i32
    %dma_wait3A_80 = tpu.memref_slice %arg3[%dma_wait3A_73, %arg1, %dma_wait3A_78, %dma_wait3A_79] : memref<2x16x160x125xi32, #tpu.memory_space<hbm>> -> memref<1x1x40x125xi32, #tpu.memory_space<hbm>>
    %dma_wait3A_81 = tpu.memref_squeeze %dma_wait3A_80 : memref<1x1x40x125xi32, #tpu.memory_space<hbm>> -> memref<40x125xi32, #tpu.memory_space<hbm>>
    tpu.wait_dma2 semaphore(%arg17 : memref<!tpu.dma_semaphore, #tpu.memory_space<semaphore_mem>>) src(%dma_wait3A_81 : memref<40x125xi32, #tpu.memory_space<hbm>>) dst(%arg10 : memref<40x125xi32, #tpu.memory_space<vmem>>)
    %dma_start3A_82 = arith.constant 0 : i32
    %dma_start3A_83 = arith.constant 40 : i32
    %dma_start3A_84 = arith.constant 0 : i32
    %dma_start3A_85 = tpu.memref_slice %arg3[%dma_start3A_82, %arg1, %dma_start3A_83, %dma_start3A_84] : memref<2x16x160x125xi32, #tpu.memory_space<hbm>> -> memref<1x1x40x125xi32, #tpu.memory_space<hbm>>
    %dma_start3A_86 = tpu.memref_squeeze %dma_start3A_85 : memref<1x1x40x125xi32, #tpu.memory_space<hbm>> -> memref<40x125xi32, #tpu.memory_space<hbm>>
    %dma_start3A_87 = arith.constant 40 : i32
    %dma_start3A_88 = arith.constant 0 : i32
    %dma_start3A_89 = tpu.memref_slice %arg3[%dma_start3A_82, %arg1, %dma_start3A_87, %dma_start3A_88] : memref<2x16x160x125xi32, #tpu.memory_space<hbm>> -> memref<1x1x40x125xi32, #tpu.memory_space<hbm>>
    %dma_start3A_90 = tpu.memref_squeeze %dma_start3A_89 : memref<1x1x40x125xi32, #tpu.memory_space<hbm>> -> memref<40x125xi32, #tpu.memory_space<hbm>>
    tpu.enqueue_dma source(%dma_start3A_90 : memref<40x125xi32, #tpu.memory_space<hbm>>) target(%arg8 : memref<40x125xi32, #tpu.memory_space<vmem>>) target_semaphore(%arg18 : memref<!tpu.dma_semaphore, #tpu.memory_space<semaphore_mem>>)
    %dma_start3A_91 = arith.constant 1 : i32
    %dma_start3A_92 = arith.constant 40 : i32
    %dma_start3A_93 = arith.constant 0 : i32
    %dma_start3A_94 = tpu.memref_slice %arg3[%dma_start3A_91, %arg1, %dma_start3A_92, %dma_start3A_93] : memref<2x16x160x125xi32, #tpu.memory_space<hbm>> -> memref<1x1x40x125xi32, #tpu.memory_space<hbm>>
    %dma_start3A_95 = tpu.memref_squeeze %dma_start3A_94 : memref<1x1x40x125xi32, #tpu.memory_space<hbm>> -> memref<40x125xi32, #tpu.memory_space<hbm>>
    %dma_start3A_96 = arith.constant 40 : i32
    %dma_start3A_97 = arith.constant 0 : i32
    %dma_start3A_98 = tpu.memref_slice %arg3[%dma_start3A_91, %arg1, %dma_start3A_96, %dma_start3A_97] : memref<2x16x160x125xi32, #tpu.memory_space<hbm>> -> memref<1x1x40x125xi32, #tpu.memory_space<hbm>>
    %dma_start3A_99 = tpu.memref_squeeze %dma_start3A_98 : memref<1x1x40x125xi32, #tpu.memory_space<hbm>> -> memref<40x125xi32, #tpu.memory_space<hbm>>
    tpu.enqueue_dma source(%dma_start3A_99 : memref<40x125xi32, #tpu.memory_space<hbm>>) target(%arg11 : memref<40x125xi32, #tpu.memory_space<vmem>>) target_semaphore(%arg18 : memref<!tpu.dma_semaphore, #tpu.memory_space<semaphore_mem>>)
    %dma_start3A_100 = arith.constant 0 : i32
    %dma_start3A_101 = arith.constant 80 : i32
    %dma_start3A_102 = arith.constant 0 : i32
    %dma_start3A_103 = tpu.memref_slice %arg3[%dma_start3A_100, %arg1, %dma_start3A_101, %dma_start3A_102] : memref<2x16x160x125xi32, #tpu.memory_space<hbm>> -> memref<1x1x40x125xi32, #tpu.memory_space<hbm>>
    %dma_start3A_104 = tpu.memref_squeeze %dma_start3A_103 : memref<1x1x40x125xi32, #tpu.memory_space<hbm>> -> memref<40x125xi32, #tpu.memory_space<hbm>>
    %dma_start3A_105 = arith.constant 80 : i32
    %dma_start3A_106 = arith.constant 0 : i32
    %dma_start3A_107 = tpu.memref_slice %arg3[%dma_start3A_100, %arg1, %dma_start3A_105, %dma_start3A_106] : memref<2x16x160x125xi32, #tpu.memory_space<hbm>> -> memref<1x1x40x125xi32, #tpu.memory_space<hbm>>
    %dma_start3A_108 = tpu.memref_squeeze %dma_start3A_107 : memref<1x1x40x125xi32, #tpu.memory_space<hbm>> -> memref<40x125xi32, #tpu.memory_space<hbm>>
    tpu.enqueue_dma source(%dma_start3A_108 : memref<40x125xi32, #tpu.memory_space<hbm>>) target(%arg9 : memref<40x125xi32, #tpu.memory_space<vmem>>) target_semaphore(%arg19 : memref<!tpu.dma_semaphore, #tpu.memory_space<semaphore_mem>>)
    %dma_start3A_109 = arith.constant 1 : i32
    %dma_start3A_110 = arith.constant 80 : i32
    %dma_start3A_111 = arith.constant 0 : i32
    %dma_start3A_112 = tpu.memref_slice %arg3[%dma_start3A_109, %arg1, %dma_start3A_110, %dma_start3A_111] : memref<2x16x160x125xi32, #tpu.memory_space<hbm>> -> memref<1x1x40x125xi32, #tpu.memory_space<hbm>>
    %dma_start3A_113 = tpu.memref_squeeze %dma_start3A_112 : memref<1x1x40x125xi32, #tpu.memory_space<hbm>> -> memref<40x125xi32, #tpu.memory_space<hbm>>
    %dma_start3A_114 = arith.constant 80 : i32
    %dma_start3A_115 = arith.constant 0 : i32
    %dma_start3A_116 = tpu.memref_slice %arg3[%dma_start3A_109, %arg1, %dma_start3A_114, %dma_start3A_115] : memref<2x16x160x125xi32, #tpu.memory_space<hbm>> -> memref<1x1x40x125xi32, #tpu.memory_space<hbm>>
    %dma_start3A_117 = tpu.memref_squeeze %dma_start3A_116 : memref<1x1x40x125xi32, #tpu.memory_space<hbm>> -> memref<40x125xi32, #tpu.memory_space<hbm>>
    tpu.enqueue_dma source(%dma_start3A_117 : memref<40x125xi32, #tpu.memory_space<hbm>>) target(%arg12 : memref<40x125xi32, #tpu.memory_space<vmem>>) target_semaphore(%arg19 : memref<!tpu.dma_semaphore, #tpu.memory_space<semaphore_mem>>)
    %dma_start3A_118 = arith.constant 0 : i32
    %dma_start3A_119 = arith.constant 0 : i32
    %dma_start3A_120 = arith.constant 0 : i32
    %dma_start3A_121 = tpu.memref_slice %arg13[%dma_start3A_119, %dma_start3A_120] : memref<128x64xf32, #tpu.memory_space<vmem>> -> memref<125x64xf32, #tpu.memory_space<vmem>>
    %dma_start3A_122 = arith.constant 0 : i32
    %dma_start3A_123 = tpu.memref_slice %arg10[%dma_start3A_118, %dma_start3A_122] : memref<40x125xi32, #tpu.memory_space<vmem>> -> memref<1x125xi32, #tpu.memory_space<vmem>>
    %dma_start3A_124 = tpu.memref_squeeze %dma_start3A_123 : memref<1x125xi32, #tpu.memory_space<vmem>> -> memref<125xi32, #tpu.memory_space<vmem>>
    %dma_start3A_125 = arith.constant 0 : i32
    %dma_start3A_126 = arith.constant 0 : i32
    %dma_start3A_127 = tpu.memref_slice %arg5[%dma_start3A_125, %dma_start3A_126] : memref<10240x64xf32, #tpu.memory_space<vmem_shared>> -> memref<10240x64xf32, #tpu.memory_space<vmem_shared>>
    tpu.enqueue_indirect_dma source(%dma_start3A_127 : memref<10240x64xf32, #tpu.memory_space<vmem_shared>>) target(%dma_start3A_121 : memref<125x64xf32, #tpu.memory_space<vmem>>) offsets(%dma_start3A_124 : memref<125xi32, #tpu.memory_space<vmem>>) semaphore(%arg15 : memref<!tpu.dma_semaphore, #tpu.memory_space<semaphore_mem>>)
    %dma_wait3A_128 = arith.constant 0 : i32
    %dma_wait3A_129 = arith.constant 40 : i32
    %dma_wait3A_130 = arith.constant 0 : i32
    %dma_wait3A_131 = tpu.memref_slice %arg3[%dma_wait3A_128, %arg1, %dma_wait3A_129, %dma_wait3A_130] : memref<2x16x160x125xi32, #tpu.memory_space<hbm>> -> memref<1x1x40x125xi32, #tpu.memory_space<hbm>>
    %dma_wait3A_132 = tpu.memref_squeeze %dma_wait3A_131 : memref<1x1x40x125xi32, #tpu.memory_space<hbm>> -> memref<40x125xi32, #tpu.memory_space<hbm>>
    %dma_wait3A_133 = arith.constant 40 : i32
    %dma_wait3A_134 = arith.constant 0 : i32
    %dma_wait3A_135 = tpu.memref_slice %arg3[%dma_wait3A_128, %arg1, %dma_wait3A_133, %dma_wait3A_134] : memref<2x16x160x125xi32, #tpu.memory_space<hbm>> -> memref<1x1x40x125xi32, #tpu.memory_space<hbm>>
    %dma_wait3A_136 = tpu.memref_squeeze %dma_wait3A_135 : memref<1x1x40x125xi32, #tpu.memory_space<hbm>> -> memref<40x125xi32, #tpu.memory_space<hbm>>
    tpu.wait_dma2 semaphore(%arg18 : memref<!tpu.dma_semaphore, #tpu.memory_space<semaphore_mem>>) src(%dma_wait3A_136 : memref<40x125xi32, #tpu.memory_space<hbm>>) dst(%arg8 : memref<40x125xi32, #tpu.memory_space<vmem>>)
    %dma_wait3A_137 = arith.constant 1 : i32
    %dma_wait3A_138 = arith.constant 40 : i32
    %dma_wait3A_139 = arith.constant 0 : i32
    %dma_wait3A_140 = tpu.memref_slice %arg3[%dma_wait3A_137, %arg1, %dma_wait3A_138, %dma_wait3A_139] : memref<2x16x160x125xi32, #tpu.memory_space<hbm>> -> memref<1x1x40x125xi32, #tpu.memory_space<hbm>>
    %dma_wait3A_141 = tpu.memref_squeeze %dma_wait3A_140 : memref<1x1x40x125xi32, #tpu.memory_space<hbm>> -> memref<40x125xi32, #tpu.memory_space<hbm>>
    %dma_wait3A_142 = arith.constant 40 : i32
    %dma_wait3A_143 = arith.constant 0 : i32
    %dma_wait3A_144 = tpu.memref_slice %arg3[%dma_wait3A_137, %arg1, %dma_wait3A_142, %dma_wait3A_143] : memref<2x16x160x125xi32, #tpu.memory_space<hbm>> -> memref<1x1x40x125xi32, #tpu.memory_space<hbm>>
    %dma_wait3A_145 = tpu.memref_squeeze %dma_wait3A_144 : memref<1x1x40x125xi32, #tpu.memory_space<hbm>> -> memref<40x125xi32, #tpu.memory_space<hbm>>
    tpu.wait_dma2 semaphore(%arg18 : memref<!tpu.dma_semaphore, #tpu.memory_space<semaphore_mem>>) src(%dma_wait3A_145 : memref<40x125xi32, #tpu.memory_space<hbm>>) dst(%arg11 : memref<40x125xi32, #tpu.memory_space<vmem>>)
    %scan3A = arith.constant 0 : i32
    %scan3A_146 = arith.constant 0 : i32
    %scan3A_147 = arith.constant 20 : i32
    %scan3A_148 = arith.addi %scan3A_146, %scan3A_147 : i32
    %scan3A_149 = arith.constant 1 : i32
    scf.for %scan3A_234 = %scan3A_146 to %scan3A_148 step %scan3A_149  : i32 {
      %mul3A_235 = arith.constant 2 : i32
      %mul3A_236 = arith.muli %mul3A_235, %scan3A_234 : i32
      %add3A_237 = arith.constant 1 : i32
      %add3A_238 = arith.addi %mul3A_236, %add3A_237 : i32
      %dma_start3A_239 = arith.constant 0 : i32
      %dma_start3A_240 = arith.constant 0 : i32
      %dma_start3A_241 = tpu.memref_slice %arg14[%dma_start3A_239, %dma_start3A_240] : memref<128x64xf32, #tpu.memory_space<vmem>> -> memref<125x64xf32, #tpu.memory_space<vmem>>
      %dma_start3A_242 = arith.constant 0 : i32
      %dma_start3A_243 = tpu.memref_slice %arg10[%add3A_238, %dma_start3A_242] : memref<40x125xi32, #tpu.memory_space<vmem>> -> memref<1x125xi32, #tpu.memory_space<vmem>>
      %dma_start3A_244 = tpu.memref_squeeze %dma_start3A_243 : memref<1x125xi32, #tpu.memory_space<vmem>> -> memref<125xi32, #tpu.memory_space<vmem>>
      %dma_start3A_245 = arith.constant 0 : i32
      %dma_start3A_246 = arith.constant 0 : i32
      %dma_start3A_247 = tpu.memref_slice %arg5[%dma_start3A_245, %dma_start3A_246] : memref<10240x64xf32, #tpu.memory_space<vmem_shared>> -> memref<10240x64xf32, #tpu.memory_space<vmem_shared>>
      tpu.enqueue_indirect_dma source(%dma_start3A_247 : memref<10240x64xf32, #tpu.memory_space<vmem_shared>>) target(%dma_start3A_241 : memref<125x64xf32, #tpu.memory_space<vmem>>) offsets(%dma_start3A_244 : memref<125xi32, #tpu.memory_space<vmem>>) semaphore(%arg16 : memref<!tpu.dma_semaphore, #tpu.memory_space<semaphore_mem>>)
      %dma_wait3A_248 = arith.constant 0 : i32
      %dma_wait3A_249 = arith.constant 0 : i32
      %dma_wait3A_250 = tpu.memref_slice %arg13[%dma_wait3A_248, %dma_wait3A_249] : memref<128x64xf32, #tpu.memory_space<vmem>> -> memref<125x64xf32, #tpu.memory_space<vmem>>
      %dma_wait3A_251 = arith.constant 0 : i32
      %dma_wait3A_252 = tpu.memref_slice %arg10[%mul3A_236, %dma_wait3A_251] : memref<40x125xi32, #tpu.memory_space<vmem>> -> memref<1x125xi32, #tpu.memory_space<vmem>>
      %dma_wait3A_253 = tpu.memref_squeeze %dma_wait3A_252 : memref<1x125xi32, #tpu.memory_space<vmem>> -> memref<125xi32, #tpu.memory_space<vmem>>
      %dma_wait3A_254 = arith.constant 0 : i32
      %dma_wait3A_255 = arith.constant 0 : i32
      %dma_wait3A_256 = tpu.memref_slice %arg5[%dma_wait3A_254, %dma_wait3A_255] : memref<10240x64xf32, #tpu.memory_space<vmem_shared>> -> memref<10240x64xf32, #tpu.memory_space<vmem_shared>>
      tpu.wait_indirect_dma semaphore(%arg15 : memref<!tpu.dma_semaphore, #tpu.memory_space<semaphore_mem>>) src(%dma_wait3A_256 : memref<10240x64xf32, #tpu.memory_space<vmem_shared>>) dst(%dma_wait3A_250 : memref<125x64xf32, #tpu.memory_space<vmem>>)
      "tpu.region"() ({
        %run_scoped3A = tpu.sem_alloc : memref<!tpu.dma_semaphore, #tpu.memory_space<semaphore_mem>>
        %dma_start3A_275 = arith.constant 0 : i32
        %dma_start3A_276 = arith.constant 0 : i32
        %dma_start3A_277 = tpu.memref_slice %arg13[%dma_start3A_275, %dma_start3A_276] : memref<128x64xf32, #tpu.memory_space<vmem>> -> memref<125x64xf32, #tpu.memory_space<vmem>>
        %dma_start3A_278 = arith.constant 0 : i32
        %dma_start3A_279 = tpu.memref_slice %arg7[%mul3A_236, %dma_start3A_278] : memref<40x125xi32, #tpu.memory_space<vmem>> -> memref<1x125xi32, #tpu.memory_space<vmem>>
        %dma_start3A_280 = tpu.memref_squeeze %dma_start3A_279 : memref<1x125xi32, #tpu.memory_space<vmem>> -> memref<125xi32, #tpu.memory_space<vmem>>
        %dma_start3A_281 = arith.constant 0 : i32
        %dma_start3A_282 = arith.constant 0 : i32
        %dma_start3A_283 = tpu.memref_slice %arg6[%dma_start3A_281, %dma_start3A_282] : memref<10240x64xf32, #tpu.memory_space<vmem_shared>> -> memref<10240x64xf32, #tpu.memory_space<vmem_shared>>
        tpu.enqueue_indirect_dma source(%dma_start3A_277 : memref<125x64xf32, #tpu.memory_space<vmem>>) target(%dma_start3A_283 : memref<10240x64xf32, #tpu.memory_space<vmem_shared>>) offsets(%dma_start3A_280 : memref<125xi32, #tpu.memory_space<vmem>>) semaphore(%run_scoped3A : memref<!tpu.dma_semaphore, #tpu.memory_space<semaphore_mem>>) {add = true}
        %dma_wait3A_284 = arith.constant 0 : i32
        %dma_wait3A_285 = arith.constant 0 : i32
        %dma_wait3A_286 = tpu.memref_slice %arg13[%dma_wait3A_284, %dma_wait3A_285] : memref<128x64xf32, #tpu.memory_space<vmem>> -> memref<125x64xf32, #tpu.memory_space<vmem>>
        %dma_wait3A_287 = arith.constant 0 : i32
        %dma_wait3A_288 = tpu.memref_slice %arg7[%mul3A_236, %dma_wait3A_287] : memref<40x125xi32, #tpu.memory_space<vmem>> -> memref<1x125xi32, #tpu.memory_space<vmem>>
        %dma_wait3A_289 = tpu.memref_squeeze %dma_wait3A_288 : memref<1x125xi32, #tpu.memory_space<vmem>> -> memref<125xi32, #tpu.memory_space<vmem>>
        %dma_wait3A_290 = arith.constant 0 : i32
        %dma_wait3A_291 = arith.constant 0 : i32
        %dma_wait3A_292 = tpu.memref_slice %arg6[%dma_wait3A_290, %dma_wait3A_291] : memref<10240x64xf32, #tpu.memory_space<vmem_shared>> -> memref<10240x64xf32, #tpu.memory_space<vmem_shared>>
        tpu.wait_indirect_dma semaphore(%run_scoped3A : memref<!tpu.dma_semaphore, #tpu.memory_space<semaphore_mem>>) src(%dma_wait3A_286 : memref<125x64xf32, #tpu.memory_space<vmem>>) dst(%dma_wait3A_292 : memref<10240x64xf32, #tpu.memory_space<vmem_shared>>)
        tpu.yield
      }) : () -> ()
      %ne3A = arith.constant 19 : i32
      %ne3A_257 = arith.cmpi ne, %scan3A_234, %ne3A : i32
      %convert_element_type3A_258 = arith.extui %ne3A_257 : i1 to i32
      %cond3A_259 = arith.constant 0 : i32
      %cond3A_260 = arith.cmpi ne, %convert_element_type3A_258, %cond3A_259 : i32
      scf.if %cond3A_260 {
        %add3A_275 = arith.constant 2 : i32
        %add3A_276 = arith.addi %mul3A_236, %add3A_275 : i32
        %dma_start3A_277 = arith.constant 0 : i32
        %dma_start3A_278 = arith.constant 0 : i32
        %dma_start3A_279 = tpu.memref_slice %arg13[%dma_start3A_277, %dma_start3A_278] : memref<128x64xf32, #tpu.memory_space<vmem>> -> memref<125x64xf32, #tpu.memory_space<vmem>>
        %dma_start3A_280 = arith.constant 0 : i32
        %dma_start3A_281 = tpu.memref_slice %arg10[%add3A_276, %dma_start3A_280] : memref<40x125xi32, #tpu.memory_space<vmem>> -> memref<1x125xi32, #tpu.memory_space<vmem>>
        %dma_start3A_282 = tpu.memref_squeeze %dma_start3A_281 : memref<1x125xi32, #tpu.memory_space<vmem>> -> memref<125xi32, #tpu.memory_space<vmem>>
        %dma_start3A_283 = arith.constant 0 : i32
        %dma_start3A_284 = arith.constant 0 : i32
        %dma_start3A_285 = tpu.memref_slice %arg5[%dma_start3A_283, %dma_start3A_284] : memref<10240x64xf32, #tpu.memory_space<vmem_shared>> -> memref<10240x64xf32, #tpu.memory_space<vmem_shared>>
        tpu.enqueue_indirect_dma source(%dma_start3A_285 : memref<10240x64xf32, #tpu.memory_space<vmem_shared>>) target(%dma_start3A_279 : memref<125x64xf32, #tpu.memory_space<vmem>>) offsets(%dma_start3A_282 : memref<125xi32, #tpu.memory_space<vmem>>) semaphore(%arg15 : memref<!tpu.dma_semaphore, #tpu.memory_space<semaphore_mem>>)
      } else {
      }
      %eq3A_261 = arith.constant 19 : i32
      %eq3A_262 = arith.cmpi eq, %scan3A_234, %eq3A_261 : i32
      %convert_element_type3A_263 = arith.extui %eq3A_262 : i1 to i32
      %cond3A_264 = arith.constant 0 : i32
      %cond3A_265 = arith.cmpi ne, %convert_element_type3A_263, %cond3A_264 : i32
      scf.if %cond3A_265 {
        %dma_start3A_275 = arith.constant 0 : i32
        %dma_start3A_276 = arith.constant 0 : i32
        %dma_start3A_277 = arith.constant 0 : i32
        %dma_start3A_278 = tpu.memref_slice %arg13[%dma_start3A_276, %dma_start3A_277] : memref<128x64xf32, #tpu.memory_space<vmem>> -> memref<125x64xf32, #tpu.memory_space<vmem>>
        %dma_start3A_279 = arith.constant 0 : i32
        %dma_start3A_280 = tpu.memref_slice %arg11[%dma_start3A_275, %dma_start3A_279] : memref<40x125xi32, #tpu.memory_space<vmem>> -> memref<1x125xi32, #tpu.memory_space<vmem>>
        %dma_start3A_281 = tpu.memref_squeeze %dma_start3A_280 : memref<1x125xi32, #tpu.memory_space<vmem>> -> memref<125xi32, #tpu.memory_space<vmem>>
        %dma_start3A_282 = arith.constant 0 : i32
        %dma_start3A_283 = arith.constant 0 : i32
        %dma_start3A_284 = tpu.memref_slice %arg5[%dma_start3A_282, %dma_start3A_283] : memref<10240x64xf32, #tpu.memory_space<vmem_shared>> -> memref<10240x64xf32, #tpu.memory_space<vmem_shared>>
        tpu.enqueue_indirect_dma source(%dma_start3A_284 : memref<10240x64xf32, #tpu.memory_space<vmem_shared>>) target(%dma_start3A_278 : memref<125x64xf32, #tpu.memory_space<vmem>>) offsets(%dma_start3A_281 : memref<125xi32, #tpu.memory_space<vmem>>) semaphore(%arg15 : memref<!tpu.dma_semaphore, #tpu.memory_space<semaphore_mem>>)
      } else {
      }
      %dma_wait3A_266 = arith.constant 0 : i32
      %dma_wait3A_267 = arith.constant 0 : i32
      %dma_wait3A_268 = tpu.memref_slice %arg14[%dma_wait3A_266, %dma_wait3A_267] : memref<128x64xf32, #tpu.memory_space<vmem>> -> memref<125x64xf32, #tpu.memory_space<vmem>>
      %dma_wait3A_269 = arith.constant 0 : i32
      %dma_wait3A_270 = tpu.memref_slice %arg10[%add3A_238, %dma_wait3A_269] : memref<40x125xi32, #tpu.memory_space<vmem>> -> memref<1x125xi32, #tpu.memory_space<vmem>>
      %dma_wait3A_271 = tpu.memref_squeeze %dma_wait3A_270 : memref<1x125xi32, #tpu.memory_space<vmem>> -> memref<125xi32, #tpu.memory_space<vmem>>
      %dma_wait3A_272 = arith.constant 0 : i32
      %dma_wait3A_273 = arith.constant 0 : i32
      %dma_wait3A_274 = tpu.memref_slice %arg5[%dma_wait3A_272, %dma_wait3A_273] : memref<10240x64xf32, #tpu.memory_space<vmem_shared>> -> memref<10240x64xf32, #tpu.memory_space<vmem_shared>>
      tpu.wait_indirect_dma semaphore(%arg16 : memref<!tpu.dma_semaphore, #tpu.memory_space<semaphore_mem>>) src(%dma_wait3A_274 : memref<10240x64xf32, #tpu.memory_space<vmem_shared>>) dst(%dma_wait3A_268 : memref<125x64xf32, #tpu.memory_space<vmem>>)
      "tpu.region"() ({
        %run_scoped3A = tpu.sem_alloc : memref<!tpu.dma_semaphore, #tpu.memory_space<semaphore_mem>>
        %dma_start3A_275 = arith.constant 0 : i32
        %dma_start3A_276 = arith.constant 0 : i32
        %dma_start3A_277 = tpu.memref_slice %arg14[%dma_start3A_275, %dma_start3A_276] : memref<128x64xf32, #tpu.memory_space<vmem>> -> memref<125x64xf32, #tpu.memory_space<vmem>>
        %dma_start3A_278 = arith.constant 0 : i32
        %dma_start3A_279 = tpu.memref_slice %arg7[%add3A_238, %dma_start3A_278] : memref<40x125xi32, #tpu.memory_space<vmem>> -> memref<1x125xi32, #tpu.memory_space<vmem>>
        %dma_start3A_280 = tpu.memref_squeeze %dma_start3A_279 : memref<1x125xi32, #tpu.memory_space<vmem>> -> memref<125xi32, #tpu.memory_space<vmem>>
        %dma_start3A_281 = arith.constant 0 : i32
        %dma_start3A_282 = arith.constant 0 : i32
        %dma_start3A_283 = tpu.memref_slice %arg6[%dma_start3A_281, %dma_start3A_282] : memref<10240x64xf32, #tpu.memory_space<vmem_shared>> -> memref<10240x64xf32, #tpu.memory_space<vmem_shared>>
        tpu.enqueue_indirect_dma source(%dma_start3A_277 : memref<125x64xf32, #tpu.memory_space<vmem>>) target(%dma_start3A_283 : memref<10240x64xf32, #tpu.memory_space<vmem_shared>>) offsets(%dma_start3A_280 : memref<125xi32, #tpu.memory_space<vmem>>) semaphore(%run_scoped3A : memref<!tpu.dma_semaphore, #tpu.memory_space<semaphore_mem>>) {add = true}
        %dma_wait3A_284 = arith.constant 0 : i32
        %dma_wait3A_285 = arith.constant 0 : i32
        %dma_wait3A_286 = tpu.memref_slice %arg14[%dma_wait3A_284, %dma_wait3A_285] : memref<128x64xf32, #tpu.memory_space<vmem>> -> memref<125x64xf32, #tpu.memory_space<vmem>>
        %dma_wait3A_287 = arith.constant 0 : i32
        %dma_wait3A_288 = tpu.memref_slice %arg7[%add3A_238, %dma_wait3A_287] : memref<40x125xi32, #tpu.memory_space<vmem>> -> memref<1x125xi32, #tpu.memory_space<vmem>>
        %dma_wait3A_289 = tpu.memref_squeeze %dma_wait3A_288 : memref<1x125xi32, #tpu.memory_space<vmem>> -> memref<125xi32, #tpu.memory_space<vmem>>
        %dma_wait3A_290 = arith.constant 0 : i32
        %dma_wait3A_291 = arith.constant 0 : i32
        %dma_wait3A_292 = tpu.memref_slice %arg6[%dma_wait3A_290, %dma_wait3A_291] : memref<10240x64xf32, #tpu.memory_space<vmem_shared>> -> memref<10240x64xf32, #tpu.memory_space<vmem_shared>>
        tpu.wait_indirect_dma semaphore(%run_scoped3A : memref<!tpu.dma_semaphore, #tpu.memory_space<semaphore_mem>>) src(%dma_wait3A_286 : memref<125x64xf32, #tpu.memory_space<vmem>>) dst(%dma_wait3A_292 : memref<10240x64xf32, #tpu.memory_space<vmem_shared>>)
        tpu.yield
      }) : () -> ()
    }
    %scan3A_150 = arith.constant 20 : i32
    %dma_wait3A_151 = arith.constant 0 : i32
    %dma_wait3A_152 = arith.constant 80 : i32
    %dma_wait3A_153 = arith.constant 0 : i32
    %dma_wait3A_154 = tpu.memref_slice %arg3[%dma_wait3A_151, %arg1, %dma_wait3A_152, %dma_wait3A_153] : memref<2x16x160x125xi32, #tpu.memory_space<hbm>> -> memref<1x1x40x125xi32, #tpu.memory_space<hbm>>
    %dma_wait3A_155 = tpu.memref_squeeze %dma_wait3A_154 : memref<1x1x40x125xi32, #tpu.memory_space<hbm>> -> memref<40x125xi32, #tpu.memory_space<hbm>>
    %dma_wait3A_156 = arith.constant 80 : i32
    %dma_wait3A_157 = arith.constant 0 : i32
    %dma_wait3A_158 = tpu.memref_slice %arg3[%dma_wait3A_151, %arg1, %dma_wait3A_156, %dma_wait3A_157] : memref<2x16x160x125xi32, #tpu.memory_space<hbm>> -> memref<1x1x40x125xi32, #tpu.memory_space<hbm>>
    %dma_wait3A_159 = tpu.memref_squeeze %dma_wait3A_158 : memref<1x1x40x125xi32, #tpu.memory_space<hbm>> -> memref<40x125xi32, #tpu.memory_space<hbm>>
    tpu.wait_dma2 semaphore(%arg19 : memref<!tpu.dma_semaphore, #tpu.memory_space<semaphore_mem>>) src(%dma_wait3A_159 : memref<40x125xi32, #tpu.memory_space<hbm>>) dst(%arg9 : memref<40x125xi32, #tpu.memory_space<vmem>>)
    %dma_wait3A_160 = arith.constant 1 : i32
    %dma_wait3A_161 = arith.constant 80 : i32
    %dma_wait3A_162 = arith.constant 0 : i32
    %dma_wait3A_163 = tpu.memref_slice %arg3[%dma_wait3A_160, %arg1, %dma_wait3A_161, %dma_wait3A_162] : memref<2x16x160x125xi32, #tpu.memory_space<hbm>> -> memref<1x1x40x125xi32, #tpu.memory_space<hbm>>
    %dma_wait3A_164 = tpu.memref_squeeze %dma_wait3A_163 : memref<1x1x40x125xi32, #tpu.memory_space<hbm>> -> memref<40x125xi32, #tpu.memory_space<hbm>>
    %dma_wait3A_165 = arith.constant 80 : i32
    %dma_wait3A_166 = arith.constant 0 : i32
    %dma_wait3A_167 = tpu.memref_slice %arg3[%dma_wait3A_160, %arg1, %dma_wait3A_165, %dma_wait3A_166] : memref<2x16x160x125xi32, #tpu.memory_space<hbm>> -> memref<1x1x40x125xi32, #tpu.memory_space<hbm>>
    %dma_wait3A_168 = tpu.memref_squeeze %dma_wait3A_167 : memref<1x1x40x125xi32, #tpu.memory_space<hbm>> -> memref<40x125xi32, #tpu.memory_space<hbm>>
    tpu.wait_dma2 semaphore(%arg19 : memref<!tpu.dma_semaphore, #tpu.memory_space<semaphore_mem>>) src(%dma_wait3A_168 : memref<40x125xi32, #tpu.memory_space<hbm>>) dst(%arg12 : memref<40x125xi32, #tpu.memory_space<vmem>>)
    %dma_start3A_169 = arith.constant 0 : i32
    %dma_start3A_170 = arith.constant 120 : i32
    %dma_start3A_171 = arith.constant 0 : i32
    %dma_start3A_172 = tpu.memref_slice %arg3[%dma_start3A_169, %arg1, %dma_start3A_170, %dma_start3A_171] : memref<2x16x160x125xi32, #tpu.memory_space<hbm>> -> memref<1x1x40x125xi32, #tpu.memory_space<hbm>>
    %dma_start3A_173 = tpu.memref_squeeze %dma_start3A_172 : memref<1x1x40x125xi32, #tpu.memory_space<hbm>> -> memref<40x125xi32, #tpu.memory_space<hbm>>
    %dma_start3A_174 = arith.constant 120 : i32
    %dma_start3A_175 = arith.constant 0 : i32
    %dma_start3A_176 = tpu.memref_slice %arg3[%dma_start3A_169, %arg1, %dma_start3A_174, %dma_start3A_175] : memref<2x16x160x125xi32, #tpu.memory_space<hbm>> -> memref<1x1x40x125xi32, #tpu.memory_space<hbm>>
    %dma_start3A_177 = tpu.memref_squeeze %dma_start3A_176 : memref<1x1x40x125xi32, #tpu.memory_space<hbm>> -> memref<40x125xi32, #tpu.memory_space<hbm>>
    tpu.enqueue_dma source(%dma_start3A_177 : memref<40x125xi32, #tpu.memory_space<hbm>>) target(%arg7 : memref<40x125xi32, #tpu.memory_space<vmem>>) target_semaphore(%arg17 : memref<!tpu.dma_semaphore, #tpu.memory_space<semaphore_mem>>)
    %dma_start3A_178 = arith.constant 1 : i32
    %dma_start3A_179 = arith.constant 120 : i32
    %dma_start3A_180 = arith.constant 0 : i32
    %dma_start3A_181 = tpu.memref_slice %arg3[%dma_start3A_178, %arg1, %dma_start3A_179, %dma_start3A_180] : memref<2x16x160x125xi32, #tpu.memory_space<hbm>> -> memref<1x1x40x125xi32, #tpu.memory_space<hbm>>
    %dma_start3A_182 = tpu.memref_squeeze %dma_start3A_181 : memref<1x1x40x125xi32, #tpu.memory_space<hbm>> -> memref<40x125xi32, #tpu.memory_space<hbm>>
    %dma_start3A_183 = arith.constant 120 : i32
    %dma_start3A_184 = arith.constant 0 : i32
    %dma_start3A_185 = tpu.memref_slice %arg3[%dma_start3A_178, %arg1, %dma_start3A_183, %dma_start3A_184] : memref<2x16x160x125xi32, #tpu.memory_space<hbm>> -> memref<1x1x40x125xi32, #tpu.memory_space<hbm>>
    %dma_start3A_186 = tpu.memref_squeeze %dma_start3A_185 : memref<1x1x40x125xi32, #tpu.memory_space<hbm>> -> memref<40x125xi32, #tpu.memory_space<hbm>>
    tpu.enqueue_dma source(%dma_start3A_186 : memref<40x125xi32, #tpu.memory_space<hbm>>) target(%arg10 : memref<40x125xi32, #tpu.memory_space<vmem>>) target_semaphore(%arg17 : memref<!tpu.dma_semaphore, #tpu.memory_space<semaphore_mem>>)
    %scan3A_187 = arith.constant 0 : i32
    %scan3A_188 = arith.constant 0 : i32
    %scan3A_189 = arith.constant 20 : i32
    %scan3A_190 = arith.addi %scan3A_188, %scan3A_189 : i32
    %scan3A_191 = arith.constant 1 : i32
    scf.for %scan3A_234 = %scan3A_188 to %scan3A_190 step %scan3A_191  : i32 {
      %mul3A_235 = arith.constant 2 : i32
      %mul3A_236 = arith.muli %mul3A_235, %scan3A_234 : i32
      %add3A_237 = arith.constant 1 : i32
      %add3A_238 = arith.addi %mul3A_236, %add3A_237 : i32
      %dma_start3A_239 = arith.constant 0 : i32
      %dma_start3A_240 = arith.constant 0 : i32
      %dma_start3A_241 = tpu.memref_slice %arg14[%dma_start3A_239, %dma_start3A_240] : memref<128x64xf32, #tpu.memory_space<vmem>> -> memref<125x64xf32, #tpu.memory_space<vmem>>
      %dma_start3A_242 = arith.constant 0 : i32
      %dma_start3A_243 = tpu.memref_slice %arg11[%add3A_238, %dma_start3A_242] : memref<40x125xi32, #tpu.memory_space<vmem>> -> memref<1x125xi32, #tpu.memory_space<vmem>>
      %dma_start3A_244 = tpu.memref_squeeze %dma_start3A_243 : memref<1x125xi32, #tpu.memory_space<vmem>> -> memref<125xi32, #tpu.memory_space<vmem>>
      %dma_start3A_245 = arith.constant 0 : i32
      %dma_start3A_246 = arith.constant 0 : i32
      %dma_start3A_247 = tpu.memref_slice %arg5[%dma_start3A_245, %dma_start3A_246] : memref<10240x64xf32, #tpu.memory_space<vmem_shared>> -> memref<10240x64xf32, #tpu.memory_space<vmem_shared>>
      tpu.enqueue_indirect_dma source(%dma_start3A_247 : memref<10240x64xf32, #tpu.memory_space<vmem_shared>>) target(%dma_start3A_241 : memref<125x64xf32, #tpu.memory_space<vmem>>) offsets(%dma_start3A_244 : memref<125xi32, #tpu.memory_space<vmem>>) semaphore(%arg16 : memref<!tpu.dma_semaphore, #tpu.memory_space<semaphore_mem>>)
      %dma_wait3A_248 = arith.constant 0 : i32
      %dma_wait3A_249 = arith.constant 0 : i32
      %dma_wait3A_250 = tpu.memref_slice %arg13[%dma_wait3A_248, %dma_wait3A_249] : memref<128x64xf32, #tpu.memory_space<vmem>> -> memref<125x64xf32, #tpu.memory_space<vmem>>
      %dma_wait3A_251 = arith.constant 0 : i32
      %dma_wait3A_252 = tpu.memref_slice %arg11[%mul3A_236, %dma_wait3A_251] : memref<40x125xi32, #tpu.memory_space<vmem>> -> memref<1x125xi32, #tpu.memory_space<vmem>>
      %dma_wait3A_253 = tpu.memref_squeeze %dma_wait3A_252 : memref<1x125xi32, #tpu.memory_space<vmem>> -> memref<125xi32, #tpu.memory_space<vmem>>
      %dma_wait3A_254 = arith.constant 0 : i32
      %dma_wait3A_255 = arith.constant 0 : i32
      %dma_wait3A_256 = tpu.memref_slice %arg5[%dma_wait3A_254, %dma_wait3A_255] : memref<10240x64xf32, #tpu.memory_space<vmem_shared>> -> memref<10240x64xf32, #tpu.memory_space<vmem_shared>>
      tpu.wait_indirect_dma semaphore(%arg15 : memref<!tpu.dma_semaphore, #tpu.memory_space<semaphore_mem>>) src(%dma_wait3A_256 : memref<10240x64xf32, #tpu.memory_space<vmem_shared>>) dst(%dma_wait3A_250 : memref<125x64xf32, #tpu.memory_space<vmem>>)
      "tpu.region"() ({
        %run_scoped3A = tpu.sem_alloc : memref<!tpu.dma_semaphore, #tpu.memory_space<semaphore_mem>>
        %dma_start3A_275 = arith.constant 0 : i32
        %dma_start3A_276 = arith.constant 0 : i32
        %dma_start3A_277 = tpu.memref_slice %arg13[%dma_start3A_275, %dma_start3A_276] : memref<128x64xf32, #tpu.memory_space<vmem>> -> memref<125x64xf32, #tpu.memory_space<vmem>>
        %dma_start3A_278 = arith.constant 0 : i32
        %dma_start3A_279 = tpu.memref_slice %arg8[%mul3A_236, %dma_start3A_278] : memref<40x125xi32, #tpu.memory_space<vmem>> -> memref<1x125xi32, #tpu.memory_space<vmem>>
        %dma_start3A_280 = tpu.memref_squeeze %dma_start3A_279 : memref<1x125xi32, #tpu.memory_space<vmem>> -> memref<125xi32, #tpu.memory_space<vmem>>
        %dma_start3A_281 = arith.constant 0 : i32
        %dma_start3A_282 = arith.constant 0 : i32
        %dma_start3A_283 = tpu.memref_slice %arg6[%dma_start3A_281, %dma_start3A_282] : memref<10240x64xf32, #tpu.memory_space<vmem_shared>> -> memref<10240x64xf32, #tpu.memory_space<vmem_shared>>
        tpu.enqueue_indirect_dma source(%dma_start3A_277 : memref<125x64xf32, #tpu.memory_space<vmem>>) target(%dma_start3A_283 : memref<10240x64xf32, #tpu.memory_space<vmem_shared>>) offsets(%dma_start3A_280 : memref<125xi32, #tpu.memory_space<vmem>>) semaphore(%run_scoped3A : memref<!tpu.dma_semaphore, #tpu.memory_space<semaphore_mem>>) {add = true}
        %dma_wait3A_284 = arith.constant 0 : i32
        %dma_wait3A_285 = arith.constant 0 : i32
        %dma_wait3A_286 = tpu.memref_slice %arg13[%dma_wait3A_284, %dma_wait3A_285] : memref<128x64xf32, #tpu.memory_space<vmem>> -> memref<125x64xf32, #tpu.memory_space<vmem>>
        %dma_wait3A_287 = arith.constant 0 : i32
        %dma_wait3A_288 = tpu.memref_slice %arg8[%mul3A_236, %dma_wait3A_287] : memref<40x125xi32, #tpu.memory_space<vmem>> -> memref<1x125xi32, #tpu.memory_space<vmem>>
        %dma_wait3A_289 = tpu.memref_squeeze %dma_wait3A_288 : memref<1x125xi32, #tpu.memory_space<vmem>> -> memref<125xi32, #tpu.memory_space<vmem>>
        %dma_wait3A_290 = arith.constant 0 : i32
        %dma_wait3A_291 = arith.constant 0 : i32
        %dma_wait3A_292 = tpu.memref_slice %arg6[%dma_wait3A_290, %dma_wait3A_291] : memref<10240x64xf32, #tpu.memory_space<vmem_shared>> -> memref<10240x64xf32, #tpu.memory_space<vmem_shared>>
        tpu.wait_indirect_dma semaphore(%run_scoped3A : memref<!tpu.dma_semaphore, #tpu.memory_space<semaphore_mem>>) src(%dma_wait3A_286 : memref<125x64xf32, #tpu.memory_space<vmem>>) dst(%dma_wait3A_292 : memref<10240x64xf32, #tpu.memory_space<vmem_shared>>)
        tpu.yield
      }) : () -> ()
      %ne3A = arith.constant 19 : i32
      %ne3A_257 = arith.cmpi ne, %scan3A_234, %ne3A : i32
      %convert_element_type3A_258 = arith.extui %ne3A_257 : i1 to i32
      %cond3A_259 = arith.constant 0 : i32
      %cond3A_260 = arith.cmpi ne, %convert_element_type3A_258, %cond3A_259 : i32
      scf.if %cond3A_260 {
        %add3A_275 = arith.constant 2 : i32
        %add3A_276 = arith.addi %mul3A_236, %add3A_275 : i32
        %dma_start3A_277 = arith.constant 0 : i32
        %dma_start3A_278 = arith.constant 0 : i32
        %dma_start3A_279 = tpu.memref_slice %arg13[%dma_start3A_277, %dma_start3A_278] : memref<128x64xf32, #tpu.memory_space<vmem>> -> memref<125x64xf32, #tpu.memory_space<vmem>>
        %dma_start3A_280 = arith.constant 0 : i32
        %dma_start3A_281 = tpu.memref_slice %arg11[%add3A_276, %dma_start3A_280] : memref<40x125xi32, #tpu.memory_space<vmem>> -> memref<1x125xi32, #tpu.memory_space<vmem>>
        %dma_start3A_282 = tpu.memref_squeeze %dma_start3A_281 : memref<1x125xi32, #tpu.memory_space<vmem>> -> memref<125xi32, #tpu.memory_space<vmem>>
        %dma_start3A_283 = arith.constant 0 : i32
        %dma_start3A_284 = arith.constant 0 : i32
        %dma_start3A_285 = tpu.memref_slice %arg5[%dma_start3A_283, %dma_start3A_284] : memref<10240x64xf32, #tpu.memory_space<vmem_shared>> -> memref<10240x64xf32, #tpu.memory_space<vmem_shared>>
        tpu.enqueue_indirect_dma source(%dma_start3A_285 : memref<10240x64xf32, #tpu.memory_space<vmem_shared>>) target(%dma_start3A_279 : memref<125x64xf32, #tpu.memory_space<vmem>>) offsets(%dma_start3A_282 : memref<125xi32, #tpu.memory_space<vmem>>) semaphore(%arg15 : memref<!tpu.dma_semaphore, #tpu.memory_space<semaphore_mem>>)
      } else {
      }
      %eq3A_261 = arith.constant 19 : i32
      %eq3A_262 = arith.cmpi eq, %scan3A_234, %eq3A_261 : i32
      %convert_element_type3A_263 = arith.extui %eq3A_262 : i1 to i32
      %cond3A_264 = arith.constant 0 : i32
      %cond3A_265 = arith.cmpi ne, %convert_element_type3A_263, %cond3A_264 : i32
      scf.if %cond3A_265 {
        %dma_start3A_275 = arith.constant 0 : i32
        %dma_start3A_276 = arith.constant 0 : i32
        %dma_start3A_277 = arith.constant 0 : i32
        %dma_start3A_278 = tpu.memref_slice %arg13[%dma_start3A_276, %dma_start3A_277] : memref<128x64xf32, #tpu.memory_space<vmem>> -> memref<125x64xf32, #tpu.memory_space<vmem>>
        %dma_start3A_279 = arith.constant 0 : i32
        %dma_start3A_280 = tpu.memref_slice %arg12[%dma_start3A_275, %dma_start3A_279] : memref<40x125xi32, #tpu.memory_space<vmem>> -> memref<1x125xi32, #tpu.memory_space<vmem>>
        %dma_start3A_281 = tpu.memref_squeeze %dma_start3A_280 : memref<1x125xi32, #tpu.memory_space<vmem>> -> memref<125xi32, #tpu.memory_space<vmem>>
        %dma_start3A_282 = arith.constant 0 : i32
        %dma_start3A_283 = arith.constant 0 : i32
        %dma_start3A_284 = tpu.memref_slice %arg5[%dma_start3A_282, %dma_start3A_283] : memref<10240x64xf32, #tpu.memory_space<vmem_shared>> -> memref<10240x64xf32, #tpu.memory_space<vmem_shared>>
        tpu.enqueue_indirect_dma source(%dma_start3A_284 : memref<10240x64xf32, #tpu.memory_space<vmem_shared>>) target(%dma_start3A_278 : memref<125x64xf32, #tpu.memory_space<vmem>>) offsets(%dma_start3A_281 : memref<125xi32, #tpu.memory_space<vmem>>) semaphore(%arg15 : memref<!tpu.dma_semaphore, #tpu.memory_space<semaphore_mem>>)
      } else {
      }
      %dma_wait3A_266 = arith.constant 0 : i32
      %dma_wait3A_267 = arith.constant 0 : i32
      %dma_wait3A_268 = tpu.memref_slice %arg14[%dma_wait3A_266, %dma_wait3A_267] : memref<128x64xf32, #tpu.memory_space<vmem>> -> memref<125x64xf32, #tpu.memory_space<vmem>>
      %dma_wait3A_269 = arith.constant 0 : i32
      %dma_wait3A_270 = tpu.memref_slice %arg11[%add3A_238, %dma_wait3A_269] : memref<40x125xi32, #tpu.memory_space<vmem>> -> memref<1x125xi32, #tpu.memory_space<vmem>>
      %dma_wait3A_271 = tpu.memref_squeeze %dma_wait3A_270 : memref<1x125xi32, #tpu.memory_space<vmem>> -> memref<125xi32, #tpu.memory_space<vmem>>
      %dma_wait3A_272 = arith.constant 0 : i32
      %dma_wait3A_273 = arith.constant 0 : i32
      %dma_wait3A_274 = tpu.memref_slice %arg5[%dma_wait3A_272, %dma_wait3A_273] : memref<10240x64xf32, #tpu.memory_space<vmem_shared>> -> memref<10240x64xf32, #tpu.memory_space<vmem_shared>>
      tpu.wait_indirect_dma semaphore(%arg16 : memref<!tpu.dma_semaphore, #tpu.memory_space<semaphore_mem>>) src(%dma_wait3A_274 : memref<10240x64xf32, #tpu.memory_space<vmem_shared>>) dst(%dma_wait3A_268 : memref<125x64xf32, #tpu.memory_space<vmem>>)
      "tpu.region"() ({
        %run_scoped3A = tpu.sem_alloc : memref<!tpu.dma_semaphore, #tpu.memory_space<semaphore_mem>>
        %dma_start3A_275 = arith.constant 0 : i32
        %dma_start3A_276 = arith.constant 0 : i32
        %dma_start3A_277 = tpu.memref_slice %arg14[%dma_start3A_275, %dma_start3A_276] : memref<128x64xf32, #tpu.memory_space<vmem>> -> memref<125x64xf32, #tpu.memory_space<vmem>>
        %dma_start3A_278 = arith.constant 0 : i32
        %dma_start3A_279 = tpu.memref_slice %arg8[%add3A_238, %dma_start3A_278] : memref<40x125xi32, #tpu.memory_space<vmem>> -> memref<1x125xi32, #tpu.memory_space<vmem>>
        %dma_start3A_280 = tpu.memref_squeeze %dma_start3A_279 : memref<1x125xi32, #tpu.memory_space<vmem>> -> memref<125xi32, #tpu.memory_space<vmem>>
        %dma_start3A_281 = arith.constant 0 : i32
        %dma_start3A_282 = arith.constant 0 : i32
        %dma_start3A_283 = tpu.memref_slice %arg6[%dma_start3A_281, %dma_start3A_282] : memref<10240x64xf32, #tpu.memory_space<vmem_shared>> -> memref<10240x64xf32, #tpu.memory_space<vmem_shared>>
        tpu.enqueue_indirect_dma source(%dma_start3A_277 : memref<125x64xf32, #tpu.memory_space<vmem>>) target(%dma_start3A_283 : memref<10240x64xf32, #tpu.memory_space<vmem_shared>>) offsets(%dma_start3A_280 : memref<125xi32, #tpu.memory_space<vmem>>) semaphore(%run_scoped3A : memref<!tpu.dma_semaphore, #tpu.memory_space<semaphore_mem>>) {add = true}
        %dma_wait3A_284 = arith.constant 0 : i32
        %dma_wait3A_285 = arith.constant 0 : i32
        %dma_wait3A_286 = tpu.memref_slice %arg14[%dma_wait3A_284, %dma_wait3A_285] : memref<128x64xf32, #tpu.memory_space<vmem>> -> memref<125x64xf32, #tpu.memory_space<vmem>>
        %dma_wait3A_287 = arith.constant 0 : i32
        %dma_wait3A_288 = tpu.memref_slice %arg8[%add3A_238, %dma_wait3A_287] : memref<40x125xi32, #tpu.memory_space<vmem>> -> memref<1x125xi32, #tpu.memory_space<vmem>>
        %dma_wait3A_289 = tpu.memref_squeeze %dma_wait3A_288 : memref<1x125xi32, #tpu.memory_space<vmem>> -> memref<125xi32, #tpu.memory_space<vmem>>
        %dma_wait3A_290 = arith.constant 0 : i32
        %dma_wait3A_291 = arith.constant 0 : i32
        %dma_wait3A_292 = tpu.memref_slice %arg6[%dma_wait3A_290, %dma_wait3A_291] : memref<10240x64xf32, #tpu.memory_space<vmem_shared>> -> memref<10240x64xf32, #tpu.memory_space<vmem_shared>>
        tpu.wait_indirect_dma semaphore(%run_scoped3A : memref<!tpu.dma_semaphore, #tpu.memory_space<semaphore_mem>>) src(%dma_wait3A_286 : memref<125x64xf32, #tpu.memory_space<vmem>>) dst(%dma_wait3A_292 : memref<10240x64xf32, #tpu.memory_space<vmem_shared>>)
        tpu.yield
      }) : () -> ()
    }
    %scan3A_192 = arith.constant 20 : i32
    %dma_wait3A_193 = arith.constant 0 : i32
    %dma_wait3A_194 = arith.constant 120 : i32
    %dma_wait3A_195 = arith.constant 0 : i32
    %dma_wait3A_196 = tpu.memref_slice %arg3[%dma_wait3A_193, %arg1, %dma_wait3A_194, %dma_wait3A_195] : memref<2x16x160x125xi32, #tpu.memory_space<hbm>> -> memref<1x1x40x125xi32, #tpu.memory_space<hbm>>
    %dma_wait3A_197 = tpu.memref_squeeze %dma_wait3A_196 : memref<1x1x40x125xi32, #tpu.memory_space<hbm>> -> memref<40x125xi32, #tpu.memory_space<hbm>>
    %dma_wait3A_198 = arith.constant 120 : i32
    %dma_wait3A_199 = arith.constant 0 : i32
    %dma_wait3A_200 = tpu.memref_slice %arg3[%dma_wait3A_193, %arg1, %dma_wait3A_198, %dma_wait3A_199] : memref<2x16x160x125xi32, #tpu.memory_space<hbm>> -> memref<1x1x40x125xi32, #tpu.memory_space<hbm>>
    %dma_wait3A_201 = tpu.memref_squeeze %dma_wait3A_200 : memref<1x1x40x125xi32, #tpu.memory_space<hbm>> -> memref<40x125xi32, #tpu.memory_space<hbm>>
    tpu.wait_dma2 semaphore(%arg17 : memref<!tpu.dma_semaphore, #tpu.memory_space<semaphore_mem>>) src(%dma_wait3A_201 : memref<40x125xi32, #tpu.memory_space<hbm>>) dst(%arg7 : memref<40x125xi32, #tpu.memory_space<vmem>>)
    %dma_wait3A_202 = arith.constant 1 : i32
    %dma_wait3A_203 = arith.constant 120 : i32
    %dma_wait3A_204 = arith.constant 0 : i32
    %dma_wait3A_205 = tpu.memref_slice %arg3[%dma_wait3A_202, %arg1, %dma_wait3A_203, %dma_wait3A_204] : memref<2x16x160x125xi32, #tpu.memory_space<hbm>> -> memref<1x1x40x125xi32, #tpu.memory_space<hbm>>
    %dma_wait3A_206 = tpu.memref_squeeze %dma_wait3A_205 : memref<1x1x40x125xi32, #tpu.memory_space<hbm>> -> memref<40x125xi32, #tpu.memory_space<hbm>>
    %dma_wait3A_207 = arith.constant 120 : i32
    %dma_wait3A_208 = arith.constant 0 : i32
    %dma_wait3A_209 = tpu.memref_slice %arg3[%dma_wait3A_202, %arg1, %dma_wait3A_207, %dma_wait3A_208] : memref<2x16x160x125xi32, #tpu.memory_space<hbm>> -> memref<1x1x40x125xi32, #tpu.memory_space<hbm>>
    %dma_wait3A_210 = tpu.memref_squeeze %dma_wait3A_209 : memref<1x1x40x125xi32, #tpu.memory_space<hbm>> -> memref<40x125xi32, #tpu.memory_space<hbm>>
    tpu.wait_dma2 semaphore(%arg17 : memref<!tpu.dma_semaphore, #tpu.memory_space<semaphore_mem>>) src(%dma_wait3A_210 : memref<40x125xi32, #tpu.memory_space<hbm>>) dst(%arg10 : memref<40x125xi32, #tpu.memory_space<vmem>>)
    %scan3A_211 = arith.constant 0 : i32
    %scan3A_212 = arith.constant 0 : i32
    %scan3A_213 = arith.constant 20 : i32
    %scan3A_214 = arith.addi %scan3A_212, %scan3A_213 : i32
    %scan3A_215 = arith.constant 1 : i32
    scf.for %scan3A_234 = %scan3A_212 to %scan3A_214 step %scan3A_215  : i32 {
      %mul3A_235 = arith.constant 2 : i32
      %mul3A_236 = arith.muli %mul3A_235, %scan3A_234 : i32
      %add3A_237 = arith.constant 1 : i32
      %add3A_238 = arith.addi %mul3A_236, %add3A_237 : i32
      %dma_start3A_239 = arith.constant 0 : i32
      %dma_start3A_240 = arith.constant 0 : i32
      %dma_start3A_241 = tpu.memref_slice %arg14[%dma_start3A_239, %dma_start3A_240] : memref<128x64xf32, #tpu.memory_space<vmem>> -> memref<125x64xf32, #tpu.memory_space<vmem>>
      %dma_start3A_242 = arith.constant 0 : i32
      %dma_start3A_243 = tpu.memref_slice %arg12[%add3A_238, %dma_start3A_242] : memref<40x125xi32, #tpu.memory_space<vmem>> -> memref<1x125xi32, #tpu.memory_space<vmem>>
      %dma_start3A_244 = tpu.memref_squeeze %dma_start3A_243 : memref<1x125xi32, #tpu.memory_space<vmem>> -> memref<125xi32, #tpu.memory_space<vmem>>
      %dma_start3A_245 = arith.constant 0 : i32
      %dma_start3A_246 = arith.constant 0 : i32
      %dma_start3A_247 = tpu.memref_slice %arg5[%dma_start3A_245, %dma_start3A_246] : memref<10240x64xf32, #tpu.memory_space<vmem_shared>> -> memref<10240x64xf32, #tpu.memory_space<vmem_shared>>
      tpu.enqueue_indirect_dma source(%dma_start3A_247 : memref<10240x64xf32, #tpu.memory_space<vmem_shared>>) target(%dma_start3A_241 : memref<125x64xf32, #tpu.memory_space<vmem>>) offsets(%dma_start3A_244 : memref<125xi32, #tpu.memory_space<vmem>>) semaphore(%arg16 : memref<!tpu.dma_semaphore, #tpu.memory_space<semaphore_mem>>)
      %dma_wait3A_248 = arith.constant 0 : i32
      %dma_wait3A_249 = arith.constant 0 : i32
      %dma_wait3A_250 = tpu.memref_slice %arg13[%dma_wait3A_248, %dma_wait3A_249] : memref<128x64xf32, #tpu.memory_space<vmem>> -> memref<125x64xf32, #tpu.memory_space<vmem>>
      %dma_wait3A_251 = arith.constant 0 : i32
      %dma_wait3A_252 = tpu.memref_slice %arg12[%mul3A_236, %dma_wait3A_251] : memref<40x125xi32, #tpu.memory_space<vmem>> -> memref<1x125xi32, #tpu.memory_space<vmem>>
      %dma_wait3A_253 = tpu.memref_squeeze %dma_wait3A_252 : memref<1x125xi32, #tpu.memory_space<vmem>> -> memref<125xi32, #tpu.memory_space<vmem>>
      %dma_wait3A_254 = arith.constant 0 : i32
      %dma_wait3A_255 = arith.constant 0 : i32
      %dma_wait3A_256 = tpu.memref_slice %arg5[%dma_wait3A_254, %dma_wait3A_255] : memref<10240x64xf32, #tpu.memory_space<vmem_shared>> -> memref<10240x64xf32, #tpu.memory_space<vmem_shared>>
      tpu.wait_indirect_dma semaphore(%arg15 : memref<!tpu.dma_semaphore, #tpu.memory_space<semaphore_mem>>) src(%dma_wait3A_256 : memref<10240x64xf32, #tpu.memory_space<vmem_shared>>) dst(%dma_wait3A_250 : memref<125x64xf32, #tpu.memory_space<vmem>>)
      "tpu.region"() ({
        %run_scoped3A = tpu.sem_alloc : memref<!tpu.dma_semaphore, #tpu.memory_space<semaphore_mem>>
        %dma_start3A_275 = arith.constant 0 : i32
        %dma_start3A_276 = arith.constant 0 : i32
        %dma_start3A_277 = tpu.memref_slice %arg13[%dma_start3A_275, %dma_start3A_276] : memref<128x64xf32, #tpu.memory_space<vmem>> -> memref<125x64xf32, #tpu.memory_space<vmem>>
        %dma_start3A_278 = arith.constant 0 : i32
        %dma_start3A_279 = tpu.memref_slice %arg9[%mul3A_236, %dma_start3A_278] : memref<40x125xi32, #tpu.memory_space<vmem>> -> memref<1x125xi32, #tpu.memory_space<vmem>>
        %dma_start3A_280 = tpu.memref_squeeze %dma_start3A_279 : memref<1x125xi32, #tpu.memory_space<vmem>> -> memref<125xi32, #tpu.memory_space<vmem>>
        %dma_start3A_281 = arith.constant 0 : i32
        %dma_start3A_282 = arith.constant 0 : i32
        %dma_start3A_283 = tpu.memref_slice %arg6[%dma_start3A_281, %dma_start3A_282] : memref<10240x64xf32, #tpu.memory_space<vmem_shared>> -> memref<10240x64xf32, #tpu.memory_space<vmem_shared>>
        tpu.enqueue_indirect_dma source(%dma_start3A_277 : memref<125x64xf32, #tpu.memory_space<vmem>>) target(%dma_start3A_283 : memref<10240x64xf32, #tpu.memory_space<vmem_shared>>) offsets(%dma_start3A_280 : memref<125xi32, #tpu.memory_space<vmem>>) semaphore(%run_scoped3A : memref<!tpu.dma_semaphore, #tpu.memory_space<semaphore_mem>>) {add = true}
        %dma_wait3A_284 = arith.constant 0 : i32
        %dma_wait3A_285 = arith.constant 0 : i32
        %dma_wait3A_286 = tpu.memref_slice %arg13[%dma_wait3A_284, %dma_wait3A_285] : memref<128x64xf32, #tpu.memory_space<vmem>> -> memref<125x64xf32, #tpu.memory_space<vmem>>
        %dma_wait3A_287 = arith.constant 0 : i32
        %dma_wait3A_288 = tpu.memref_slice %arg9[%mul3A_236, %dma_wait3A_287] : memref<40x125xi32, #tpu.memory_space<vmem>> -> memref<1x125xi32, #tpu.memory_space<vmem>>
        %dma_wait3A_289 = tpu.memref_squeeze %dma_wait3A_288 : memref<1x125xi32, #tpu.memory_space<vmem>> -> memref<125xi32, #tpu.memory_space<vmem>>
        %dma_wait3A_290 = arith.constant 0 : i32
        %dma_wait3A_291 = arith.constant 0 : i32
        %dma_wait3A_292 = tpu.memref_slice %arg6[%dma_wait3A_290, %dma_wait3A_291] : memref<10240x64xf32, #tpu.memory_space<vmem_shared>> -> memref<10240x64xf32, #tpu.memory_space<vmem_shared>>
        tpu.wait_indirect_dma semaphore(%run_scoped3A : memref<!tpu.dma_semaphore, #tpu.memory_space<semaphore_mem>>) src(%dma_wait3A_286 : memref<125x64xf32, #tpu.memory_space<vmem>>) dst(%dma_wait3A_292 : memref<10240x64xf32, #tpu.memory_space<vmem_shared>>)
        tpu.yield
      }) : () -> ()
      %ne3A = arith.constant 19 : i32
      %ne3A_257 = arith.cmpi ne, %scan3A_234, %ne3A : i32
      %convert_element_type3A_258 = arith.extui %ne3A_257 : i1 to i32
      %cond3A_259 = arith.constant 0 : i32
      %cond3A_260 = arith.cmpi ne, %convert_element_type3A_258, %cond3A_259 : i32
      scf.if %cond3A_260 {
        %add3A_275 = arith.constant 2 : i32
        %add3A_276 = arith.addi %mul3A_236, %add3A_275 : i32
        %dma_start3A_277 = arith.constant 0 : i32
        %dma_start3A_278 = arith.constant 0 : i32
        %dma_start3A_279 = tpu.memref_slice %arg13[%dma_start3A_277, %dma_start3A_278] : memref<128x64xf32, #tpu.memory_space<vmem>> -> memref<125x64xf32, #tpu.memory_space<vmem>>
        %dma_start3A_280 = arith.constant 0 : i32
        %dma_start3A_281 = tpu.memref_slice %arg12[%add3A_276, %dma_start3A_280] : memref<40x125xi32, #tpu.memory_space<vmem>> -> memref<1x125xi32, #tpu.memory_space<vmem>>
        %dma_start3A_282 = tpu.memref_squeeze %dma_start3A_281 : memref<1x125xi32, #tpu.memory_space<vmem>> -> memref<125xi32, #tpu.memory_space<vmem>>
        %dma_start3A_283 = arith.constant 0 : i32
        %dma_start3A_284 = arith.constant 0 : i32
        %dma_start3A_285 = tpu.memref_slice %arg5[%dma_start3A_283, %dma_start3A_284] : memref<10240x64xf32, #tpu.memory_space<vmem_shared>> -> memref<10240x64xf32, #tpu.memory_space<vmem_shared>>
        tpu.enqueue_indirect_dma source(%dma_start3A_285 : memref<10240x64xf32, #tpu.memory_space<vmem_shared>>) target(%dma_start3A_279 : memref<125x64xf32, #tpu.memory_space<vmem>>) offsets(%dma_start3A_282 : memref<125xi32, #tpu.memory_space<vmem>>) semaphore(%arg15 : memref<!tpu.dma_semaphore, #tpu.memory_space<semaphore_mem>>)
      } else {
      }
      %eq3A_261 = arith.constant 19 : i32
      %eq3A_262 = arith.cmpi eq, %scan3A_234, %eq3A_261 : i32
      %convert_element_type3A_263 = arith.extui %eq3A_262 : i1 to i32
      %cond3A_264 = arith.constant 0 : i32
      %cond3A_265 = arith.cmpi ne, %convert_element_type3A_263, %cond3A_264 : i32
      scf.if %cond3A_265 {
        %dma_start3A_275 = arith.constant 0 : i32
        %dma_start3A_276 = arith.constant 0 : i32
        %dma_start3A_277 = arith.constant 0 : i32
        %dma_start3A_278 = tpu.memref_slice %arg13[%dma_start3A_276, %dma_start3A_277] : memref<128x64xf32, #tpu.memory_space<vmem>> -> memref<125x64xf32, #tpu.memory_space<vmem>>
        %dma_start3A_279 = arith.constant 0 : i32
        %dma_start3A_280 = tpu.memref_slice %arg10[%dma_start3A_275, %dma_start3A_279] : memref<40x125xi32, #tpu.memory_space<vmem>> -> memref<1x125xi32, #tpu.memory_space<vmem>>
        %dma_start3A_281 = tpu.memref_squeeze %dma_start3A_280 : memref<1x125xi32, #tpu.memory_space<vmem>> -> memref<125xi32, #tpu.memory_space<vmem>>
        %dma_start3A_282 = arith.constant 0 : i32
        %dma_start3A_283 = arith.constant 0 : i32
        %dma_start3A_284 = tpu.memref_slice %arg5[%dma_start3A_282, %dma_start3A_283] : memref<10240x64xf32, #tpu.memory_space<vmem_shared>> -> memref<10240x64xf32, #tpu.memory_space<vmem_shared>>
        tpu.enqueue_indirect_dma source(%dma_start3A_284 : memref<10240x64xf32, #tpu.memory_space<vmem_shared>>) target(%dma_start3A_278 : memref<125x64xf32, #tpu.memory_space<vmem>>) offsets(%dma_start3A_281 : memref<125xi32, #tpu.memory_space<vmem>>) semaphore(%arg15 : memref<!tpu.dma_semaphore, #tpu.memory_space<semaphore_mem>>)
      } else {
      }
      %dma_wait3A_266 = arith.constant 0 : i32
      %dma_wait3A_267 = arith.constant 0 : i32
      %dma_wait3A_268 = tpu.memref_slice %arg14[%dma_wait3A_266, %dma_wait3A_267] : memref<128x64xf32, #tpu.memory_space<vmem>> -> memref<125x64xf32, #tpu.memory_space<vmem>>
      %dma_wait3A_269 = arith.constant 0 : i32
      %dma_wait3A_270 = tpu.memref_slice %arg12[%add3A_238, %dma_wait3A_269] : memref<40x125xi32, #tpu.memory_space<vmem>> -> memref<1x125xi32, #tpu.memory_space<vmem>>
      %dma_wait3A_271 = tpu.memref_squeeze %dma_wait3A_270 : memref<1x125xi32, #tpu.memory_space<vmem>> -> memref<125xi32, #tpu.memory_space<vmem>>
      %dma_wait3A_272 = arith.constant 0 : i32
      %dma_wait3A_273 = arith.constant 0 : i32
      %dma_wait3A_274 = tpu.memref_slice %arg5[%dma_wait3A_272, %dma_wait3A_273] : memref<10240x64xf32, #tpu.memory_space<vmem_shared>> -> memref<10240x64xf32, #tpu.memory_space<vmem_shared>>
      tpu.wait_indirect_dma semaphore(%arg16 : memref<!tpu.dma_semaphore, #tpu.memory_space<semaphore_mem>>) src(%dma_wait3A_274 : memref<10240x64xf32, #tpu.memory_space<vmem_shared>>) dst(%dma_wait3A_268 : memref<125x64xf32, #tpu.memory_space<vmem>>)
      "tpu.region"() ({
        %run_scoped3A = tpu.sem_alloc : memref<!tpu.dma_semaphore, #tpu.memory_space<semaphore_mem>>
        %dma_start3A_275 = arith.constant 0 : i32
        %dma_start3A_276 = arith.constant 0 : i32
        %dma_start3A_277 = tpu.memref_slice %arg14[%dma_start3A_275, %dma_start3A_276] : memref<128x64xf32, #tpu.memory_space<vmem>> -> memref<125x64xf32, #tpu.memory_space<vmem>>
        %dma_start3A_278 = arith.constant 0 : i32
        %dma_start3A_279 = tpu.memref_slice %arg9[%add3A_238, %dma_start3A_278] : memref<40x125xi32, #tpu.memory_space<vmem>> -> memref<1x125xi32, #tpu.memory_space<vmem>>
        %dma_start3A_280 = tpu.memref_squeeze %dma_start3A_279 : memref<1x125xi32, #tpu.memory_space<vmem>> -> memref<125xi32, #tpu.memory_space<vmem>>
        %dma_start3A_281 = arith.constant 0 : i32
        %dma_start3A_282 = arith.constant 0 : i32
        %dma_start3A_283 = tpu.memref_slice %arg6[%dma_start3A_281, %dma_start3A_282] : memref<10240x64xf32, #tpu.memory_space<vmem_shared>> -> memref<10240x64xf32, #tpu.memory_space<vmem_shared>>
        tpu.enqueue_indirect_dma source(%dma_start3A_277 : memref<125x64xf32, #tpu.memory_space<vmem>>) target(%dma_start3A_283 : memref<10240x64xf32, #tpu.memory_space<vmem_shared>>) offsets(%dma_start3A_280 : memref<125xi32, #tpu.memory_space<vmem>>) semaphore(%run_scoped3A : memref<!tpu.dma_semaphore, #tpu.memory_space<semaphore_mem>>) {add = true}
        %dma_wait3A_284 = arith.constant 0 : i32
        %dma_wait3A_285 = arith.constant 0 : i32
        %dma_wait3A_286 = tpu.memref_slice %arg14[%dma_wait3A_284, %dma_wait3A_285] : memref<128x64xf32, #tpu.memory_space<vmem>> -> memref<125x64xf32, #tpu.memory_space<vmem>>
        %dma_wait3A_287 = arith.constant 0 : i32
        %dma_wait3A_288 = tpu.memref_slice %arg9[%add3A_238, %dma_wait3A_287] : memref<40x125xi32, #tpu.memory_space<vmem>> -> memref<1x125xi32, #tpu.memory_space<vmem>>
        %dma_wait3A_289 = tpu.memref_squeeze %dma_wait3A_288 : memref<1x125xi32, #tpu.memory_space<vmem>> -> memref<125xi32, #tpu.memory_space<vmem>>
        %dma_wait3A_290 = arith.constant 0 : i32
        %dma_wait3A_291 = arith.constant 0 : i32
        %dma_wait3A_292 = tpu.memref_slice %arg6[%dma_wait3A_290, %dma_wait3A_291] : memref<10240x64xf32, #tpu.memory_space<vmem_shared>> -> memref<10240x64xf32, #tpu.memory_space<vmem_shared>>
        tpu.wait_indirect_dma semaphore(%run_scoped3A : memref<!tpu.dma_semaphore, #tpu.memory_space<semaphore_mem>>) src(%dma_wait3A_286 : memref<125x64xf32, #tpu.memory_space<vmem>>) dst(%dma_wait3A_292 : memref<10240x64xf32, #tpu.memory_space<vmem_shared>>)
        tpu.yield
      }) : () -> ()
    }
    %scan3A_216 = arith.constant 20 : i32
    %scan3A_217 = arith.constant 0 : i32
    %scan3A_218 = arith.constant 0 : i32
    %scan3A_219 = arith.constant 20 : i32
    %scan3A_220 = arith.addi %scan3A_218, %scan3A_219 : i32
    %scan3A_221 = arith.constant 1 : i32
    scf.for %scan3A_234 = %scan3A_218 to %scan3A_220 step %scan3A_221  : i32 {
      %mul3A_235 = arith.constant 2 : i32
      %mul3A_236 = arith.muli %mul3A_235, %scan3A_234 : i32
      %add3A_237 = arith.constant 1 : i32
      %add3A_238 = arith.addi %mul3A_236, %add3A_237 : i32
      %dma_start3A_239 = arith.constant 0 : i32
      %dma_start3A_240 = arith.constant 0 : i32
      %dma_start3A_241 = tpu.memref_slice %arg14[%dma_start3A_239, %dma_start3A_240] : memref<128x64xf32, #tpu.memory_space<vmem>> -> memref<125x64xf32, #tpu.memory_space<vmem>>
      %dma_start3A_242 = arith.constant 0 : i32
      %dma_start3A_243 = tpu.memref_slice %arg10[%add3A_238, %dma_start3A_242] : memref<40x125xi32, #tpu.memory_space<vmem>> -> memref<1x125xi32, #tpu.memory_space<vmem>>
      %dma_start3A_244 = tpu.memref_squeeze %dma_start3A_243 : memref<1x125xi32, #tpu.memory_space<vmem>> -> memref<125xi32, #tpu.memory_space<vmem>>
      %dma_start3A_245 = arith.constant 0 : i32
      %dma_start3A_246 = arith.constant 0 : i32
      %dma_start3A_247 = tpu.memref_slice %arg5[%dma_start3A_245, %dma_start3A_246] : memref<10240x64xf32, #tpu.memory_space<vmem_shared>> -> memref<10240x64xf32, #tpu.memory_space<vmem_shared>>
      tpu.enqueue_indirect_dma source(%dma_start3A_247 : memref<10240x64xf32, #tpu.memory_space<vmem_shared>>) target(%dma_start3A_241 : memref<125x64xf32, #tpu.memory_space<vmem>>) offsets(%dma_start3A_244 : memref<125xi32, #tpu.memory_space<vmem>>) semaphore(%arg16 : memref<!tpu.dma_semaphore, #tpu.memory_space<semaphore_mem>>)
      %dma_wait3A_248 = arith.constant 0 : i32
      %dma_wait3A_249 = arith.constant 0 : i32
      %dma_wait3A_250 = tpu.memref_slice %arg13[%dma_wait3A_248, %dma_wait3A_249] : memref<128x64xf32, #tpu.memory_space<vmem>> -> memref<125x64xf32, #tpu.memory_space<vmem>>
      %dma_wait3A_251 = arith.constant 0 : i32
      %dma_wait3A_252 = tpu.memref_slice %arg10[%mul3A_236, %dma_wait3A_251] : memref<40x125xi32, #tpu.memory_space<vmem>> -> memref<1x125xi32, #tpu.memory_space<vmem>>
      %dma_wait3A_253 = tpu.memref_squeeze %dma_wait3A_252 : memref<1x125xi32, #tpu.memory_space<vmem>> -> memref<125xi32, #tpu.memory_space<vmem>>
      %dma_wait3A_254 = arith.constant 0 : i32
      %dma_wait3A_255 = arith.constant 0 : i32
      %dma_wait3A_256 = tpu.memref_slice %arg5[%dma_wait3A_254, %dma_wait3A_255] : memref<10240x64xf32, #tpu.memory_space<vmem_shared>> -> memref<10240x64xf32, #tpu.memory_space<vmem_shared>>
      tpu.wait_indirect_dma semaphore(%arg15 : memref<!tpu.dma_semaphore, #tpu.memory_space<semaphore_mem>>) src(%dma_wait3A_256 : memref<10240x64xf32, #tpu.memory_space<vmem_shared>>) dst(%dma_wait3A_250 : memref<125x64xf32, #tpu.memory_space<vmem>>)
      "tpu.region"() ({
        %run_scoped3A = tpu.sem_alloc : memref<!tpu.dma_semaphore, #tpu.memory_space<semaphore_mem>>
        %dma_start3A_270 = arith.constant 0 : i32
        %dma_start3A_271 = arith.constant 0 : i32
        %dma_start3A_272 = tpu.memref_slice %arg13[%dma_start3A_270, %dma_start3A_271] : memref<128x64xf32, #tpu.memory_space<vmem>> -> memref<125x64xf32, #tpu.memory_space<vmem>>
        %dma_start3A_273 = arith.constant 0 : i32
        %dma_start3A_274 = tpu.memref_slice %arg7[%mul3A_236, %dma_start3A_273] : memref<40x125xi32, #tpu.memory_space<vmem>> -> memref<1x125xi32, #tpu.memory_space<vmem>>
        %dma_start3A_275 = tpu.memref_squeeze %dma_start3A_274 : memref<1x125xi32, #tpu.memory_space<vmem>> -> memref<125xi32, #tpu.memory_space<vmem>>
        %dma_start3A_276 = arith.constant 0 : i32
        %dma_start3A_277 = arith.constant 0 : i32
        %dma_start3A_278 = tpu.memref_slice %arg6[%dma_start3A_276, %dma_start3A_277] : memref<10240x64xf32, #tpu.memory_space<vmem_shared>> -> memref<10240x64xf32, #tpu.memory_space<vmem_shared>>
        tpu.enqueue_indirect_dma source(%dma_start3A_272 : memref<125x64xf32, #tpu.memory_space<vmem>>) target(%dma_start3A_278 : memref<10240x64xf32, #tpu.memory_space<vmem_shared>>) offsets(%dma_start3A_275 : memref<125xi32, #tpu.memory_space<vmem>>) semaphore(%run_scoped3A : memref<!tpu.dma_semaphore, #tpu.memory_space<semaphore_mem>>) {add = true}
        %dma_wait3A_279 = arith.constant 0 : i32
        %dma_wait3A_280 = arith.constant 0 : i32
        %dma_wait3A_281 = tpu.memref_slice %arg13[%dma_wait3A_279, %dma_wait3A_280] : memref<128x64xf32, #tpu.memory_space<vmem>> -> memref<125x64xf32, #tpu.memory_space<vmem>>
        %dma_wait3A_282 = arith.constant 0 : i32
        %dma_wait3A_283 = tpu.memref_slice %arg7[%mul3A_236, %dma_wait3A_282] : memref<40x125xi32, #tpu.memory_space<vmem>> -> memref<1x125xi32, #tpu.memory_space<vmem>>
        %dma_wait3A_284 = tpu.memref_squeeze %dma_wait3A_283 : memref<1x125xi32, #tpu.memory_space<vmem>> -> memref<125xi32, #tpu.memory_space<vmem>>
        %dma_wait3A_285 = arith.constant 0 : i32
        %dma_wait3A_286 = arith.constant 0 : i32
        %dma_wait3A_287 = tpu.memref_slice %arg6[%dma_wait3A_285, %dma_wait3A_286] : memref<10240x64xf32, #tpu.memory_space<vmem_shared>> -> memref<10240x64xf32, #tpu.memory_space<vmem_shared>>
        tpu.wait_indirect_dma semaphore(%run_scoped3A : memref<!tpu.dma_semaphore, #tpu.memory_space<semaphore_mem>>) src(%dma_wait3A_281 : memref<125x64xf32, #tpu.memory_space<vmem>>) dst(%dma_wait3A_287 : memref<10240x64xf32, #tpu.memory_space<vmem_shared>>)
        tpu.yield
      }) : () -> ()
      %ne3A = arith.constant 19 : i32
      %ne3A_257 = arith.cmpi ne, %scan3A_234, %ne3A : i32
      %convert_element_type3A_258 = arith.extui %ne3A_257 : i1 to i32
      %cond3A_259 = arith.constant 0 : i32
      %cond3A_260 = arith.cmpi ne, %convert_element_type3A_258, %cond3A_259 : i32
      scf.if %cond3A_260 {
        %add3A_270 = arith.constant 2 : i32
        %add3A_271 = arith.addi %mul3A_236, %add3A_270 : i32
        %dma_start3A_272 = arith.constant 0 : i32
        %dma_start3A_273 = arith.constant 0 : i32
        %dma_start3A_274 = tpu.memref_slice %arg13[%dma_start3A_272, %dma_start3A_273] : memref<128x64xf32, #tpu.memory_space<vmem>> -> memref<125x64xf32, #tpu.memory_space<vmem>>
        %dma_start3A_275 = arith.constant 0 : i32
        %dma_start3A_276 = tpu.memref_slice %arg10[%add3A_271, %dma_start3A_275] : memref<40x125xi32, #tpu.memory_space<vmem>> -> memref<1x125xi32, #tpu.memory_space<vmem>>
        %dma_start3A_277 = tpu.memref_squeeze %dma_start3A_276 : memref<1x125xi32, #tpu.memory_space<vmem>> -> memref<125xi32, #tpu.memory_space<vmem>>
        %dma_start3A_278 = arith.constant 0 : i32
        %dma_start3A_279 = arith.constant 0 : i32
        %dma_start3A_280 = tpu.memref_slice %arg5[%dma_start3A_278, %dma_start3A_279] : memref<10240x64xf32, #tpu.memory_space<vmem_shared>> -> memref<10240x64xf32, #tpu.memory_space<vmem_shared>>
        tpu.enqueue_indirect_dma source(%dma_start3A_280 : memref<10240x64xf32, #tpu.memory_space<vmem_shared>>) target(%dma_start3A_274 : memref<125x64xf32, #tpu.memory_space<vmem>>) offsets(%dma_start3A_277 : memref<125xi32, #tpu.memory_space<vmem>>) semaphore(%arg15 : memref<!tpu.dma_semaphore, #tpu.memory_space<semaphore_mem>>)
      } else {
      }
      %dma_wait3A_261 = arith.constant 0 : i32
      %dma_wait3A_262 = arith.constant 0 : i32
      %dma_wait3A_263 = tpu.memref_slice %arg14[%dma_wait3A_261, %dma_wait3A_262] : memref<128x64xf32, #tpu.memory_space<vmem>> -> memref<125x64xf32, #tpu.memory_space<vmem>>
      %dma_wait3A_264 = arith.constant 0 : i32
      %dma_wait3A_265 = tpu.memref_slice %arg10[%add3A_238, %dma_wait3A_264] : memref<40x125xi32, #tpu.memory_space<vmem>> -> memref<1x125xi32, #tpu.memory_space<vmem>>
      %dma_wait3A_266 = tpu.memref_squeeze %dma_wait3A_265 : memref<1x125xi32, #tpu.memory_space<vmem>> -> memref<125xi32, #tpu.memory_space<vmem>>
      %dma_wait3A_267 = arith.constant 0 : i32
      %dma_wait3A_268 = arith.constant 0 : i32
      %dma_wait3A_269 = tpu.memref_slice %arg5[%dma_wait3A_267, %dma_wait3A_268] : memref<10240x64xf32, #tpu.memory_space<vmem_shared>> -> memref<10240x64xf32, #tpu.memory_space<vmem_shared>>
      tpu.wait_indirect_dma semaphore(%arg16 : memref<!tpu.dma_semaphore, #tpu.memory_space<semaphore_mem>>) src(%dma_wait3A_269 : memref<10240x64xf32, #tpu.memory_space<vmem_shared>>) dst(%dma_wait3A_263 : memref<125x64xf32, #tpu.memory_space<vmem>>)
      "tpu.region"() ({
        %run_scoped3A = tpu.sem_alloc : memref<!tpu.dma_semaphore, #tpu.memory_space<semaphore_mem>>
        %dma_start3A_270 = arith.constant 0 : i32
        %dma_start3A_271 = arith.constant 0 : i32
        %dma_start3A_272 = tpu.memref_slice %arg14[%dma_start3A_270, %dma_start3A_271] : memref<128x64xf32, #tpu.memory_space<vmem>> -> memref<125x64xf32, #tpu.memory_space<vmem>>
        %dma_start3A_273 = arith.constant 0 : i32
        %dma_start3A_274 = tpu.memref_slice %arg7[%add3A_238, %dma_start3A_273] : memref<40x125xi32, #tpu.memory_space<vmem>> -> memref<1x125xi32, #tpu.memory_space<vmem>>
        %dma_start3A_275 = tpu.memref_squeeze %dma_start3A_274 : memref<1x125xi32, #tpu.memory_space<vmem>> -> memref<125xi32, #tpu.memory_space<vmem>>
        %dma_start3A_276 = arith.constant 0 : i32
        %dma_start3A_277 = arith.constant 0 : i32
        %dma_start3A_278 = tpu.memref_slice %arg6[%dma_start3A_276, %dma_start3A_277] : memref<10240x64xf32, #tpu.memory_space<vmem_shared>> -> memref<10240x64xf32, #tpu.memory_space<vmem_shared>>
        tpu.enqueue_indirect_dma source(%dma_start3A_272 : memref<125x64xf32, #tpu.memory_space<vmem>>) target(%dma_start3A_278 : memref<10240x64xf32, #tpu.memory_space<vmem_shared>>) offsets(%dma_start3A_275 : memref<125xi32, #tpu.memory_space<vmem>>) semaphore(%run_scoped3A : memref<!tpu.dma_semaphore, #tpu.memory_space<semaphore_mem>>) {add = true}
        %dma_wait3A_279 = arith.constant 0 : i32
        %dma_wait3A_280 = arith.constant 0 : i32
        %dma_wait3A_281 = tpu.memref_slice %arg14[%dma_wait3A_279, %dma_wait3A_280] : memref<128x64xf32, #tpu.memory_space<vmem>> -> memref<125x64xf32, #tpu.memory_space<vmem>>
        %dma_wait3A_282 = arith.constant 0 : i32
        %dma_wait3A_283 = tpu.memref_slice %arg7[%add3A_238, %dma_wait3A_282] : memref<40x125xi32, #tpu.memory_space<vmem>> -> memref<1x125xi32, #tpu.memory_space<vmem>>
        %dma_wait3A_284 = tpu.memref_squeeze %dma_wait3A_283 : memref<1x125xi32, #tpu.memory_space<vmem>> -> memref<125xi32, #tpu.memory_space<vmem>>
        %dma_wait3A_285 = arith.constant 0 : i32
        %dma_wait3A_286 = arith.constant 0 : i32
        %dma_wait3A_287 = tpu.memref_slice %arg6[%dma_wait3A_285, %dma_wait3A_286] : memref<10240x64xf32, #tpu.memory_space<vmem_shared>> -> memref<10240x64xf32, #tpu.memory_space<vmem_shared>>
        tpu.wait_indirect_dma semaphore(%run_scoped3A : memref<!tpu.dma_semaphore, #tpu.memory_space<semaphore_mem>>) src(%dma_wait3A_281 : memref<125x64xf32, #tpu.memory_space<vmem>>) dst(%dma_wait3A_287 : memref<10240x64xf32, #tpu.memory_space<vmem_shared>>)
        tpu.yield
      }) : () -> ()
    }
    %scan3A_222 = arith.constant 20 : i32
    %barrier3A_223 = arith.constant 0 : index
    tpu.barrier barrier_id(%barrier3A_223)
    %add3A_224 = arith.constant 0 : i32
    %add3A_225 = arith.addi %mul3A_0, %add3A_224 : i32
    "tpu.region"() ({
      %run_scoped3A = tpu.sem_alloc : memref<!tpu.dma_semaphore, #tpu.memory_space<semaphore_mem>>
      %dma_start3A_234 = arith.constant 0 : i32
      %dma_start3A_235 = tpu.memref_slice %arg6[%add3A_225, %dma_start3A_234] : memref<10240x64xf32, #tpu.memory_space<vmem_shared>> -> memref<128x64xf32, #tpu.memory_space<vmem_shared>>
      %dma_start3A_236 = arith.constant 0 : i32
      %dma_start3A_237 = tpu.memref_slice %arg6[%add3A_225, %dma_start3A_236] : memref<10240x64xf32, #tpu.memory_space<vmem_shared>> -> memref<128x64xf32, #tpu.memory_space<vmem_shared>>
      tpu.enqueue_dma source(%dma_start3A_237 : memref<128x64xf32, #tpu.memory_space<vmem_shared>>) target(%arg13 : memref<128x64xf32, #tpu.memory_space<vmem>>) target_semaphore(%run_scoped3A : memref<!tpu.dma_semaphore, #tpu.memory_space<semaphore_mem>>)
      %dma_wait3A_238 = arith.constant 0 : i32
      %dma_wait3A_239 = tpu.memref_slice %arg6[%add3A_225, %dma_wait3A_238] : memref<10240x64xf32, #tpu.memory_space<vmem_shared>> -> memref<128x64xf32, #tpu.memory_space<vmem_shared>>
      %dma_wait3A_240 = arith.constant 0 : i32
      %dma_wait3A_241 = tpu.memref_slice %arg6[%add3A_225, %dma_wait3A_240] : memref<10240x64xf32, #tpu.memory_space<vmem_shared>> -> memref<128x64xf32, #tpu.memory_space<vmem_shared>>
      tpu.wait_dma2 semaphore(%run_scoped3A : memref<!tpu.dma_semaphore, #tpu.memory_space<semaphore_mem>>) src(%dma_wait3A_241 : memref<128x64xf32, #tpu.memory_space<vmem_shared>>) dst(%arg13 : memref<128x64xf32, #tpu.memory_space<vmem>>)
      tpu.yield
    }) : () -> ()
    "tpu.region"() ({
      %run_scoped3A = tpu.sem_alloc : memref<!tpu.dma_semaphore, #tpu.memory_space<semaphore_mem>>
      %dma_start3A_234 = tpu.memref_slice %arg4[%add3A_225, %mul3A_2] : memref<10240x128xf32, #tpu.memory_space<hbm>> -> memref<128x64xf32, #tpu.memory_space<hbm>>
      %dma_start3A_235 = tpu.memref_slice %arg4[%add3A_225, %mul3A_2] : memref<10240x128xf32, #tpu.memory_space<hbm>> -> memref<128x64xf32, #tpu.memory_space<hbm>>
      tpu.enqueue_dma source(%arg13 : memref<128x64xf32, #tpu.memory_space<vmem>>) target(%dma_start3A_235 : memref<128x64xf32, #tpu.memory_space<hbm>>) target_semaphore(%run_scoped3A : memref<!tpu.dma_semaphore, #tpu.memory_space<semaphore_mem>>)
      %dma_wait3A_236 = tpu.memref_slice %arg4[%add3A_225, %mul3A_2] : memref<10240x128xf32, #tpu.memory_space<hbm>> -> memref<128x64xf32, #tpu.memory_space<hbm>>
      %dma_wait3A_237 = tpu.memref_slice %arg4[%add3A_225, %mul3A_2] : memref<10240x128xf32, #tpu.memory_space<hbm>> -> memref<128x64xf32, #tpu.memory_space<hbm>>
      tpu.wait_dma2 semaphore(%run_scoped3A : memref<!tpu.dma_semaphore, #tpu.memory_space<semaphore_mem>>) src(%arg13 : memref<128x64xf32, #tpu.memory_space<vmem>>) dst(%dma_wait3A_237 : memref<128x64xf32, #tpu.memory_space<hbm>>)
      tpu.yield
    }) : () -> ()
    %add3A_226 = arith.constant 128 : i32
    %add3A_227 = arith.addi %mul3A_0, %add3A_226 : i32
    "tpu.region"() ({
      %run_scoped3A = tpu.sem_alloc : memref<!tpu.dma_semaphore, #tpu.memory_space<semaphore_mem>>
      %dma_start3A_234 = arith.constant 0 : i32
      %dma_start3A_235 = tpu.memref_slice %arg6[%add3A_227, %dma_start3A_234] : memref<10240x64xf32, #tpu.memory_space<vmem_shared>> -> memref<128x64xf32, #tpu.memory_space<vmem_shared>>
      %dma_start3A_236 = arith.constant 0 : i32
      %dma_start3A_237 = tpu.memref_slice %arg6[%add3A_227, %dma_start3A_236] : memref<10240x64xf32, #tpu.memory_space<vmem_shared>> -> memref<128x64xf32, #tpu.memory_space<vmem_shared>>
      tpu.enqueue_dma source(%dma_start3A_237 : memref<128x64xf32, #tpu.memory_space<vmem_shared>>) target(%arg13 : memref<128x64xf32, #tpu.memory_space<vmem>>) target_semaphore(%run_scoped3A : memref<!tpu.dma_semaphore, #tpu.memory_space<semaphore_mem>>)
      %dma_wait3A_238 = arith.constant 0 : i32
      %dma_wait3A_239 = tpu.memref_slice %arg6[%add3A_227, %dma_wait3A_238] : memref<10240x64xf32, #tpu.memory_space<vmem_shared>> -> memref<128x64xf32, #tpu.memory_space<vmem_shared>>
      %dma_wait3A_240 = arith.constant 0 : i32
      %dma_wait3A_241 = tpu.memref_slice %arg6[%add3A_227, %dma_wait3A_240] : memref<10240x64xf32, #tpu.memory_space<vmem_shared>> -> memref<128x64xf32, #tpu.memory_space<vmem_shared>>
      tpu.wait_dma2 semaphore(%run_scoped3A : memref<!tpu.dma_semaphore, #tpu.memory_space<semaphore_mem>>) src(%dma_wait3A_241 : memref<128x64xf32, #tpu.memory_space<vmem_shared>>) dst(%arg13 : memref<128x64xf32, #tpu.memory_space<vmem>>)
      tpu.yield
    }) : () -> ()
    "tpu.region"() ({
      %run_scoped3A = tpu.sem_alloc : memref<!tpu.dma_semaphore, #tpu.memory_space<semaphore_mem>>
      %dma_start3A_234 = tpu.memref_slice %arg4[%add3A_227, %mul3A_2] : memref<10240x128xf32, #tpu.memory_space<hbm>> -> memref<128x64xf32, #tpu.memory_space<hbm>>
      %dma_start3A_235 = tpu.memref_slice %arg4[%add3A_227, %mul3A_2] : memref<10240x128xf32, #tpu.memory_space<hbm>> -> memref<128x64xf32, #tpu.memory_space<hbm>>
      tpu.enqueue_dma source(%arg13 : memref<128x64xf32, #tpu.memory_space<vmem>>) target(%dma_start3A_235 : memref<128x64xf32, #tpu.memory_space<hbm>>) target_semaphore(%run_scoped3A : memref<!tpu.dma_semaphore, #tpu.memory_space<semaphore_mem>>)
      %dma_wait3A_236 = tpu.memref_slice %arg4[%add3A_227, %mul3A_2] : memref<10240x128xf32, #tpu.memory_space<hbm>> -> memref<128x64xf32, #tpu.memory_space<hbm>>
      %dma_wait3A_237 = tpu.memref_slice %arg4[%add3A_227, %mul3A_2] : memref<10240x128xf32, #tpu.memory_space<hbm>> -> memref<128x64xf32, #tpu.memory_space<hbm>>
      tpu.wait_dma2 semaphore(%run_scoped3A : memref<!tpu.dma_semaphore, #tpu.memory_space<semaphore_mem>>) src(%arg13 : memref<128x64xf32, #tpu.memory_space<vmem>>) dst(%dma_wait3A_237 : memref<128x64xf32, #tpu.memory_space<hbm>>)
      tpu.yield
    }) : () -> ()
    %add3A_228 = arith.constant 256 : i32
    %add3A_229 = arith.addi %mul3A_0, %add3A_228 : i32
    "tpu.region"() ({
      %run_scoped3A = tpu.sem_alloc : memref<!tpu.dma_semaphore, #tpu.memory_space<semaphore_mem>>
      %dma_start3A_234 = arith.constant 0 : i32
      %dma_start3A_235 = tpu.memref_slice %arg6[%add3A_229, %dma_start3A_234] : memref<10240x64xf32, #tpu.memory_space<vmem_shared>> -> memref<128x64xf32, #tpu.memory_space<vmem_shared>>
      %dma_start3A_236 = arith.constant 0 : i32
      %dma_start3A_237 = tpu.memref_slice %arg6[%add3A_229, %dma_start3A_236] : memref<10240x64xf32, #tpu.memory_space<vmem_shared>> -> memref<128x64xf32, #tpu.memory_space<vmem_shared>>
      tpu.enqueue_dma source(%dma_start3A_237 : memref<128x64xf32, #tpu.memory_space<vmem_shared>>) target(%arg13 : memref<128x64xf32, #tpu.memory_space<vmem>>) target_semaphore(%run_scoped3A : memref<!tpu.dma_semaphore, #tpu.memory_space<semaphore_mem>>)
      %dma_wait3A_238 = arith.constant 0 : i32
      %dma_wait3A_239 = tpu.memref_slice %arg6[%add3A_229, %dma_wait3A_238] : memref<10240x64xf32, #tpu.memory_space<vmem_shared>> -> memref<128x64xf32, #tpu.memory_space<vmem_shared>>
      %dma_wait3A_240 = arith.constant 0 : i32
      %dma_wait3A_241 = tpu.memref_slice %arg6[%add3A_229, %dma_wait3A_240] : memref<10240x64xf32, #tpu.memory_space<vmem_shared>> -> memref<128x64xf32, #tpu.memory_space<vmem_shared>>
      tpu.wait_dma2 semaphore(%run_scoped3A : memref<!tpu.dma_semaphore, #tpu.memory_space<semaphore_mem>>) src(%dma_wait3A_241 : memref<128x64xf32, #tpu.memory_space<vmem_shared>>) dst(%arg13 : memref<128x64xf32, #tpu.memory_space<vmem>>)
      tpu.yield
    }) : () -> ()
    "tpu.region"() ({
      %run_scoped3A = tpu.sem_alloc : memref<!tpu.dma_semaphore, #tpu.memory_space<semaphore_mem>>
      %dma_start3A_234 = tpu.memref_slice %arg4[%add3A_229, %mul3A_2] : memref<10240x128xf32, #tpu.memory_space<hbm>> -> memref<128x64xf32, #tpu.memory_space<hbm>>
      %dma_start3A_235 = tpu.memref_slice %arg4[%add3A_229, %mul3A_2] : memref<10240x128xf32, #tpu.memory_space<hbm>> -> memref<128x64xf32, #tpu.memory_space<hbm>>
      tpu.enqueue_dma source(%arg13 : memref<128x64xf32, #tpu.memory_space<vmem>>) target(%dma_start3A_235 : memref<128x64xf32, #tpu.memory_space<hbm>>) target_semaphore(%run_scoped3A : memref<!tpu.dma_semaphore, #tpu.memory_space<semaphore_mem>>)
      %dma_wait3A_236 = tpu.memref_slice %arg4[%add3A_229, %mul3A_2] : memref<10240x128xf32, #tpu.memory_space<hbm>> -> memref<128x64xf32, #tpu.memory_space<hbm>>
      %dma_wait3A_237 = tpu.memref_slice %arg4[%add3A_229, %mul3A_2] : memref<10240x128xf32, #tpu.memory_space<hbm>> -> memref<128x64xf32, #tpu.memory_space<hbm>>
      tpu.wait_dma2 semaphore(%run_scoped3A : memref<!tpu.dma_semaphore, #tpu.memory_space<semaphore_mem>>) src(%arg13 : memref<128x64xf32, #tpu.memory_space<vmem>>) dst(%dma_wait3A_237 : memref<128x64xf32, #tpu.memory_space<hbm>>)
      tpu.yield
    }) : () -> ()
    %add3A_230 = arith.constant 384 : i32
    %add3A_231 = arith.addi %mul3A_0, %add3A_230 : i32
    "tpu.region"() ({
      %run_scoped3A = tpu.sem_alloc : memref<!tpu.dma_semaphore, #tpu.memory_space<semaphore_mem>>
      %dma_start3A_234 = arith.constant 0 : i32
      %dma_start3A_235 = tpu.memref_slice %arg6[%add3A_231, %dma_start3A_234] : memref<10240x64xf32, #tpu.memory_space<vmem_shared>> -> memref<128x64xf32, #tpu.memory_space<vmem_shared>>
      %dma_start3A_236 = arith.constant 0 : i32
      %dma_start3A_237 = tpu.memref_slice %arg6[%add3A_231, %dma_start3A_236] : memref<10240x64xf32, #tpu.memory_space<vmem_shared>> -> memref<128x64xf32, #tpu.memory_space<vmem_shared>>
      tpu.enqueue_dma source(%dma_start3A_237 : memref<128x64xf32, #tpu.memory_space<vmem_shared>>) target(%arg13 : memref<128x64xf32, #tpu.memory_space<vmem>>) target_semaphore(%run_scoped3A : memref<!tpu.dma_semaphore, #tpu.memory_space<semaphore_mem>>)
      %dma_wait3A_238 = arith.constant 0 : i32
      %dma_wait3A_239 = tpu.memref_slice %arg6[%add3A_231, %dma_wait3A_238] : memref<10240x64xf32, #tpu.memory_space<vmem_shared>> -> memref<128x64xf32, #tpu.memory_space<vmem_shared>>
      %dma_wait3A_240 = arith.constant 0 : i32
      %dma_wait3A_241 = tpu.memref_slice %arg6[%add3A_231, %dma_wait3A_240] : memref<10240x64xf32, #tpu.memory_space<vmem_shared>> -> memref<128x64xf32, #tpu.memory_space<vmem_shared>>
      tpu.wait_dma2 semaphore(%run_scoped3A : memref<!tpu.dma_semaphore, #tpu.memory_space<semaphore_mem>>) src(%dma_wait3A_241 : memref<128x64xf32, #tpu.memory_space<vmem_shared>>) dst(%arg13 : memref<128x64xf32, #tpu.memory_space<vmem>>)
      tpu.yield
    }) : () -> ()
    "tpu.region"() ({
      %run_scoped3A = tpu.sem_alloc : memref<!tpu.dma_semaphore, #tpu.memory_space<semaphore_mem>>
      %dma_start3A_234 = tpu.memref_slice %arg4[%add3A_231, %mul3A_2] : memref<10240x128xf32, #tpu.memory_space<hbm>> -> memref<128x64xf32, #tpu.memory_space<hbm>>
      %dma_start3A_235 = tpu.memref_slice %arg4[%add3A_231, %mul3A_2] : memref<10240x128xf32, #tpu.memory_space<hbm>> -> memref<128x64xf32, #tpu.memory_space<hbm>>
      tpu.enqueue_dma source(%arg13 : memref<128x64xf32, #tpu.memory_space<vmem>>) target(%dma_start3A_235 : memref<128x64xf32, #tpu.memory_space<hbm>>) target_semaphore(%run_scoped3A : memref<!tpu.dma_semaphore, #tpu.memory_space<semaphore_mem>>)
      %dma_wait3A_236 = tpu.memref_slice %arg4[%add3A_231, %mul3A_2] : memref<10240x128xf32, #tpu.memory_space<hbm>> -> memref<128x64xf32, #tpu.memory_space<hbm>>
      %dma_wait3A_237 = tpu.memref_slice %arg4[%add3A_231, %mul3A_2] : memref<10240x128xf32, #tpu.memory_space<hbm>> -> memref<128x64xf32, #tpu.memory_space<hbm>>
      tpu.wait_dma2 semaphore(%run_scoped3A : memref<!tpu.dma_semaphore, #tpu.memory_space<semaphore_mem>>) src(%arg13 : memref<128x64xf32, #tpu.memory_space<vmem>>) dst(%dma_wait3A_237 : memref<128x64xf32, #tpu.memory_space<hbm>>)
      tpu.yield
    }) : () -> ()
    %add3A_232 = arith.constant 512 : i32
    %add3A_233 = arith.addi %mul3A_0, %add3A_232 : i32
    "tpu.region"() ({
      %run_scoped3A = tpu.sem_alloc : memref<!tpu.dma_semaphore, #tpu.memory_space<semaphore_mem>>
      %dma_start3A_234 = arith.constant 0 : i32
      %dma_start3A_235 = tpu.memref_slice %arg6[%add3A_233, %dma_start3A_234] : memref<10240x64xf32, #tpu.memory_space<vmem_shared>> -> memref<128x64xf32, #tpu.memory_space<vmem_shared>>
      %dma_start3A_236 = arith.constant 0 : i32
      %dma_start3A_237 = tpu.memref_slice %arg6[%add3A_233, %dma_start3A_236] : memref<10240x64xf32, #tpu.memory_space<vmem_shared>> -> memref<128x64xf32, #tpu.memory_space<vmem_shared>>
      tpu.enqueue_dma source(%dma_start3A_237 : memref<128x64xf32, #tpu.memory_space<vmem_shared>>) target(%arg13 : memref<128x64xf32, #tpu.memory_space<vmem>>) target_semaphore(%run_scoped3A : memref<!tpu.dma_semaphore, #tpu.memory_space<semaphore_mem>>)
      %dma_wait3A_238 = arith.constant 0 : i32
      %dma_wait3A_239 = tpu.memref_slice %arg6[%add3A_233, %dma_wait3A_238] : memref<10240x64xf32, #tpu.memory_space<vmem_shared>> -> memref<128x64xf32, #tpu.memory_space<vmem_shared>>
      %dma_wait3A_240 = arith.constant 0 : i32
      %dma_wait3A_241 = tpu.memref_slice %arg6[%add3A_233, %dma_wait3A_240] : memref<10240x64xf32, #tpu.memory_space<vmem_shared>> -> memref<128x64xf32, #tpu.memory_space<vmem_shared>>
      tpu.wait_dma2 semaphore(%run_scoped3A : memref<!tpu.dma_semaphore, #tpu.memory_space<semaphore_mem>>) src(%dma_wait3A_241 : memref<128x64xf32, #tpu.memory_space<vmem_shared>>) dst(%arg13 : memref<128x64xf32, #tpu.memory_space<vmem>>)
      tpu.yield
    }) : () -> ()
    "tpu.region"() ({
      %run_scoped3A = tpu.sem_alloc : memref<!tpu.dma_semaphore, #tpu.memory_space<semaphore_mem>>
      %dma_start3A_234 = tpu.memref_slice %arg4[%add3A_233, %mul3A_2] : memref<10240x128xf32, #tpu.memory_space<hbm>> -> memref<128x64xf32, #tpu.memory_space<hbm>>
      %dma_start3A_235 = tpu.memref_slice %arg4[%add3A_233, %mul3A_2] : memref<10240x128xf32, #tpu.memory_space<hbm>> -> memref<128x64xf32, #tpu.memory_space<hbm>>
      tpu.enqueue_dma source(%arg13 : memref<128x64xf32, #tpu.memory_space<vmem>>) target(%dma_start3A_235 : memref<128x64xf32, #tpu.memory_space<hbm>>) target_semaphore(%run_scoped3A : memref<!tpu.dma_semaphore, #tpu.memory_space<semaphore_mem>>)
      %dma_wait3A_236 = tpu.memref_slice %arg4[%add3A_233, %mul3A_2] : memref<10240x128xf32, #tpu.memory_space<hbm>> -> memref<128x64xf32, #tpu.memory_space<hbm>>
      %dma_wait3A_237 = tpu.memref_slice %arg4[%add3A_233, %mul3A_2] : memref<10240x128xf32, #tpu.memory_space<hbm>> -> memref<128x64xf32, #tpu.memory_space<hbm>>
      tpu.wait_dma2 semaphore(%run_scoped3A : memref<!tpu.dma_semaphore, #tpu.memory_space<semaphore_mem>>) src(%arg13 : memref<128x64xf32, #tpu.memory_space<vmem>>) dst(%dma_wait3A_237 : memref<128x64xf32, #tpu.memory_space<hbm>>)
      tpu.yield
    }) : () -> ()
    return
  }
}

#map = affine_map<(d0, d1) -> (0, 0)>
#map1 = affine_map<(d0, d1) -> (0, 0, 0, 0)>
module attributes {stable_mosaic.version = 14 : i64} {
  func.func @_sc_segment_sum(%arg0: i32, %arg1: i32, %arg2: memref<10000x128xf32, #tpu.memory_space<hbm>>, %arg3: memref<2x16x160x125xi32, #tpu.memory_space<hbm>>, %arg4: memref<10240x128xf32, #tpu.memory_space<hbm>>, %arg5: memref<10240x64xf32, #tpu.memory_space<vmem_shared>>, %arg6: memref<10240x64xf32, #tpu.memory_space<vmem_shared>>, %arg7: memref<40x125xi32, #tpu.memory_space<vmem>>, %arg8: memref<40x125xi32, #tpu.memory_space<vmem>>, %arg9: memref<40x125xi32, #tpu.memory_space<vmem>>, %arg10: memref<40x125xi32, #tpu.memory_space<vmem>>, %arg11: memref<40x125xi32, #tpu.memory_space<vmem>>, %arg12: memref<40x125xi32, #tpu.memory_space<vmem>>, %arg13: memref<128x64xf32, #tpu.memory_space<vmem>>, %arg14: memref<128x64xf32, #tpu.memory_space<vmem>>, %arg15: memref<!tpu.dma_semaphore, #tpu.memory_space<semaphore_mem>>, %arg16: memref<!tpu.dma_semaphore, #tpu.memory_space<semaphore_mem>>, %arg17: memref<!tpu.dma_semaphore, #tpu.memory_space<semaphore_mem>>, %arg18: memref<!tpu.dma_semaphore, #tpu.memory_space<semaphore_mem>>, %arg19: memref<!tpu.dma_semaphore, #tpu.memory_space<semaphore_mem>>) attributes {dimension_semantics = [#tpu.dimension_semantics<core_parallel>, #tpu.dimension_semantics<subcore_parallel>], iteration_bounds = array<i64: 2, 16>, scalar_prefetch = 0 : i64, scratch_operands = 15 : i64, tpu.core_type = #tpu.core_type<sc_vector_subcore>, window_params = [{transform_indices = #map}, {transform_indices = #map1}, {transform_indices = #map}]} {
    %mul3A = arith.constant 640 : i32
    %mul3A_0 = arith.muli %arg1, %mul3A : i32
    %mul3A_1 = arith.constant 64 : i32
    %mul3A_2 = arith.muli %arg0, %mul3A_1 : i32
    %add3A = arith.constant 0 : i32
    %add3A_3 = arith.addi %mul3A_0, %add3A : i32
    %add3A_4 = arith.constant 128 : i32
    %add3A_5 = arith.addi %add3A_3, %add3A_4 : i32
    %le3A = arith.constant 10000 : i32
    %le3A_6 = arith.cmpi sle, %add3A_5, %le3A : i32
    %convert_element_type3A = arith.extui %le3A_6 : i1 to i32
    %cond3A = arith.constant 0 : i32
    %cond3A_7 = arith.cmpi ne, %convert_element_type3A, %cond3A : i32
    scf.if %cond3A_7 {
      "tpu.region"() ({
        %run_scoped3A = tpu.sem_alloc : memref<!tpu.dma_semaphore, #tpu.memory_space<semaphore_mem>>
        %dma_start3A_234 = tpu.memref_slice %arg2[%add3A_3, %mul3A_2] : memref<10000x128xf32, #tpu.memory_space<hbm>> -> memref<128x64xf32, #tpu.memory_space<hbm>>
        %dma_start3A_235 = tpu.memref_slice %arg2[%add3A_3, %mul3A_2] : memref<10000x128xf32, #tpu.memory_space<hbm>> -> memref<128x64xf32, #tpu.memory_space<hbm>>
        tpu.enqueue_dma source(%dma_start3A_235 : memref<128x64xf32, #tpu.memory_space<hbm>>) target(%arg13 : memref<128x64xf32, #tpu.memory_space<vmem>>) target_semaphore(%run_scoped3A : memref<!tpu.dma_semaphore, #tpu.memory_space<semaphore_mem>>)
        %dma_wait3A_236 = tpu.memref_slice %arg2[%add3A_3, %mul3A_2] : memref<10000x128xf32, #tpu.memory_space<hbm>> -> memref<128x64xf32, #tpu.memory_space<hbm>>
        %dma_wait3A_237 = tpu.memref_slice %arg2[%add3A_3, %mul3A_2] : memref<10000x128xf32, #tpu.memory_space<hbm>> -> memref<128x64xf32, #tpu.memory_space<hbm>>
        tpu.wait_dma2 semaphore(%run_scoped3A : memref<!tpu.dma_semaphore, #tpu.memory_space<semaphore_mem>>) src(%dma_wait3A_237 : memref<128x64xf32, #tpu.memory_space<hbm>>) dst(%arg13 : memref<128x64xf32, #tpu.memory_space<vmem>>)
        tpu.yield
      }) : () -> ()
      "tpu.region"() ({
        %run_scoped3A = tpu.sem_alloc : memref<!tpu.dma_semaphore, #tpu.memory_space<semaphore_mem>>
        %dma_start3A_234 = arith.constant 0 : i32
        %dma_start3A_235 = tpu.memref_slice %arg5[%add3A_3, %dma_start3A_234] : memref<10240x64xf32, #tpu.memory_space<vmem_shared>> -> memref<128x64xf32, #tpu.memory_space<vmem_shared>>
        %dma_start3A_236 = arith.constant 0 : i32
        %dma_start3A_237 = tpu.memref_slice %arg5[%add3A_3, %dma_start3A_236] : memref<10240x64xf32, #tpu.memory_space<vmem_shared>> -> memref<128x64xf32, #tpu.memory_space<vmem_shared>>
        tpu.enqueue_dma source(%arg13 : memref<128x64xf32, #tpu.memory_space<vmem>>) target(%dma_start3A_237 : memref<128x64xf32, #tpu.memory_space<vmem_shared>>) target_semaphore(%run_scoped3A : memref<!tpu.dma_semaphore, #tpu.memory_space<semaphore_mem>>)
        %dma_wait3A_238 = arith.constant 0 : i32
        %dma_wait3A_239 = tpu.memref_slice %arg5[%add3A_3, %dma_wait3A_238] : memref<10240x64xf32, #tpu.memory_space<vmem_shared>> -> memref<128x64xf32, #tpu.memory_space<vmem_shared>>
        %dma_wait3A_240 = arith.constant 0 : i32
        %dma_wait3A_241 = tpu.memref_slice %arg5[%add3A_3, %dma_wait3A_240] : memref<10240x64xf32, #tpu.memory_space<vmem_shared>> -> memref<128x64xf32, #tpu.memory_space<vmem_shared>>
        tpu.wait_dma2 semaphore(%run_scoped3A : memref<!tpu.dma_semaphore, #tpu.memory_space<semaphore_mem>>) src(%arg13 : memref<128x64xf32, #tpu.memory_space<vmem>>) dst(%dma_wait3A_241 : memref<128x64xf32, #tpu.memory_space<vmem_shared>>)
        tpu.yield
      }) : () -> ()
    } else {
    }
    "tpu.region"() ({
      %run_scoped3A = tpu.sem_alloc : memref<!tpu.dma_semaphore, #tpu.memory_space<semaphore_mem>>
      %dma_start3A_234 = arith.constant 0 : i32
      %dma_start3A_235 = tpu.memref_slice %arg6[%add3A_3, %dma_start3A_234] : memref<10240x64xf32, #tpu.memory_space<vmem_shared>> -> memref<128x64xf32, #tpu.memory_space<vmem_shared>>
      %dma_start3A_236 = arith.constant 0 : i32
      %dma_start3A_237 = tpu.memref_slice %arg6[%add3A_3, %dma_start3A_236] : memref<10240x64xf32, #tpu.memory_space<vmem_shared>> -> memref<128x64xf32, #tpu.memory_space<vmem_shared>>
      tpu.enqueue_dma source(%arg13 : memref<128x64xf32, #tpu.memory_space<vmem>>) target(%dma_start3A_237 : memref<128x64xf32, #tpu.memory_space<vmem_shared>>) target_semaphore(%run_scoped3A : memref<!tpu.dma_semaphore, #tpu.memory_space<semaphore_mem>>)
      %dma_wait3A_238 = arith.constant 0 : i32
      %dma_wait3A_239 = tpu.memref_slice %arg6[%add3A_3, %dma_wait3A_238] : memref<10240x64xf32, #tpu.memory_space<vmem_shared>> -> memref<128x64xf32, #tpu.memory_space<vmem_shared>>
      %dma_wait3A_240 = arith.constant 0 : i32
      %dma_wait3A_241 = tpu.memref_slice %arg6[%add3A_3, %dma_wait3A_240] : memref<10240x64xf32, #tpu.memory_space<vmem_shared>> -> memref<128x64xf32, #tpu.memory_space<vmem_shared>>
      tpu.wait_dma2 semaphore(%run_scoped3A : memref<!tpu.dma_semaphore, #tpu.memory_space<semaphore_mem>>) src(%arg13 : memref<128x64xf32, #tpu.memory_space<vmem>>) dst(%dma_wait3A_241 : memref<128x64xf32, #tpu.memory_space<vmem_shared>>)
      tpu.yield
    }) : () -> ()
    %add3A_8 = arith.constant 128 : i32
    %add3A_9 = arith.addi %mul3A_0, %add3A_8 : i32
    %add3A_10 = arith.constant 128 : i32
    %add3A_11 = arith.addi %add3A_9, %add3A_10 : i32
    %le3A_12 = arith.constant 10000 : i32
    %le3A_13 = arith.cmpi sle, %add3A_11, %le3A_12 : i32
    %convert_element_type3A_14 = arith.extui %le3A_13 : i1 to i32
    %cond3A_15 = arith.constant 0 : i32
    %cond3A_16 = arith.cmpi ne, %convert_element_type3A_14, %cond3A_15 : i32
    scf.if %cond3A_16 {
      "tpu.region"() ({
        %run_scoped3A = tpu.sem_alloc : memref<!tpu.dma_semaphore, #tpu.memory_space<semaphore_mem>>
        %dma_start3A_234 = tpu.memref_slice %arg2[%add3A_9, %mul3A_2] : memref<10000x128xf32, #tpu.memory_space<hbm>> -> memref<128x64xf32, #tpu.memory_space<hbm>>
        %dma_start3A_235 = tpu.memref_slice %arg2[%add3A_9, %mul3A_2] : memref<10000x128xf32, #tpu.memory_space<hbm>> -> memref<128x64xf32, #tpu.memory_space<hbm>>
        tpu.enqueue_dma source(%dma_start3A_235 : memref<128x64xf32, #tpu.memory_space<hbm>>) target(%arg13 : memref<128x64xf32, #tpu.memory_space<vmem>>) target_semaphore(%run_scoped3A : memref<!tpu.dma_semaphore, #tpu.memory_space<semaphore_mem>>)
        %dma_wait3A_236 = tpu.memref_slice %arg2[%add3A_9, %mul3A_2] : memref<10000x128xf32, #tpu.memory_space<hbm>> -> memref<128x64xf32, #tpu.memory_space<hbm>>
        %dma_wait3A_237 = tpu.memref_slice %arg2[%add3A_9, %mul3A_2] : memref<10000x128xf32, #tpu.memory_space<hbm>> -> memref<128x64xf32, #tpu.memory_space<hbm>>
        tpu.wait_dma2 semaphore(%run_scoped3A : memref<!tpu.dma_semaphore, #tpu.memory_space<semaphore_mem>>) src(%dma_wait3A_237 : memref<128x64xf32, #tpu.memory_space<hbm>>) dst(%arg13 : memref<128x64xf32, #tpu.memory_space<vmem>>)
        tpu.yield
      }) : () -> ()
      "tpu.region"() ({
        %run_scoped3A = tpu.sem_alloc : memref<!tpu.dma_semaphore, #tpu.memory_space<semaphore_mem>>
        %dma_start3A_234 = arith.constant 0 : i32
        %dma_start3A_235 = tpu.memref_slice %arg5[%add3A_9, %dma_start3A_234] : memref<10240x64xf32, #tpu.memory_space<vmem_shared>> -> memref<128x64xf32, #tpu.memory_space<vmem_shared>>
        %dma_start3A_236 = arith.constant 0 : i32
        %dma_start3A_237 = tpu.memref_slice %arg5[%add3A_9, %dma_start3A_236] : memref<10240x64xf32, #tpu.memory_space<vmem_shared>> -> memref<128x64xf32, #tpu.memory_space<vmem_shared>>
        tpu.enqueue_dma source(%arg13 : memref<128x64xf32, #tpu.memory_space<vmem>>) target(%dma_start3A_237 : memref<128x64xf32, #tpu.memory_space<vmem_shared>>) target_semaphore(%run_scoped3A : memref<!tpu.dma_semaphore, #tpu.memory_space<semaphore_mem>>)
        %dma_wait3A_238 = arith.constant 0 : i32
        %dma_wait3A_239 = tpu.memref_slice %arg5[%add3A_9, %dma_wait3A_238] : memref<10240x64xf32, #tpu.memory_space<vmem_shared>> -> memref<128x64xf32, #tpu.memory_space<vmem_shared>>
        %dma_wait3A_240 = arith.constant 0 : i32
        %dma_wait3A_241 = tpu.memref_slice %arg5[%add3A_9, %dma_wait3A_240] : memref<10240x64xf32, #tpu.memory_space<vmem_shared>> -> memref<128x64xf32, #tpu.memory_space<vmem_shared>>
        tpu.wait_dma2 semaphore(%run_scoped3A : memref<!tpu.dma_semaphore, #tpu.memory_space<semaphore_mem>>) src(%arg13 : memref<128x64xf32, #tpu.memory_space<vmem>>) dst(%dma_wait3A_241 : memref<128x64xf32, #tpu.memory_space<vmem_shared>>)
        tpu.yield
      }) : () -> ()
    } else {
    }
    "tpu.region"() ({
      %run_scoped3A = tpu.sem_alloc : memref<!tpu.dma_semaphore, #tpu.memory_space<semaphore_mem>>
      %dma_start3A_234 = arith.constant 0 : i32
      %dma_start3A_235 = tpu.memref_slice %arg6[%add3A_9, %dma_start3A_234] : memref<10240x64xf32, #tpu.memory_space<vmem_shared>> -> memref<128x64xf32, #tpu.memory_space<vmem_shared>>
      %dma_start3A_236 = arith.constant 0 : i32
      %dma_start3A_237 = tpu.memref_slice %arg6[%add3A_9, %dma_start3A_236] : memref<10240x64xf32, #tpu.memory_space<vmem_shared>> -> memref<128x64xf32, #tpu.memory_space<vmem_shared>>
      tpu.enqueue_dma source(%arg13 : memref<128x64xf32, #tpu.memory_space<vmem>>) target(%dma_start3A_237 : memref<128x64xf32, #tpu.memory_space<vmem_shared>>) target_semaphore(%run_scoped3A : memref<!tpu.dma_semaphore, #tpu.memory_space<semaphore_mem>>)
      %dma_wait3A_238 = arith.constant 0 : i32
      %dma_wait3A_239 = tpu.memref_slice %arg6[%add3A_9, %dma_wait3A_238] : memref<10240x64xf32, #tpu.memory_space<vmem_shared>> -> memref<128x64xf32, #tpu.memory_space<vmem_shared>>
      %dma_wait3A_240 = arith.constant 0 : i32
      %dma_wait3A_241 = tpu.memref_slice %arg6[%add3A_9, %dma_wait3A_240] : memref<10240x64xf32, #tpu.memory_space<vmem_shared>> -> memref<128x64xf32, #tpu.memory_space<vmem_shared>>
      tpu.wait_dma2 semaphore(%run_scoped3A : memref<!tpu.dma_semaphore, #tpu.memory_space<semaphore_mem>>) src(%arg13 : memref<128x64xf32, #tpu.memory_space<vmem>>) dst(%dma_wait3A_241 : memref<128x64xf32, #tpu.memory_space<vmem_shared>>)
      tpu.yield
    }) : () -> ()
    %add3A_17 = arith.constant 256 : i32
    %add3A_18 = arith.addi %mul3A_0, %add3A_17 : i32
    %add3A_19 = arith.constant 128 : i32
    %add3A_20 = arith.addi %add3A_18, %add3A_19 : i32
    %le3A_21 = arith.constant 10000 : i32
    %le3A_22 = arith.cmpi sle, %add3A_20, %le3A_21 : i32
    %convert_element_type3A_23 = arith.extui %le3A_22 : i1 to i32
    %cond3A_24 = arith.constant 0 : i32
    %cond3A_25 = arith.cmpi ne, %convert_element_type3A_23, %cond3A_24 : i32
    scf.if %cond3A_25 {
      "tpu.region"() ({
        %run_scoped3A = tpu.sem_alloc : memref<!tpu.dma_semaphore, #tpu.memory_space<semaphore_mem>>
        %dma_start3A_234 = tpu.memref_slice %arg2[%add3A_18, %mul3A_2] : memref<10000x128xf32, #tpu.memory_space<hbm>> -> memref<128x64xf32, #tpu.memory_space<hbm>>
        %dma_start3A_235 = tpu.memref_slice %arg2[%add3A_18, %mul3A_2] : memref<10000x128xf32, #tpu.memory_space<hbm>> -> memref<128x64xf32, #tpu.memory_space<hbm>>
        tpu.enqueue_dma source(%dma_start3A_235 : memref<128x64xf32, #tpu.memory_space<hbm>>) target(%arg13 : memref<128x64xf32, #tpu.memory_space<vmem>>) target_semaphore(%run_scoped3A : memref<!tpu.dma_semaphore, #tpu.memory_space<semaphore_mem>>)
        %dma_wait3A_236 = tpu.memref_slice %arg2[%add3A_18, %mul3A_2] : memref<10000x128xf32, #tpu.memory_space<hbm>> -> memref<128x64xf32, #tpu.memory_space<hbm>>
        %dma_wait3A_237 = tpu.memref_slice %arg2[%add3A_18, %mul3A_2] : memref<10000x128xf32, #tpu.memory_space<hbm>> -> memref<128x64xf32, #tpu.memory_space<hbm>>
        tpu.wait_dma2 semaphore(%run_scoped3A : memref<!tpu.dma_semaphore, #tpu.memory_space<semaphore_mem>>) src(%dma_wait3A_237 : memref<128x64xf32, #tpu.memory_space<hbm>>) dst(%arg13 : memref<128x64xf32, #tpu.memory_space<vmem>>)
        tpu.yield
      }) : () -> ()
      "tpu.region"() ({
        %run_scoped3A = tpu.sem_alloc : memref<!tpu.dma_semaphore, #tpu.memory_space<semaphore_mem>>
        %dma_start3A_234 = arith.constant 0 : i32
        %dma_start3A_235 = tpu.memref_slice %arg5[%add3A_18, %dma_start3A_234] : memref<10240x64xf32, #tpu.memory_space<vmem_shared>> -> memref<128x64xf32, #tpu.memory_space<vmem_shared>>
        %dma_start3A_236 = arith.constant 0 : i32
        %dma_start3A_237 = tpu.memref_slice %arg5[%add3A_18, %dma_start3A_236] : memref<10240x64xf32, #tpu.memory_space<vmem_shared>> -> memref<128x64xf32, #tpu.memory_space<vmem_shared>>
        tpu.enqueue_dma source(%arg13 : memref<128x64xf32, #tpu.memory_space<vmem>>) target(%dma_start3A_237 : memref<128x64xf32, #tpu.memory_space<vmem_shared>>) target_semaphore(%run_scoped3A : memref<!tpu.dma_semaphore, #tpu.memory_space<semaphore_mem>>)
        %dma_wait3A_238 = arith.constant 0 : i32
        %dma_wait3A_239 = tpu.memref_slice %arg5[%add3A_18, %dma_wait3A_238] : memref<10240x64xf32, #tpu.memory_space<vmem_shared>> -> memref<128x64xf32, #tpu.memory_space<vmem_shared>>
        %dma_wait3A_240 = arith.constant 0 : i32
        %dma_wait3A_241 = tpu.memref_slice %arg5[%add3A_18, %dma_wait3A_240] : memref<10240x64xf32, #tpu.memory_space<vmem_shared>> -> memref<128x64xf32, #tpu.memory_space<vmem_shared>>
        tpu.wait_dma2 semaphore(%run_scoped3A : memref<!tpu.dma_semaphore, #tpu.memory_space<semaphore_mem>>) src(%arg13 : memref<128x64xf32, #tpu.memory_space<vmem>>) dst(%dma_wait3A_241 : memref<128x64xf32, #tpu.memory_space<vmem_shared>>)
        tpu.yield
      }) : () -> ()
    } else {
    }
    "tpu.region"() ({
      %run_scoped3A = tpu.sem_alloc : memref<!tpu.dma_semaphore, #tpu.memory_space<semaphore_mem>>
      %dma_start3A_234 = arith.constant 0 : i32
      %dma_start3A_235 = tpu.memref_slice %arg6[%add3A_18, %dma_start3A_234] : memref<10240x64xf32, #tpu.memory_space<vmem_shared>> -> memref<128x64xf32, #tpu.memory_space<vmem_shared>>
      %dma_start3A_236 = arith.constant 0 : i32
      %dma_start3A_237 = tpu.memref_slice %arg6[%add3A_18, %dma_start3A_236] : memref<10240x64xf32, #tpu.memory_space<vmem_shared>> -> memref<128x64xf32, #tpu.memory_space<vmem_shared>>
      tpu.enqueue_dma source(%arg13 : memref<128x64xf32, #tpu.memory_space<vmem>>) target(%dma_start3A_237 : memref<128x64xf32, #tpu.memory_space<vmem_shared>>) target_semaphore(%run_scoped3A : memref<!tpu.dma_semaphore, #tpu.memory_space<semaphore_mem>>)
      %dma_wait3A_238 = arith.constant 0 : i32
      %dma_wait3A_239 = tpu.memref_slice %arg6[%add3A_18, %dma_wait3A_238] : memref<10240x64xf32, #tpu.memory_space<vmem_shared>> -> memref<128x64xf32, #tpu.memory_space<vmem_shared>>
      %dma_wait3A_240 = arith.constant 0 : i32
      %dma_wait3A_241 = tpu.memref_slice %arg6[%add3A_18, %dma_wait3A_240] : memref<10240x64xf32, #tpu.memory_space<vmem_shared>> -> memref<128x64xf32, #tpu.memory_space<vmem_shared>>
      tpu.wait_dma2 semaphore(%run_scoped3A : memref<!tpu.dma_semaphore, #tpu.memory_space<semaphore_mem>>) src(%arg13 : memref<128x64xf32, #tpu.memory_space<vmem>>) dst(%dma_wait3A_241 : memref<128x64xf32, #tpu.memory_space<vmem_shared>>)
      tpu.yield
    }) : () -> ()
    %add3A_26 = arith.constant 384 : i32
    %add3A_27 = arith.addi %mul3A_0, %add3A_26 : i32
    %add3A_28 = arith.constant 128 : i32
    %add3A_29 = arith.addi %add3A_27, %add3A_28 : i32
    %le3A_30 = arith.constant 10000 : i32
    %le3A_31 = arith.cmpi sle, %add3A_29, %le3A_30 : i32
    %convert_element_type3A_32 = arith.extui %le3A_31 : i1 to i32
    %cond3A_33 = arith.constant 0 : i32
    %cond3A_34 = arith.cmpi ne, %convert_element_type3A_32, %cond3A_33 : i32
    scf.if %cond3A_34 {
      "tpu.region"() ({
        %run_scoped3A = tpu.sem_alloc : memref<!tpu.dma_semaphore, #tpu.memory_space<semaphore_mem>>
        %dma_start3A_234 = tpu.memref_slice %arg2[%add3A_27, %mul3A_2] : memref<10000x128xf32, #tpu.memory_space<hbm>> -> memref<128x64xf32, #tpu.memory_space<hbm>>
        %dma_start3A_235 = tpu.memref_slice %arg2[%add3A_27, %mul3A_2] : memref<10000x128xf32, #tpu.memory_space<hbm>> -> memref<128x64xf32, #tpu.memory_space<hbm>>
        tpu.enqueue_dma source(%dma_start3A_235 : memref<128x64xf32, #tpu.memory_space<hbm>>) target(%arg13 : memref<128x64xf32, #tpu.memory_space<vmem>>) target_semaphore(%run_scoped3A : memref<!tpu.dma_semaphore, #tpu.memory_space<semaphore_mem>>)
        %dma_wait3A_236 = tpu.memref_slice %arg2[%add3A_27, %mul3A_2] : memref<10000x128xf32, #tpu.memory_space<hbm>> -> memref<128x64xf32, #tpu.memory_space<hbm>>
        %dma_wait3A_237 = tpu.memref_slice %arg2[%add3A_27, %mul3A_2] : memref<10000x128xf32, #tpu.memory_space<hbm>> -> memref<128x64xf32, #tpu.memory_space<hbm>>
        tpu.wait_dma2 semaphore(%run_scoped3A : memref<!tpu.dma_semaphore, #tpu.memory_space<semaphore_mem>>) src(%dma_wait3A_237 : memref<128x64xf32, #tpu.memory_space<hbm>>) dst(%arg13 : memref<128x64xf32, #tpu.memory_space<vmem>>)
        tpu.yield
      }) : () -> ()
      "tpu.region"() ({
        %run_scoped3A = tpu.sem_alloc : memref<!tpu.dma_semaphore, #tpu.memory_space<semaphore_mem>>
        %dma_start3A_234 = arith.constant 0 : i32
        %dma_start3A_235 = tpu.memref_slice %arg5[%add3A_27, %dma_start3A_234] : memref<10240x64xf32, #tpu.memory_space<vmem_shared>> -> memref<128x64xf32, #tpu.memory_space<vmem_shared>>
        %dma_start3A_236 = arith.constant 0 : i32
        %dma_start3A_237 = tpu.memref_slice %arg5[%add3A_27, %dma_start3A_236] : memref<10240x64xf32, #tpu.memory_space<vmem_shared>> -> memref<128x64xf32, #tpu.memory_space<vmem_shared>>
        tpu.enqueue_dma source(%arg13 : memref<128x64xf32, #tpu.memory_space<vmem>>) target(%dma_start3A_237 : memref<128x64xf32, #tpu.memory_space<vmem_shared>>) target_semaphore(%run_scoped3A : memref<!tpu.dma_semaphore, #tpu.memory_space<semaphore_mem>>)
        %dma_wait3A_238 = arith.constant 0 : i32
        %dma_wait3A_239 = tpu.memref_slice %arg5[%add3A_27, %dma_wait3A_238] : memref<10240x64xf32, #tpu.memory_space<vmem_shared>> -> memref<128x64xf32, #tpu.memory_space<vmem_shared>>
        %dma_wait3A_240 = arith.constant 0 : i32
        %dma_wait3A_241 = tpu.memref_slice %arg5[%add3A_27, %dma_wait3A_240] : memref<10240x64xf32, #tpu.memory_space<vmem_shared>> -> memref<128x64xf32, #tpu.memory_space<vmem_shared>>
        tpu.wait_dma2 semaphore(%run_scoped3A : memref<!tpu.dma_semaphore, #tpu.memory_space<semaphore_mem>>) src(%arg13 : memref<128x64xf32, #tpu.memory_space<vmem>>) dst(%dma_wait3A_241 : memref<128x64xf32, #tpu.memory_space<vmem_shared>>)
        tpu.yield
      }) : () -> ()
    } else {
    }
    "tpu.region"() ({
      %run_scoped3A = tpu.sem_alloc : memref<!tpu.dma_semaphore, #tpu.memory_space<semaphore_mem>>
      %dma_start3A_234 = arith.constant 0 : i32
      %dma_start3A_235 = tpu.memref_slice %arg6[%add3A_27, %dma_start3A_234] : memref<10240x64xf32, #tpu.memory_space<vmem_shared>> -> memref<128x64xf32, #tpu.memory_space<vmem_shared>>
      %dma_start3A_236 = arith.constant 0 : i32
      %dma_start3A_237 = tpu.memref_slice %arg6[%add3A_27, %dma_start3A_236] : memref<10240x64xf32, #tpu.memory_space<vmem_shared>> -> memref<128x64xf32, #tpu.memory_space<vmem_shared>>
      tpu.enqueue_dma source(%arg13 : memref<128x64xf32, #tpu.memory_space<vmem>>) target(%dma_start3A_237 : memref<128x64xf32, #tpu.memory_space<vmem_shared>>) target_semaphore(%run_scoped3A : memref<!tpu.dma_semaphore, #tpu.memory_space<semaphore_mem>>)
      %dma_wait3A_238 = arith.constant 0 : i32
      %dma_wait3A_239 = tpu.memref_slice %arg6[%add3A_27, %dma_wait3A_238] : memref<10240x64xf32, #tpu.memory_space<vmem_shared>> -> memref<128x64xf32, #tpu.memory_space<vmem_shared>>
      %dma_wait3A_240 = arith.constant 0 : i32
      %dma_wait3A_241 = tpu.memref_slice %arg6[%add3A_27, %dma_wait3A_240] : memref<10240x64xf32, #tpu.memory_space<vmem_shared>> -> memref<128x64xf32, #tpu.memory_space<vmem_shared>>
      tpu.wait_dma2 semaphore(%run_scoped3A : memref<!tpu.dma_semaphore, #tpu.memory_space<semaphore_mem>>) src(%arg13 : memref<128x64xf32, #tpu.memory_space<vmem>>) dst(%dma_wait3A_241 : memref<128x64xf32, #tpu.memory_space<vmem_shared>>)
      tpu.yield
    }) : () -> ()
    %add3A_35 = arith.constant 512 : i32
    %add3A_36 = arith.addi %mul3A_0, %add3A_35 : i32
    %add3A_37 = arith.constant 128 : i32
    %add3A_38 = arith.addi %add3A_36, %add3A_37 : i32
    %le3A_39 = arith.constant 10000 : i32
    %le3A_40 = arith.cmpi sle, %add3A_38, %le3A_39 : i32
    %convert_element_type3A_41 = arith.extui %le3A_40 : i1 to i32
    %cond3A_42 = arith.constant 0 : i32
    %cond3A_43 = arith.cmpi ne, %convert_element_type3A_41, %cond3A_42 : i32
    scf.if %cond3A_43 {
      "tpu.region"() ({
        %run_scoped3A = tpu.sem_alloc : memref<!tpu.dma_semaphore, #tpu.memory_space<semaphore_mem>>
        %dma_start3A_234 = tpu.memref_slice %arg2[%add3A_36, %mul3A_2] : memref<10000x128xf32, #tpu.memory_space<hbm>> -> memref<128x64xf32, #tpu.memory_space<hbm>>
        %dma_start3A_235 = tpu.memref_slice %arg2[%add3A_36, %mul3A_2] : memref<10000x128xf32, #tpu.memory_space<hbm>> -> memref<128x64xf32, #tpu.memory_space<hbm>>
        tpu.enqueue_dma source(%dma_start3A_235 : memref<128x64xf32, #tpu.memory_space<hbm>>) target(%arg13 : memref<128x64xf32, #tpu.memory_space<vmem>>) target_semaphore(%run_scoped3A : memref<!tpu.dma_semaphore, #tpu.memory_space<semaphore_mem>>)
        %dma_wait3A_236 = tpu.memref_slice %arg2[%add3A_36, %mul3A_2] : memref<10000x128xf32, #tpu.memory_space<hbm>> -> memref<128x64xf32, #tpu.memory_space<hbm>>
        %dma_wait3A_237 = tpu.memref_slice %arg2[%add3A_36, %mul3A_2] : memref<10000x128xf32, #tpu.memory_space<hbm>> -> memref<128x64xf32, #tpu.memory_space<hbm>>
        tpu.wait_dma2 semaphore(%run_scoped3A : memref<!tpu.dma_semaphore, #tpu.memory_space<semaphore_mem>>) src(%dma_wait3A_237 : memref<128x64xf32, #tpu.memory_space<hbm>>) dst(%arg13 : memref<128x64xf32, #tpu.memory_space<vmem>>)
        tpu.yield
      }) : () -> ()
      "tpu.region"() ({
        %run_scoped3A = tpu.sem_alloc : memref<!tpu.dma_semaphore, #tpu.memory_space<semaphore_mem>>
        %dma_start3A_234 = arith.constant 0 : i32
        %dma_start3A_235 = tpu.memref_slice %arg5[%add3A_36, %dma_start3A_234] : memref<10240x64xf32, #tpu.memory_space<vmem_shared>> -> memref<128x64xf32, #tpu.memory_space<vmem_shared>>
        %dma_start3A_236 = arith.constant 0 : i32
        %dma_start3A_237 = tpu.memref_slice %arg5[%add3A_36, %dma_start3A_236] : memref<10240x64xf32, #tpu.memory_space<vmem_shared>> -> memref<128x64xf32, #tpu.memory_space<vmem_shared>>
        tpu.enqueue_dma source(%arg13 : memref<128x64xf32, #tpu.memory_space<vmem>>) target(%dma_start3A_237 : memref<128x64xf32, #tpu.memory_space<vmem_shared>>) target_semaphore(%run_scoped3A : memref<!tpu.dma_semaphore, #tpu.memory_space<semaphore_mem>>)
        %dma_wait3A_238 = arith.constant 0 : i32
        %dma_wait3A_239 = tpu.memref_slice %arg5[%add3A_36, %dma_wait3A_238] : memref<10240x64xf32, #tpu.memory_space<vmem_shared>> -> memref<128x64xf32, #tpu.memory_space<vmem_shared>>
        %dma_wait3A_240 = arith.constant 0 : i32
        %dma_wait3A_241 = tpu.memref_slice %arg5[%add3A_36, %dma_wait3A_240] : memref<10240x64xf32, #tpu.memory_space<vmem_shared>> -> memref<128x64xf32, #tpu.memory_space<vmem_shared>>
        tpu.wait_dma2 semaphore(%run_scoped3A : memref<!tpu.dma_semaphore, #tpu.memory_space<semaphore_mem>>) src(%arg13 : memref<128x64xf32, #tpu.memory_space<vmem>>) dst(%dma_wait3A_241 : memref<128x64xf32, #tpu.memory_space<vmem_shared>>)
        tpu.yield
      }) : () -> ()
    } else {
    }
    "tpu.region"() ({
      %run_scoped3A = tpu.sem_alloc : memref<!tpu.dma_semaphore, #tpu.memory_space<semaphore_mem>>
      %dma_start3A_234 = arith.constant 0 : i32
      %dma_start3A_235 = tpu.memref_slice %arg6[%add3A_36, %dma_start3A_234] : memref<10240x64xf32, #tpu.memory_space<vmem_shared>> -> memref<128x64xf32, #tpu.memory_space<vmem_shared>>
      %dma_start3A_236 = arith.constant 0 : i32
      %dma_start3A_237 = tpu.memref_slice %arg6[%add3A_36, %dma_start3A_236] : memref<10240x64xf32, #tpu.memory_space<vmem_shared>> -> memref<128x64xf32, #tpu.memory_space<vmem_shared>>
      tpu.enqueue_dma source(%arg13 : memref<128x64xf32, #tpu.memory_space<vmem>>) target(%dma_start3A_237 : memref<128x64xf32, #tpu.memory_space<vmem_shared>>) target_semaphore(%run_scoped3A : memref<!tpu.dma_semaphore, #tpu.memory_space<semaphore_mem>>)
      %dma_wait3A_238 = arith.constant 0 : i32
      %dma_wait3A_239 = tpu.memref_slice %arg6[%add3A_36, %dma_wait3A_238] : memref<10240x64xf32, #tpu.memory_space<vmem_shared>> -> memref<128x64xf32, #tpu.memory_space<vmem_shared>>
      %dma_wait3A_240 = arith.constant 0 : i32
      %dma_wait3A_241 = tpu.memref_slice %arg6[%add3A_36, %dma_wait3A_240] : memref<10240x64xf32, #tpu.memory_space<vmem_shared>> -> memref<128x64xf32, #tpu.memory_space<vmem_shared>>
      tpu.wait_dma2 semaphore(%run_scoped3A : memref<!tpu.dma_semaphore, #tpu.memory_space<semaphore_mem>>) src(%arg13 : memref<128x64xf32, #tpu.memory_space<vmem>>) dst(%dma_wait3A_241 : memref<128x64xf32, #tpu.memory_space<vmem_shared>>)
      tpu.yield
    }) : () -> ()
    %eq3A = arith.constant 15 : i32
    %eq3A_44 = arith.cmpi eq, %arg1, %eq3A : i32
    %convert_element_type3A_45 = arith.extui %eq3A_44 : i1 to i32
    %cond3A_46 = arith.constant 0 : i32
    %cond3A_47 = arith.cmpi ne, %convert_element_type3A_45, %cond3A_46 : i32
    scf.if %cond3A_47 {
      "tpu.region"() ({
        %run_scoped3A = tpu.sem_alloc : memref<!tpu.dma_semaphore, #tpu.memory_space<semaphore_mem>>
        %dma_start3A_234 = arith.constant 0 : i32
        %dma_start3A_235 = arith.constant 0 : i32
        %dma_start3A_236 = tpu.memref_slice %arg13[%dma_start3A_234, %dma_start3A_235] : memref<128x64xf32, #tpu.memory_space<vmem>> -> memref<16x64xf32, #tpu.memory_space<vmem>>
        %dma_start3A_237 = arith.constant 9984 : i32
        %dma_start3A_238 = tpu.memref_slice %arg2[%dma_start3A_237, %mul3A_2] : memref<10000x128xf32, #tpu.memory_space<hbm>> -> memref<16x64xf32, #tpu.memory_space<hbm>>
        %dma_start3A_239 = arith.constant 0 : i32
        %dma_start3A_240 = arith.constant 0 : i32
        %dma_start3A_241 = tpu.memref_slice %arg13[%dma_start3A_239, %dma_start3A_240] : memref<128x64xf32, #tpu.memory_space<vmem>> -> memref<16x64xf32, #tpu.memory_space<vmem>>
        %dma_start3A_242 = arith.constant 9984 : i32
        %dma_start3A_243 = tpu.memref_slice %arg2[%dma_start3A_242, %mul3A_2] : memref<10000x128xf32, #tpu.memory_space<hbm>> -> memref<16x64xf32, #tpu.memory_space<hbm>>
        tpu.enqueue_dma source(%dma_start3A_243 : memref<16x64xf32, #tpu.memory_space<hbm>>) target(%dma_start3A_241 : memref<16x64xf32, #tpu.memory_space<vmem>>) target_semaphore(%run_scoped3A : memref<!tpu.dma_semaphore, #tpu.memory_space<semaphore_mem>>)
        %dma_wait3A_244 = arith.constant 0 : i32
        %dma_wait3A_245 = arith.constant 0 : i32
        %dma_wait3A_246 = tpu.memref_slice %arg13[%dma_wait3A_244, %dma_wait3A_245] : memref<128x64xf32, #tpu.memory_space<vmem>> -> memref<16x64xf32, #tpu.memory_space<vmem>>
        %dma_wait3A_247 = arith.constant 9984 : i32
        %dma_wait3A_248 = tpu.memref_slice %arg2[%dma_wait3A_247, %mul3A_2] : memref<10000x128xf32, #tpu.memory_space<hbm>> -> memref<16x64xf32, #tpu.memory_space<hbm>>
        %dma_wait3A_249 = arith.constant 0 : i32
        %dma_wait3A_250 = arith.constant 0 : i32
        %dma_wait3A_251 = tpu.memref_slice %arg13[%dma_wait3A_249, %dma_wait3A_250] : memref<128x64xf32, #tpu.memory_space<vmem>> -> memref<16x64xf32, #tpu.memory_space<vmem>>
        %dma_wait3A_252 = arith.constant 9984 : i32
        %dma_wait3A_253 = tpu.memref_slice %arg2[%dma_wait3A_252, %mul3A_2] : memref<10000x128xf32, #tpu.memory_space<hbm>> -> memref<16x64xf32, #tpu.memory_space<hbm>>
        tpu.wait_dma2 semaphore(%run_scoped3A : memref<!tpu.dma_semaphore, #tpu.memory_space<semaphore_mem>>) src(%dma_wait3A_253 : memref<16x64xf32, #tpu.memory_space<hbm>>) dst(%dma_wait3A_251 : memref<16x64xf32, #tpu.memory_space<vmem>>)
        tpu.yield
      }) : () -> ()
      "tpu.region"() ({
        %run_scoped3A = tpu.sem_alloc : memref<!tpu.dma_semaphore, #tpu.memory_space<semaphore_mem>>
        %dma_start3A_234 = arith.constant 0 : i32
        %dma_start3A_235 = arith.constant 0 : i32
        %dma_start3A_236 = tpu.memref_slice %arg13[%dma_start3A_234, %dma_start3A_235] : memref<128x64xf32, #tpu.memory_space<vmem>> -> memref<16x64xf32, #tpu.memory_space<vmem>>
        %dma_start3A_237 = arith.constant 9984 : i32
        %dma_start3A_238 = arith.constant 0 : i32
        %dma_start3A_239 = tpu.memref_slice %arg5[%dma_start3A_237, %dma_start3A_238] : memref<10240x64xf32, #tpu.memory_space<vmem_shared>> -> memref<16x64xf32, #tpu.memory_space<vmem_shared>>
        %dma_start3A_240 = arith.constant 9984 : i32
        %dma_start3A_241 = arith.constant 0 : i32
        %dma_start3A_242 = tpu.memref_slice %arg5[%dma_start3A_240, %dma_start3A_241] : memref<10240x64xf32, #tpu.memory_space<vmem_shared>> -> memref<16x64xf32, #tpu.memory_space<vmem_shared>>
        %dma_start3A_243 = arith.constant 0 : i32
        %dma_start3A_244 = arith.constant 0 : i32
        %dma_start3A_245 = tpu.memref_slice %arg13[%dma_start3A_243, %dma_start3A_244] : memref<128x64xf32, #tpu.memory_space<vmem>> -> memref<16x64xf32, #tpu.memory_space<vmem>>
        tpu.enqueue_dma source(%dma_start3A_245 : memref<16x64xf32, #tpu.memory_space<vmem>>) target(%dma_start3A_242 : memref<16x64xf32, #tpu.memory_space<vmem_shared>>) target_semaphore(%run_scoped3A : memref<!tpu.dma_semaphore, #tpu.memory_space<semaphore_mem>>)
        %dma_wait3A_246 = arith.constant 0 : i32
        %dma_wait3A_247 = arith.constant 0 : i32
        %dma_wait3A_248 = tpu.memref_slice %arg13[%dma_wait3A_246, %dma_wait3A_247] : memref<128x64xf32, #tpu.memory_space<vmem>> -> memref<16x64xf32, #tpu.memory_space<vmem>>
        %dma_wait3A_249 = arith.constant 9984 : i32
        %dma_wait3A_250 = arith.constant 0 : i32
        %dma_wait3A_251 = tpu.memref_slice %arg5[%dma_wait3A_249, %dma_wait3A_250] : memref<10240x64xf32, #tpu.memory_space<vmem_shared>> -> memref<16x64xf32, #tpu.memory_space<vmem_shared>>
        %dma_wait3A_252 = arith.constant 9984 : i32
        %dma_wait3A_253 = arith.constant 0 : i32
        %dma_wait3A_254 = tpu.memref_slice %arg5[%dma_wait3A_252, %dma_wait3A_253] : memref<10240x64xf32, #tpu.memory_space<vmem_shared>> -> memref<16x64xf32, #tpu.memory_space<vmem_shared>>
        %dma_wait3A_255 = arith.constant 0 : i32
        %dma_wait3A_256 = arith.constant 0 : i32
        %dma_wait3A_257 = tpu.memref_slice %arg13[%dma_wait3A_255, %dma_wait3A_256] : memref<128x64xf32, #tpu.memory_space<vmem>> -> memref<16x64xf32, #tpu.memory_space<vmem>>
        tpu.wait_dma2 semaphore(%run_scoped3A : memref<!tpu.dma_semaphore, #tpu.memory_space<semaphore_mem>>) src(%dma_wait3A_257 : memref<16x64xf32, #tpu.memory_space<vmem>>) dst(%dma_wait3A_254 : memref<16x64xf32, #tpu.memory_space<vmem_shared>>)
        tpu.yield
      }) : () -> ()
      "tpu.region"() ({
        %run_scoped3A = tpu.sem_alloc : memref<!tpu.dma_semaphore, #tpu.memory_space<semaphore_mem>>
        %dma_start3A_234 = arith.constant 0 : i32
        %dma_start3A_235 = arith.constant 0 : i32
        %dma_start3A_236 = tpu.memref_slice %arg13[%dma_start3A_234, %dma_start3A_235] : memref<128x64xf32, #tpu.memory_space<vmem>> -> memref<16x64xf32, #tpu.memory_space<vmem>>
        %dma_start3A_237 = arith.constant 9984 : i32
        %dma_start3A_238 = arith.constant 0 : i32
        %dma_start3A_239 = tpu.memref_slice %arg6[%dma_start3A_237, %dma_start3A_238] : memref<10240x64xf32, #tpu.memory_space<vmem_shared>> -> memref<16x64xf32, #tpu.memory_space<vmem_shared>>
        %dma_start3A_240 = arith.constant 9984 : i32
        %dma_start3A_241 = arith.constant 0 : i32
        %dma_start3A_242 = tpu.memref_slice %arg6[%dma_start3A_240, %dma_start3A_241] : memref<10240x64xf32, #tpu.memory_space<vmem_shared>> -> memref<16x64xf32, #tpu.memory_space<vmem_shared>>
        %dma_start3A_243 = arith.constant 0 : i32
        %dma_start3A_244 = arith.constant 0 : i32
        %dma_start3A_245 = tpu.memref_slice %arg13[%dma_start3A_243, %dma_start3A_244] : memref<128x64xf32, #tpu.memory_space<vmem>> -> memref<16x64xf32, #tpu.memory_space<vmem>>
        tpu.enqueue_dma source(%dma_start3A_245 : memref<16x64xf32, #tpu.memory_space<vmem>>) target(%dma_start3A_242 : memref<16x64xf32, #tpu.memory_space<vmem_shared>>) target_semaphore(%run_scoped3A : memref<!tpu.dma_semaphore, #tpu.memory_space<semaphore_mem>>)
        %dma_wait3A_246 = arith.constant 0 : i32
        %dma_wait3A_247 = arith.constant 0 : i32
        %dma_wait3A_248 = tpu.memref_slice %arg13[%dma_wait3A_246, %dma_wait3A_247] : memref<128x64xf32, #tpu.memory_space<vmem>> -> memref<16x64xf32, #tpu.memory_space<vmem>>
        %dma_wait3A_249 = arith.constant 9984 : i32
        %dma_wait3A_250 = arith.constant 0 : i32
        %dma_wait3A_251 = tpu.memref_slice %arg6[%dma_wait3A_249, %dma_wait3A_250] : memref<10240x64xf32, #tpu.memory_space<vmem_shared>> -> memref<16x64xf32, #tpu.memory_space<vmem_shared>>
        %dma_wait3A_252 = arith.constant 9984 : i32
        %dma_wait3A_253 = arith.constant 0 : i32
        %dma_wait3A_254 = tpu.memref_slice %arg6[%dma_wait3A_252, %dma_wait3A_253] : memref<10240x64xf32, #tpu.memory_space<vmem_shared>> -> memref<16x64xf32, #tpu.memory_space<vmem_shared>>
        %dma_wait3A_255 = arith.constant 0 : i32
        %dma_wait3A_256 = arith.constant 0 : i32
        %dma_wait3A_257 = tpu.memref_slice %arg13[%dma_wait3A_255, %dma_wait3A_256] : memref<128x64xf32, #tpu.memory_space<vmem>> -> memref<16x64xf32, #tpu.memory_space<vmem>>
        tpu.wait_dma2 semaphore(%run_scoped3A : memref<!tpu.dma_semaphore, #tpu.memory_space<semaphore_mem>>) src(%dma_wait3A_257 : memref<16x64xf32, #tpu.memory_space<vmem>>) dst(%dma_wait3A_254 : memref<16x64xf32, #tpu.memory_space<vmem_shared>>)
        tpu.yield
      }) : () -> ()
    } else {
    }
    %barrier3A = arith.constant 0 : index
    tpu.barrier barrier_id(%barrier3A)
    %dma_start3A = arith.constant 0 : i32
    %dma_start3A_48 = arith.constant 0 : i32
    %dma_start3A_49 = arith.constant 0 : i32
    %dma_start3A_50 = tpu.memref_slice %arg3[%dma_start3A, %arg1, %dma_start3A_48, %dma_start3A_49] : memref<2x16x160x125xi32, #tpu.memory_space<hbm>> -> memref<1x1x40x125xi32, #tpu.memory_space<hbm>>
    %dma_start3A_51 = tpu.memref_squeeze %dma_start3A_50 : memref<1x1x40x125xi32, #tpu.memory_space<hbm>> -> memref<40x125xi32, #tpu.memory_space<hbm>>
    %dma_start3A_52 = arith.constant 0 : i32
    %dma_start3A_53 = arith.constant 0 : i32
    %dma_start3A_54 = tpu.memref_slice %arg3[%dma_start3A, %arg1, %dma_start3A_52, %dma_start3A_53] : memref<2x16x160x125xi32, #tpu.memory_space<hbm>> -> memref<1x1x40x125xi32, #tpu.memory_space<hbm>>
    %dma_start3A_55 = tpu.memref_squeeze %dma_start3A_54 : memref<1x1x40x125xi32, #tpu.memory_space<hbm>> -> memref<40x125xi32, #tpu.memory_space<hbm>>
    tpu.enqueue_dma source(%dma_start3A_55 : memref<40x125xi32, #tpu.memory_space<hbm>>) target(%arg7 : memref<40x125xi32, #tpu.memory_space<vmem>>) target_semaphore(%arg17 : memref<!tpu.dma_semaphore, #tpu.memory_space<semaphore_mem>>)
    %dma_start3A_56 = arith.constant 1 : i32
    %dma_start3A_57 = arith.constant 0 : i32
    %dma_start3A_58 = arith.constant 0 : i32
    %dma_start3A_59 = tpu.memref_slice %arg3[%dma_start3A_56, %arg1, %dma_start3A_57, %dma_start3A_58] : memref<2x16x160x125xi32, #tpu.memory_space<hbm>> -> memref<1x1x40x125xi32, #tpu.memory_space<hbm>>
    %dma_start3A_60 = tpu.memref_squeeze %dma_start3A_59 : memref<1x1x40x125xi32, #tpu.memory_space<hbm>> -> memref<40x125xi32, #tpu.memory_space<hbm>>
    %dma_start3A_61 = arith.constant 0 : i32
    %dma_start3A_62 = arith.constant 0 : i32
    %dma_start3A_63 = tpu.memref_slice %arg3[%dma_start3A_56, %arg1, %dma_start3A_61, %dma_start3A_62] : memref<2x16x160x125xi32, #tpu.memory_space<hbm>> -> memref<1x1x40x125xi32, #tpu.memory_space<hbm>>
    %dma_start3A_64 = tpu.memref_squeeze %dma_start3A_63 : memref<1x1x40x125xi32, #tpu.memory_space<hbm>> -> memref<40x125xi32, #tpu.memory_space<hbm>>
    tpu.enqueue_dma source(%dma_start3A_64 : memref<40x125xi32, #tpu.memory_space<hbm>>) target(%arg10 : memref<40x125xi32, #tpu.memory_space<vmem>>) target_semaphore(%arg17 : memref<!tpu.dma_semaphore, #tpu.memory_space<semaphore_mem>>)
    %dma_wait3A = arith.constant 0 : i32
    %dma_wait3A_65 = arith.constant 0 : i32
    %dma_wait3A_66 = arith.constant 0 : i32
    %dma_wait3A_67 = tpu.memref_slice %arg3[%dma_wait3A, %arg1, %dma_wait3A_65, %dma_wait3A_66] : memref<2x16x160x125xi32, #tpu.memory_space<hbm>> -> memref<1x1x40x125xi32, #tpu.memory_space<hbm>>
    %dma_wait3A_68 = tpu.memref_squeeze %dma_wait3A_67 : memref<1x1x40x125xi32, #tpu.memory_space<hbm>> -> memref<40x125xi32, #tpu.memory_space<hbm>>
    %dma_wait3A_69 = arith.constant 0 : i32
    %dma_wait3A_70 = arith.constant 0 : i32
    %dma_wait3A_71 = tpu.memref_slice %arg3[%dma_wait3A, %arg1, %dma_wait3A_69, %dma_wait3A_70] : memref<2x16x160x125xi32, #tpu.memory_space<hbm>> -> memref<1x1x40x125xi32, #tpu.memory_space<hbm>>
    %dma_wait3A_72 = tpu.memref_squeeze %dma_wait3A_71 : memref<1x1x40x125xi32, #tpu.memory_space<hbm>> -> memref<40x125xi32, #tpu.memory_space<hbm>>
    tpu.wait_dma2 semaphore(%arg17 : memref<!tpu.dma_semaphore, #tpu.memory_space<semaphore_mem>>) src(%dma_wait3A_72 : memref<40x125xi32, #tpu.memory_space<hbm>>) dst(%arg7 : memref<40x125xi32, #tpu.memory_space<vmem>>)
    %dma_wait3A_73 = arith.constant 1 : i32
    %dma_wait3A_74 = arith.constant 0 : i32
    %dma_wait3A_75 = arith.constant 0 : i32
    %dma_wait3A_76 = tpu.memref_slice %arg3[%dma_wait3A_73, %arg1, %dma_wait3A_74, %dma_wait3A_75] : memref<2x16x160x125xi32, #tpu.memory_space<hbm>> -> memref<1x1x40x125xi32, #tpu.memory_space<hbm>>
    %dma_wait3A_77 = tpu.memref_squeeze %dma_wait3A_76 : memref<1x1x40x125xi32, #tpu.memory_space<hbm>> -> memref<40x125xi32, #tpu.memory_space<hbm>>
    %dma_wait3A_78 = arith.constant 0 : i32
    %dma_wait3A_79 = arith.constant 0 : i32
    %dma_wait3A_80 = tpu.memref_slice %arg3[%dma_wait3A_73, %arg1, %dma_wait3A_78, %dma_wait3A_79] : memref<2x16x160x125xi32, #tpu.memory_space<hbm>> -> memref<1x1x40x125xi32, #tpu.memory_space<hbm>>
    %dma_wait3A_81 = tpu.memref_squeeze %dma_wait3A_80 : memref<1x1x40x125xi32, #tpu.memory_space<hbm>> -> memref<40x125xi32, #tpu.memory_space<hbm>>
    tpu.wait_dma2 semaphore(%arg17 : memref<!tpu.dma_semaphore, #tpu.memory_space<semaphore_mem>>) src(%dma_wait3A_81 : memref<40x125xi32, #tpu.memory_space<hbm>>) dst(%arg10 : memref<40x125xi32, #tpu.memory_space<vmem>>)
    %dma_start3A_82 = arith.constant 0 : i32
    %dma_start3A_83 = arith.constant 40 : i32
    %dma_start3A_84 = arith.constant 0 : i32
    %dma_start3A_85 = tpu.memref_slice %arg3[%dma_start3A_82, %arg1, %dma_start3A_83, %dma_start3A_84] : memref<2x16x160x125xi32, #tpu.memory_space<hbm>> -> memref<1x1x40x125xi32, #tpu.memory_space<hbm>>
    %dma_start3A_86 = tpu.memref_squeeze %dma_start3A_85 : memref<1x1x40x125xi32, #tpu.memory_space<hbm>> -> memref<40x125xi32, #tpu.memory_space<hbm>>
    %dma_start3A_87 = arith.constant 40 : i32
    %dma_start3A_88 = arith.constant 0 : i32
    %dma_start3A_89 = tpu.memref_slice %arg3[%dma_start3A_82, %arg1, %dma_start3A_87, %dma_start3A_88] : memref<2x16x160x125xi32, #tpu.memory_space<hbm>> -> memref<1x1x40x125xi32, #tpu.memory_space<hbm>>
    %dma_start3A_90 = tpu.memref_squeeze %dma_start3A_89 : memref<1x1x40x125xi32, #tpu.memory_space<hbm>> -> memref<40x125xi32, #tpu.memory_space<hbm>>
    tpu.enqueue_dma source(%dma_start3A_90 : memref<40x125xi32, #tpu.memory_space<hbm>>) target(%arg8 : memref<40x125xi32, #tpu.memory_space<vmem>>) target_semaphore(%arg18 : memref<!tpu.dma_semaphore, #tpu.memory_space<semaphore_mem>>)
    %dma_start3A_91 = arith.constant 1 : i32
    %dma_start3A_92 = arith.constant 40 : i32
    %dma_start3A_93 = arith.constant 0 : i32
    %dma_start3A_94 = tpu.memref_slice %arg3[%dma_start3A_91, %arg1, %dma_start3A_92, %dma_start3A_93] : memref<2x16x160x125xi32, #tpu.memory_space<hbm>> -> memref<1x1x40x125xi32, #tpu.memory_space<hbm>>
    %dma_start3A_95 = tpu.memref_squeeze %dma_start3A_94 : memref<1x1x40x125xi32, #tpu.memory_space<hbm>> -> memref<40x125xi32, #tpu.memory_space<hbm>>
    %dma_start3A_96 = arith.constant 40 : i32
    %dma_start3A_97 = arith.constant 0 : i32
    %dma_start3A_98 = tpu.memref_slice %arg3[%dma_start3A_91, %arg1, %dma_start3A_96, %dma_start3A_97] : memref<2x16x160x125xi32, #tpu.memory_space<hbm>> -> memref<1x1x40x125xi32, #tpu.memory_space<hbm>>
    %dma_start3A_99 = tpu.memref_squeeze %dma_start3A_98 : memref<1x1x40x125xi32, #tpu.memory_space<hbm>> -> memref<40x125xi32, #tpu.memory_space<hbm>>
    tpu.enqueue_dma source(%dma_start3A_99 : memref<40x125xi32, #tpu.memory_space<hbm>>) target(%arg11 : memref<40x125xi32, #tpu.memory_space<vmem>>) target_semaphore(%arg18 : memref<!tpu.dma_semaphore, #tpu.memory_space<semaphore_mem>>)
    %dma_start3A_100 = arith.constant 0 : i32
    %dma_start3A_101 = arith.constant 80 : i32
    %dma_start3A_102 = arith.constant 0 : i32
    %dma_start3A_103 = tpu.memref_slice %arg3[%dma_start3A_100, %arg1, %dma_start3A_101, %dma_start3A_102] : memref<2x16x160x125xi32, #tpu.memory_space<hbm>> -> memref<1x1x40x125xi32, #tpu.memory_space<hbm>>
    %dma_start3A_104 = tpu.memref_squeeze %dma_start3A_103 : memref<1x1x40x125xi32, #tpu.memory_space<hbm>> -> memref<40x125xi32, #tpu.memory_space<hbm>>
    %dma_start3A_105 = arith.constant 80 : i32
    %dma_start3A_106 = arith.constant 0 : i32
    %dma_start3A_107 = tpu.memref_slice %arg3[%dma_start3A_100, %arg1, %dma_start3A_105, %dma_start3A_106] : memref<2x16x160x125xi32, #tpu.memory_space<hbm>> -> memref<1x1x40x125xi32, #tpu.memory_space<hbm>>
    %dma_start3A_108 = tpu.memref_squeeze %dma_start3A_107 : memref<1x1x40x125xi32, #tpu.memory_space<hbm>> -> memref<40x125xi32, #tpu.memory_space<hbm>>
    tpu.enqueue_dma source(%dma_start3A_108 : memref<40x125xi32, #tpu.memory_space<hbm>>) target(%arg9 : memref<40x125xi32, #tpu.memory_space<vmem>>) target_semaphore(%arg19 : memref<!tpu.dma_semaphore, #tpu.memory_space<semaphore_mem>>)
    %dma_start3A_109 = arith.constant 1 : i32
    %dma_start3A_110 = arith.constant 80 : i32
    %dma_start3A_111 = arith.constant 0 : i32
    %dma_start3A_112 = tpu.memref_slice %arg3[%dma_start3A_109, %arg1, %dma_start3A_110, %dma_start3A_111] : memref<2x16x160x125xi32, #tpu.memory_space<hbm>> -> memref<1x1x40x125xi32, #tpu.memory_space<hbm>>
    %dma_start3A_113 = tpu.memref_squeeze %dma_start3A_112 : memref<1x1x40x125xi32, #tpu.memory_space<hbm>> -> memref<40x125xi32, #tpu.memory_space<hbm>>
    %dma_start3A_114 = arith.constant 80 : i32
    %dma_start3A_115 = arith.constant 0 : i32
    %dma_start3A_116 = tpu.memref_slice %arg3[%dma_start3A_109, %arg1, %dma_start3A_114, %dma_start3A_115] : memref<2x16x160x125xi32, #tpu.memory_space<hbm>> -> memref<1x1x40x125xi32, #tpu.memory_space<hbm>>
    %dma_start3A_117 = tpu.memref_squeeze %dma_start3A_116 : memref<1x1x40x125xi32, #tpu.memory_space<hbm>> -> memref<40x125xi32, #tpu.memory_space<hbm>>
    tpu.enqueue_dma source(%dma_start3A_117 : memref<40x125xi32, #tpu.memory_space<hbm>>) target(%arg12 : memref<40x125xi32, #tpu.memory_space<vmem>>) target_semaphore(%arg19 : memref<!tpu.dma_semaphore, #tpu.memory_space<semaphore_mem>>)
    %dma_start3A_118 = arith.constant 0 : i32
    %dma_start3A_119 = arith.constant 0 : i32
    %dma_start3A_120 = arith.constant 0 : i32
    %dma_start3A_121 = tpu.memref_slice %arg13[%dma_start3A_119, %dma_start3A_120] : memref<128x64xf32, #tpu.memory_space<vmem>> -> memref<125x64xf32, #tpu.memory_space<vmem>>
    %dma_start3A_122 = arith.constant 0 : i32
    %dma_start3A_123 = tpu.memref_slice %arg10[%dma_start3A_118, %dma_start3A_122] : memref<40x125xi32, #tpu.memory_space<vmem>> -> memref<1x125xi32, #tpu.memory_space<vmem>>
    %dma_start3A_124 = tpu.memref_squeeze %dma_start3A_123 : memref<1x125xi32, #tpu.memory_space<vmem>> -> memref<125xi32, #tpu.memory_space<vmem>>
    %dma_start3A_125 = arith.constant 0 : i32
    %dma_start3A_126 = arith.constant 0 : i32
    %dma_start3A_127 = tpu.memref_slice %arg5[%dma_start3A_125, %dma_start3A_126] : memref<10240x64xf32, #tpu.memory_space<vmem_shared>> -> memref<10240x64xf32, #tpu.memory_space<vmem_shared>>
    tpu.enqueue_indirect_dma source(%dma_start3A_127 : memref<10240x64xf32, #tpu.memory_space<vmem_shared>>) target(%dma_start3A_121 : memref<125x64xf32, #tpu.memory_space<vmem>>) offsets(%dma_start3A_124 : memref<125xi32, #tpu.memory_space<vmem>>) semaphore(%arg15 : memref<!tpu.dma_semaphore, #tpu.memory_space<semaphore_mem>>)
    %dma_wait3A_128 = arith.constant 0 : i32
    %dma_wait3A_129 = arith.constant 40 : i32
    %dma_wait3A_130 = arith.constant 0 : i32
    %dma_wait3A_131 = tpu.memref_slice %arg3[%dma_wait3A_128, %arg1, %dma_wait3A_129, %dma_wait3A_130] : memref<2x16x160x125xi32, #tpu.memory_space<hbm>> -> memref<1x1x40x125xi32, #tpu.memory_space<hbm>>
    %dma_wait3A_132 = tpu.memref_squeeze %dma_wait3A_131 : memref<1x1x40x125xi32, #tpu.memory_space<hbm>> -> memref<40x125xi32, #tpu.memory_space<hbm>>
    %dma_wait3A_133 = arith.constant 40 : i32
    %dma_wait3A_134 = arith.constant 0 : i32
    %dma_wait3A_135 = tpu.memref_slice %arg3[%dma_wait3A_128, %arg1, %dma_wait3A_133, %dma_wait3A_134] : memref<2x16x160x125xi32, #tpu.memory_space<hbm>> -> memref<1x1x40x125xi32, #tpu.memory_space<hbm>>
    %dma_wait3A_136 = tpu.memref_squeeze %dma_wait3A_135 : memref<1x1x40x125xi32, #tpu.memory_space<hbm>> -> memref<40x125xi32, #tpu.memory_space<hbm>>
    tpu.wait_dma2 semaphore(%arg18 : memref<!tpu.dma_semaphore, #tpu.memory_space<semaphore_mem>>) src(%dma_wait3A_136 : memref<40x125xi32, #tpu.memory_space<hbm>>) dst(%arg8 : memref<40x125xi32, #tpu.memory_space<vmem>>)
    %dma_wait3A_137 = arith.constant 1 : i32
    %dma_wait3A_138 = arith.constant 40 : i32
    %dma_wait3A_139 = arith.constant 0 : i32
    %dma_wait3A_140 = tpu.memref_slice %arg3[%dma_wait3A_137, %arg1, %dma_wait3A_138, %dma_wait3A_139] : memref<2x16x160x125xi32, #tpu.memory_space<hbm>> -> memref<1x1x40x125xi32, #tpu.memory_space<hbm>>
    %dma_wait3A_141 = tpu.memref_squeeze %dma_wait3A_140 : memref<1x1x40x125xi32, #tpu.memory_space<hbm>> -> memref<40x125xi32, #tpu.memory_space<hbm>>
    %dma_wait3A_142 = arith.constant 40 : i32
    %dma_wait3A_143 = arith.constant 0 : i32
    %dma_wait3A_144 = tpu.memref_slice %arg3[%dma_wait3A_137, %arg1, %dma_wait3A_142, %dma_wait3A_143] : memref<2x16x160x125xi32, #tpu.memory_space<hbm>> -> memref<1x1x40x125xi32, #tpu.memory_space<hbm>>
    %dma_wait3A_145 = tpu.memref_squeeze %dma_wait3A_144 : memref<1x1x40x125xi32, #tpu.memory_space<hbm>> -> memref<40x125xi32, #tpu.memory_space<hbm>>
    tpu.wait_dma2 semaphore(%arg18 : memref<!tpu.dma_semaphore, #tpu.memory_space<semaphore_mem>>) src(%dma_wait3A_145 : memref<40x125xi32, #tpu.memory_space<hbm>>) dst(%arg11 : memref<40x125xi32, #tpu.memory_space<vmem>>)
    %scan3A = arith.constant 0 : i32
    %scan3A_146 = arith.constant 0 : i32
    %scan3A_147 = arith.constant 20 : i32
    %scan3A_148 = arith.addi %scan3A_146, %scan3A_147 : i32
    %scan3A_149 = arith.constant 1 : i32
    scf.for %scan3A_234 = %scan3A_146 to %scan3A_148 step %scan3A_149  : i32 {
      %mul3A_235 = arith.constant 2 : i32
      %mul3A_236 = arith.muli %mul3A_235, %scan3A_234 : i32
      %add3A_237 = arith.constant 1 : i32
      %add3A_238 = arith.addi %mul3A_236, %add3A_237 : i32
      %dma_start3A_239 = arith.constant 0 : i32
      %dma_start3A_240 = arith.constant 0 : i32
      %dma_start3A_241 = tpu.memref_slice %arg14[%dma_start3A_239, %dma_start3A_240] : memref<128x64xf32, #tpu.memory_space<vmem>> -> memref<125x64xf32, #tpu.memory_space<vmem>>
      %dma_start3A_242 = arith.constant 0 : i32
      %dma_start3A_243 = tpu.memref_slice %arg10[%add3A_238, %dma_start3A_242] : memref<40x125xi32, #tpu.memory_space<vmem>> -> memref<1x125xi32, #tpu.memory_space<vmem>>
      %dma_start3A_244 = tpu.memref_squeeze %dma_start3A_243 : memref<1x125xi32, #tpu.memory_space<vmem>> -> memref<125xi32, #tpu.memory_space<vmem>>
      %dma_start3A_245 = arith.constant 0 : i32
      %dma_start3A_246 = arith.constant 0 : i32
      %dma_start3A_247 = tpu.memref_slice %arg5[%dma_start3A_245, %dma_start3A_246] : memref<10240x64xf32, #tpu.memory_space<vmem_shared>> -> memref<10240x64xf32, #tpu.memory_space<vmem_shared>>
      tpu.enqueue_indirect_dma source(%dma_start3A_247 : memref<10240x64xf32, #tpu.memory_space<vmem_shared>>) target(%dma_start3A_241 : memref<125x64xf32, #tpu.memory_space<vmem>>) offsets(%dma_start3A_244 : memref<125xi32, #tpu.memory_space<vmem>>) semaphore(%arg16 : memref<!tpu.dma_semaphore, #tpu.memory_space<semaphore_mem>>)
      %dma_wait3A_248 = arith.constant 0 : i32
      %dma_wait3A_249 = arith.constant 0 : i32
      %dma_wait3A_250 = tpu.memref_slice %arg13[%dma_wait3A_248, %dma_wait3A_249] : memref<128x64xf32, #tpu.memory_space<vmem>> -> memref<125x64xf32, #tpu.memory_space<vmem>>
      %dma_wait3A_251 = arith.constant 0 : i32
      %dma_wait3A_252 = tpu.memref_slice %arg10[%mul3A_236, %dma_wait3A_251] : memref<40x125xi32, #tpu.memory_space<vmem>> -> memref<1x125xi32, #tpu.memory_space<vmem>>
      %dma_wait3A_253 = tpu.memref_squeeze %dma_wait3A_252 : memref<1x125xi32, #tpu.memory_space<vmem>> -> memref<125xi32, #tpu.memory_space<vmem>>
      %dma_wait3A_254 = arith.constant 0 : i32
      %dma_wait3A_255 = arith.constant 0 : i32
      %dma_wait3A_256 = tpu.memref_slice %arg5[%dma_wait3A_254, %dma_wait3A_255] : memref<10240x64xf32, #tpu.memory_space<vmem_shared>> -> memref<10240x64xf32, #tpu.memory_space<vmem_shared>>
      tpu.wait_indirect_dma semaphore(%arg15 : memref<!tpu.dma_semaphore, #tpu.memory_space<semaphore_mem>>) src(%dma_wait3A_256 : memref<10240x64xf32, #tpu.memory_space<vmem_shared>>) dst(%dma_wait3A_250 : memref<125x64xf32, #tpu.memory_space<vmem>>)
      "tpu.region"() ({
        %run_scoped3A = tpu.sem_alloc : memref<!tpu.dma_semaphore, #tpu.memory_space<semaphore_mem>>
        %dma_start3A_275 = arith.constant 0 : i32
        %dma_start3A_276 = arith.constant 0 : i32
        %dma_start3A_277 = tpu.memref_slice %arg13[%dma_start3A_275, %dma_start3A_276] : memref<128x64xf32, #tpu.memory_space<vmem>> -> memref<125x64xf32, #tpu.memory_space<vmem>>
        %dma_start3A_278 = arith.constant 0 : i32
        %dma_start3A_279 = tpu.memref_slice %arg7[%mul3A_236, %dma_start3A_278] : memref<40x125xi32, #tpu.memory_space<vmem>> -> memref<1x125xi32, #tpu.memory_space<vmem>>
        %dma_start3A_280 = tpu.memref_squeeze %dma_start3A_279 : memref<1x125xi32, #tpu.memory_space<vmem>> -> memref<125xi32, #tpu.memory_space<vmem>>
        %dma_start3A_281 = arith.constant 0 : i32
        %dma_start3A_282 = arith.constant 0 : i32
        %dma_start3A_283 = tpu.memref_slice %arg6[%dma_start3A_281, %dma_start3A_282] : memref<10240x64xf32, #tpu.memory_space<vmem_shared>> -> memref<10240x64xf32, #tpu.memory_space<vmem_shared>>
        tpu.enqueue_indirect_dma source(%dma_start3A_277 : memref<125x64xf32, #tpu.memory_space<vmem>>) target(%dma_start3A_283 : memref<10240x64xf32, #tpu.memory_space<vmem_shared>>) offsets(%dma_start3A_280 : memref<125xi32, #tpu.memory_space<vmem>>) semaphore(%run_scoped3A : memref<!tpu.dma_semaphore, #tpu.memory_space<semaphore_mem>>) {add = true}
        %dma_wait3A_284 = arith.constant 0 : i32
        %dma_wait3A_285 = arith.constant 0 : i32
        %dma_wait3A_286 = tpu.memref_slice %arg13[%dma_wait3A_284, %dma_wait3A_285] : memref<128x64xf32, #tpu.memory_space<vmem>> -> memref<125x64xf32, #tpu.memory_space<vmem>>
        %dma_wait3A_287 = arith.constant 0 : i32
        %dma_wait3A_288 = tpu.memref_slice %arg7[%mul3A_236, %dma_wait3A_287] : memref<40x125xi32, #tpu.memory_space<vmem>> -> memref<1x125xi32, #tpu.memory_space<vmem>>
        %dma_wait3A_289 = tpu.memref_squeeze %dma_wait3A_288 : memref<1x125xi32, #tpu.memory_space<vmem>> -> memref<125xi32, #tpu.memory_space<vmem>>
        %dma_wait3A_290 = arith.constant 0 : i32
        %dma_wait3A_291 = arith.constant 0 : i32
        %dma_wait3A_292 = tpu.memref_slice %arg6[%dma_wait3A_290, %dma_wait3A_291] : memref<10240x64xf32, #tpu.memory_space<vmem_shared>> -> memref<10240x64xf32, #tpu.memory_space<vmem_shared>>
        tpu.wait_indirect_dma semaphore(%run_scoped3A : memref<!tpu.dma_semaphore, #tpu.memory_space<semaphore_mem>>) src(%dma_wait3A_286 : memref<125x64xf32, #tpu.memory_space<vmem>>) dst(%dma_wait3A_292 : memref<10240x64xf32, #tpu.memory_space<vmem_shared>>)
        tpu.yield
      }) : () -> ()
      %ne3A = arith.constant 19 : i32
      %ne3A_257 = arith.cmpi ne, %scan3A_234, %ne3A : i32
      %convert_element_type3A_258 = arith.extui %ne3A_257 : i1 to i32
      %cond3A_259 = arith.constant 0 : i32
      %cond3A_260 = arith.cmpi ne, %convert_element_type3A_258, %cond3A_259 : i32
      scf.if %cond3A_260 {
        %add3A_275 = arith.constant 2 : i32
        %add3A_276 = arith.addi %mul3A_236, %add3A_275 : i32
        %dma_start3A_277 = arith.constant 0 : i32
        %dma_start3A_278 = arith.constant 0 : i32
        %dma_start3A_279 = tpu.memref_slice %arg13[%dma_start3A_277, %dma_start3A_278] : memref<128x64xf32, #tpu.memory_space<vmem>> -> memref<125x64xf32, #tpu.memory_space<vmem>>
        %dma_start3A_280 = arith.constant 0 : i32
        %dma_start3A_281 = tpu.memref_slice %arg10[%add3A_276, %dma_start3A_280] : memref<40x125xi32, #tpu.memory_space<vmem>> -> memref<1x125xi32, #tpu.memory_space<vmem>>
        %dma_start3A_282 = tpu.memref_squeeze %dma_start3A_281 : memref<1x125xi32, #tpu.memory_space<vmem>> -> memref<125xi32, #tpu.memory_space<vmem>>
        %dma_start3A_283 = arith.constant 0 : i32
        %dma_start3A_284 = arith.constant 0 : i32
        %dma_start3A_285 = tpu.memref_slice %arg5[%dma_start3A_283, %dma_start3A_284] : memref<10240x64xf32, #tpu.memory_space<vmem_shared>> -> memref<10240x64xf32, #tpu.memory_space<vmem_shared>>
        tpu.enqueue_indirect_dma source(%dma_start3A_285 : memref<10240x64xf32, #tpu.memory_space<vmem_shared>>) target(%dma_start3A_279 : memref<125x64xf32, #tpu.memory_space<vmem>>) offsets(%dma_start3A_282 : memref<125xi32, #tpu.memory_space<vmem>>) semaphore(%arg15 : memref<!tpu.dma_semaphore, #tpu.memory_space<semaphore_mem>>)
      } else {
      }
      %eq3A_261 = arith.constant 19 : i32
      %eq3A_262 = arith.cmpi eq, %scan3A_234, %eq3A_261 : i32
      %convert_element_type3A_263 = arith.extui %eq3A_262 : i1 to i32
      %cond3A_264 = arith.constant 0 : i32
      %cond3A_265 = arith.cmpi ne, %convert_element_type3A_263, %cond3A_264 : i32
      scf.if %cond3A_265 {
        %dma_start3A_275 = arith.constant 0 : i32
        %dma_start3A_276 = arith.constant 0 : i32
        %dma_start3A_277 = arith.constant 0 : i32
        %dma_start3A_278 = tpu.memref_slice %arg13[%dma_start3A_276, %dma_start3A_277] : memref<128x64xf32, #tpu.memory_space<vmem>> -> memref<125x64xf32, #tpu.memory_space<vmem>>
        %dma_start3A_279 = arith.constant 0 : i32
        %dma_start3A_280 = tpu.memref_slice %arg11[%dma_start3A_275, %dma_start3A_279] : memref<40x125xi32, #tpu.memory_space<vmem>> -> memref<1x125xi32, #tpu.memory_space<vmem>>
        %dma_start3A_281 = tpu.memref_squeeze %dma_start3A_280 : memref<1x125xi32, #tpu.memory_space<vmem>> -> memref<125xi32, #tpu.memory_space<vmem>>
        %dma_start3A_282 = arith.constant 0 : i32
        %dma_start3A_283 = arith.constant 0 : i32
        %dma_start3A_284 = tpu.memref_slice %arg5[%dma_start3A_282, %dma_start3A_283] : memref<10240x64xf32, #tpu.memory_space<vmem_shared>> -> memref<10240x64xf32, #tpu.memory_space<vmem_shared>>
        tpu.enqueue_indirect_dma source(%dma_start3A_284 : memref<10240x64xf32, #tpu.memory_space<vmem_shared>>) target(%dma_start3A_278 : memref<125x64xf32, #tpu.memory_space<vmem>>) offsets(%dma_start3A_281 : memref<125xi32, #tpu.memory_space<vmem>>) semaphore(%arg15 : memref<!tpu.dma_semaphore, #tpu.memory_space<semaphore_mem>>)
      } else {
      }
      %dma_wait3A_266 = arith.constant 0 : i32
      %dma_wait3A_267 = arith.constant 0 : i32
      %dma_wait3A_268 = tpu.memref_slice %arg14[%dma_wait3A_266, %dma_wait3A_267] : memref<128x64xf32, #tpu.memory_space<vmem>> -> memref<125x64xf32, #tpu.memory_space<vmem>>
      %dma_wait3A_269 = arith.constant 0 : i32
      %dma_wait3A_270 = tpu.memref_slice %arg10[%add3A_238, %dma_wait3A_269] : memref<40x125xi32, #tpu.memory_space<vmem>> -> memref<1x125xi32, #tpu.memory_space<vmem>>
      %dma_wait3A_271 = tpu.memref_squeeze %dma_wait3A_270 : memref<1x125xi32, #tpu.memory_space<vmem>> -> memref<125xi32, #tpu.memory_space<vmem>>
      %dma_wait3A_272 = arith.constant 0 : i32
      %dma_wait3A_273 = arith.constant 0 : i32
      %dma_wait3A_274 = tpu.memref_slice %arg5[%dma_wait3A_272, %dma_wait3A_273] : memref<10240x64xf32, #tpu.memory_space<vmem_shared>> -> memref<10240x64xf32, #tpu.memory_space<vmem_shared>>
      tpu.wait_indirect_dma semaphore(%arg16 : memref<!tpu.dma_semaphore, #tpu.memory_space<semaphore_mem>>) src(%dma_wait3A_274 : memref<10240x64xf32, #tpu.memory_space<vmem_shared>>) dst(%dma_wait3A_268 : memref<125x64xf32, #tpu.memory_space<vmem>>)
      "tpu.region"() ({
        %run_scoped3A = tpu.sem_alloc : memref<!tpu.dma_semaphore, #tpu.memory_space<semaphore_mem>>
        %dma_start3A_275 = arith.constant 0 : i32
        %dma_start3A_276 = arith.constant 0 : i32
        %dma_start3A_277 = tpu.memref_slice %arg14[%dma_start3A_275, %dma_start3A_276] : memref<128x64xf32, #tpu.memory_space<vmem>> -> memref<125x64xf32, #tpu.memory_space<vmem>>
        %dma_start3A_278 = arith.constant 0 : i32
        %dma_start3A_279 = tpu.memref_slice %arg7[%add3A_238, %dma_start3A_278] : memref<40x125xi32, #tpu.memory_space<vmem>> -> memref<1x125xi32, #tpu.memory_space<vmem>>
        %dma_start3A_280 = tpu.memref_squeeze %dma_start3A_279 : memref<1x125xi32, #tpu.memory_space<vmem>> -> memref<125xi32, #tpu.memory_space<vmem>>
        %dma_start3A_281 = arith.constant 0 : i32
        %dma_start3A_282 = arith.constant 0 : i32
        %dma_start3A_283 = tpu.memref_slice %arg6[%dma_start3A_281, %dma_start3A_282] : memref<10240x64xf32, #tpu.memory_space<vmem_shared>> -> memref<10240x64xf32, #tpu.memory_space<vmem_shared>>
        tpu.enqueue_indirect_dma source(%dma_start3A_277 : memref<125x64xf32, #tpu.memory_space<vmem>>) target(%dma_start3A_283 : memref<10240x64xf32, #tpu.memory_space<vmem_shared>>) offsets(%dma_start3A_280 : memref<125xi32, #tpu.memory_space<vmem>>) semaphore(%run_scoped3A : memref<!tpu.dma_semaphore, #tpu.memory_space<semaphore_mem>>) {add = true}
        %dma_wait3A_284 = arith.constant 0 : i32
        %dma_wait3A_285 = arith.constant 0 : i32
        %dma_wait3A_286 = tpu.memref_slice %arg14[%dma_wait3A_284, %dma_wait3A_285] : memref<128x64xf32, #tpu.memory_space<vmem>> -> memref<125x64xf32, #tpu.memory_space<vmem>>
        %dma_wait3A_287 = arith.constant 0 : i32
        %dma_wait3A_288 = tpu.memref_slice %arg7[%add3A_238, %dma_wait3A_287] : memref<40x125xi32, #tpu.memory_space<vmem>> -> memref<1x125xi32, #tpu.memory_space<vmem>>
        %dma_wait3A_289 = tpu.memref_squeeze %dma_wait3A_288 : memref<1x125xi32, #tpu.memory_space<vmem>> -> memref<125xi32, #tpu.memory_space<vmem>>
        %dma_wait3A_290 = arith.constant 0 : i32
        %dma_wait3A_291 = arith.constant 0 : i32
        %dma_wait3A_292 = tpu.memref_slice %arg6[%dma_wait3A_290, %dma_wait3A_291] : memref<10240x64xf32, #tpu.memory_space<vmem_shared>> -> memref<10240x64xf32, #tpu.memory_space<vmem_shared>>
        tpu.wait_indirect_dma semaphore(%run_scoped3A : memref<!tpu.dma_semaphore, #tpu.memory_space<semaphore_mem>>) src(%dma_wait3A_286 : memref<125x64xf32, #tpu.memory_space<vmem>>) dst(%dma_wait3A_292 : memref<10240x64xf32, #tpu.memory_space<vmem_shared>>)
        tpu.yield
      }) : () -> ()
    }
    %scan3A_150 = arith.constant 20 : i32
    %dma_wait3A_151 = arith.constant 0 : i32
    %dma_wait3A_152 = arith.constant 80 : i32
    %dma_wait3A_153 = arith.constant 0 : i32
    %dma_wait3A_154 = tpu.memref_slice %arg3[%dma_wait3A_151, %arg1, %dma_wait3A_152, %dma_wait3A_153] : memref<2x16x160x125xi32, #tpu.memory_space<hbm>> -> memref<1x1x40x125xi32, #tpu.memory_space<hbm>>
    %dma_wait3A_155 = tpu.memref_squeeze %dma_wait3A_154 : memref<1x1x40x125xi32, #tpu.memory_space<hbm>> -> memref<40x125xi32, #tpu.memory_space<hbm>>
    %dma_wait3A_156 = arith.constant 80 : i32
    %dma_wait3A_157 = arith.constant 0 : i32
    %dma_wait3A_158 = tpu.memref_slice %arg3[%dma_wait3A_151, %arg1, %dma_wait3A_156, %dma_wait3A_157] : memref<2x16x160x125xi32, #tpu.memory_space<hbm>> -> memref<1x1x40x125xi32, #tpu.memory_space<hbm>>
    %dma_wait3A_159 = tpu.memref_squeeze %dma_wait3A_158 : memref<1x1x40x125xi32, #tpu.memory_space<hbm>> -> memref<40x125xi32, #tpu.memory_space<hbm>>
    tpu.wait_dma2 semaphore(%arg19 : memref<!tpu.dma_semaphore, #tpu.memory_space<semaphore_mem>>) src(%dma_wait3A_159 : memref<40x125xi32, #tpu.memory_space<hbm>>) dst(%arg9 : memref<40x125xi32, #tpu.memory_space<vmem>>)
    %dma_wait3A_160 = arith.constant 1 : i32
    %dma_wait3A_161 = arith.constant 80 : i32
    %dma_wait3A_162 = arith.constant 0 : i32
    %dma_wait3A_163 = tpu.memref_slice %arg3[%dma_wait3A_160, %arg1, %dma_wait3A_161, %dma_wait3A_162] : memref<2x16x160x125xi32, #tpu.memory_space<hbm>> -> memref<1x1x40x125xi32, #tpu.memory_space<hbm>>
    %dma_wait3A_164 = tpu.memref_squeeze %dma_wait3A_163 : memref<1x1x40x125xi32, #tpu.memory_space<hbm>> -> memref<40x125xi32, #tpu.memory_space<hbm>>
    %dma_wait3A_165 = arith.constant 80 : i32
    %dma_wait3A_166 = arith.constant 0 : i32
    %dma_wait3A_167 = tpu.memref_slice %arg3[%dma_wait3A_160, %arg1, %dma_wait3A_165, %dma_wait3A_166] : memref<2x16x160x125xi32, #tpu.memory_space<hbm>> -> memref<1x1x40x125xi32, #tpu.memory_space<hbm>>
    %dma_wait3A_168 = tpu.memref_squeeze %dma_wait3A_167 : memref<1x1x40x125xi32, #tpu.memory_space<hbm>> -> memref<40x125xi32, #tpu.memory_space<hbm>>
    tpu.wait_dma2 semaphore(%arg19 : memref<!tpu.dma_semaphore, #tpu.memory_space<semaphore_mem>>) src(%dma_wait3A_168 : memref<40x125xi32, #tpu.memory_space<hbm>>) dst(%arg12 : memref<40x125xi32, #tpu.memory_space<vmem>>)
    %dma_start3A_169 = arith.constant 0 : i32
    %dma_start3A_170 = arith.constant 120 : i32
    %dma_start3A_171 = arith.constant 0 : i32
    %dma_start3A_172 = tpu.memref_slice %arg3[%dma_start3A_169, %arg1, %dma_start3A_170, %dma_start3A_171] : memref<2x16x160x125xi32, #tpu.memory_space<hbm>> -> memref<1x1x40x125xi32, #tpu.memory_space<hbm>>
    %dma_start3A_173 = tpu.memref_squeeze %dma_start3A_172 : memref<1x1x40x125xi32, #tpu.memory_space<hbm>> -> memref<40x125xi32, #tpu.memory_space<hbm>>
    %dma_start3A_174 = arith.constant 120 : i32
    %dma_start3A_175 = arith.constant 0 : i32
    %dma_start3A_176 = tpu.memref_slice %arg3[%dma_start3A_169, %arg1, %dma_start3A_174, %dma_start3A_175] : memref<2x16x160x125xi32, #tpu.memory_space<hbm>> -> memref<1x1x40x125xi32, #tpu.memory_space<hbm>>
    %dma_start3A_177 = tpu.memref_squeeze %dma_start3A_176 : memref<1x1x40x125xi32, #tpu.memory_space<hbm>> -> memref<40x125xi32, #tpu.memory_space<hbm>>
    tpu.enqueue_dma source(%dma_start3A_177 : memref<40x125xi32, #tpu.memory_space<hbm>>) target(%arg7 : memref<40x125xi32, #tpu.memory_space<vmem>>) target_semaphore(%arg17 : memref<!tpu.dma_semaphore, #tpu.memory_space<semaphore_mem>>)
    %dma_start3A_178 = arith.constant 1 : i32
    %dma_start3A_179 = arith.constant 120 : i32
    %dma_start3A_180 = arith.constant 0 : i32
    %dma_start3A_181 = tpu.memref_slice %arg3[%dma_start3A_178, %arg1, %dma_start3A_179, %dma_start3A_180] : memref<2x16x160x125xi32, #tpu.memory_space<hbm>> -> memref<1x1x40x125xi32, #tpu.memory_space<hbm>>
    %dma_start3A_182 = tpu.memref_squeeze %dma_start3A_181 : memref<1x1x40x125xi32, #tpu.memory_space<hbm>> -> memref<40x125xi32, #tpu.memory_space<hbm>>
    %dma_start3A_183 = arith.constant 120 : i32
    %dma_start3A_184 = arith.constant 0 : i32
    %dma_start3A_185 = tpu.memref_slice %arg3[%dma_start3A_178, %arg1, %dma_start3A_183, %dma_start3A_184] : memref<2x16x160x125xi32, #tpu.memory_space<hbm>> -> memref<1x1x40x125xi32, #tpu.memory_space<hbm>>
    %dma_start3A_186 = tpu.memref_squeeze %dma_start3A_185 : memref<1x1x40x125xi32, #tpu.memory_space<hbm>> -> memref<40x125xi32, #tpu.memory_space<hbm>>
    tpu.enqueue_dma source(%dma_start3A_186 : memref<40x125xi32, #tpu.memory_space<hbm>>) target(%arg10 : memref<40x125xi32, #tpu.memory_space<vmem>>) target_semaphore(%arg17 : memref<!tpu.dma_semaphore, #tpu.memory_space<semaphore_mem>>)
    %scan3A_187 = arith.constant 0 : i32
    %scan3A_188 = arith.constant 0 : i32
    %scan3A_189 = arith.constant 20 : i32
    %scan3A_190 = arith.addi %scan3A_188, %scan3A_189 : i32
    %scan3A_191 = arith.constant 1 : i32
    scf.for %scan3A_234 = %scan3A_188 to %scan3A_190 step %scan3A_191  : i32 {
      %mul3A_235 = arith.constant 2 : i32
      %mul3A_236 = arith.muli %mul3A_235, %scan3A_234 : i32
      %add3A_237 = arith.constant 1 : i32
      %add3A_238 = arith.addi %mul3A_236, %add3A_237 : i32
      %dma_start3A_239 = arith.constant 0 : i32
      %dma_start3A_240 = arith.constant 0 : i32
      %dma_start3A_241 = tpu.memref_slice %arg14[%dma_start3A_239, %dma_start3A_240] : memref<128x64xf32, #tpu.memory_space<vmem>> -> memref<125x64xf32, #tpu.memory_space<vmem>>
      %dma_start3A_242 = arith.constant 0 : i32
      %dma_start3A_243 = tpu.memref_slice %arg11[%add3A_238, %dma_start3A_242] : memref<40x125xi32, #tpu.memory_space<vmem>> -> memref<1x125xi32, #tpu.memory_space<vmem>>
      %dma_start3A_244 = tpu.memref_squeeze %dma_start3A_243 : memref<1x125xi32, #tpu.memory_space<vmem>> -> memref<125xi32, #tpu.memory_space<vmem>>
      %dma_start3A_245 = arith.constant 0 : i32
      %dma_start3A_246 = arith.constant 0 : i32
      %dma_start3A_247 = tpu.memref_slice %arg5[%dma_start3A_245, %dma_start3A_246] : memref<10240x64xf32, #tpu.memory_space<vmem_shared>> -> memref<10240x64xf32, #tpu.memory_space<vmem_shared>>
      tpu.enqueue_indirect_dma source(%dma_start3A_247 : memref<10240x64xf32, #tpu.memory_space<vmem_shared>>) target(%dma_start3A_241 : memref<125x64xf32, #tpu.memory_space<vmem>>) offsets(%dma_start3A_244 : memref<125xi32, #tpu.memory_space<vmem>>) semaphore(%arg16 : memref<!tpu.dma_semaphore, #tpu.memory_space<semaphore_mem>>)
      %dma_wait3A_248 = arith.constant 0 : i32
      %dma_wait3A_249 = arith.constant 0 : i32
      %dma_wait3A_250 = tpu.memref_slice %arg13[%dma_wait3A_248, %dma_wait3A_249] : memref<128x64xf32, #tpu.memory_space<vmem>> -> memref<125x64xf32, #tpu.memory_space<vmem>>
      %dma_wait3A_251 = arith.constant 0 : i32
      %dma_wait3A_252 = tpu.memref_slice %arg11[%mul3A_236, %dma_wait3A_251] : memref<40x125xi32, #tpu.memory_space<vmem>> -> memref<1x125xi32, #tpu.memory_space<vmem>>
      %dma_wait3A_253 = tpu.memref_squeeze %dma_wait3A_252 : memref<1x125xi32, #tpu.memory_space<vmem>> -> memref<125xi32, #tpu.memory_space<vmem>>
      %dma_wait3A_254 = arith.constant 0 : i32
      %dma_wait3A_255 = arith.constant 0 : i32
      %dma_wait3A_256 = tpu.memref_slice %arg5[%dma_wait3A_254, %dma_wait3A_255] : memref<10240x64xf32, #tpu.memory_space<vmem_shared>> -> memref<10240x64xf32, #tpu.memory_space<vmem_shared>>
      tpu.wait_indirect_dma semaphore(%arg15 : memref<!tpu.dma_semaphore, #tpu.memory_space<semaphore_mem>>) src(%dma_wait3A_256 : memref<10240x64xf32, #tpu.memory_space<vmem_shared>>) dst(%dma_wait3A_250 : memref<125x64xf32, #tpu.memory_space<vmem>>)
      "tpu.region"() ({
        %run_scoped3A = tpu.sem_alloc : memref<!tpu.dma_semaphore, #tpu.memory_space<semaphore_mem>>
        %dma_start3A_275 = arith.constant 0 : i32
        %dma_start3A_276 = arith.constant 0 : i32
        %dma_start3A_277 = tpu.memref_slice %arg13[%dma_start3A_275, %dma_start3A_276] : memref<128x64xf32, #tpu.memory_space<vmem>> -> memref<125x64xf32, #tpu.memory_space<vmem>>
        %dma_start3A_278 = arith.constant 0 : i32
        %dma_start3A_279 = tpu.memref_slice %arg8[%mul3A_236, %dma_start3A_278] : memref<40x125xi32, #tpu.memory_space<vmem>> -> memref<1x125xi32, #tpu.memory_space<vmem>>
        %dma_start3A_280 = tpu.memref_squeeze %dma_start3A_279 : memref<1x125xi32, #tpu.memory_space<vmem>> -> memref<125xi32, #tpu.memory_space<vmem>>
        %dma_start3A_281 = arith.constant 0 : i32
        %dma_start3A_282 = arith.constant 0 : i32
        %dma_start3A_283 = tpu.memref_slice %arg6[%dma_start3A_281, %dma_start3A_282] : memref<10240x64xf32, #tpu.memory_space<vmem_shared>> -> memref<10240x64xf32, #tpu.memory_space<vmem_shared>>
        tpu.enqueue_indirect_dma source(%dma_start3A_277 : memref<125x64xf32, #tpu.memory_space<vmem>>) target(%dma_start3A_283 : memref<10240x64xf32, #tpu.memory_space<vmem_shared>>) offsets(%dma_start3A_280 : memref<125xi32, #tpu.memory_space<vmem>>) semaphore(%run_scoped3A : memref<!tpu.dma_semaphore, #tpu.memory_space<semaphore_mem>>) {add = true}
        %dma_wait3A_284 = arith.constant 0 : i32
        %dma_wait3A_285 = arith.constant 0 : i32
        %dma_wait3A_286 = tpu.memref_slice %arg13[%dma_wait3A_284, %dma_wait3A_285] : memref<128x64xf32, #tpu.memory_space<vmem>> -> memref<125x64xf32, #tpu.memory_space<vmem>>
        %dma_wait3A_287 = arith.constant 0 : i32
        %dma_wait3A_288 = tpu.memref_slice %arg8[%mul3A_236, %dma_wait3A_287] : memref<40x125xi32, #tpu.memory_space<vmem>> -> memref<1x125xi32, #tpu.memory_space<vmem>>
        %dma_wait3A_289 = tpu.memref_squeeze %dma_wait3A_288 : memref<1x125xi32, #tpu.memory_space<vmem>> -> memref<125xi32, #tpu.memory_space<vmem>>
        %dma_wait3A_290 = arith.constant 0 : i32
        %dma_wait3A_291 = arith.constant 0 : i32
        %dma_wait3A_292 = tpu.memref_slice %arg6[%dma_wait3A_290, %dma_wait3A_291] : memref<10240x64xf32, #tpu.memory_space<vmem_shared>> -> memref<10240x64xf32, #tpu.memory_space<vmem_shared>>
        tpu.wait_indirect_dma semaphore(%run_scoped3A : memref<!tpu.dma_semaphore, #tpu.memory_space<semaphore_mem>>) src(%dma_wait3A_286 : memref<125x64xf32, #tpu.memory_space<vmem>>) dst(%dma_wait3A_292 : memref<10240x64xf32, #tpu.memory_space<vmem_shared>>)
        tpu.yield
      }) : () -> ()
      %ne3A = arith.constant 19 : i32
      %ne3A_257 = arith.cmpi ne, %scan3A_234, %ne3A : i32
      %convert_element_type3A_258 = arith.extui %ne3A_257 : i1 to i32
      %cond3A_259 = arith.constant 0 : i32
      %cond3A_260 = arith.cmpi ne, %convert_element_type3A_258, %cond3A_259 : i32
      scf.if %cond3A_260 {
        %add3A_275 = arith.constant 2 : i32
        %add3A_276 = arith.addi %mul3A_236, %add3A_275 : i32
        %dma_start3A_277 = arith.constant 0 : i32
        %dma_start3A_278 = arith.constant 0 : i32
        %dma_start3A_279 = tpu.memref_slice %arg13[%dma_start3A_277, %dma_start3A_278] : memref<128x64xf32, #tpu.memory_space<vmem>> -> memref<125x64xf32, #tpu.memory_space<vmem>>
        %dma_start3A_280 = arith.constant 0 : i32
        %dma_start3A_281 = tpu.memref_slice %arg11[%add3A_276, %dma_start3A_280] : memref<40x125xi32, #tpu.memory_space<vmem>> -> memref<1x125xi32, #tpu.memory_space<vmem>>
        %dma_start3A_282 = tpu.memref_squeeze %dma_start3A_281 : memref<1x125xi32, #tpu.memory_space<vmem>> -> memref<125xi32, #tpu.memory_space<vmem>>
        %dma_start3A_283 = arith.constant 0 : i32
        %dma_start3A_284 = arith.constant 0 : i32
        %dma_start3A_285 = tpu.memref_slice %arg5[%dma_start3A_283, %dma_start3A_284] : memref<10240x64xf32, #tpu.memory_space<vmem_shared>> -> memref<10240x64xf32, #tpu.memory_space<vmem_shared>>
        tpu.enqueue_indirect_dma source(%dma_start3A_285 : memref<10240x64xf32, #tpu.memory_space<vmem_shared>>) target(%dma_start3A_279 : memref<125x64xf32, #tpu.memory_space<vmem>>) offsets(%dma_start3A_282 : memref<125xi32, #tpu.memory_space<vmem>>) semaphore(%arg15 : memref<!tpu.dma_semaphore, #tpu.memory_space<semaphore_mem>>)
      } else {
      }
      %eq3A_261 = arith.constant 19 : i32
      %eq3A_262 = arith.cmpi eq, %scan3A_234, %eq3A_261 : i32
      %convert_element_type3A_263 = arith.extui %eq3A_262 : i1 to i32
      %cond3A_264 = arith.constant 0 : i32
      %cond3A_265 = arith.cmpi ne, %convert_element_type3A_263, %cond3A_264 : i32
      scf.if %cond3A_265 {
        %dma_start3A_275 = arith.constant 0 : i32
        %dma_start3A_276 = arith.constant 0 : i32
        %dma_start3A_277 = arith.constant 0 : i32
        %dma_start3A_278 = tpu.memref_slice %arg13[%dma_start3A_276, %dma_start3A_277] : memref<128x64xf32, #tpu.memory_space<vmem>> -> memref<125x64xf32, #tpu.memory_space<vmem>>
        %dma_start3A_279 = arith.constant 0 : i32
        %dma_start3A_280 = tpu.memref_slice %arg12[%dma_start3A_275, %dma_start3A_279] : memref<40x125xi32, #tpu.memory_space<vmem>> -> memref<1x125xi32, #tpu.memory_space<vmem>>
        %dma_start3A_281 = tpu.memref_squeeze %dma_start3A_280 : memref<1x125xi32, #tpu.memory_space<vmem>> -> memref<125xi32, #tpu.memory_space<vmem>>
        %dma_start3A_282 = arith.constant 0 : i32
        %dma_start3A_283 = arith.constant 0 : i32
        %dma_start3A_284 = tpu.memref_slice %arg5[%dma_start3A_282, %dma_start3A_283] : memref<10240x64xf32, #tpu.memory_space<vmem_shared>> -> memref<10240x64xf32, #tpu.memory_space<vmem_shared>>
        tpu.enqueue_indirect_dma source(%dma_start3A_284 : memref<10240x64xf32, #tpu.memory_space<vmem_shared>>) target(%dma_start3A_278 : memref<125x64xf32, #tpu.memory_space<vmem>>) offsets(%dma_start3A_281 : memref<125xi32, #tpu.memory_space<vmem>>) semaphore(%arg15 : memref<!tpu.dma_semaphore, #tpu.memory_space<semaphore_mem>>)
      } else {
      }
      %dma_wait3A_266 = arith.constant 0 : i32
      %dma_wait3A_267 = arith.constant 0 : i32
      %dma_wait3A_268 = tpu.memref_slice %arg14[%dma_wait3A_266, %dma_wait3A_267] : memref<128x64xf32, #tpu.memory_space<vmem>> -> memref<125x64xf32, #tpu.memory_space<vmem>>
      %dma_wait3A_269 = arith.constant 0 : i32
      %dma_wait3A_270 = tpu.memref_slice %arg11[%add3A_238, %dma_wait3A_269] : memref<40x125xi32, #tpu.memory_space<vmem>> -> memref<1x125xi32, #tpu.memory_space<vmem>>
      %dma_wait3A_271 = tpu.memref_squeeze %dma_wait3A_270 : memref<1x125xi32, #tpu.memory_space<vmem>> -> memref<125xi32, #tpu.memory_space<vmem>>
      %dma_wait3A_272 = arith.constant 0 : i32
      %dma_wait3A_273 = arith.constant 0 : i32
      %dma_wait3A_274 = tpu.memref_slice %arg5[%dma_wait3A_272, %dma_wait3A_273] : memref<10240x64xf32, #tpu.memory_space<vmem_shared>> -> memref<10240x64xf32, #tpu.memory_space<vmem_shared>>
      tpu.wait_indirect_dma semaphore(%arg16 : memref<!tpu.dma_semaphore, #tpu.memory_space<semaphore_mem>>) src(%dma_wait3A_274 : memref<10240x64xf32, #tpu.memory_space<vmem_shared>>) dst(%dma_wait3A_268 : memref<125x64xf32, #tpu.memory_space<vmem>>)
      "tpu.region"() ({
        %run_scoped3A = tpu.sem_alloc : memref<!tpu.dma_semaphore, #tpu.memory_space<semaphore_mem>>
        %dma_start3A_275 = arith.constant 0 : i32
        %dma_start3A_276 = arith.constant 0 : i32
        %dma_start3A_277 = tpu.memref_slice %arg14[%dma_start3A_275, %dma_start3A_276] : memref<128x64xf32, #tpu.memory_space<vmem>> -> memref<125x64xf32, #tpu.memory_space<vmem>>
        %dma_start3A_278 = arith.constant 0 : i32
        %dma_start3A_279 = tpu.memref_slice %arg8[%add3A_238, %dma_start3A_278] : memref<40x125xi32, #tpu.memory_space<vmem>> -> memref<1x125xi32, #tpu.memory_space<vmem>>
        %dma_start3A_280 = tpu.memref_squeeze %dma_start3A_279 : memref<1x125xi32, #tpu.memory_space<vmem>> -> memref<125xi32, #tpu.memory_space<vmem>>
        %dma_start3A_281 = arith.constant 0 : i32
        %dma_start3A_282 = arith.constant 0 : i32
        %dma_start3A_283 = tpu.memref_slice %arg6[%dma_start3A_281, %dma_start3A_282] : memref<10240x64xf32, #tpu.memory_space<vmem_shared>> -> memref<10240x64xf32, #tpu.memory_space<vmem_shared>>
        tpu.enqueue_indirect_dma source(%dma_start3A_277 : memref<125x64xf32, #tpu.memory_space<vmem>>) target(%dma_start3A_283 : memref<10240x64xf32, #tpu.memory_space<vmem_shared>>) offsets(%dma_start3A_280 : memref<125xi32, #tpu.memory_space<vmem>>) semaphore(%run_scoped3A : memref<!tpu.dma_semaphore, #tpu.memory_space<semaphore_mem>>) {add = true}
        %dma_wait3A_284 = arith.constant 0 : i32
        %dma_wait3A_285 = arith.constant 0 : i32
        %dma_wait3A_286 = tpu.memref_slice %arg14[%dma_wait3A_284, %dma_wait3A_285] : memref<128x64xf32, #tpu.memory_space<vmem>> -> memref<125x64xf32, #tpu.memory_space<vmem>>
        %dma_wait3A_287 = arith.constant 0 : i32
        %dma_wait3A_288 = tpu.memref_slice %arg8[%add3A_238, %dma_wait3A_287] : memref<40x125xi32, #tpu.memory_space<vmem>> -> memref<1x125xi32, #tpu.memory_space<vmem>>
        %dma_wait3A_289 = tpu.memref_squeeze %dma_wait3A_288 : memref<1x125xi32, #tpu.memory_space<vmem>> -> memref<125xi32, #tpu.memory_space<vmem>>
        %dma_wait3A_290 = arith.constant 0 : i32
        %dma_wait3A_291 = arith.constant 0 : i32
        %dma_wait3A_292 = tpu.memref_slice %arg6[%dma_wait3A_290, %dma_wait3A_291] : memref<10240x64xf32, #tpu.memory_space<vmem_shared>> -> memref<10240x64xf32, #tpu.memory_space<vmem_shared>>
        tpu.wait_indirect_dma semaphore(%run_scoped3A : memref<!tpu.dma_semaphore, #tpu.memory_space<semaphore_mem>>) src(%dma_wait3A_286 : memref<125x64xf32, #tpu.memory_space<vmem>>) dst(%dma_wait3A_292 : memref<10240x64xf32, #tpu.memory_space<vmem_shared>>)
        tpu.yield
      }) : () -> ()
    }
    %scan3A_192 = arith.constant 20 : i32
    %dma_wait3A_193 = arith.constant 0 : i32
    %dma_wait3A_194 = arith.constant 120 : i32
    %dma_wait3A_195 = arith.constant 0 : i32
    %dma_wait3A_196 = tpu.memref_slice %arg3[%dma_wait3A_193, %arg1, %dma_wait3A_194, %dma_wait3A_195] : memref<2x16x160x125xi32, #tpu.memory_space<hbm>> -> memref<1x1x40x125xi32, #tpu.memory_space<hbm>>
    %dma_wait3A_197 = tpu.memref_squeeze %dma_wait3A_196 : memref<1x1x40x125xi32, #tpu.memory_space<hbm>> -> memref<40x125xi32, #tpu.memory_space<hbm>>
    %dma_wait3A_198 = arith.constant 120 : i32
    %dma_wait3A_199 = arith.constant 0 : i32
    %dma_wait3A_200 = tpu.memref_slice %arg3[%dma_wait3A_193, %arg1, %dma_wait3A_198, %dma_wait3A_199] : memref<2x16x160x125xi32, #tpu.memory_space<hbm>> -> memref<1x1x40x125xi32, #tpu.memory_space<hbm>>
    %dma_wait3A_201 = tpu.memref_squeeze %dma_wait3A_200 : memref<1x1x40x125xi32, #tpu.memory_space<hbm>> -> memref<40x125xi32, #tpu.memory_space<hbm>>
    tpu.wait_dma2 semaphore(%arg17 : memref<!tpu.dma_semaphore, #tpu.memory_space<semaphore_mem>>) src(%dma_wait3A_201 : memref<40x125xi32, #tpu.memory_space<hbm>>) dst(%arg7 : memref<40x125xi32, #tpu.memory_space<vmem>>)
    %dma_wait3A_202 = arith.constant 1 : i32
    %dma_wait3A_203 = arith.constant 120 : i32
    %dma_wait3A_204 = arith.constant 0 : i32
    %dma_wait3A_205 = tpu.memref_slice %arg3[%dma_wait3A_202, %arg1, %dma_wait3A_203, %dma_wait3A_204] : memref<2x16x160x125xi32, #tpu.memory_space<hbm>> -> memref<1x1x40x125xi32, #tpu.memory_space<hbm>>
    %dma_wait3A_206 = tpu.memref_squeeze %dma_wait3A_205 : memref<1x1x40x125xi32, #tpu.memory_space<hbm>> -> memref<40x125xi32, #tpu.memory_space<hbm>>
    %dma_wait3A_207 = arith.constant 120 : i32
    %dma_wait3A_208 = arith.constant 0 : i32
    %dma_wait3A_209 = tpu.memref_slice %arg3[%dma_wait3A_202, %arg1, %dma_wait3A_207, %dma_wait3A_208] : memref<2x16x160x125xi32, #tpu.memory_space<hbm>> -> memref<1x1x40x125xi32, #tpu.memory_space<hbm>>
    %dma_wait3A_210 = tpu.memref_squeeze %dma_wait3A_209 : memref<1x1x40x125xi32, #tpu.memory_space<hbm>> -> memref<40x125xi32, #tpu.memory_space<hbm>>
    tpu.wait_dma2 semaphore(%arg17 : memref<!tpu.dma_semaphore, #tpu.memory_space<semaphore_mem>>) src(%dma_wait3A_210 : memref<40x125xi32, #tpu.memory_space<hbm>>) dst(%arg10 : memref<40x125xi32, #tpu.memory_space<vmem>>)
    %scan3A_211 = arith.constant 0 : i32
    %scan3A_212 = arith.constant 0 : i32
    %scan3A_213 = arith.constant 20 : i32
    %scan3A_214 = arith.addi %scan3A_212, %scan3A_213 : i32
    %scan3A_215 = arith.constant 1 : i32
    scf.for %scan3A_234 = %scan3A_212 to %scan3A_214 step %scan3A_215  : i32 {
      %mul3A_235 = arith.constant 2 : i32
      %mul3A_236 = arith.muli %mul3A_235, %scan3A_234 : i32
      %add3A_237 = arith.constant 1 : i32
      %add3A_238 = arith.addi %mul3A_236, %add3A_237 : i32
      %dma_start3A_239 = arith.constant 0 : i32
      %dma_start3A_240 = arith.constant 0 : i32
      %dma_start3A_241 = tpu.memref_slice %arg14[%dma_start3A_239, %dma_start3A_240] : memref<128x64xf32, #tpu.memory_space<vmem>> -> memref<125x64xf32, #tpu.memory_space<vmem>>
      %dma_start3A_242 = arith.constant 0 : i32
      %dma_start3A_243 = tpu.memref_slice %arg12[%add3A_238, %dma_start3A_242] : memref<40x125xi32, #tpu.memory_space<vmem>> -> memref<1x125xi32, #tpu.memory_space<vmem>>
      %dma_start3A_244 = tpu.memref_squeeze %dma_start3A_243 : memref<1x125xi32, #tpu.memory_space<vmem>> -> memref<125xi32, #tpu.memory_space<vmem>>
      %dma_start3A_245 = arith.constant 0 : i32
      %dma_start3A_246 = arith.constant 0 : i32
      %dma_start3A_247 = tpu.memref_slice %arg5[%dma_start3A_245, %dma_start3A_246] : memref<10240x64xf32, #tpu.memory_space<vmem_shared>> -> memref<10240x64xf32, #tpu.memory_space<vmem_shared>>
      tpu.enqueue_indirect_dma source(%dma_start3A_247 : memref<10240x64xf32, #tpu.memory_space<vmem_shared>>) target(%dma_start3A_241 : memref<125x64xf32, #tpu.memory_space<vmem>>) offsets(%dma_start3A_244 : memref<125xi32, #tpu.memory_space<vmem>>) semaphore(%arg16 : memref<!tpu.dma_semaphore, #tpu.memory_space<semaphore_mem>>)
      %dma_wait3A_248 = arith.constant 0 : i32
      %dma_wait3A_249 = arith.constant 0 : i32
      %dma_wait3A_250 = tpu.memref_slice %arg13[%dma_wait3A_248, %dma_wait3A_249] : memref<128x64xf32, #tpu.memory_space<vmem>> -> memref<125x64xf32, #tpu.memory_space<vmem>>
      %dma_wait3A_251 = arith.constant 0 : i32
      %dma_wait3A_252 = tpu.memref_slice %arg12[%mul3A_236, %dma_wait3A_251] : memref<40x125xi32, #tpu.memory_space<vmem>> -> memref<1x125xi32, #tpu.memory_space<vmem>>
      %dma_wait3A_253 = tpu.memref_squeeze %dma_wait3A_252 : memref<1x125xi32, #tpu.memory_space<vmem>> -> memref<125xi32, #tpu.memory_space<vmem>>
      %dma_wait3A_254 = arith.constant 0 : i32
      %dma_wait3A_255 = arith.constant 0 : i32
      %dma_wait3A_256 = tpu.memref_slice %arg5[%dma_wait3A_254, %dma_wait3A_255] : memref<10240x64xf32, #tpu.memory_space<vmem_shared>> -> memref<10240x64xf32, #tpu.memory_space<vmem_shared>>
      tpu.wait_indirect_dma semaphore(%arg15 : memref<!tpu.dma_semaphore, #tpu.memory_space<semaphore_mem>>) src(%dma_wait3A_256 : memref<10240x64xf32, #tpu.memory_space<vmem_shared>>) dst(%dma_wait3A_250 : memref<125x64xf32, #tpu.memory_space<vmem>>)
      "tpu.region"() ({
        %run_scoped3A = tpu.sem_alloc : memref<!tpu.dma_semaphore, #tpu.memory_space<semaphore_mem>>
        %dma_start3A_275 = arith.constant 0 : i32
        %dma_start3A_276 = arith.constant 0 : i32
        %dma_start3A_277 = tpu.memref_slice %arg13[%dma_start3A_275, %dma_start3A_276] : memref<128x64xf32, #tpu.memory_space<vmem>> -> memref<125x64xf32, #tpu.memory_space<vmem>>
        %dma_start3A_278 = arith.constant 0 : i32
        %dma_start3A_279 = tpu.memref_slice %arg9[%mul3A_236, %dma_start3A_278] : memref<40x125xi32, #tpu.memory_space<vmem>> -> memref<1x125xi32, #tpu.memory_space<vmem>>
        %dma_start3A_280 = tpu.memref_squeeze %dma_start3A_279 : memref<1x125xi32, #tpu.memory_space<vmem>> -> memref<125xi32, #tpu.memory_space<vmem>>
        %dma_start3A_281 = arith.constant 0 : i32
        %dma_start3A_282 = arith.constant 0 : i32
        %dma_start3A_283 = tpu.memref_slice %arg6[%dma_start3A_281, %dma_start3A_282] : memref<10240x64xf32, #tpu.memory_space<vmem_shared>> -> memref<10240x64xf32, #tpu.memory_space<vmem_shared>>
        tpu.enqueue_indirect_dma source(%dma_start3A_277 : memref<125x64xf32, #tpu.memory_space<vmem>>) target(%dma_start3A_283 : memref<10240x64xf32, #tpu.memory_space<vmem_shared>>) offsets(%dma_start3A_280 : memref<125xi32, #tpu.memory_space<vmem>>) semaphore(%run_scoped3A : memref<!tpu.dma_semaphore, #tpu.memory_space<semaphore_mem>>) {add = true}
        %dma_wait3A_284 = arith.constant 0 : i32
        %dma_wait3A_285 = arith.constant 0 : i32
        %dma_wait3A_286 = tpu.memref_slice %arg13[%dma_wait3A_284, %dma_wait3A_285] : memref<128x64xf32, #tpu.memory_space<vmem>> -> memref<125x64xf32, #tpu.memory_space<vmem>>
        %dma_wait3A_287 = arith.constant 0 : i32
        %dma_wait3A_288 = tpu.memref_slice %arg9[%mul3A_236, %dma_wait3A_287] : memref<40x125xi32, #tpu.memory_space<vmem>> -> memref<1x125xi32, #tpu.memory_space<vmem>>
        %dma_wait3A_289 = tpu.memref_squeeze %dma_wait3A_288 : memref<1x125xi32, #tpu.memory_space<vmem>> -> memref<125xi32, #tpu.memory_space<vmem>>
        %dma_wait3A_290 = arith.constant 0 : i32
        %dma_wait3A_291 = arith.constant 0 : i32
        %dma_wait3A_292 = tpu.memref_slice %arg6[%dma_wait3A_290, %dma_wait3A_291] : memref<10240x64xf32, #tpu.memory_space<vmem_shared>> -> memref<10240x64xf32, #tpu.memory_space<vmem_shared>>
        tpu.wait_indirect_dma semaphore(%run_scoped3A : memref<!tpu.dma_semaphore, #tpu.memory_space<semaphore_mem>>) src(%dma_wait3A_286 : memref<125x64xf32, #tpu.memory_space<vmem>>) dst(%dma_wait3A_292 : memref<10240x64xf32, #tpu.memory_space<vmem_shared>>)
        tpu.yield
      }) : () -> ()
      %ne3A = arith.constant 19 : i32
      %ne3A_257 = arith.cmpi ne, %scan3A_234, %ne3A : i32
      %convert_element_type3A_258 = arith.extui %ne3A_257 : i1 to i32
      %cond3A_259 = arith.constant 0 : i32
      %cond3A_260 = arith.cmpi ne, %convert_element_type3A_258, %cond3A_259 : i32
      scf.if %cond3A_260 {
        %add3A_275 = arith.constant 2 : i32
        %add3A_276 = arith.addi %mul3A_236, %add3A_275 : i32
        %dma_start3A_277 = arith.constant 0 : i32
        %dma_start3A_278 = arith.constant 0 : i32
        %dma_start3A_279 = tpu.memref_slice %arg13[%dma_start3A_277, %dma_start3A_278] : memref<128x64xf32, #tpu.memory_space<vmem>> -> memref<125x64xf32, #tpu.memory_space<vmem>>
        %dma_start3A_280 = arith.constant 0 : i32
        %dma_start3A_281 = tpu.memref_slice %arg12[%add3A_276, %dma_start3A_280] : memref<40x125xi32, #tpu.memory_space<vmem>> -> memref<1x125xi32, #tpu.memory_space<vmem>>
        %dma_start3A_282 = tpu.memref_squeeze %dma_start3A_281 : memref<1x125xi32, #tpu.memory_space<vmem>> -> memref<125xi32, #tpu.memory_space<vmem>>
        %dma_start3A_283 = arith.constant 0 : i32
        %dma_start3A_284 = arith.constant 0 : i32
        %dma_start3A_285 = tpu.memref_slice %arg5[%dma_start3A_283, %dma_start3A_284] : memref<10240x64xf32, #tpu.memory_space<vmem_shared>> -> memref<10240x64xf32, #tpu.memory_space<vmem_shared>>
        tpu.enqueue_indirect_dma source(%dma_start3A_285 : memref<10240x64xf32, #tpu.memory_space<vmem_shared>>) target(%dma_start3A_279 : memref<125x64xf32, #tpu.memory_space<vmem>>) offsets(%dma_start3A_282 : memref<125xi32, #tpu.memory_space<vmem>>) semaphore(%arg15 : memref<!tpu.dma_semaphore, #tpu.memory_space<semaphore_mem>>)
      } else {
      }
      %eq3A_261 = arith.constant 19 : i32
      %eq3A_262 = arith.cmpi eq, %scan3A_234, %eq3A_261 : i32
      %convert_element_type3A_263 = arith.extui %eq3A_262 : i1 to i32
      %cond3A_264 = arith.constant 0 : i32
      %cond3A_265 = arith.cmpi ne, %convert_element_type3A_263, %cond3A_264 : i32
      scf.if %cond3A_265 {
        %dma_start3A_275 = arith.constant 0 : i32
        %dma_start3A_276 = arith.constant 0 : i32
        %dma_start3A_277 = arith.constant 0 : i32
        %dma_start3A_278 = tpu.memref_slice %arg13[%dma_start3A_276, %dma_start3A_277] : memref<128x64xf32, #tpu.memory_space<vmem>> -> memref<125x64xf32, #tpu.memory_space<vmem>>
        %dma_start3A_279 = arith.constant 0 : i32
        %dma_start3A_280 = tpu.memref_slice %arg10[%dma_start3A_275, %dma_start3A_279] : memref<40x125xi32, #tpu.memory_space<vmem>> -> memref<1x125xi32, #tpu.memory_space<vmem>>
        %dma_start3A_281 = tpu.memref_squeeze %dma_start3A_280 : memref<1x125xi32, #tpu.memory_space<vmem>> -> memref<125xi32, #tpu.memory_space<vmem>>
        %dma_start3A_282 = arith.constant 0 : i32
        %dma_start3A_283 = arith.constant 0 : i32
        %dma_start3A_284 = tpu.memref_slice %arg5[%dma_start3A_282, %dma_start3A_283] : memref<10240x64xf32, #tpu.memory_space<vmem_shared>> -> memref<10240x64xf32, #tpu.memory_space<vmem_shared>>
        tpu.enqueue_indirect_dma source(%dma_start3A_284 : memref<10240x64xf32, #tpu.memory_space<vmem_shared>>) target(%dma_start3A_278 : memref<125x64xf32, #tpu.memory_space<vmem>>) offsets(%dma_start3A_281 : memref<125xi32, #tpu.memory_space<vmem>>) semaphore(%arg15 : memref<!tpu.dma_semaphore, #tpu.memory_space<semaphore_mem>>)
      } else {
      }
      %dma_wait3A_266 = arith.constant 0 : i32
      %dma_wait3A_267 = arith.constant 0 : i32
      %dma_wait3A_268 = tpu.memref_slice %arg14[%dma_wait3A_266, %dma_wait3A_267] : memref<128x64xf32, #tpu.memory_space<vmem>> -> memref<125x64xf32, #tpu.memory_space<vmem>>
      %dma_wait3A_269 = arith.constant 0 : i32
      %dma_wait3A_270 = tpu.memref_slice %arg12[%add3A_238, %dma_wait3A_269] : memref<40x125xi32, #tpu.memory_space<vmem>> -> memref<1x125xi32, #tpu.memory_space<vmem>>
      %dma_wait3A_271 = tpu.memref_squeeze %dma_wait3A_270 : memref<1x125xi32, #tpu.memory_space<vmem>> -> memref<125xi32, #tpu.memory_space<vmem>>
      %dma_wait3A_272 = arith.constant 0 : i32
      %dma_wait3A_273 = arith.constant 0 : i32
      %dma_wait3A_274 = tpu.memref_slice %arg5[%dma_wait3A_272, %dma_wait3A_273] : memref<10240x64xf32, #tpu.memory_space<vmem_shared>> -> memref<10240x64xf32, #tpu.memory_space<vmem_shared>>
      tpu.wait_indirect_dma semaphore(%arg16 : memref<!tpu.dma_semaphore, #tpu.memory_space<semaphore_mem>>) src(%dma_wait3A_274 : memref<10240x64xf32, #tpu.memory_space<vmem_shared>>) dst(%dma_wait3A_268 : memref<125x64xf32, #tpu.memory_space<vmem>>)
      "tpu.region"() ({
        %run_scoped3A = tpu.sem_alloc : memref<!tpu.dma_semaphore, #tpu.memory_space<semaphore_mem>>
        %dma_start3A_275 = arith.constant 0 : i32
        %dma_start3A_276 = arith.constant 0 : i32
        %dma_start3A_277 = tpu.memref_slice %arg14[%dma_start3A_275, %dma_start3A_276] : memref<128x64xf32, #tpu.memory_space<vmem>> -> memref<125x64xf32, #tpu.memory_space<vmem>>
        %dma_start3A_278 = arith.constant 0 : i32
        %dma_start3A_279 = tpu.memref_slice %arg9[%add3A_238, %dma_start3A_278] : memref<40x125xi32, #tpu.memory_space<vmem>> -> memref<1x125xi32, #tpu.memory_space<vmem>>
        %dma_start3A_280 = tpu.memref_squeeze %dma_start3A_279 : memref<1x125xi32, #tpu.memory_space<vmem>> -> memref<125xi32, #tpu.memory_space<vmem>>
        %dma_start3A_281 = arith.constant 0 : i32
        %dma_start3A_282 = arith.constant 0 : i32
        %dma_start3A_283 = tpu.memref_slice %arg6[%dma_start3A_281, %dma_start3A_282] : memref<10240x64xf32, #tpu.memory_space<vmem_shared>> -> memref<10240x64xf32, #tpu.memory_space<vmem_shared>>
        tpu.enqueue_indirect_dma source(%dma_start3A_277 : memref<125x64xf32, #tpu.memory_space<vmem>>) target(%dma_start3A_283 : memref<10240x64xf32, #tpu.memory_space<vmem_shared>>) offsets(%dma_start3A_280 : memref<125xi32, #tpu.memory_space<vmem>>) semaphore(%run_scoped3A : memref<!tpu.dma_semaphore, #tpu.memory_space<semaphore_mem>>) {add = true}
        %dma_wait3A_284 = arith.constant 0 : i32
        %dma_wait3A_285 = arith.constant 0 : i32
        %dma_wait3A_286 = tpu.memref_slice %arg14[%dma_wait3A_284, %dma_wait3A_285] : memref<128x64xf32, #tpu.memory_space<vmem>> -> memref<125x64xf32, #tpu.memory_space<vmem>>
        %dma_wait3A_287 = arith.constant 0 : i32
        %dma_wait3A_288 = tpu.memref_slice %arg9[%add3A_238, %dma_wait3A_287] : memref<40x125xi32, #tpu.memory_space<vmem>> -> memref<1x125xi32, #tpu.memory_space<vmem>>
        %dma_wait3A_289 = tpu.memref_squeeze %dma_wait3A_288 : memref<1x125xi32, #tpu.memory_space<vmem>> -> memref<125xi32, #tpu.memory_space<vmem>>
        %dma_wait3A_290 = arith.constant 0 : i32
        %dma_wait3A_291 = arith.constant 0 : i32
        %dma_wait3A_292 = tpu.memref_slice %arg6[%dma_wait3A_290, %dma_wait3A_291] : memref<10240x64xf32, #tpu.memory_space<vmem_shared>> -> memref<10240x64xf32, #tpu.memory_space<vmem_shared>>
        tpu.wait_indirect_dma semaphore(%run_scoped3A : memref<!tpu.dma_semaphore, #tpu.memory_space<semaphore_mem>>) src(%dma_wait3A_286 : memref<125x64xf32, #tpu.memory_space<vmem>>) dst(%dma_wait3A_292 : memref<10240x64xf32, #tpu.memory_space<vmem_shared>>)
        tpu.yield
      }) : () -> ()
    }
    %scan3A_216 = arith.constant 20 : i32
    %scan3A_217 = arith.constant 0 : i32
    %scan3A_218 = arith.constant 0 : i32
    %scan3A_219 = arith.constant 20 : i32
    %scan3A_220 = arith.addi %scan3A_218, %scan3A_219 : i32
    %scan3A_221 = arith.constant 1 : i32
    scf.for %scan3A_234 = %scan3A_218 to %scan3A_220 step %scan3A_221  : i32 {
      %mul3A_235 = arith.constant 2 : i32
      %mul3A_236 = arith.muli %mul3A_235, %scan3A_234 : i32
      %add3A_237 = arith.constant 1 : i32
      %add3A_238 = arith.addi %mul3A_236, %add3A_237 : i32
      %dma_start3A_239 = arith.constant 0 : i32
      %dma_start3A_240 = arith.constant 0 : i32
      %dma_start3A_241 = tpu.memref_slice %arg14[%dma_start3A_239, %dma_start3A_240] : memref<128x64xf32, #tpu.memory_space<vmem>> -> memref<125x64xf32, #tpu.memory_space<vmem>>
      %dma_start3A_242 = arith.constant 0 : i32
      %dma_start3A_243 = tpu.memref_slice %arg10[%add3A_238, %dma_start3A_242] : memref<40x125xi32, #tpu.memory_space<vmem>> -> memref<1x125xi32, #tpu.memory_space<vmem>>
      %dma_start3A_244 = tpu.memref_squeeze %dma_start3A_243 : memref<1x125xi32, #tpu.memory_space<vmem>> -> memref<125xi32, #tpu.memory_space<vmem>>
      %dma_start3A_245 = arith.constant 0 : i32
      %dma_start3A_246 = arith.constant 0 : i32
      %dma_start3A_247 = tpu.memref_slice %arg5[%dma_start3A_245, %dma_start3A_246] : memref<10240x64xf32, #tpu.memory_space<vmem_shared>> -> memref<10240x64xf32, #tpu.memory_space<vmem_shared>>
      tpu.enqueue_indirect_dma source(%dma_start3A_247 : memref<10240x64xf32, #tpu.memory_space<vmem_shared>>) target(%dma_start3A_241 : memref<125x64xf32, #tpu.memory_space<vmem>>) offsets(%dma_start3A_244 : memref<125xi32, #tpu.memory_space<vmem>>) semaphore(%arg16 : memref<!tpu.dma_semaphore, #tpu.memory_space<semaphore_mem>>)
      %dma_wait3A_248 = arith.constant 0 : i32
      %dma_wait3A_249 = arith.constant 0 : i32
      %dma_wait3A_250 = tpu.memref_slice %arg13[%dma_wait3A_248, %dma_wait3A_249] : memref<128x64xf32, #tpu.memory_space<vmem>> -> memref<125x64xf32, #tpu.memory_space<vmem>>
      %dma_wait3A_251 = arith.constant 0 : i32
      %dma_wait3A_252 = tpu.memref_slice %arg10[%mul3A_236, %dma_wait3A_251] : memref<40x125xi32, #tpu.memory_space<vmem>> -> memref<1x125xi32, #tpu.memory_space<vmem>>
      %dma_wait3A_253 = tpu.memref_squeeze %dma_wait3A_252 : memref<1x125xi32, #tpu.memory_space<vmem>> -> memref<125xi32, #tpu.memory_space<vmem>>
      %dma_wait3A_254 = arith.constant 0 : i32
      %dma_wait3A_255 = arith.constant 0 : i32
      %dma_wait3A_256 = tpu.memref_slice %arg5[%dma_wait3A_254, %dma_wait3A_255] : memref<10240x64xf32, #tpu.memory_space<vmem_shared>> -> memref<10240x64xf32, #tpu.memory_space<vmem_shared>>
      tpu.wait_indirect_dma semaphore(%arg15 : memref<!tpu.dma_semaphore, #tpu.memory_space<semaphore_mem>>) src(%dma_wait3A_256 : memref<10240x64xf32, #tpu.memory_space<vmem_shared>>) dst(%dma_wait3A_250 : memref<125x64xf32, #tpu.memory_space<vmem>>)
      "tpu.region"() ({
        %run_scoped3A = tpu.sem_alloc : memref<!tpu.dma_semaphore, #tpu.memory_space<semaphore_mem>>
        %dma_start3A_270 = arith.constant 0 : i32
        %dma_start3A_271 = arith.constant 0 : i32
        %dma_start3A_272 = tpu.memref_slice %arg13[%dma_start3A_270, %dma_start3A_271] : memref<128x64xf32, #tpu.memory_space<vmem>> -> memref<125x64xf32, #tpu.memory_space<vmem>>
        %dma_start3A_273 = arith.constant 0 : i32
        %dma_start3A_274 = tpu.memref_slice %arg7[%mul3A_236, %dma_start3A_273] : memref<40x125xi32, #tpu.memory_space<vmem>> -> memref<1x125xi32, #tpu.memory_space<vmem>>
        %dma_start3A_275 = tpu.memref_squeeze %dma_start3A_274 : memref<1x125xi32, #tpu.memory_space<vmem>> -> memref<125xi32, #tpu.memory_space<vmem>>
        %dma_start3A_276 = arith.constant 0 : i32
        %dma_start3A_277 = arith.constant 0 : i32
        %dma_start3A_278 = tpu.memref_slice %arg6[%dma_start3A_276, %dma_start3A_277] : memref<10240x64xf32, #tpu.memory_space<vmem_shared>> -> memref<10240x64xf32, #tpu.memory_space<vmem_shared>>
        tpu.enqueue_indirect_dma source(%dma_start3A_272 : memref<125x64xf32, #tpu.memory_space<vmem>>) target(%dma_start3A_278 : memref<10240x64xf32, #tpu.memory_space<vmem_shared>>) offsets(%dma_start3A_275 : memref<125xi32, #tpu.memory_space<vmem>>) semaphore(%run_scoped3A : memref<!tpu.dma_semaphore, #tpu.memory_space<semaphore_mem>>) {add = true}
        %dma_wait3A_279 = arith.constant 0 : i32
        %dma_wait3A_280 = arith.constant 0 : i32
        %dma_wait3A_281 = tpu.memref_slice %arg13[%dma_wait3A_279, %dma_wait3A_280] : memref<128x64xf32, #tpu.memory_space<vmem>> -> memref<125x64xf32, #tpu.memory_space<vmem>>
        %dma_wait3A_282 = arith.constant 0 : i32
        %dma_wait3A_283 = tpu.memref_slice %arg7[%mul3A_236, %dma_wait3A_282] : memref<40x125xi32, #tpu.memory_space<vmem>> -> memref<1x125xi32, #tpu.memory_space<vmem>>
        %dma_wait3A_284 = tpu.memref_squeeze %dma_wait3A_283 : memref<1x125xi32, #tpu.memory_space<vmem>> -> memref<125xi32, #tpu.memory_space<vmem>>
        %dma_wait3A_285 = arith.constant 0 : i32
        %dma_wait3A_286 = arith.constant 0 : i32
        %dma_wait3A_287 = tpu.memref_slice %arg6[%dma_wait3A_285, %dma_wait3A_286] : memref<10240x64xf32, #tpu.memory_space<vmem_shared>> -> memref<10240x64xf32, #tpu.memory_space<vmem_shared>>
        tpu.wait_indirect_dma semaphore(%run_scoped3A : memref<!tpu.dma_semaphore, #tpu.memory_space<semaphore_mem>>) src(%dma_wait3A_281 : memref<125x64xf32, #tpu.memory_space<vmem>>) dst(%dma_wait3A_287 : memref<10240x64xf32, #tpu.memory_space<vmem_shared>>)
        tpu.yield
      }) : () -> ()
      %ne3A = arith.constant 19 : i32
      %ne3A_257 = arith.cmpi ne, %scan3A_234, %ne3A : i32
      %convert_element_type3A_258 = arith.extui %ne3A_257 : i1 to i32
      %cond3A_259 = arith.constant 0 : i32
      %cond3A_260 = arith.cmpi ne, %convert_element_type3A_258, %cond3A_259 : i32
      scf.if %cond3A_260 {
        %add3A_270 = arith.constant 2 : i32
        %add3A_271 = arith.addi %mul3A_236, %add3A_270 : i32
        %dma_start3A_272 = arith.constant 0 : i32
        %dma_start3A_273 = arith.constant 0 : i32
        %dma_start3A_274 = tpu.memref_slice %arg13[%dma_start3A_272, %dma_start3A_273] : memref<128x64xf32, #tpu.memory_space<vmem>> -> memref<125x64xf32, #tpu.memory_space<vmem>>
        %dma_start3A_275 = arith.constant 0 : i32
        %dma_start3A_276 = tpu.memref_slice %arg10[%add3A_271, %dma_start3A_275] : memref<40x125xi32, #tpu.memory_space<vmem>> -> memref<1x125xi32, #tpu.memory_space<vmem>>
        %dma_start3A_277 = tpu.memref_squeeze %dma_start3A_276 : memref<1x125xi32, #tpu.memory_space<vmem>> -> memref<125xi32, #tpu.memory_space<vmem>>
        %dma_start3A_278 = arith.constant 0 : i32
        %dma_start3A_279 = arith.constant 0 : i32
        %dma_start3A_280 = tpu.memref_slice %arg5[%dma_start3A_278, %dma_start3A_279] : memref<10240x64xf32, #tpu.memory_space<vmem_shared>> -> memref<10240x64xf32, #tpu.memory_space<vmem_shared>>
        tpu.enqueue_indirect_dma source(%dma_start3A_280 : memref<10240x64xf32, #tpu.memory_space<vmem_shared>>) target(%dma_start3A_274 : memref<125x64xf32, #tpu.memory_space<vmem>>) offsets(%dma_start3A_277 : memref<125xi32, #tpu.memory_space<vmem>>) semaphore(%arg15 : memref<!tpu.dma_semaphore, #tpu.memory_space<semaphore_mem>>)
      } else {
      }
      %dma_wait3A_261 = arith.constant 0 : i32
      %dma_wait3A_262 = arith.constant 0 : i32
      %dma_wait3A_263 = tpu.memref_slice %arg14[%dma_wait3A_261, %dma_wait3A_262] : memref<128x64xf32, #tpu.memory_space<vmem>> -> memref<125x64xf32, #tpu.memory_space<vmem>>
      %dma_wait3A_264 = arith.constant 0 : i32
      %dma_wait3A_265 = tpu.memref_slice %arg10[%add3A_238, %dma_wait3A_264] : memref<40x125xi32, #tpu.memory_space<vmem>> -> memref<1x125xi32, #tpu.memory_space<vmem>>
      %dma_wait3A_266 = tpu.memref_squeeze %dma_wait3A_265 : memref<1x125xi32, #tpu.memory_space<vmem>> -> memref<125xi32, #tpu.memory_space<vmem>>
      %dma_wait3A_267 = arith.constant 0 : i32
      %dma_wait3A_268 = arith.constant 0 : i32
      %dma_wait3A_269 = tpu.memref_slice %arg5[%dma_wait3A_267, %dma_wait3A_268] : memref<10240x64xf32, #tpu.memory_space<vmem_shared>> -> memref<10240x64xf32, #tpu.memory_space<vmem_shared>>
      tpu.wait_indirect_dma semaphore(%arg16 : memref<!tpu.dma_semaphore, #tpu.memory_space<semaphore_mem>>) src(%dma_wait3A_269 : memref<10240x64xf32, #tpu.memory_space<vmem_shared>>) dst(%dma_wait3A_263 : memref<125x64xf32, #tpu.memory_space<vmem>>)
      "tpu.region"() ({
        %run_scoped3A = tpu.sem_alloc : memref<!tpu.dma_semaphore, #tpu.memory_space<semaphore_mem>>
        %dma_start3A_270 = arith.constant 0 : i32
        %dma_start3A_271 = arith.constant 0 : i32
        %dma_start3A_272 = tpu.memref_slice %arg14[%dma_start3A_270, %dma_start3A_271] : memref<128x64xf32, #tpu.memory_space<vmem>> -> memref<125x64xf32, #tpu.memory_space<vmem>>
        %dma_start3A_273 = arith.constant 0 : i32
        %dma_start3A_274 = tpu.memref_slice %arg7[%add3A_238, %dma_start3A_273] : memref<40x125xi32, #tpu.memory_space<vmem>> -> memref<1x125xi32, #tpu.memory_space<vmem>>
        %dma_start3A_275 = tpu.memref_squeeze %dma_start3A_274 : memref<1x125xi32, #tpu.memory_space<vmem>> -> memref<125xi32, #tpu.memory_space<vmem>>
        %dma_start3A_276 = arith.constant 0 : i32
        %dma_start3A_277 = arith.constant 0 : i32
        %dma_start3A_278 = tpu.memref_slice %arg6[%dma_start3A_276, %dma_start3A_277] : memref<10240x64xf32, #tpu.memory_space<vmem_shared>> -> memref<10240x64xf32, #tpu.memory_space<vmem_shared>>
        tpu.enqueue_indirect_dma source(%dma_start3A_272 : memref<125x64xf32, #tpu.memory_space<vmem>>) target(%dma_start3A_278 : memref<10240x64xf32, #tpu.memory_space<vmem_shared>>) offsets(%dma_start3A_275 : memref<125xi32, #tpu.memory_space<vmem>>) semaphore(%run_scoped3A : memref<!tpu.dma_semaphore, #tpu.memory_space<semaphore_mem>>) {add = true}
        %dma_wait3A_279 = arith.constant 0 : i32
        %dma_wait3A_280 = arith.constant 0 : i32
        %dma_wait3A_281 = tpu.memref_slice %arg14[%dma_wait3A_279, %dma_wait3A_280] : memref<128x64xf32, #tpu.memory_space<vmem>> -> memref<125x64xf32, #tpu.memory_space<vmem>>
        %dma_wait3A_282 = arith.constant 0 : i32
        %dma_wait3A_283 = tpu.memref_slice %arg7[%add3A_238, %dma_wait3A_282] : memref<40x125xi32, #tpu.memory_space<vmem>> -> memref<1x125xi32, #tpu.memory_space<vmem>>
        %dma_wait3A_284 = tpu.memref_squeeze %dma_wait3A_283 : memref<1x125xi32, #tpu.memory_space<vmem>> -> memref<125xi32, #tpu.memory_space<vmem>>
        %dma_wait3A_285 = arith.constant 0 : i32
        %dma_wait3A_286 = arith.constant 0 : i32
        %dma_wait3A_287 = tpu.memref_slice %arg6[%dma_wait3A_285, %dma_wait3A_286] : memref<10240x64xf32, #tpu.memory_space<vmem_shared>> -> memref<10240x64xf32, #tpu.memory_space<vmem_shared>>
        tpu.wait_indirect_dma semaphore(%run_scoped3A : memref<!tpu.dma_semaphore, #tpu.memory_space<semaphore_mem>>) src(%dma_wait3A_281 : memref<125x64xf32, #tpu.memory_space<vmem>>) dst(%dma_wait3A_287 : memref<10240x64xf32, #tpu.memory_space<vmem_shared>>)
        tpu.yield
      }) : () -> ()
    }
    %scan3A_222 = arith.constant 20 : i32
    %barrier3A_223 = arith.constant 0 : index
    tpu.barrier barrier_id(%barrier3A_223)
    %add3A_224 = arith.constant 0 : i32
    %add3A_225 = arith.addi %mul3A_0, %add3A_224 : i32
    "tpu.region"() ({
      %run_scoped3A = tpu.sem_alloc : memref<!tpu.dma_semaphore, #tpu.memory_space<semaphore_mem>>
      %dma_start3A_234 = arith.constant 0 : i32
      %dma_start3A_235 = tpu.memref_slice %arg6[%add3A_225, %dma_start3A_234] : memref<10240x64xf32, #tpu.memory_space<vmem_shared>> -> memref<128x64xf32, #tpu.memory_space<vmem_shared>>
      %dma_start3A_236 = arith.constant 0 : i32
      %dma_start3A_237 = tpu.memref_slice %arg6[%add3A_225, %dma_start3A_236] : memref<10240x64xf32, #tpu.memory_space<vmem_shared>> -> memref<128x64xf32, #tpu.memory_space<vmem_shared>>
      tpu.enqueue_dma source(%dma_start3A_237 : memref<128x64xf32, #tpu.memory_space<vmem_shared>>) target(%arg13 : memref<128x64xf32, #tpu.memory_space<vmem>>) target_semaphore(%run_scoped3A : memref<!tpu.dma_semaphore, #tpu.memory_space<semaphore_mem>>)
      %dma_wait3A_238 = arith.constant 0 : i32
      %dma_wait3A_239 = tpu.memref_slice %arg6[%add3A_225, %dma_wait3A_238] : memref<10240x64xf32, #tpu.memory_space<vmem_shared>> -> memref<128x64xf32, #tpu.memory_space<vmem_shared>>
      %dma_wait3A_240 = arith.constant 0 : i32
      %dma_wait3A_241 = tpu.memref_slice %arg6[%add3A_225, %dma_wait3A_240] : memref<10240x64xf32, #tpu.memory_space<vmem_shared>> -> memref<128x64xf32, #tpu.memory_space<vmem_shared>>
      tpu.wait_dma2 semaphore(%run_scoped3A : memref<!tpu.dma_semaphore, #tpu.memory_space<semaphore_mem>>) src(%dma_wait3A_241 : memref<128x64xf32, #tpu.memory_space<vmem_shared>>) dst(%arg13 : memref<128x64xf32, #tpu.memory_space<vmem>>)
      tpu.yield
    }) : () -> ()
    "tpu.region"() ({
      %run_scoped3A = tpu.sem_alloc : memref<!tpu.dma_semaphore, #tpu.memory_space<semaphore_mem>>
      %dma_start3A_234 = tpu.memref_slice %arg4[%add3A_225, %mul3A_2] : memref<10240x128xf32, #tpu.memory_space<hbm>> -> memref<128x64xf32, #tpu.memory_space<hbm>>
      %dma_start3A_235 = tpu.memref_slice %arg4[%add3A_225, %mul3A_2] : memref<10240x128xf32, #tpu.memory_space<hbm>> -> memref<128x64xf32, #tpu.memory_space<hbm>>
      tpu.enqueue_dma source(%arg13 : memref<128x64xf32, #tpu.memory_space<vmem>>) target(%dma_start3A_235 : memref<128x64xf32, #tpu.memory_space<hbm>>) target_semaphore(%run_scoped3A : memref<!tpu.dma_semaphore, #tpu.memory_space<semaphore_mem>>)
      %dma_wait3A_236 = tpu.memref_slice %arg4[%add3A_225, %mul3A_2] : memref<10240x128xf32, #tpu.memory_space<hbm>> -> memref<128x64xf32, #tpu.memory_space<hbm>>
      %dma_wait3A_237 = tpu.memref_slice %arg4[%add3A_225, %mul3A_2] : memref<10240x128xf32, #tpu.memory_space<hbm>> -> memref<128x64xf32, #tpu.memory_space<hbm>>
      tpu.wait_dma2 semaphore(%run_scoped3A : memref<!tpu.dma_semaphore, #tpu.memory_space<semaphore_mem>>) src(%arg13 : memref<128x64xf32, #tpu.memory_space<vmem>>) dst(%dma_wait3A_237 : memref<128x64xf32, #tpu.memory_space<hbm>>)
      tpu.yield
    }) : () -> ()
    %add3A_226 = arith.constant 128 : i32
    %add3A_227 = arith.addi %mul3A_0, %add3A_226 : i32
    "tpu.region"() ({
      %run_scoped3A = tpu.sem_alloc : memref<!tpu.dma_semaphore, #tpu.memory_space<semaphore_mem>>
      %dma_start3A_234 = arith.constant 0 : i32
      %dma_start3A_235 = tpu.memref_slice %arg6[%add3A_227, %dma_start3A_234] : memref<10240x64xf32, #tpu.memory_space<vmem_shared>> -> memref<128x64xf32, #tpu.memory_space<vmem_shared>>
      %dma_start3A_236 = arith.constant 0 : i32
      %dma_start3A_237 = tpu.memref_slice %arg6[%add3A_227, %dma_start3A_236] : memref<10240x64xf32, #tpu.memory_space<vmem_shared>> -> memref<128x64xf32, #tpu.memory_space<vmem_shared>>
      tpu.enqueue_dma source(%dma_start3A_237 : memref<128x64xf32, #tpu.memory_space<vmem_shared>>) target(%arg13 : memref<128x64xf32, #tpu.memory_space<vmem>>) target_semaphore(%run_scoped3A : memref<!tpu.dma_semaphore, #tpu.memory_space<semaphore_mem>>)
      %dma_wait3A_238 = arith.constant 0 : i32
      %dma_wait3A_239 = tpu.memref_slice %arg6[%add3A_227, %dma_wait3A_238] : memref<10240x64xf32, #tpu.memory_space<vmem_shared>> -> memref<128x64xf32, #tpu.memory_space<vmem_shared>>
      %dma_wait3A_240 = arith.constant 0 : i32
      %dma_wait3A_241 = tpu.memref_slice %arg6[%add3A_227, %dma_wait3A_240] : memref<10240x64xf32, #tpu.memory_space<vmem_shared>> -> memref<128x64xf32, #tpu.memory_space<vmem_shared>>
      tpu.wait_dma2 semaphore(%run_scoped3A : memref<!tpu.dma_semaphore, #tpu.memory_space<semaphore_mem>>) src(%dma_wait3A_241 : memref<128x64xf32, #tpu.memory_space<vmem_shared>>) dst(%arg13 : memref<128x64xf32, #tpu.memory_space<vmem>>)
      tpu.yield
    }) : () -> ()
    "tpu.region"() ({
      %run_scoped3A = tpu.sem_alloc : memref<!tpu.dma_semaphore, #tpu.memory_space<semaphore_mem>>
      %dma_start3A_234 = tpu.memref_slice %arg4[%add3A_227, %mul3A_2] : memref<10240x128xf32, #tpu.memory_space<hbm>> -> memref<128x64xf32, #tpu.memory_space<hbm>>
      %dma_start3A_235 = tpu.memref_slice %arg4[%add3A_227, %mul3A_2] : memref<10240x128xf32, #tpu.memory_space<hbm>> -> memref<128x64xf32, #tpu.memory_space<hbm>>
      tpu.enqueue_dma source(%arg13 : memref<128x64xf32, #tpu.memory_space<vmem>>) target(%dma_start3A_235 : memref<128x64xf32, #tpu.memory_space<hbm>>) target_semaphore(%run_scoped3A : memref<!tpu.dma_semaphore, #tpu.memory_space<semaphore_mem>>)
      %dma_wait3A_236 = tpu.memref_slice %arg4[%add3A_227, %mul3A_2] : memref<10240x128xf32, #tpu.memory_space<hbm>> -> memref<128x64xf32, #tpu.memory_space<hbm>>
      %dma_wait3A_237 = tpu.memref_slice %arg4[%add3A_227, %mul3A_2] : memref<10240x128xf32, #tpu.memory_space<hbm>> -> memref<128x64xf32, #tpu.memory_space<hbm>>
      tpu.wait_dma2 semaphore(%run_scoped3A : memref<!tpu.dma_semaphore, #tpu.memory_space<semaphore_mem>>) src(%arg13 : memref<128x64xf32, #tpu.memory_space<vmem>>) dst(%dma_wait3A_237 : memref<128x64xf32, #tpu.memory_space<hbm>>)
      tpu.yield
    }) : () -> ()
    %add3A_228 = arith.constant 256 : i32
    %add3A_229 = arith.addi %mul3A_0, %add3A_228 : i32
    "tpu.region"() ({
      %run_scoped3A = tpu.sem_alloc : memref<!tpu.dma_semaphore, #tpu.memory_space<semaphore_mem>>
      %dma_start3A_234 = arith.constant 0 : i32
      %dma_start3A_235 = tpu.memref_slice %arg6[%add3A_229, %dma_start3A_234] : memref<10240x64xf32, #tpu.memory_space<vmem_shared>> -> memref<128x64xf32, #tpu.memory_space<vmem_shared>>
      %dma_start3A_236 = arith.constant 0 : i32
      %dma_start3A_237 = tpu.memref_slice %arg6[%add3A_229, %dma_start3A_236] : memref<10240x64xf32, #tpu.memory_space<vmem_shared>> -> memref<128x64xf32, #tpu.memory_space<vmem_shared>>
      tpu.enqueue_dma source(%dma_start3A_237 : memref<128x64xf32, #tpu.memory_space<vmem_shared>>) target(%arg13 : memref<128x64xf32, #tpu.memory_space<vmem>>) target_semaphore(%run_scoped3A : memref<!tpu.dma_semaphore, #tpu.memory_space<semaphore_mem>>)
      %dma_wait3A_238 = arith.constant 0 : i32
      %dma_wait3A_239 = tpu.memref_slice %arg6[%add3A_229, %dma_wait3A_238] : memref<10240x64xf32, #tpu.memory_space<vmem_shared>> -> memref<128x64xf32, #tpu.memory_space<vmem_shared>>
      %dma_wait3A_240 = arith.constant 0 : i32
      %dma_wait3A_241 = tpu.memref_slice %arg6[%add3A_229, %dma_wait3A_240] : memref<10240x64xf32, #tpu.memory_space<vmem_shared>> -> memref<128x64xf32, #tpu.memory_space<vmem_shared>>
      tpu.wait_dma2 semaphore(%run_scoped3A : memref<!tpu.dma_semaphore, #tpu.memory_space<semaphore_mem>>) src(%dma_wait3A_241 : memref<128x64xf32, #tpu.memory_space<vmem_shared>>) dst(%arg13 : memref<128x64xf32, #tpu.memory_space<vmem>>)
      tpu.yield
    }) : () -> ()
    "tpu.region"() ({
      %run_scoped3A = tpu.sem_alloc : memref<!tpu.dma_semaphore, #tpu.memory_space<semaphore_mem>>
      %dma_start3A_234 = tpu.memref_slice %arg4[%add3A_229, %mul3A_2] : memref<10240x128xf32, #tpu.memory_space<hbm>> -> memref<128x64xf32, #tpu.memory_space<hbm>>
      %dma_start3A_235 = tpu.memref_slice %arg4[%add3A_229, %mul3A_2] : memref<10240x128xf32, #tpu.memory_space<hbm>> -> memref<128x64xf32, #tpu.memory_space<hbm>>
      tpu.enqueue_dma source(%arg13 : memref<128x64xf32, #tpu.memory_space<vmem>>) target(%dma_start3A_235 : memref<128x64xf32, #tpu.memory_space<hbm>>) target_semaphore(%run_scoped3A : memref<!tpu.dma_semaphore, #tpu.memory_space<semaphore_mem>>)
      %dma_wait3A_236 = tpu.memref_slice %arg4[%add3A_229, %mul3A_2] : memref<10240x128xf32, #tpu.memory_space<hbm>> -> memref<128x64xf32, #tpu.memory_space<hbm>>
      %dma_wait3A_237 = tpu.memref_slice %arg4[%add3A_229, %mul3A_2] : memref<10240x128xf32, #tpu.memory_space<hbm>> -> memref<128x64xf32, #tpu.memory_space<hbm>>
      tpu.wait_dma2 semaphore(%run_scoped3A : memref<!tpu.dma_semaphore, #tpu.memory_space<semaphore_mem>>) src(%arg13 : memref<128x64xf32, #tpu.memory_space<vmem>>) dst(%dma_wait3A_237 : memref<128x64xf32, #tpu.memory_space<hbm>>)
      tpu.yield
    }) : () -> ()
    %add3A_230 = arith.constant 384 : i32
    %add3A_231 = arith.addi %mul3A_0, %add3A_230 : i32
    "tpu.region"() ({
      %run_scoped3A = tpu.sem_alloc : memref<!tpu.dma_semaphore, #tpu.memory_space<semaphore_mem>>
      %dma_start3A_234 = arith.constant 0 : i32
      %dma_start3A_235 = tpu.memref_slice %arg6[%add3A_231, %dma_start3A_234] : memref<10240x64xf32, #tpu.memory_space<vmem_shared>> -> memref<128x64xf32, #tpu.memory_space<vmem_shared>>
      %dma_start3A_236 = arith.constant 0 : i32
      %dma_start3A_237 = tpu.memref_slice %arg6[%add3A_231, %dma_start3A_236] : memref<10240x64xf32, #tpu.memory_space<vmem_shared>> -> memref<128x64xf32, #tpu.memory_space<vmem_shared>>
      tpu.enqueue_dma source(%dma_start3A_237 : memref<128x64xf32, #tpu.memory_space<vmem_shared>>) target(%arg13 : memref<128x64xf32, #tpu.memory_space<vmem>>) target_semaphore(%run_scoped3A : memref<!tpu.dma_semaphore, #tpu.memory_space<semaphore_mem>>)
      %dma_wait3A_238 = arith.constant 0 : i32
      %dma_wait3A_239 = tpu.memref_slice %arg6[%add3A_231, %dma_wait3A_238] : memref<10240x64xf32, #tpu.memory_space<vmem_shared>> -> memref<128x64xf32, #tpu.memory_space<vmem_shared>>
      %dma_wait3A_240 = arith.constant 0 : i32
      %dma_wait3A_241 = tpu.memref_slice %arg6[%add3A_231, %dma_wait3A_240] : memref<10240x64xf32, #tpu.memory_space<vmem_shared>> -> memref<128x64xf32, #tpu.memory_space<vmem_shared>>
      tpu.wait_dma2 semaphore(%run_scoped3A : memref<!tpu.dma_semaphore, #tpu.memory_space<semaphore_mem>>) src(%dma_wait3A_241 : memref<128x64xf32, #tpu.memory_space<vmem_shared>>) dst(%arg13 : memref<128x64xf32, #tpu.memory_space<vmem>>)
      tpu.yield
    }) : () -> ()
    "tpu.region"() ({
      %run_scoped3A = tpu.sem_alloc : memref<!tpu.dma_semaphore, #tpu.memory_space<semaphore_mem>>
      %dma_start3A_234 = tpu.memref_slice %arg4[%add3A_231, %mul3A_2] : memref<10240x128xf32, #tpu.memory_space<hbm>> -> memref<128x64xf32, #tpu.memory_space<hbm>>
      %dma_start3A_235 = tpu.memref_slice %arg4[%add3A_231, %mul3A_2] : memref<10240x128xf32, #tpu.memory_space<hbm>> -> memref<128x64xf32, #tpu.memory_space<hbm>>
      tpu.enqueue_dma source(%arg13 : memref<128x64xf32, #tpu.memory_space<vmem>>) target(%dma_start3A_235 : memref<128x64xf32, #tpu.memory_space<hbm>>) target_semaphore(%run_scoped3A : memref<!tpu.dma_semaphore, #tpu.memory_space<semaphore_mem>>)
      %dma_wait3A_236 = tpu.memref_slice %arg4[%add3A_231, %mul3A_2] : memref<10240x128xf32, #tpu.memory_space<hbm>> -> memref<128x64xf32, #tpu.memory_space<hbm>>
      %dma_wait3A_237 = tpu.memref_slice %arg4[%add3A_231, %mul3A_2] : memref<10240x128xf32, #tpu.memory_space<hbm>> -> memref<128x64xf32, #tpu.memory_space<hbm>>
      tpu.wait_dma2 semaphore(%run_scoped3A : memref<!tpu.dma_semaphore, #tpu.memory_space<semaphore_mem>>) src(%arg13 : memref<128x64xf32, #tpu.memory_space<vmem>>) dst(%dma_wait3A_237 : memref<128x64xf32, #tpu.memory_space<hbm>>)
      tpu.yield
    }) : () -> ()
    %add3A_232 = arith.constant 512 : i32
    %add3A_233 = arith.addi %mul3A_0, %add3A_232 : i32
    "tpu.region"() ({
      %run_scoped3A = tpu.sem_alloc : memref<!tpu.dma_semaphore, #tpu.memory_space<semaphore_mem>>
      %dma_start3A_234 = arith.constant 0 : i32
      %dma_start3A_235 = tpu.memref_slice %arg6[%add3A_233, %dma_start3A_234] : memref<10240x64xf32, #tpu.memory_space<vmem_shared>> -> memref<128x64xf32, #tpu.memory_space<vmem_shared>>
      %dma_start3A_236 = arith.constant 0 : i32
      %dma_start3A_237 = tpu.memref_slice %arg6[%add3A_233, %dma_start3A_236] : memref<10240x64xf32, #tpu.memory_space<vmem_shared>> -> memref<128x64xf32, #tpu.memory_space<vmem_shared>>
      tpu.enqueue_dma source(%dma_start3A_237 : memref<128x64xf32, #tpu.memory_space<vmem_shared>>) target(%arg13 : memref<128x64xf32, #tpu.memory_space<vmem>>) target_semaphore(%run_scoped3A : memref<!tpu.dma_semaphore, #tpu.memory_space<semaphore_mem>>)
      %dma_wait3A_238 = arith.constant 0 : i32
      %dma_wait3A_239 = tpu.memref_slice %arg6[%add3A_233, %dma_wait3A_238] : memref<10240x64xf32, #tpu.memory_space<vmem_shared>> -> memref<128x64xf32, #tpu.memory_space<vmem_shared>>
      %dma_wait3A_240 = arith.constant 0 : i32
      %dma_wait3A_241 = tpu.memref_slice %arg6[%add3A_233, %dma_wait3A_240] : memref<10240x64xf32, #tpu.memory_space<vmem_shared>> -> memref<128x64xf32, #tpu.memory_space<vmem_shared>>
      tpu.wait_dma2 semaphore(%run_scoped3A : memref<!tpu.dma_semaphore, #tpu.memory_space<semaphore_mem>>) src(%dma_wait3A_241 : memref<128x64xf32, #tpu.memory_space<vmem_shared>>) dst(%arg13 : memref<128x64xf32, #tpu.memory_space<vmem>>)
      tpu.yield
    }) : () -> ()
    "tpu.region"() ({
      %run_scoped3A = tpu.sem_alloc : memref<!tpu.dma_semaphore, #tpu.memory_space<semaphore_mem>>
      %dma_start3A_234 = tpu.memref_slice %arg4[%add3A_233, %mul3A_2] : memref<10240x128xf32, #tpu.memory_space<hbm>> -> memref<128x64xf32, #tpu.memory_space<hbm>>
      %dma_start3A_235 = tpu.memref_slice %arg4[%add3A_233, %mul3A_2] : memref<10240x128xf32, #tpu.memory_space<hbm>> -> memref<128x64xf32, #tpu.memory_space<hbm>>
      tpu.enqueue_dma source(%arg13 : memref<128x64xf32, #tpu.memory_space<vmem>>) target(%dma_start3A_235 : memref<128x64xf32, #tpu.memory_space<hbm>>) target_semaphore(%run_scoped3A : memref<!tpu.dma_semaphore, #tpu.memory_space<semaphore_mem>>)
      %dma_wait3A_236 = tpu.memref_slice %arg4[%add3A_233, %mul3A_2] : memref<10240x128xf32, #tpu.memory_space<hbm>> -> memref<128x64xf32, #tpu.memory_space<hbm>>
      %dma_wait3A_237 = tpu.memref_slice %arg4[%add3A_233, %mul3A_2] : memref<10240x128xf32, #tpu.memory_space<hbm>> -> memref<128x64xf32, #tpu.memory_space<hbm>>
      tpu.wait_dma2 semaphore(%run_scoped3A : memref<!tpu.dma_semaphore, #tpu.memory_space<semaphore_mem>>) src(%arg13 : memref<128x64xf32, #tpu.memory_space<vmem>>) dst(%dma_wait3A_237 : memref<128x64xf32, #tpu.memory_space<hbm>>)
      tpu.yield
    }) : () -> ()
    return
  }
}

module attributes {stable_mosaic.version = 14 : i64} {
  func.func @_tc_body(%arg0: memref<10000x128xf32, #tpu.memory_space<vmem>>, %arg1: memref<10240x128xf32, #tpu.memory_space<vmem>>, %arg2: memref<128x128xf32, #tpu.memory_space<vmem>>, %arg3: memref<1x128xf32, #tpu.memory_space<vmem>>, %arg4: memref<1x128xf32, #tpu.memory_space<vmem>>, %arg5: memref<1x128xf32, #tpu.memory_space<vmem>>, %arg6: memref<1xf32, #tpu.memory_space<smem>>, %arg7: memref<10000x128xf32, #tpu.memory_space<vmem>>) attributes {dimension_semantics = [], scalar_prefetch = 0 : i64, scratch_operands = 0 : i64, tpu.core_type = #tpu.core_type<tc>} {
    %get3A = arith.constant 0 : index
    %get3A_0 = arith.constant 0 : index
    %get3A_1 = vector.load %arg1[%get3A, %get3A_0] : memref<10240x128xf32, #tpu.memory_space<vmem>>, vector<10000x128xf32>
    %get3A_2 = arith.constant 0 : index
    %get3A_3 = memref.load %arg6[%get3A_2] : memref<1xf32, #tpu.memory_space<smem>>
    %get3A_4 = arith.constant 0 : index
    %get3A_5 = arith.constant 0 : index
    %get3A_6 = vector.load %arg0[%get3A_4, %get3A_5] : memref<10000x128xf32, #tpu.memory_space<vmem>>, vector<10000x128xf32>
    %mul3A = vector.broadcast %get3A_3 : f32 to vector<10000x128xf32>
    %mul3A_7 = arith.mulf %mul3A, %get3A_6 : vector<10000x128xf32>
    %add3A = arith.addf %mul3A_7, %get3A_1 : vector<10000x128xf32>
    %get3A_8 = arith.constant 0 : index
    %get3A_9 = arith.constant 0 : index
    %get3A_10 = vector.load %arg2[%get3A_8, %get3A_9] : memref<128x128xf32, #tpu.memory_space<vmem>>, vector<128x128xf32>
    %dot_general3A = arith.constant dense<0.000000e+00> : vector<10000x128xf32>
    %dot_general3A_11 = tpu.matmul %add3A, %get3A_10, %dot_general3A {dimension_numbers = #tpu.dot_dimension_numbers<[1], [0], [0], [1], [0, 0, 1, 1], [], []>, transpose_lhs_hint = false} : vector<10000x128xf32>, vector<128x128xf32>, vector<10000x128xf32> -> vector<10000x128xf32>
    %get3A_12 = arith.constant 0 : index
    %get3A_13 = arith.constant 0 : index
    %get3A_14 = vector.load %arg3[%get3A_12, %get3A_13] : memref<1x128xf32, #tpu.memory_space<vmem>>, vector<1x128xf32>
    %add3A_15 = vector.broadcast %get3A_14 : vector<1x128xf32> to vector<10000x128xf32>
    %add3A_16 = arith.addf %dot_general3A_11, %add3A_15 : vector<10000x128xf32>
    %reduce_sum3A = arith.constant dense<0.000000e+00> : vector<128xf32>
    %reduce_sum3A_17 = vector.multi_reduction <add>, %add3A_16, %reduce_sum3A [0] : vector<10000x128xf32> to vector<128xf32>
    %broadcast_in_dim3A = vector.shape_cast %reduce_sum3A_17 : vector<128xf32> to vector<1x128xf32>
    %div3A = arith.constant 1.000000e+04 : f32
    %div3A_18 = vector.broadcast %div3A : f32 to vector<1x128xf32>
    %div3A_19 = arith.divf %broadcast_in_dim3A, %div3A_18 : vector<1x128xf32>
    %sub3A = vector.broadcast %div3A_19 : vector<1x128xf32> to vector<10000x128xf32>
    %sub3A_20 = arith.subf %add3A_16, %sub3A : vector<10000x128xf32>
    %sub3A_21 = vector.broadcast %div3A_19 : vector<1x128xf32> to vector<10000x128xf32>
    %sub3A_22 = arith.subf %add3A_16, %sub3A_21 : vector<10000x128xf32>
    %mul3A_23 = arith.mulf %sub3A_20, %sub3A_22 : vector<10000x128xf32>
    %reduce_sum3A_24 = arith.constant dense<0.000000e+00> : vector<128xf32>
    %reduce_sum3A_25 = vector.multi_reduction <add>, %mul3A_23, %reduce_sum3A_24 [0] : vector<10000x128xf32> to vector<128xf32>
    %broadcast_in_dim3A_26 = vector.shape_cast %reduce_sum3A_25 : vector<128xf32> to vector<1x128xf32>
    %div3A_27 = arith.constant 1.000000e+04 : f32
    %div3A_28 = vector.broadcast %div3A_27 : f32 to vector<1x128xf32>
    %div3A_29 = arith.divf %broadcast_in_dim3A_26, %div3A_28 : vector<1x128xf32>
    %get3A_30 = arith.constant 0 : index
    %get3A_31 = arith.constant 0 : index
    %get3A_32 = vector.load %arg4[%get3A_30, %get3A_31] : memref<1x128xf32, #tpu.memory_space<vmem>>, vector<1x128xf32>
    %sub3A_33 = vector.broadcast %div3A_19 : vector<1x128xf32> to vector<10000x128xf32>
    %sub3A_34 = arith.subf %add3A_16, %sub3A_33 : vector<10000x128xf32>
    %mul3A_35 = vector.broadcast %get3A_32 : vector<1x128xf32> to vector<10000x128xf32>
    %mul3A_36 = arith.mulf %mul3A_35, %sub3A_34 : vector<10000x128xf32>
    %add3A_37 = arith.constant 9.99999974E-6 : f32
    %add3A_38 = vector.broadcast %add3A_37 : f32 to vector<1x128xf32>
    %add3A_39 = arith.addf %div3A_29, %add3A_38 : vector<1x128xf32>
    %sqrt3A = math.sqrt %add3A_39 : vector<1x128xf32>
    %div3A_40 = vector.broadcast %sqrt3A : vector<1x128xf32> to vector<10000x128xf32>
    %div3A_41 = arith.divf %mul3A_36, %div3A_40 : vector<10000x128xf32>
    %get3A_42 = arith.constant 0 : index
    %get3A_43 = arith.constant 0 : index
    %get3A_44 = vector.load %arg5[%get3A_42, %get3A_43] : memref<1x128xf32, #tpu.memory_space<vmem>>, vector<1x128xf32>
    %add3A_45 = vector.broadcast %get3A_44 : vector<1x128xf32> to vector<10000x128xf32>
    %add3A_46 = arith.addf %div3A_41, %add3A_45 : vector<10000x128xf32>
    %gt3A = arith.constant 0.000000e+00 : f32
    %gt3A_47 = vector.broadcast %gt3A : f32 to vector<10000x128xf32>
    %gt3A_48 = arith.cmpf ogt, %add3A_46, %gt3A_47 : vector<10000x128xf32>
    %exp3A = math.exp %add3A_46 : vector<10000x128xf32>
    %sub3A_49 = arith.constant 1.000000e+00 : f32
    %sub3A_50 = vector.broadcast %sub3A_49 : f32 to vector<10000x128xf32>
    %sub3A_51 = arith.subf %exp3A, %sub3A_50 : vector<10000x128xf32>
    %select_n3A = arith.select %gt3A_48, %add3A_46, %sub3A_51 : vector<10000x128xi1>, vector<10000x128xf32>
    %swap3A = arith.constant 0 : index
    %swap3A_52 = arith.constant 0 : index
    %swap3A_53 = vector.load %arg7[%swap3A, %swap3A_52] : memref<10000x128xf32, #tpu.memory_space<vmem>>, vector<10000x128xf32>
    tpu.vector_store %arg7[%swap3A, %swap3A_52], %select_n3A {strides = array<i32>} : memref<10000x128xf32, #tpu.memory_space<vmem>>, vector<10000x128xf32>,
    return
  }
}

module attributes {stable_mosaic.version = 14 : i64} {
  func.func @_tc_body(%arg0: memref<10000x128xf32, #tpu.memory_space<vmem>>, %arg1: memref<10240x128xf32, #tpu.memory_space<vmem>>, %arg2: memref<128x128xf32, #tpu.memory_space<vmem>>, %arg3: memref<1x128xf32, #tpu.memory_space<vmem>>, %arg4: memref<1x128xf32, #tpu.memory_space<vmem>>, %arg5: memref<1x128xf32, #tpu.memory_space<vmem>>, %arg6: memref<1xf32, #tpu.memory_space<smem>>, %arg7: memref<10000x128xf32, #tpu.memory_space<vmem>>) attributes {dimension_semantics = [], scalar_prefetch = 0 : i64, scratch_operands = 0 : i64, tpu.core_type = #tpu.core_type<tc>} {
    %get3A = arith.constant 0 : index
    %get3A_0 = arith.constant 0 : index
    %get3A_1 = vector.load %arg1[%get3A, %get3A_0] : memref<10240x128xf32, #tpu.memory_space<vmem>>, vector<10000x128xf32>
    %get3A_2 = arith.constant 0 : index
    %get3A_3 = memref.load %arg6[%get3A_2] : memref<1xf32, #tpu.memory_space<smem>>
    %get3A_4 = arith.constant 0 : index
    %get3A_5 = arith.constant 0 : index
    %get3A_6 = vector.load %arg0[%get3A_4, %get3A_5] : memref<10000x128xf32, #tpu.memory_space<vmem>>, vector<10000x128xf32>
    %mul3A = vector.broadcast %get3A_3 : f32 to vector<10000x128xf32>
    %mul3A_7 = arith.mulf %mul3A, %get3A_6 : vector<10000x128xf32>
    %add3A = arith.addf %mul3A_7, %get3A_1 : vector<10000x128xf32>
    %get3A_8 = arith.constant 0 : index
    %get3A_9 = arith.constant 0 : index
    %get3A_10 = vector.load %arg2[%get3A_8, %get3A_9] : memref<128x128xf32, #tpu.memory_space<vmem>>, vector<128x128xf32>
    %dot_general3A = arith.constant dense<0.000000e+00> : vector<10000x128xf32>
    %dot_general3A_11 = tpu.matmul %add3A, %get3A_10, %dot_general3A {dimension_numbers = #tpu.dot_dimension_numbers<[1], [0], [0], [1], [0, 0, 1, 1], [], []>, transpose_lhs_hint = false} : vector<10000x128xf32>, vector<128x128xf32>, vector<10000x128xf32> -> vector<10000x128xf32>
    %get3A_12 = arith.constant 0 : index
    %get3A_13 = arith.constant 0 : index
    %get3A_14 = vector.load %arg3[%get3A_12, %get3A_13] : memref<1x128xf32, #tpu.memory_space<vmem>>, vector<1x128xf32>
    %add3A_15 = vector.broadcast %get3A_14 : vector<1x128xf32> to vector<10000x128xf32>
    %add3A_16 = arith.addf %dot_general3A_11, %add3A_15 : vector<10000x128xf32>
    %reduce_sum3A = arith.constant dense<0.000000e+00> : vector<128xf32>
    %reduce_sum3A_17 = vector.multi_reduction <add>, %add3A_16, %reduce_sum3A [0] : vector<10000x128xf32> to vector<128xf32>
    %broadcast_in_dim3A = vector.shape_cast %reduce_sum3A_17 : vector<128xf32> to vector<1x128xf32>
    %div3A = arith.constant 1.000000e+04 : f32
    %div3A_18 = vector.broadcast %div3A : f32 to vector<1x128xf32>
    %div3A_19 = arith.divf %broadcast_in_dim3A, %div3A_18 : vector<1x128xf32>
    %sub3A = vector.broadcast %div3A_19 : vector<1x128xf32> to vector<10000x128xf32>
    %sub3A_20 = arith.subf %add3A_16, %sub3A : vector<10000x128xf32>
    %sub3A_21 = vector.broadcast %div3A_19 : vector<1x128xf32> to vector<10000x128xf32>
    %sub3A_22 = arith.subf %add3A_16, %sub3A_21 : vector<10000x128xf32>
    %mul3A_23 = arith.mulf %sub3A_20, %sub3A_22 : vector<10000x128xf32>
    %reduce_sum3A_24 = arith.constant dense<0.000000e+00> : vector<128xf32>
    %reduce_sum3A_25 = vector.multi_reduction <add>, %mul3A_23, %reduce_sum3A_24 [0] : vector<10000x128xf32> to vector<128xf32>
    %broadcast_in_dim3A_26 = vector.shape_cast %reduce_sum3A_25 : vector<128xf32> to vector<1x128xf32>
    %div3A_27 = arith.constant 1.000000e+04 : f32
    %div3A_28 = vector.broadcast %div3A_27 : f32 to vector<1x128xf32>
    %div3A_29 = arith.divf %broadcast_in_dim3A_26, %div3A_28 : vector<1x128xf32>
    %get3A_30 = arith.constant 0 : index
    %get3A_31 = arith.constant 0 : index
    %get3A_32 = vector.load %arg4[%get3A_30, %get3A_31] : memref<1x128xf32, #tpu.memory_space<vmem>>, vector<1x128xf32>
    %sub3A_33 = vector.broadcast %div3A_19 : vector<1x128xf32> to vector<10000x128xf32>
    %sub3A_34 = arith.subf %add3A_16, %sub3A_33 : vector<10000x128xf32>
    %mul3A_35 = vector.broadcast %get3A_32 : vector<1x128xf32> to vector<10000x128xf32>
    %mul3A_36 = arith.mulf %mul3A_35, %sub3A_34 : vector<10000x128xf32>
    %add3A_37 = arith.constant 9.99999974E-6 : f32
    %add3A_38 = vector.broadcast %add3A_37 : f32 to vector<1x128xf32>
    %add3A_39 = arith.addf %div3A_29, %add3A_38 : vector<1x128xf32>
    %sqrt3A = math.sqrt %add3A_39 : vector<1x128xf32>
    %div3A_40 = vector.broadcast %sqrt3A : vector<1x128xf32> to vector<10000x128xf32>
    %div3A_41 = arith.divf %mul3A_36, %div3A_40 : vector<10000x128xf32>
    %get3A_42 = arith.constant 0 : index
    %get3A_43 = arith.constant 0 : index
    %get3A_44 = vector.load %arg5[%get3A_42, %get3A_43] : memref<1x128xf32, #tpu.memory_space<vmem>>, vector<1x128xf32>
    %add3A_45 = vector.broadcast %get3A_44 : vector<1x128xf32> to vector<10000x128xf32>
    %add3A_46 = arith.addf %div3A_41, %add3A_45 : vector<10000x128xf32>
    %gt3A = arith.constant 0.000000e+00 : f32
    %gt3A_47 = vector.broadcast %gt3A : f32 to vector<10000x128xf32>
    %gt3A_48 = arith.cmpf ogt, %add3A_46, %gt3A_47 : vector<10000x128xf32>
    %exp3A = math.exp %add3A_46 : vector<10000x128xf32>
    %sub3A_49 = arith.constant 1.000000e+00 : f32
    %sub3A_50 = vector.broadcast %sub3A_49 : f32 to vector<10000x128xf32>
    %sub3A_51 = arith.subf %exp3A, %sub3A_50 : vector<10000x128xf32>
    %select_n3A = arith.select %gt3A_48, %add3A_46, %sub3A_51 : vector<10000x128xi1>, vector<10000x128xf32>
    %swap3A = arith.constant 0 : index
    %swap3A_52 = arith.constant 0 : index
    %swap3A_53 = vector.load %arg7[%swap3A, %swap3A_52] : memref<10000x128xf32, #tpu.memory_space<vmem>>, vector<10000x128xf32>
    tpu.vector_store %arg7[%swap3A, %swap3A_52], %select_n3A {strides = array<i32>} : memref<10000x128xf32, #tpu.memory_space<vmem>>, vector<10000x128xf32>,
    return
  }
}

</mosaic_0001>

<sc_bundles>
// kernel: kernel.6.cloned.1.call-start
scs
__scs_entry_jumppad:
0x0: {  	(pc) =	sbr.rel $0x88, $3  }
0x1: {  	(tag) =	ssettag $0x0;
	lr =	simm.s32 $0x1  }
0x2: {  	[smem:$0x3F95] =	sst lr;
	_ =	strace $0xD0000000  }
0x3: {  	_ = 	snop  }
0x4: {  	_ = 	snop  }
0x5: {  	_ = 	snop  }
0x6: {  	_ = 	snop  }
0x7: {  	_ = 	snop  }
__scs_overlays_trampoline_lowered:
0x8: {  	[smem:$0x3FA4] =	sst s0  }
0x9: {  	[smem:$0x3FA5] =	sst s1  }
0xa: {  	[smem:$0x3FA6] =	sst s2  }
0xb: {  	[smem:$0x3FA7] =	sst s3  }
0xc: {  	[smem:$0x3FA8] =	sst s4  }
0xd: {  	[smem:$0x3FA9] =	sst s5  }
0xe: {  	[smem:$0x3FAA] =	sst s6  }
0xf: {  	[smem:$0x3FAB] =	sst s7  }
0x10: {  	[smem:$0x3FAC] =	sst s8  }
0x11: {  	[smem:$0x3FAD] =	sst s9;
	s0 =	simm.s32 @!p0 $0x0  }
0x12: {  	s1 =	sld [smem:$0x3F93];
	s0 =	simm.s32 @p0 $0x1  }
0x13: {  	[smem:$0x3FAE] =	sst s0;
	s0 =	simm.s32 @!p1 $0x0  }
0x14: {  	s2 =	sld [smem:$0x3F92];
	s0 =	simm.s32 @p1 $0x1  }
0x15: {  	[smem:$0x3FAF] =	sst s0;
	s0 =	simm.s32 @!p2 $0x0  }
0x16: {  	s3 =	sld [smem:$0x3FDB];
	s0 =	simm.s32 @p2 $0x1  }
0x17: {  	s4 =	simm.s32 $0x1BF5;
	[smem:$0x3FB1] =	sst s0  }
0x18: {  	s0 =	sld [smem:$0x3F94];
	_ =	swait.ge [sflag:s4], $0x0  }
0x19: {  	s7 =	sld [smem:$0x3F95]  }
0x1a: {  	s8 =	sadd.s32 $0xFFFFE003, lr  }
0x1b: {  	s9 =	sadd.s32 $0xFFFFFEF7, lr;
	s5 =	simm.s32 $0xFFFFFFFF;
	p2 =	slt.u32 s8, $0xFFFFF086  }
0x1c: {  	p1 =	slt.u32 s9, $0xF7A;
	s5 =	simm.s32 @!p2 $0x0  }
0x1d: {  	s5 =	simm.s32 @p1 $0x1;
	p0 =	seq.s32 s7, s2  }
0x1e: {  	s7 =	smul.u32 @!p0 $0xF7A, s2;
	p2 =	seq.s32 @!p0 s5, $0x0  }
0x1f: {  	s9 =	smul.u32 $0xF7A, s1;
	s8 =	simm.s32 @!p0 $0x1BF5;
	p2 =	por !p2, p0  }
0x20: {  	[sflag:s8] =	ssyncset.s32 @!p0 $0xFFFFF086;
	s6 =	sadd.s32 @!p0 s3, s7;
	s7 =	simm.s32 @!p0 $0x108  }
0x21: {  	s3 =	sadd.s32 s3, s9;
	s6 =	sadd.s32 @!p0 $0x88, s6;
	s7 =	simm.s32 @p2 $0x1082  }
0x22: {  	[simem:s7], [sflag:s8] =	dma.local @!p0 [hbm:s6], $0xF7A  }
0x23: {  	s9 =	sor.u32 $0xD0000000, s2;
	s6 =	simm.s32 $0x108;
	_ =	swait.ge @!p0 [sflag:s8], $0x0  }
0x24: {  	s3 =	sadd.s32 $0x88, s3;
	s6 =	simm.s32 @!p1 $0x1082;
	[sflag:s4] =	ssyncset.s32 $0xFFFFF086  }
0x25: {  	[simem:s6], [sflag:s4] =	dma.local [hbm:s3], $0xF7A  }
0x26: {  	[smem:$0x3F95] =	sst s1;
	(tag) =	ssettag s2;
	_ =	strace s9  }
0x27: {  	s1 =	sld [smem:$0x3FA5]  }
0x28: {  	s2 =	sld [smem:$0x3FA6]  }
0x29: {  	s4 =	sld [smem:$0x3FA8]  }
0x2a: {  	p0 =	seq.s32 s5, $0x0;
	s5 =	sld [smem:$0x3FA9]  }
0x2b: {  	s6 =	sld [smem:$0x3FAA]  }
0x2c: {  	s7 =	sld [smem:$0x3FAB]  }
0x2d: {  	s3 =	simm.s32 $0x108;
	s8 =	sld [smem:$0x3FAC]  }
0x2e: {  	s3 =	simm.s32 @!p0 $0x1082;
	s9 =	sld [smem:$0x3FAD]  }
0x2f: {  	lr =	sadd.s32 s0, s3;
	s0 =	sld [smem:$0x3FA4]  }
0x30: {  	s3 =	sld [smem:$0x3FA7]  }
0x31: {  	[smem:$0x3FB0] =	sst s10  }
0x32: {  	s10 =	sld [smem:$0x3FAE];
	_ =	sdelay $0x3  }
0x33: {  	p0 =	seq.s32 s10, $0x1;
	s10 =	sld [smem:$0x3FB0];
	_ =	sdelay $0x3  }
0x34: {  	[smem:$0x3FB0] =	sst s10  }
0x35: {  	s10 =	sld [smem:$0x3FAF];
	_ =	sdelay $0x3  }
0x36: {  	p1 =	seq.s32 s10, $0x1;
	s10 =	sld [smem:$0x3FB0];
	_ =	sdelay $0x3  }
0x37: {  	[smem:$0x3FB0] =	sst s10  }
0x38: {  	s10 =	sld [smem:$0x3FB1]  }
0x39: {  	_ = 	snop;
	(pc) =	sbr.ind lr, $3  }
0x3a: {  	_ = 	snop  }
0x3b: {  	_ = 	snop  }
0x3c: {  	p2 =	seq.s32 s10, $0x1;
	s10 =	sld [smem:$0x3FB0]  }
0x3d: {  	_ =	shalt  }
0x3e: {  	_ =	shalt  }
0x3f: {  	_ =	shalt  }
0x40: {  	_ =	shalt  }
0x41: {  	_ =	shalt  }
0x42: {  	_ =	shalt  }
0x43: {  	_ =	shalt  }
0x44: {  	_ =	shalt  }
0x45: {  	_ =	shalt  }
0x46: {  	_ =	shalt  }
0x47: {  	_ =	shalt  }
0x48: {  	_ =	shalt  }
0x49: {  	_ =	shalt  }
0x4a: {  	_ =	shalt  }
0x4b: {  	_ =	shalt  }
0x4c: {  	_ =	shalt  }
0x4d: {  	_ =	shalt  }
0x4e: {  	_ =	shalt  }
0x4f: {  	_ =	shalt  }
0x50: {  	_ =	shalt  }
0x51: {  	_ =	shalt  }
0x52: {  	_ =	shalt  }
0x53: {  	_ =	shalt  }
0x54: {  	_ =	shalt  }
0x55: {  	_ =	shalt  }
0x56: {  	_ =	shalt  }
0x57: {  	_ =	shalt  }
0x58: {  	_ =	shalt  }
0x59: {  	_ =	shalt  }
0x5a: {  	_ =	shalt  }
0x5b: {  	_ =	shalt  }
0x5c: {  	_ =	shalt  }
0x5d: {  	_ =	shalt  }
0x5e: {  	_ =	shalt  }
0x5f: {  	_ =	shalt  }
0x60: {  	_ =	shalt  }
0x61: {  	_ =	shalt  }
0x62: {  	_ =	shalt  }
0x63: {  	_ =	shalt  }
0x64: {  	_ =	shalt  }
0x65: {  	_ =	shalt  }
0x66: {  	_ =	shalt  }
0x67: {  	_ =	shalt  }
0x68: {  	_ =	shalt  }
0x69: {  	_ =	shalt  }
0x6a: {  	_ =	shalt  }
0x6b: {  	_ =	shalt  }
0x6c: {  	_ =	shalt  }
0x6d: {  	_ =	shalt  }
0x6e: {  	_ =	shalt  }
0x6f: {  	_ =	shalt  }
0x70: {  	_ =	shalt  }
0x71: {  	_ =	shalt  }
0x72: {  	_ =	shalt  }
0x73: {  	_ =	shalt  }
0x74: {  	_ =	shalt  }
0x75: {  	_ =	shalt  }
0x76: {  	_ =	shalt  }
0x77: {  	_ =	shalt  }
0x78: {  	_ =	shalt  }
0x79: {  	_ =	shalt  }
0x7a: {  	_ =	shalt  }
0x7b: {  	_ =	shalt  }
0x7c: {  	_ =	shalt  }
0x7d: {  	_ =	shalt  }
0x7e: {  	_ =	shalt  }
0x7f: {  	_ =	shalt  }
0x80: {  	_ =	shalt  }
0x81: {  	_ =	shalt  }
0x82: {  	_ =	shalt  }
0x83: {  	_ =	shalt  }
0x84: {  	_ =	shalt  }
0x85: {  	_ =	shalt  }
0x86: {  	_ =	shalt  }
0x87: {  	_ =	shalt  }
.Lfunc_end0:
.L_simem_size_0:
called_computation_lowered:
.L_overlay_start_0:
0x88: {  	s2 =	sld [smem:$0x3FD9]  }
0x89: {  	s3 =	sld [smem:$0x3FFE];
	_ =	sdelay $0x1  }
0x8a: {  	s1 =	srdreg.scid  }
0x8b: {  	s0 =	sand.u32 $0x1, s1  }
0x8c: {  	s17 =	sshll.u32 s0, $0xA;
	s2 =	sadd.s32 s3, s2  }
0x8d: {  	s2 =	sadd.s32 s2, s17  }
0x8e: {  	[smem:$0x3FBC] =	sst s2  }
0x8f: {  	_ = 	snop  }
0x90: {  	s2 =	sld [smem:$0x3FC9];
	(tm) =	ssettm $0x1  }
0x91: {  	s18 =	sld [smem:$0x3FFB];
	_ =	sdelay $0x3  }
0x92: {  	_ =	strace s18  }
0x93: {  	s3 =	sld [smem:$0x3FFC];
	_ =	sdelay $0x3  }
0x94: {  	_ =	strace s3  }
0x95: {  	s3 =	sld [smem:$0x3FFD];
	_ =	sdelay $0x3  }
0x96: {  	_ =	strace s3  }
0x97: {  	_ =	strace $0x8FFFFFFF  }
0x98: {  	s19 =	sld [smem:$0x3FDB];
	_ =	sdelay $0x1  }
0x99: {  	s4 =	simm.s32 $_scs_section_size  }
0x9a: {  	s5 =	simm.s32 $_size__tile_overlayer_lowered;
	s6 =	simm.s32 $_tile_overlayer_lowered  }
0x9b: {  	s22 =	simm.s32 $0x1BFF;
	s21 =	sshll.u32 s6, $0x1;
	s3 =	sadd.s32 s4, s19  }
0x9c: {  	s7 =	simm.s32 $0x0;
	s20 =	sshll.u32 s5, $0x1;
	s5 =	sadd.s32 s21, s3  }
0x9d: {  	[timem:s7], [sflag:s22] =	dma.local [hbm:s5], s20  }
0x9e: {  	_ =	swait.ge [sflag:s22], s20  }
0x9f: {  	s4 =	ssub.s32 $0x0, s20;
	[sflag:s22] =	ssyncset.done $0x0  }
0xa0: {  	[sflag:s22] =	ssyncadd.s32 s4;
	_ =	sdelay $0x1  }
0xa1: {  	s23 =	simm.s32 $0x1B8B  }
0xa2: {  	_ =	swait.ge [sflag:s23], $0x1  }
0xa3: {  	[sflag:s23] =	ssyncset.done $0x0  }
0xa4: {  	s25 =	simm.s32 $0x1B8E;
	s24 =	sld [smem:$0x3FFE];
	[sflag:s23] =	ssyncadd.s32 $0xFFFFFFFF  }
0xa5: {  	s26 =	simm.s32 $execute0_lowered;
	[smem:$0x3FD2] =	sst s25  }
0xa6: {  	s5 =	sshll.u32 s26, $0x1;
	_ =	strace $0x80000046;
	[dreg:$0x1] =	wrdreg $0xFFFFFFFF  }
0xa7: {  	s28 =	simm.s32 $_size_execute0_lowered;
	s3 =	sadd.s32 s3, s5;
	[dreg:$0x0] =	wrdreg $0x0  }
0xa8: {  	s5 =	sshll.u32 s28, $0x1;
	[dreg:$0x2] =	wrdreg s3  }
0xa9: {  	[dreg:$0x3] =	wrdreg s5  }
0xaa: {  	[dreg:$0x4] =	wrdreg $0xC0  }
0xab: {  	_ =	task [dreg:s7], $0x5FFFF  }
0xac: {  	[dreg:$0x1] =	wrdreg $0xFFFFFFFF  }
0xad: {  	[dreg:$0x0] =	wrdreg $0x60  }
0xae: {  	[dreg:$0x2] =	wrdreg s2  }
0xaf: {  	[dreg:$0x3] =	wrdreg s24  }
0xb0: {  	[dreg:$0x4] =	wrdreg $0x0  }
0xb1: {  	[dreg:$0x5] =	wrdreg $0xA0000  }
0xb2: {  	[dreg:$0x6] =	wrdreg $0x9  }
0xb3: {  	_ =	task.clear_ibuf [dreg:s7], $0x7FFFF;
	_ =	strace $0x90000046  }
0xb4: {  	s29 =	simm.s32 $0x9;
	_ =	strace $0x80000048  }
0xb5: {  	_ =	swait.ge [sflag:s29], $0x1  }
0xb6: {  	[sflag:s29] =	ssyncadd.s32 $0xFFFFFFFF  }
0xb7: {  	_ =	strace $0x90000048  }
0xb8: {  	_ =	sfence  }
0xb9: {  	s30 =	sld [smem:$0x0];
	_ =	sdelay $0x2  }
0xba: {  	s31 =	sshll.u32 s1, $0xD;
	s1 =	sshrl.u32 s1, $0x2  }
0xbb: {  	s3 =	sand.u32 $0x4000, s31;
	s1 =	sadd.s32 s1, s30  }
0xbc: {  	s0 =	sor.u32 s3, s0;
	s1 =	sshll.u32 s1, $0x11  }
0xbd: {  	s0 =	sor.u32 s1, s0  }
0xbe: {  	s0 =	sadd.s32 $0x8F2B, s0  }
0xbf: {  	[sflag:s0] =	ssyncadd.remote.s32 $0x1  }
0xc0: {  	_ =	sfence.sel $0xFFFF  }
0xc1: {  	[dreg:$0x0] =	wrdreg $0xFFFFFFFF;
	(pc) =	sbr.abs _section_cstart, $3  }
0xc2: {  	[dreg:$0x1] =	wrdreg $0xFFFFFFFF  }
0xc3: {  	_ =	task.clear_ibuf [dreg:s7], $0x2FFFF;
	_ =	strace $0x9FFFFFFF  }
0xc4: {  	(tm) =	ssettm $0x7FFFFFFF  }
0xc5: {  	_ =	shalt  }
tec
execute0_lowered:
.L_overlay_start_1:
0x0: {  	(tag) =	ssettag $0x1  }
0x1: {  	s0 =	rddreg [dreg:$0x0]  }
0x2: {  	s1 =	rddreg [dreg:$0x1]  }
0x3: {  	s2 =	rddreg [dreg:$0x2]  }
0x4: {  	s3 =	rddreg [dreg:$0x3];
	s19 =	stileid.u32  }
0x5: {  	s4 =	simm.s32 $0x0;
	s6 =	srdreg.scid;
	s5 =	smul.u32 $0x5000, s19  }
0x6: {  	s28 =	simm.s32 $0x2;
	s29 =	simm.s32 $0x18F80;
	s8 =	smul.u32 $0x280, s19  }
0x7: {  	s30 =	simm.s32 $0x15300;
	s31 =	simm.s32 $0x15380;
	s9 =	smul.u32 $0x14000, s19  }
0x8: {  	[smem:$0x7FF] =	sst s4;
	s6 =	sand.u32 $0x1, s6;
	s12 =	smul.u32 $0x28000, s19  }
0x9: {  	p0 =	seq.s32 s19, $0xF;
	s19 =	simm.s32 $0x1A400;
	_ =	strace $0x80000047  }
0xa: {  	s7 =	ssub.s32 $0x2, s6;
	s11 =	sshll.u32 s6, $0x6;
	s6 =	sshll.u32 s6, $0x3  }
0xb: {  	s5 =	sshrl.u32 s5, $0x3;
	s10 =	sshrl.u32 s7, $0x1;
	s25 =	sor.u32 s11, s9  }
0xc: {  	s26 =	sadd.s32 $0x80, s8;
	s16 =	sshrl.u32 s12, $0x2;
	s21 =	sadd.s32 $0x100, s8  }
0xd: {  	s6 =	sadd.s32 s6, s0;
	s5 =	sadd.s32 s5, s1;
	s1 =	sadd.s32 $0x16800, s1  }
0xe: {  	s13 =	ssub.s32 s7, s10;
	s14 =	sshrl.u32 s25, $0x3;
	s18 =	sadd.s32 s16, s2  }
0xf: {  	s20 =	sshll.u32 s26, $0x7;
	s7 =	sadd.s32 s16, s3;
	s9 =	sshll.u32 s26, $0x6  }
0x10: {  	s22 =	sshll.u32 s21, $0x7;
	s12 =	sshll.u32 s21, $0x6;
	s17 =	sadd.s32 s0, s14  }
0x11: {  	[dreg:$0x6] =	wrdreg s18;
	s10 =	sor.u32 s11, s20;
	s23 =	sadd.s32 s9, s2  }
0x12: {  	s24 =	sor.u32 s11, s22;
	[dreg:$0x5] =	wrdreg s17;
	s15 =	sshrl.u32 s10, $0x3  }
0x13: {  	[dreg:$0x8] =	wrdreg s23;
	s10 =	sadd.s32 s9, s3;
	s9 =	sadd.s32 $0x180, s8  }
0x14: {  	s8 =	sadd.s32 $0x200, s8;
	s16 =	sadd.s32 s0, s15;
	s25 =	sshll.u32 s9, $0x7  }
0x15: {  	s18 =	sshll.u32 s8, $0x7;
	s20 =	sadd.s32 s1, s15;
	[dreg:$0x7] =	wrdreg s16  }
0x16: {  	s8 =	sshll.u32 s8, $0x6;
	s15 =	sadd.s32 $0x2A80, s5;
	[dreg:$0xd] =	wrdreg s20  }
0x17: {  	s16 =	sshrl.u32 s24, $0x3;
	s24 =	sadd.s32 s12, s2;
	[dreg:$0x17] =	wrdreg s15  }
0x18: {  	s20 =	sadd.s32 s12, s3;
	s12 =	sadd.s32 $0x2800, s5;
	[dreg:$0x11] =	wrdreg s24  }
0x19: {  	s17 =	sadd.s32 s0, s16;
	s21 =	sadd.s32 s1, s16;
	[dreg:$0x15] =	wrdreg s12  }
0x1a: {  	s24 =	sadd.s32 s8, s3;
	s16 =	sadd.s32 $0xCA80, s5;
	[dreg:$0x9] =	wrdreg s17  }
0x1b: {  	s12 =	simm.s32 $0x80;
	s17 =	sor.u32 s11, s25;
	[dreg:$0xe] =	wrdreg s21  }
0x1c: {  	s11 =	sor.u32 s11, s18;
	s18 =	sadd.s32 s1, s14;
	[dreg:$0x18] =	wrdreg s16  }
0x1d: {  	s25 =	sshll.u32 s9, $0x6;
	s9 =	sadd.s32 s8, s2;
	[dreg:$0xc] =	wrdreg s18  }
0x1e: {  	s14 =	sadd.s32 $0xC800, s5;
	s21 =	sadd.s32 $0x2F80, s5;
	[dreg:$0x13] =	wrdreg s9  }
0x1f: {  	s16 =	simm.s32 $0x17C00;
	s17 =	sshrl.u32 s17, $0x3;
	[dreg:$0x16] =	wrdreg s14  }
0x20: {  	s11 =	sshrl.u32 s11, $0x3;
	s18 =	sadd.s32 $0xCD00, s5;
	[dreg:$0x1b] =	wrdreg s21  }
0x21: {  	s9 =	sadd.s32 $0x9C000, s3;
	s26 =	sadd.s32 s0, s17;
	[dreg:$0x1a] =	wrdreg s18  }
0x22: {  	s14 =	simm.s32 $0x6;
	s0 =	sadd.s32 s0, s11;
	[dreg:$0xa] =	wrdreg s26  }
0x23: {  	s21 =	simm.s32 $0x7D;
	s22 =	sadd.s32 s1, s17;
	[dreg:$0xb] =	wrdreg s0  }
0x24: {  	s23 =	sadd.s32 s1, s11;
	s11 =	sadd.s32 $0x27000, s6;
	[dreg:$0xf] =	wrdreg s22  }
0x25: {  	s17 =	sadd.s32 $0x2D00, s5;
	s1 =	simm.s32 $0x0;
	[dreg:$0x10] =	wrdreg s23  }
0x26: {  	s26 =	sadd.s32 s25, s2;
	s22 =	sadd.s32 s25, s3;
	[dreg:$0x14] =	wrdreg s11  }
0x27: {  	[dreg:$0x19] =	wrdreg s17;
	s23 =	sadd.s32 $0xCF80, s5;
	s25 =	smax.u32 s13, $0x1  }
0x28: {  	s11 =	simm.s32 $0x40;
	s13 =	simm.s32 $0x1B800;
	[dreg:$0x12] =	wrdreg s26  }
0x29: {  	s17 =	simm.s32 $0x3;
	s0 =	simm.s32 $0x5;
	[dreg:$0x1c] =	wrdreg s23  }
0x2a: {  	[dreg:$0x1d] =	wrdreg s25;
	s26 =	sadd.s32 $0x9C000, s2;
	s23 =	simm.s32 $0x4  }
0x2b: {  	s25 =	simm.s32 $0x1D800;
	[dreg:$0x1e] =	wrdreg s26;
	s26 =	simm.s32 $0x1  }
.LBB2_1:
0x2c: {  	s5 =	rddreg [dreg:$0x5]  }
0x2d: {  	[tilespmem:s13], [sflag:$0x6] =	stream.strided.gather [hbm4b:s5+s11], $0x2000, s12, s11, $0x38;
	[tilespmem:$0x1F800] =	vst v63  }
0x2e: {  	_ =	swait.ge [sflag:s14], $0x2000  }
0x2f: {  	[sflag:s14] =	ssyncset.done $0x0  }
0x30: {  	s6 =	rddreg [dreg:$0x6];
	[sflag:s14] =	ssyncadd.s32 $0xFFFFE000  }
0x31: {  	[spmem:s6] =	stream.linear.scatter [tilespmem:s13], [sflag:$0x6], $0x2000, $0x38;
	[tilespmem:$0x1F800] =	vst v63  }
0x32: {  	_ =	swait.ge [sflag:s14], $0x2000  }
0x33: {  	[sflag:s14] =	ssyncset.done $0x0  }
0x34: {  	[sflag:s14] =	ssyncadd.s32 $0xFFFFE000  }
0x35: {  	[spmem:s7] =	stream.linear.scatter [tilespmem:s13], [sflag:$0x6], $0x2000, $0x38;
	[tilespmem:$0x1F800] =	vst v63  }
0x36: {  	_ =	swait.ge [sflag:s14], $0x2000  }
0x37: {  	[sflag:s14] =	ssyncset.done $0x0  }
0x38: {  	s8 =	rddreg [dreg:$0x7];
	[sflag:s14] =	ssyncadd.s32 $0xFFFFE000  }
0x39: {  	[tilespmem:s13], [sflag:$0x6] =	stream.strided.gather [hbm4b:s8+s11], $0x2000, s12, s11, $0x38;
	[tilespmem:$0x1F800] =	vst v63  }
0x3a: {  	_ =	swait.ge [sflag:s14], $0x2000  }
0x3b: {  	[sflag:s14] =	ssyncset.done $0x0  }
0x3c: {  	s15 =	rddreg [dreg:$0x8];
	[sflag:s14] =	ssyncadd.s32 $0xFFFFE000  }
0x3d: {  	[spmem:s15] =	stream.linear.scatter [tilespmem:s13], [sflag:$0x6], $0x2000, $0x38;
	[tilespmem:$0x1F800] =	vst v63  }
0x3e: {  	_ =	swait.ge [sflag:s14], $0x2000  }
0x3f: {  	[sflag:s14] =	ssyncset.done $0x0  }
0x40: {  	[sflag:s14] =	ssyncadd.s32 $0xFFFFE000  }
0x41: {  	[spmem:s10] =	stream.linear.scatter [tilespmem:s13], [sflag:$0x6], $0x2000, $0x38;
	[tilespmem:$0x1F800] =	vst v63  }
0x42: {  	_ =	swait.ge [sflag:s14], $0x2000  }
0x43: {  	[sflag:s14] =	ssyncset.done $0x0  }
0x44: {  	s18 =	rddreg [dreg:$0x9];
	[sflag:s14] =	ssyncadd.s32 $0xFFFFE000  }
0x45: {  	[tilespmem:s13], [sflag:$0x6] =	stream.strided.gather [hbm4b:s18+s11], $0x2000, s12, s11, $0x38;
	[tilespmem:$0x1F800] =	vst v63  }
0x46: {  	_ =	swait.ge [sflag:s14], $0x2000  }
0x47: {  	[sflag:s14] =	ssyncset.done $0x0  }
0x48: {  	s6 =	rddreg [dreg:$0x11];
	[sflag:s14] =	ssyncadd.s32 $0xFFFFE000  }
0x49: {  	[spmem:s6] =	stream.linear.scatter [tilespmem:s13], [sflag:$0x6], $0x2000, $0x38;
	[tilespmem:$0x1F800] =	vst v63  }
0x4a: {  	_ =	swait.ge [sflag:s14], $0x2000  }
0x4b: {  	[sflag:s14] =	ssyncset.done $0x0  }
0x4c: {  	[sflag:s14] =	ssyncadd.s32 $0xFFFFE000  }
0x4d: {  	[spmem:s20] =	stream.linear.scatter [tilespmem:s13], [sflag:$0x6], $0x2000, $0x38;
	[tilespmem:$0x1F800] =	vst v63  }
0x4e: {  	_ =	swait.ge [sflag:s14], $0x2000  }
0x4f: {  	[sflag:s14] =	ssyncset.done $0x0  }
0x50: {  	s5 =	simm.s32 @p0 $0x1B800;
	s15 =	simm.s32 @p0 $0x6;
	[sflag:s14] =	ssyncadd.s32 $0xFFFFE000  }
0x51: {  	[spmem:s22] =	stream.linear.scatter @p0 [tilespmem:s5], [sflag:$0x6], $0x2000, $0x38;
	[tilespmem:$0x1F800] =	vst v63  }
0x52: {  	_ =	swait.ge @p0 [sflag:s15], $0x2000  }
0x53: {  	[sflag:s15] =	ssyncset.done @p0 $0x0  }
0x54: {  	[sflag:s15] =	ssyncadd.s32 @p0 $0xFFFFE000  }
0x55: {  	[spmem:s24] =	stream.linear.scatter @p0 [tilespmem:s5], [sflag:$0x6], $0x2000, $0x38;
	[tilespmem:$0x1F800] =	vst v63  }
0x56: {  	_ =	swait.ge @p0 [sflag:s15], $0x2000  }
0x57: {  	s8 =	simm.s32 @p0 $0x80;
	[sflag:s15] =	ssyncset.done @p0 $0x0  }
0x58: {  	s6 =	simm.s32 @p0 $0x40;
	s18 =	rddreg [dreg:$0x14];
	[sflag:s15] =	ssyncadd.s32 @p0 $0xFFFFE000  }
0x59: {  	[tilespmem:s5], [sflag:$0x6] =	stream.strided.gather @p0 [hbm4b:s18+s6], $0x400, s8, s6, $0x38;
	[tilespmem:$0x1F800] =	vst v63  }
0x5a: {  	_ =	swait.ge @p0 [sflag:s15], $0x400  }
0x5b: {  	[sflag:s15] =	ssyncset.done @p0 $0x0  }
0x5c: {  	s6 =	rddreg [dreg:$0x1e];
	[sflag:s15] =	ssyncadd.s32 @p0 $0xFFFFFC00  }
0x5d: {  	[spmem:s6] =	stream.linear.scatter @p0 [tilespmem:s5], [sflag:$0x6], $0x400, $0x38;
	[tilespmem:$0x1F800] =	vst v63  }
0x5e: {  	_ =	swait.ge @p0 [sflag:s15], $0x400  }
0x5f: {  	[sflag:s15] =	ssyncset.done @p0 $0x0  }
0x60: {  	[sflag:s15] =	ssyncadd.s32 @p0 $0xFFFFFC00  }
0x61: {  	[spmem:s9] =	stream.linear.scatter @p0 [tilespmem:s5], [sflag:$0x6], $0x400, $0x38;
	[tilespmem:$0x1F800] =	vst v63  }
0x62: {  	_ =	swait.ge @p0 [sflag:s15], $0x400  }
0x63: {  	s8 =	simm.s32 @!p0 $0x1B800;
	s6 =	simm.s32 @!p0 $0x80;
	[sflag:s15] =	ssyncset.done @p0 $0x0  }
0x64: {  	s5 =	simm.s32 @!p0 $0x40;
	[sflag:s15] =	ssyncadd.s32 @p0 $0xFFFFFC00;
	s15 =	rddreg [dreg:$0xa]  }
0x65: {  	[tilespmem:s8], [sflag:$0x6] =	stream.strided.gather @!p0 [hbm4b:s15+s5], $0x2000, s6, s5, $0x38;
	[tilespmem:$0x1F800] =	vst v63  }
0x66: {  	s15 =	simm.s32 @!p0 $0x6  }
0x67: {  	_ =	swait.ge @!p0 [sflag:s15], $0x2000  }
0x68: {  	[sflag:s15] =	ssyncset.done @!p0 $0x0  }
0x69: {  	s18 =	rddreg [dreg:$0x12];
	[sflag:s15] =	ssyncadd.s32 @!p0 $0xFFFFE000  }
0x6a: {  	[spmem:s18] =	stream.linear.scatter @!p0 [tilespmem:s8], [sflag:$0x6], $0x2000, $0x38;
	[tilespmem:$0x1F800] =	vst v63  }
0x6b: {  	_ =	swait.ge @!p0 [sflag:s15], $0x2000  }
0x6c: {  	[sflag:s15] =	ssyncset.done @!p0 $0x0  }
0x6d: {  	[sflag:s15] =	ssyncadd.s32 @!p0 $0xFFFFE000  }
0x6e: {  	[spmem:s22] =	stream.linear.scatter @!p0 [tilespmem:s8], [sflag:$0x6], $0x2000, $0x38;
	[tilespmem:$0x1F800] =	vst v63  }
0x6f: {  	_ =	swait.ge @!p0 [sflag:s15], $0x2000  }
0x70: {  	[sflag:s15] =	ssyncset.done @!p0 $0x0  }
0x71: {  	s18 =	rddreg [dreg:$0xb];
	[sflag:s15] =	ssyncadd.s32 @!p0 $0xFFFFE000  }
0x72: {  	[tilespmem:s8], [sflag:$0x6] =	stream.strided.gather @!p0 [hbm4b:s18+s5], $0x2000, s6, s5, $0x38;
	[tilespmem:$0x1F800] =	vst v63  }
0x73: {  	_ =	swait.ge @!p0 [sflag:s15], $0x2000  }
0x74: {  	[sflag:s15] =	ssyncset.done @!p0 $0x0  }
0x75: {  	s5 =	rddreg [dreg:$0x13];
	[sflag:s15] =	ssyncadd.s32 @!p0 $0xFFFFE000  }
0x76: {  	[spmem:s5] =	stream.linear.scatter @!p0 [tilespmem:s8], [sflag:$0x6], $0x2000, $0x38;
	[tilespmem:$0x1F800] =	vst v63  }
0x77: {  	_ =	swait.ge @!p0 [sflag:s15], $0x2000  }
0x78: {  	[sflag:s15] =	ssyncset.done @!p0 $0x0  }
0x79: {  	[sflag:s15] =	ssyncadd.s32 @!p0 $0xFFFFE000  }
0x7a: {  	[spmem:s24] =	stream.linear.scatter @!p0 [tilespmem:s8], [sflag:$0x6], $0x2000, $0x38;
	[tilespmem:$0x1F800] =	vst v63  }
0x7b: {  	_ =	swait.ge @!p0 [sflag:s15], $0x2000  }
0x7c: {  	[sflag:s15] =	ssyncset.done @!p0 $0x0  }
0x7d: {  	[sflag:s15] =	ssyncadd.s32 @!p0 $0xFFFFE000  }
0x7e: {  	[bflag:$0x0] =	sbarrier.arrive $0xFFFF  }
0x7f: {  	s15 =	simm.s32 $0x14000;
	s8 =	rddreg [dreg:$0x15]  }
0x80: {  	[tilespmem:s15], [sflag:$0x3] =	stream.linear.gather [hbm4b:s8+s4], $0x1400, $0x38;
	[tilespmem:$0x1F800] =	vst v63  }
0x81: {  	s18 =	rddreg [dreg:$0x16]  }
0x82: {  	[tilespmem:s16], [sflag:$0x3] =	stream.linear.gather [hbm4b:s18+s4], $0x1400, $0x38;
	[tilespmem:$0x1F800] =	vst v63  }
0x83: {  	_ =	swait.ge [sflag:s17], $0x1400  }
0x84: {  	[sflag:s17] =	ssyncset.done $0x0  }
0x85: {  	[sflag:s17] =	ssyncadd.s32 $0xFFFFEC00  }
0x86: {  	_ =	swait.ge [sflag:s17], $0x1400  }
0x87: {  	[sflag:s17] =	ssyncset.done $0x0  }
0x88: {  	s8 =	simm.s32 $0x15400;
	s6 =	rddreg [dreg:$0x17];
	[sflag:s17] =	ssyncadd.s32 $0xFFFFEC00  }
0x89: {  	[tilespmem:s8], [sflag:$0x4] =	stream.linear.gather [hbm4b:s6+s4], $0x1400, $0x38;
	[tilespmem:$0x1F800] =	vst v63  }
0x8a: {  	s18 =	simm.s32 $0x19000;
	s15 =	rddreg [dreg:$0x18]  }
0x8b: {  	[tilespmem:s18], [sflag:$0x4] =	stream.linear.gather [hbm4b:s15+s4], $0x1400, $0x38;
	[tilespmem:$0x1F800] =	vst v63  }
0x8c: {  	s8 =	rddreg [dreg:$0x19];
	s15 =	simm.s32 $0x16800  }
0x8d: {  	[tilespmem:s15], [sflag:$0x5] =	stream.linear.gather [hbm4b:s8+s4], $0x1400, $0x38;
	[tilespmem:$0x1F800] =	vst v63  }
0x8e: {  	s18 =	rddreg [dreg:$0x1a]  }
0x8f: {  	[tilespmem:s19], [sflag:$0x5] =	stream.linear.gather [hbm4b:s18+s4], $0x1400, $0x38;
	[tilespmem:$0x1F800] =	vst v63  }
0x90: {  	_ = 	snop  }
0x91: {  	[tilespmem:s13], [sflag:$0x1] =	stream.indirect.gather [spmem:s2], $0x40, s16, s21, $0xb8;
	[tilespmem:$0x1F800] =	vst v63  }
0x92: {  	_ =	swait.ge [sflag:s23], $0x1400  }
0x93: {  	[sflag:s23] =	ssyncset.done $0x0  }
0x94: {  	[sflag:s23] =	ssyncadd.s32 $0xFFFFEC00  }
0x95: {  	_ =	swait.ge [sflag:s23], $0x1400  }
0x96: {  	[sflag:s23] =	ssyncset.done $0x0  }
0x97: {  	s6 =	simm.s32 $0x17C80;
	[sflag:s23] =	ssyncadd.s32 $0xFFFFEC00  }
0x98: {  	[tilespmem:s25], [sflag:$0x2] =	stream.indirect.gather [spmem:s2], $0x40, s6, s21, $0xb8;
	[tilespmem:$0x1F800] =	vst v63  }
0x99: {  	_ =	swait.ge [sflag:s26], $0x1F40  }
0x9a: {  	[sflag:s26] =	ssyncset.done $0x0  }
0x9b: {  	s8 =	simm.s32 $0x14000;
	[sflag:s26] =	ssyncadd.s32 $0xFFFFE0C0  }
0x9c: {  	[spmem:s3] =	stream.indirect.scatter.add.f32 [tilespmem:s13], [sflag:$0x6], $0x40, s8, s21, $0xb8;
	[tilespmem:$0x1F800] =	vst v63  }
0x9d: {  	_ =	swait.ge [sflag:s14], $0x1F40  }
0x9e: {  	[sflag:s14] =	ssyncset.done $0x0  }
0x9f: {  	s15 =	simm.s32 $0x17D00;
	[sflag:s14] =	ssyncadd.s32 $0xFFFFE0C0  }
0xa0: {  	[tilespmem:s13], [sflag:$0x1] =	stream.indirect.gather [spmem:s2], $0x40, s15, s21, $0xb8;
	[tilespmem:$0x1F800] =	vst v63  }
0xa1: {  	_ =	swait.ge [sflag:s28], $0x1F40  }
0xa2: {  	[sflag:s28] =	ssyncset.done $0x0  }
0xa3: {  	s18 =	simm.s32 $0x14080;
	[sflag:s28] =	ssyncadd.s32 $0xFFFFE0C0  }
0xa4: {  	[spmem:s3] =	stream.indirect.scatter.add.f32 [tilespmem:s25], [sflag:$0x6], $0x40, s18, s21, $0xb8;
	[tilespmem:$0x1F800] =	vst v63  }
0xa5: {  	_ =	swait.ge [sflag:s14], $0x1F40  }
0xa6: {  	s5 =	simm.s32 $0x800;
	s15 =	simm.s32 $0x100;
	[sflag:s14] =	ssyncset.done $0x0  }
.LBB2_2:
0xa7: {  	s6 =	sadd.s32 $0x17C80, s15  }
0xa8: {  	[sflag:s14] =	ssyncadd.s32 $0xFFFFE0C0;
	s8 =	smov.u32 s5;
	s18 =	sadd.s32 $0x400, s5  }
0xa9: {  	[tilespmem:s25], [sflag:$0x2] =	stream.indirect.gather [spmem:s2], $0x40, s6, s21, $0xb8;
	[tilespmem:$0x1F800] =	vst v63  }
0xaa: {  	p1 =	sne.s32 s5, $0x4800;
	_ =	swait.ge [sflag:s26], $0x1F40  }
0xab: {  	[sflag:s26] =	ssyncset.done $0x0  }
0xac: {  	s5 =	sadd.s32 $0x14000, s15;
	[sflag:s26] =	ssyncadd.s32 $0xFFFFE0C0  }
0xad: {  	[spmem:s3] =	stream.indirect.scatter.add.f32 [tilespmem:s13], [sflag:$0x6], $0x40, s5, s21, $0xb8;
	[tilespmem:$0x1F800] =	vst v63  }
0xae: {  	_ =	swait.ge [sflag:s14], $0x1F40  }
0xaf: {  	[sflag:s14] =	ssyncset.done $0x0  }
0xb0: {  	s5 =	sadd.s32 $0x17D00, s15;
	[sflag:s14] =	ssyncadd.s32 $0xFFFFE0C0  }
0xb1: {  	[tilespmem:s13], [sflag:$0x1] =	stream.indirect.gather [spmem:s2], $0x40, s5, s21, $0xb8;
	[tilespmem:$0x1F800] =	vst v63  }
0xb2: {  	_ =	swait.ge [sflag:s28], $0x1F40  }
.Ltmp0:
0xb3: {  	[sflag:s28] =	ssyncset.done $0x0;
	(pc) =	sbr.rel @p1 .LBB2_2-.Ltmp0, $4  }
0xb4: {  	s5 =	sadd.s32 $0x14080, s15;
	[sflag:s28] =	ssyncadd.s32 $0xFFFFE0C0  }
0xb5: {  	[spmem:s3] =	stream.indirect.scatter.add.f32 [tilespmem:s25], [sflag:$0x6], $0x40, s5, s21, $0xb8;
	[tilespmem:$0x1F800] =	vst v63  }
0xb6: {  	_ =	swait.ge [sflag:s14], $0x1F40  }
0xb7: {  	s15 =	sshra.s32 s8, $0x2;
	s5 =	smov.u32 s18;
	[sflag:s14] =	ssyncset.done $0x0  }
0xb8: {  	s5 =	sadd.s32 $0x17C80, s15;
	[sflag:s14] =	ssyncadd.s32 $0xFFFFE0C0  }
0xb9: {  	[tilespmem:s25], [sflag:$0x2] =	stream.indirect.gather [spmem:s2], $0x40, s5, s21, $0xb8;
	[tilespmem:$0x1F800] =	vst v63  }
0xba: {  	_ =	swait.ge [sflag:s26], $0x1F40  }
0xbb: {  	[sflag:s26] =	ssyncset.done $0x0  }
0xbc: {  	s8 =	sadd.s32 $0x14000, s15;
	[sflag:s26] =	ssyncadd.s32 $0xFFFFE0C0  }
0xbd: {  	[spmem:s3] =	stream.indirect.scatter.add.f32 [tilespmem:s13], [sflag:$0x6], $0x40, s8, s21, $0xb8;
	[tilespmem:$0x1F800] =	vst v63  }
0xbe: {  	_ =	swait.ge [sflag:s14], $0x1F40  }
0xbf: {  	[sflag:s14] =	ssyncset.done $0x0  }
0xc0: {  	s18 =	sadd.s32 $0x17D00, s15;
	[sflag:s14] =	ssyncadd.s32 $0xFFFFE0C0  }
0xc1: {  	[tilespmem:s13], [sflag:$0x1] =	stream.indirect.gather [spmem:s2], $0x40, s18, s21, $0xb8;
	[tilespmem:$0x1F800] =	vst v63  }
0xc2: {  	_ =	swait.ge [sflag:s28], $0x1F40  }
0xc3: {  	[sflag:s28] =	ssyncset.done $0x0  }
0xc4: {  	s6 =	sadd.s32 $0x14080, s15;
	[sflag:s28] =	ssyncadd.s32 $0xFFFFE0C0  }
0xc5: {  	[spmem:s3] =	stream.indirect.scatter.add.f32 [tilespmem:s25], [sflag:$0x6], $0x40, s6, s21, $0xb8;
	[tilespmem:$0x1F800] =	vst v63  }
0xc6: {  	_ =	swait.ge [sflag:s14], $0x1F40  }
0xc7: {  	[sflag:s14] =	ssyncset.done $0x0  }
0xc8: {  	[sflag:s14] =	ssyncadd.s32 $0xFFFFE0C0  }
0xc9: {  	[tilespmem:s25], [sflag:$0x2] =	stream.indirect.gather [spmem:s2], $0x40, s29, s21, $0xb8;
	[tilespmem:$0x1F800] =	vst v63  }
0xca: {  	_ =	swait.ge [sflag:s26], $0x1F40  }
0xcb: {  	[sflag:s26] =	ssyncset.done $0x0  }
0xcc: {  	[sflag:s26] =	ssyncadd.s32 $0xFFFFE0C0  }
0xcd: {  	[spmem:s3] =	stream.indirect.scatter.add.f32 [tilespmem:s13], [sflag:$0x6], $0x40, s30, s21, $0xb8;
	[tilespmem:$0x1F800] =	vst v63  }
0xce: {  	_ =	swait.ge [sflag:s14], $0x1F40  }
0xcf: {  	[sflag:s14] =	ssyncset.done $0x0  }
0xd0: {  	s8 =	simm.s32 $0x19000;
	[sflag:s14] =	ssyncadd.s32 $0xFFFFE0C0  }
0xd1: {  	[tilespmem:s13], [sflag:$0x1] =	stream.indirect.gather [spmem:s2], $0x40, s8, s21, $0xb8;
	[tilespmem:$0x1F800] =	vst v63  }
0xd2: {  	_ =	swait.ge [sflag:s28], $0x1F40  }
0xd3: {  	[sflag:s28] =	ssyncset.done $0x0  }
0xd4: {  	[sflag:s28] =	ssyncadd.s32 $0xFFFFE0C0  }
0xd5: {  	[spmem:s3] =	stream.indirect.scatter.add.f32 [tilespmem:s25], [sflag:$0x6], $0x40, s31, s21, $0xb8;
	[tilespmem:$0x1F800] =	vst v63  }
0xd6: {  	_ =	swait.ge [sflag:s14], $0x1F40  }
0xd7: {  	[sflag:s14] =	ssyncset.done $0x0  }
0xd8: {  	[sflag:s14] =	ssyncadd.s32 $0xFFFFE0C0  }
0xd9: {  	_ =	swait.ge [sflag:s0], $0x1400  }
0xda: {  	[sflag:s0] =	ssyncset.done $0x0  }
0xdb: {  	[sflag:s0] =	ssyncadd.s32 $0xFFFFEC00  }
0xdc: {  	_ =	swait.ge [sflag:s0], $0x1400  }
0xdd: {  	s15 =	simm.s32 $0x0;
	[sflag:s0] =	ssyncset.done $0x0  }
0xde: {  	s8 =	simm.s32 $0x14000;
	s6 =	rddreg [dreg:$0x1b];
	[sflag:s0] =	ssyncadd.s32 $0xFFFFEC00  }
0xdf: {  	[tilespmem:s8], [sflag:$0x3] =	stream.linear.gather [hbm4b:s6+s15], $0x1400, $0x38;
	[tilespmem:$0x1F800] =	vst v63  }
0xe0: {  	s18 =	rddreg [dreg:$0x1c]  }
0xe1: {  	[tilespmem:s16], [sflag:$0x3] =	stream.linear.gather [hbm4b:s18+s15], $0x1400, $0x38;
	[tilespmem:$0x1F800] =	vst v63  }
0xe2: {  	s6 =	simm.s32 $0x19080  }
0xe3: {  	[tilespmem:s25], [sflag:$0x2] =	stream.indirect.gather [spmem:s2], $0x40, s6, s21, $0xb8;
	[tilespmem:$0x1F800] =	vst v63  }
0xe4: {  	_ =	swait.ge [sflag:s26], $0x1F40  }
0xe5: {  	[sflag:s26] =	ssyncset.done $0x0  }
0xe6: {  	s8 =	simm.s32 $0x15400;
	[sflag:s26] =	ssyncadd.s32 $0xFFFFE0C0  }
0xe7: {  	[spmem:s3] =	stream.indirect.scatter.add.f32 [tilespmem:s13], [sflag:$0x6], $0x40, s8, s21, $0xb8;
	[tilespmem:$0x1F800] =	vst v63  }
0xe8: {  	_ =	swait.ge [sflag:s14], $0x1F40  }
0xe9: {  	[sflag:s14] =	ssyncset.done $0x0  }
0xea: {  	s15 =	simm.s32 $0x19100;
	[sflag:s14] =	ssyncadd.s32 $0xFFFFE0C0  }
0xeb: {  	[tilespmem:s13], [sflag:$0x1] =	stream.indirect.gather [spmem:s2], $0x40, s15, s21, $0xb8;
	[tilespmem:$0x1F800] =	vst v63  }
0xec: {  	_ =	swait.ge [sflag:s28], $0x1F40  }
0xed: {  	[sflag:s28] =	ssyncset.done $0x0  }
0xee: {  	s18 =	simm.s32 $0x15480;
	[sflag:s28] =	ssyncadd.s32 $0xFFFFE0C0  }
0xef: {  	[spmem:s3] =	stream.indirect.scatter.add.f32 [tilespmem:s25], [sflag:$0x6], $0x40, s18, s21, $0xb8;
	[tilespmem:$0x1F800] =	vst v63  }
0xf0: {  	_ =	swait.ge [sflag:s14], $0x1F40  }
0xf1: {  	s5 =	simm.s32 $0x800;
	s15 =	simm.s32 $0x100;
	[sflag:s14] =	ssyncset.done $0x0  }
.LBB2_4:
0xf2: {  	s6 =	sadd.s32 $0x19080, s15  }
0xf3: {  	[sflag:s14] =	ssyncadd.s32 $0xFFFFE0C0;
	s8 =	smov.u32 s5;
	s18 =	sadd.s32 $0x400, s5  }
0xf4: {  	[tilespmem:s25], [sflag:$0x2] =	stream.indirect.gather [spmem:s2], $0x40, s6, s21, $0xb8;
	[tilespmem:$0x1F800] =	vst v63  }
0xf5: {  	p1 =	sne.s32 s5, $0x4800;
	_ =	swait.ge [sflag:s26], $0x1F40  }
0xf6: {  	[sflag:s26] =	ssyncset.done $0x0  }
0xf7: {  	s5 =	sadd.s32 $0x15400, s15;
	[sflag:s26] =	ssyncadd.s32 $0xFFFFE0C0  }
0xf8: {  	[spmem:s3] =	stream.indirect.scatter.add.f32 [tilespmem:s13], [sflag:$0x6], $0x40, s5, s21, $0xb8;
	[tilespmem:$0x1F800] =	vst v63  }
0xf9: {  	_ =	swait.ge [sflag:s14], $0x1F40  }
0xfa: {  	[sflag:s14] =	ssyncset.done $0x0  }
0xfb: {  	s5 =	sadd.s32 $0x19100, s15;
	[sflag:s14] =	ssyncadd.s32 $0xFFFFE0C0  }
0xfc: {  	[tilespmem:s13], [sflag:$0x1] =	stream.indirect.gather [spmem:s2], $0x40, s5, s21, $0xb8;
	[tilespmem:$0x1F800] =	vst v63  }
0xfd: {  	_ =	swait.ge [sflag:s28], $0x1F40  }
.Ltmp1:
0xfe: {  	[sflag:s28] =	ssyncset.done $0x0;
	(pc) =	sbr.rel @p1 .LBB2_4-.Ltmp1, $4  }
0xff: {  	s5 =	sadd.s32 $0x15480, s15;
	[sflag:s28] =	ssyncadd.s32 $0xFFFFE0C0  }
0x100: {  	[spmem:s3] =	stream.indirect.scatter.add.f32 [tilespmem:s25], [sflag:$0x6], $0x40, s5, s21, $0xb8;
	[tilespmem:$0x1F800] =	vst v63  }
0x101: {  	_ =	swait.ge [sflag:s14], $0x1F40  }
0x102: {  	s15 =	sshra.s32 s8, $0x2;
	s5 =	smov.u32 s18;
	[sflag:s14] =	ssyncset.done $0x0  }
0x103: {  	s5 =	sadd.s32 $0x19080, s15;
	[sflag:s14] =	ssyncadd.s32 $0xFFFFE0C0  }
0x104: {  	[tilespmem:s25], [sflag:$0x2] =	stream.indirect.gather [spmem:s2], $0x40, s5, s21, $0xb8;
	[tilespmem:$0x1F800] =	vst v63  }
0x105: {  	_ =	swait.ge [sflag:s26], $0x1F40  }
0x106: {  	[sflag:s26] =	ssyncset.done $0x0  }
0x107: {  	s8 =	sadd.s32 $0x15400, s15;
	[sflag:s26] =	ssyncadd.s32 $0xFFFFE0C0  }
0x108: {  	[spmem:s3] =	stream.indirect.scatter.add.f32 [tilespmem:s13], [sflag:$0x6], $0x40, s8, s21, $0xb8;
	[tilespmem:$0x1F800] =	vst v63  }
0x109: {  	_ =	swait.ge [sflag:s14], $0x1F40  }
0x10a: {  	[sflag:s14] =	ssyncset.done $0x0  }
0x10b: {  	s18 =	sadd.s32 $0x19100, s15;
	[sflag:s14] =	ssyncadd.s32 $0xFFFFE0C0  }
0x10c: {  	[tilespmem:s13], [sflag:$0x1] =	stream.indirect.gather [spmem:s2], $0x40, s18, s21, $0xb8;
	[tilespmem:$0x1F800] =	vst v63  }
0x10d: {  	_ =	swait.ge [sflag:s28], $0x1F40  }
0x10e: {  	[sflag:s28] =	ssyncset.done $0x0  }
0x10f: {  	s6 =	sadd.s32 $0x15480, s15;
	[sflag:s28] =	ssyncadd.s32 $0xFFFFE0C0  }
0x110: {  	[spmem:s3] =	stream.indirect.scatter.add.f32 [tilespmem:s25], [sflag:$0x6], $0x40, s6, s21, $0xb8;
	[tilespmem:$0x1F800] =	vst v63  }
0x111: {  	_ =	swait.ge [sflag:s14], $0x1F40  }
0x112: {  	[sflag:s14] =	ssyncset.done $0x0  }
0x113: {  	s8 =	simm.s32 $0x1A380;
	[sflag:s14] =	ssyncadd.s32 $0xFFFFE0C0  }
0x114: {  	[tilespmem:s25], [sflag:$0x2] =	stream.indirect.gather [spmem:s2], $0x40, s8, s21, $0xb8;
	[tilespmem:$0x1F800] =	vst v63  }
0x115: {  	_ =	swait.ge [sflag:s26], $0x1F40  }
0x116: {  	[sflag:s26] =	ssyncset.done $0x0  }
0x117: {  	s15 =	simm.s32 $0x16700;
	[sflag:s26] =	ssyncadd.s32 $0xFFFFE0C0  }
0x118: {  	[spmem:s3] =	stream.indirect.scatter.add.f32 [tilespmem:s13], [sflag:$0x6], $0x40, s15, s21, $0xb8;
	[tilespmem:$0x1F800] =	vst v63  }
0x119: {  	_ =	swait.ge [sflag:s14], $0x1F40  }
0x11a: {  	[sflag:s14] =	ssyncset.done $0x0  }
0x11b: {  	[sflag:s14] =	ssyncadd.s32 $0xFFFFE0C0  }
0x11c: {  	[tilespmem:s13], [sflag:$0x1] =	stream.indirect.gather [spmem:s2], $0x40, s19, s21, $0xb8;
	[tilespmem:$0x1F800] =	vst v63  }
0x11d: {  	_ =	swait.ge [sflag:s28], $0x1F40  }
0x11e: {  	[sflag:s28] =	ssyncset.done $0x0  }
0x11f: {  	s18 =	simm.s32 $0x16780;
	[sflag:s28] =	ssyncadd.s32 $0xFFFFE0C0  }
0x120: {  	[spmem:s3] =	stream.indirect.scatter.add.f32 [tilespmem:s25], [sflag:$0x6], $0x40, s18, s21, $0xb8;
	[tilespmem:$0x1F800] =	vst v63  }
0x121: {  	_ =	swait.ge [sflag:s14], $0x1F40  }
0x122: {  	[sflag:s14] =	ssyncset.done $0x0  }
0x123: {  	[sflag:s14] =	ssyncadd.s32 $0xFFFFE0C0  }
0x124: {  	_ =	swait.ge [sflag:s17], $0x1400  }
0x125: {  	[sflag:s17] =	ssyncset.done $0x0  }
0x126: {  	[sflag:s17] =	ssyncadd.s32 $0xFFFFEC00  }
0x127: {  	_ =	swait.ge [sflag:s17], $0x1400  }
0x128: {  	[sflag:s17] =	ssyncset.done $0x0  }
0x129: {  	s6 =	simm.s32 $0x1A480;
	[sflag:s17] =	ssyncadd.s32 $0xFFFFEC00  }
0x12a: {  	[tilespmem:s25], [sflag:$0x2] =	stream.indirect.gather [spmem:s2], $0x40, s6, s21, $0xb8;
	[tilespmem:$0x1F800] =	vst v63  }
0x12b: {  	_ =	swait.ge [sflag:s26], $0x1F40  }
0x12c: {  	[sflag:s26] =	ssyncset.done $0x0  }
0x12d: {  	s8 =	simm.s32 $0x16800;
	[sflag:s26] =	ssyncadd.s32 $0xFFFFE0C0  }
0x12e: {  	[spmem:s3] =	stream.indirect.scatter.add.f32 [tilespmem:s13], [sflag:$0x6], $0x40, s8, s21, $0xb8;
	[tilespmem:$0x1F800] =	vst v63  }
0x12f: {  	_ =	swait.ge [sflag:s14], $0x1F40  }
0x130: {  	[sflag:s14] =	ssyncset.done $0x0  }
0x131: {  	s15 =	simm.s32 $0x1A500;
	[sflag:s14] =	ssyncadd.s32 $0xFFFFE0C0  }
0x132: {  	[tilespmem:s13], [sflag:$0x1] =	stream.indirect.gather [spmem:s2], $0x40, s15, s21, $0xb8;
	[tilespmem:$0x1F800] =	vst v63  }
0x133: {  	_ =	swait.ge [sflag:s28], $0x1F40  }
0x134: {  	[sflag:s28] =	ssyncset.done $0x0  }
0x135: {  	s18 =	simm.s32 $0x16880;
	[sflag:s28] =	ssyncadd.s32 $0xFFFFE0C0  }
0x136: {  	[spmem:s3] =	stream.indirect.scatter.add.f32 [tilespmem:s25], [sflag:$0x6], $0x40, s18, s21, $0xb8;
	[tilespmem:$0x1F800] =	vst v63  }
0x137: {  	_ =	swait.ge [sflag:s14], $0x1F40  }
0x138: {  	s5 =	simm.s32 $0x800;
	s15 =	simm.s32 $0x100;
	[sflag:s14] =	ssyncset.done $0x0  }
.LBB2_6:
0x139: {  	s6 =	sadd.s32 $0x1A480, s15  }
0x13a: {  	[sflag:s14] =	ssyncadd.s32 $0xFFFFE0C0;
	s8 =	smov.u32 s5;
	s18 =	sadd.s32 $0x400, s5  }
0x13b: {  	[tilespmem:s25], [sflag:$0x2] =	stream.indirect.gather [spmem:s2], $0x40, s6, s21, $0xb8;
	[tilespmem:$0x1F800] =	vst v63  }
0x13c: {  	p1 =	sne.s32 s5, $0x4800;
	_ =	swait.ge [sflag:s26], $0x1F40  }
0x13d: {  	[sflag:s26] =	ssyncset.done $0x0  }
0x13e: {  	s5 =	sadd.s32 $0x16800, s15;
	[sflag:s26] =	ssyncadd.s32 $0xFFFFE0C0  }
0x13f: {  	[spmem:s3] =	stream.indirect.scatter.add.f32 [tilespmem:s13], [sflag:$0x6], $0x40, s5, s21, $0xb8;
	[tilespmem:$0x1F800] =	vst v63  }
0x140: {  	_ =	swait.ge [sflag:s14], $0x1F40  }
0x141: {  	[sflag:s14] =	ssyncset.done $0x0  }
0x142: {  	s5 =	sadd.s32 $0x1A500, s15;
	[sflag:s14] =	ssyncadd.s32 $0xFFFFE0C0  }
0x143: {  	[tilespmem:s13], [sflag:$0x1] =	stream.indirect.gather [spmem:s2], $0x40, s5, s21, $0xb8;
	[tilespmem:$0x1F800] =	vst v63  }
0x144: {  	_ =	swait.ge [sflag:s28], $0x1F40  }
.Ltmp2:
0x145: {  	[sflag:s28] =	ssyncset.done $0x0;
	(pc) =	sbr.rel @p1 .LBB2_6-.Ltmp2, $4  }
0x146: {  	s5 =	sadd.s32 $0x16880, s15;
	[sflag:s28] =	ssyncadd.s32 $0xFFFFE0C0  }
0x147: {  	[spmem:s3] =	stream.indirect.scatter.add.f32 [tilespmem:s25], [sflag:$0x6], $0x40, s5, s21, $0xb8;
	[tilespmem:$0x1F800] =	vst v63  }
0x148: {  	_ =	swait.ge [sflag:s14], $0x1F40  }
0x149: {  	s15 =	sshra.s32 s8, $0x2;
	s5 =	smov.u32 s18;
	[sflag:s14] =	ssyncset.done $0x0  }
0x14a: {  	s5 =	sadd.s32 $0x1A480, s15;
	[sflag:s14] =	ssyncadd.s32 $0xFFFFE0C0  }
0x14b: {  	[tilespmem:s25], [sflag:$0x2] =	stream.indirect.gather [spmem:s2], $0x40, s5, s21, $0xb8;
	[tilespmem:$0x1F800] =	vst v63  }
0x14c: {  	_ =	swait.ge [sflag:s26], $0x1F40  }
0x14d: {  	[sflag:s26] =	ssyncset.done $0x0  }
0x14e: {  	s8 =	sadd.s32 $0x16800, s15;
	[sflag:s26] =	ssyncadd.s32 $0xFFFFE0C0  }
0x14f: {  	[spmem:s3] =	stream.indirect.scatter.add.f32 [tilespmem:s13], [sflag:$0x6], $0x40, s8, s21, $0xb8;
	[tilespmem:$0x1F800] =	vst v63  }
0x150: {  	_ =	swait.ge [sflag:s14], $0x1F40  }
0x151: {  	[sflag:s14] =	ssyncset.done $0x0  }
0x152: {  	s18 =	sadd.s32 $0x1A500, s15;
	[sflag:s14] =	ssyncadd.s32 $0xFFFFE0C0  }
0x153: {  	[tilespmem:s13], [sflag:$0x1] =	stream.indirect.gather [spmem:s2], $0x40, s18, s21, $0xb8;
	[tilespmem:$0x1F800] =	vst v63  }
0x154: {  	_ =	swait.ge [sflag:s28], $0x1F40  }
0x155: {  	[sflag:s28] =	ssyncset.done $0x0  }
0x156: {  	s6 =	sadd.s32 $0x16880, s15;
	[sflag:s28] =	ssyncadd.s32 $0xFFFFE0C0  }
0x157: {  	[spmem:s3] =	stream.indirect.scatter.add.f32 [tilespmem:s25], [sflag:$0x6], $0x40, s6, s21, $0xb8;
	[tilespmem:$0x1F800] =	vst v63  }
0x158: {  	_ =	swait.ge [sflag:s14], $0x1F40  }
0x159: {  	[sflag:s14] =	ssyncset.done $0x0  }
0x15a: {  	s8 =	simm.s32 $0x1B780;
	[sflag:s14] =	ssyncadd.s32 $0xFFFFE0C0  }
0x15b: {  	[tilespmem:s25], [sflag:$0x2] =	stream.indirect.gather [spmem:s2], $0x40, s8, s21, $0xb8;
	[tilespmem:$0x1F800] =	vst v63  }
0x15c: {  	_ =	swait.ge [sflag:s26], $0x1F40  }
0x15d: {  	[sflag:s26] =	ssyncset.done $0x0  }
0x15e: {  	s15 =	simm.s32 $0x17B00;
	[sflag:s26] =	ssyncadd.s32 $0xFFFFE0C0  }
0x15f: {  	[spmem:s3] =	stream.indirect.scatter.add.f32 [tilespmem:s13], [sflag:$0x6], $0x40, s15, s21, $0xb8;
	[tilespmem:$0x1F800] =	vst v63  }
0x160: {  	_ =	swait.ge [sflag:s14], $0x1F40  }
0x161: {  	[sflag:s14] =	ssyncset.done $0x0  }
0x162: {  	[sflag:s14] =	ssyncadd.s32 $0xFFFFE0C0  }
0x163: {  	[tilespmem:s13], [sflag:$0x1] =	stream.indirect.gather [spmem:s2], $0x40, s16, s21, $0xb8;
	[tilespmem:$0x1F800] =	vst v63  }
0x164: {  	_ =	swait.ge [sflag:s28], $0x1F40  }
0x165: {  	[sflag:s28] =	ssyncset.done $0x0  }
0x166: {  	s18 =	simm.s32 $0x17B80;
	[sflag:s28] =	ssyncadd.s32 $0xFFFFE0C0  }
0x167: {  	[spmem:s3] =	stream.indirect.scatter.add.f32 [tilespmem:s25], [sflag:$0x6], $0x40, s18, s21, $0xb8;
	[tilespmem:$0x1F800] =	vst v63  }
0x168: {  	_ =	swait.ge [sflag:s14], $0x1F40  }
0x169: {  	[sflag:s14] =	ssyncset.done $0x0  }
0x16a: {  	s6 =	simm.s32 $0x17C80;
	[sflag:s14] =	ssyncadd.s32 $0xFFFFE0C0  }
0x16b: {  	[tilespmem:s25], [sflag:$0x2] =	stream.indirect.gather [spmem:s2], $0x40, s6, s21, $0xb8;
	[tilespmem:$0x1F800] =	vst v63  }
0x16c: {  	_ =	swait.ge [sflag:s26], $0x1F40  }
0x16d: {  	[sflag:s26] =	ssyncset.done $0x0  }
0x16e: {  	s8 =	simm.s32 $0x14000;
	[sflag:s26] =	ssyncadd.s32 $0xFFFFE0C0  }
0x16f: {  	[spmem:s3] =	stream.indirect.scatter.add.f32 [tilespmem:s13], [sflag:$0x6], $0x40, s8, s21, $0xb8;
	[tilespmem:$0x1F800] =	vst v63  }
0x170: {  	_ =	swait.ge [sflag:s14], $0x1F40  }
0x171: {  	[sflag:s14] =	ssyncset.done $0x0  }
0x172: {  	s15 =	simm.s32 $0x17D00;
	[sflag:s14] =	ssyncadd.s32 $0xFFFFE0C0  }
0x173: {  	[tilespmem:s13], [sflag:$0x1] =	stream.indirect.gather [spmem:s2], $0x40, s15, s21, $0xb8;
	[tilespmem:$0x1F800] =	vst v63  }
0x174: {  	_ =	swait.ge [sflag:s28], $0x1F40  }
0x175: {  	[sflag:s28] =	ssyncset.done $0x0  }
0x176: {  	s18 =	simm.s32 $0x14080;
	[sflag:s28] =	ssyncadd.s32 $0xFFFFE0C0  }
0x177: {  	[spmem:s3] =	stream.indirect.scatter.add.f32 [tilespmem:s25], [sflag:$0x6], $0x40, s18, s21, $0xb8;
	[tilespmem:$0x1F800] =	vst v63  }
0x178: {  	_ =	swait.ge [sflag:s14], $0x1F40  }
0x179: {  	s5 =	simm.s32 $0x800;
	s15 =	simm.s32 $0x100;
	[sflag:s14] =	ssyncset.done $0x0  }
.LBB2_8:
0x17a: {  	s6 =	sadd.s32 $0x17C80, s15  }
0x17b: {  	[sflag:s14] =	ssyncadd.s32 $0xFFFFE0C0;
	s8 =	smov.u32 s5;
	s18 =	sadd.s32 $0x400, s5  }
0x17c: {  	[tilespmem:s25], [sflag:$0x2] =	stream.indirect.gather [spmem:s2], $0x40, s6, s21, $0xb8;
	[tilespmem:$0x1F800] =	vst v63  }
0x17d: {  	p1 =	sne.s32 s5, $0x4800;
	_ =	swait.ge [sflag:s26], $0x1F40  }
0x17e: {  	[sflag:s26] =	ssyncset.done $0x0  }
0x17f: {  	s5 =	sadd.s32 $0x14000, s15;
	[sflag:s26] =	ssyncadd.s32 $0xFFFFE0C0  }
0x180: {  	[spmem:s3] =	stream.indirect.scatter.add.f32 [tilespmem:s13], [sflag:$0x6], $0x40, s5, s21, $0xb8;
	[tilespmem:$0x1F800] =	vst v63  }
0x181: {  	_ =	swait.ge [sflag:s14], $0x1F40  }
0x182: {  	[sflag:s14] =	ssyncset.done $0x0  }
0x183: {  	s5 =	sadd.s32 $0x17D00, s15;
	[sflag:s14] =	ssyncadd.s32 $0xFFFFE0C0  }
0x184: {  	[tilespmem:s13], [sflag:$0x1] =	stream.indirect.gather [spmem:s2], $0x40, s5, s21, $0xb8;
	[tilespmem:$0x1F800] =	vst v63  }
0x185: {  	_ =	swait.ge [sflag:s28], $0x1F40  }
.Ltmp3:
0x186: {  	[sflag:s28] =	ssyncset.done $0x0;
	(pc) =	sbr.rel @p1 .LBB2_8-.Ltmp3, $4  }
0x187: {  	s5 =	sadd.s32 $0x14080, s15;
	[sflag:s28] =	ssyncadd.s32 $0xFFFFE0C0  }
0x188: {  	[spmem:s3] =	stream.indirect.scatter.add.f32 [tilespmem:s25], [sflag:$0x6], $0x40, s5, s21, $0xb8;
	[tilespmem:$0x1F800] =	vst v63  }
0x189: {  	_ =	swait.ge [sflag:s14], $0x1F40  }
0x18a: {  	s15 =	sshra.s32 s8, $0x2;
	s5 =	smov.u32 s18;
	[sflag:s14] =	ssyncset.done $0x0  }
0x18b: {  	s5 =	sadd.s32 $0x17C80, s15;
	[sflag:s14] =	ssyncadd.s32 $0xFFFFE0C0  }
0x18c: {  	[tilespmem:s25], [sflag:$0x2] =	stream.indirect.gather [spmem:s2], $0x40, s5, s21, $0xb8;
	[tilespmem:$0x1F800] =	vst v63  }
0x18d: {  	_ =	swait.ge [sflag:s26], $0x1F40  }
0x18e: {  	[sflag:s26] =	ssyncset.done $0x0  }
0x18f: {  	s18 =	sadd.s32 $0x14000, s15;
	[sflag:s26] =	ssyncadd.s32 $0xFFFFE0C0  }
0x190: {  	[spmem:s3] =	stream.indirect.scatter.add.f32 [tilespmem:s13], [sflag:$0x6], $0x40, s18, s21, $0xb8;
	[tilespmem:$0x1F800] =	vst v63  }
0x191: {  	_ =	swait.ge [sflag:s14], $0x1F40  }
0x192: {  	[sflag:s14] =	ssyncset.done $0x0  }
0x193: {  	s6 =	sadd.s32 $0x17D00, s15;
	[sflag:s14] =	ssyncadd.s32 $0xFFFFE0C0  }
0x194: {  	[tilespmem:s13], [sflag:$0x1] =	stream.indirect.gather [spmem:s2], $0x40, s6, s21, $0xb8;
	[tilespmem:$0x1F800] =	vst v63  }
0x195: {  	_ =	swait.ge [sflag:s28], $0x1F40  }
0x196: {  	[sflag:s28] =	ssyncset.done $0x0  }
0x197: {  	s8 =	sadd.s32 $0x14080, s15;
	[sflag:s28] =	ssyncadd.s32 $0xFFFFE0C0  }
0x198: {  	[spmem:s3] =	stream.indirect.scatter.add.f32 [tilespmem:s25], [sflag:$0x6], $0x40, s8, s21, $0xb8;
	[tilespmem:$0x1F800] =	vst v63  }
0x199: {  	_ =	swait.ge [sflag:s14], $0x1F40  }
0x19a: {  	[sflag:s14] =	ssyncset.done $0x0  }
0x19b: {  	[sflag:s14] =	ssyncadd.s32 $0xFFFFE0C0  }
0x19c: {  	[tilespmem:s25], [sflag:$0x2] =	stream.indirect.gather [spmem:s2], $0x40, s29, s21, $0xb8;
	[tilespmem:$0x1F800] =	vst v63  }
0x19d: {  	_ =	swait.ge [sflag:s26], $0x1F40  }
0x19e: {  	[sflag:s26] =	ssyncset.done $0x0  }
0x19f: {  	[sflag:s26] =	ssyncadd.s32 $0xFFFFE0C0  }
0x1a0: {  	[spmem:s3] =	stream.indirect.scatter.add.f32 [tilespmem:s13], [sflag:$0x6], $0x40, s30, s21, $0xb8;
	[tilespmem:$0x1F800] =	vst v63  }
0x1a1: {  	_ =	swait.ge [sflag:s14], $0x1F40  }
0x1a2: {  	[sflag:s14] =	ssyncset.done $0x0  }
0x1a3: {  	[sflag:s14] =	ssyncadd.s32 $0xFFFFE0C0  }
0x1a4: {  	_ =	swait.ge [sflag:s28], $0x1F40  }
0x1a5: {  	[sflag:s28] =	ssyncset.done $0x0  }
0x1a6: {  	[sflag:s28] =	ssyncadd.s32 $0xFFFFE0C0  }
0x1a7: {  	[spmem:s3] =	stream.indirect.scatter.add.f32 [tilespmem:s25], [sflag:$0x6], $0x40, s31, s21, $0xb8;
	[tilespmem:$0x1F800] =	vst v63  }
0x1a8: {  	_ =	swait.ge [sflag:s14], $0x1F40  }
0x1a9: {  	[sflag:s14] =	ssyncset.done $0x0  }
0x1aa: {  	[sflag:s14] =	ssyncadd.s32 $0xFFFFE0C0  }
0x1ab: {  	[bflag:$0x0] =	sbarrier.arrive $0xFFFF  }
0x1ac: {  	[tilespmem:s13], [sflag:$0x6] =	stream.linear.gather [spmem:s7], $0x2000, $0x38;
	[tilespmem:$0x1F800] =	vst v63  }
0x1ad: {  	_ =	swait.ge [sflag:s14], $0x2000  }
0x1ae: {  	[sflag:s14] =	ssyncset.done $0x0  }
0x1af: {  	s15 =	rddreg [dreg:$0xc];
	[sflag:s14] =	ssyncadd.s32 $0xFFFFE000  }
0x1b0: {  	[hbm4b:s15+s11] =	stream.strided.scatter [tilespmem:s13], [sflag:$0x6], $0x2000, s12, s11, $0x38;
	[tilespmem:$0x1F800] =	vst v63  }
0x1b1: {  	_ =	swait.ge [sflag:s14], $0x2000  }
0x1b2: {  	[sflag:s14] =	ssyncset.done $0x0  }
0x1b3: {  	[sflag:s14] =	ssyncadd.s32 $0xFFFFE000  }
0x1b4: {  	[tilespmem:s13], [sflag:$0x6] =	stream.linear.gather [spmem:s10], $0x2000, $0x38;
	[tilespmem:$0x1F800] =	vst v63  }
0x1b5: {  	_ =	swait.ge [sflag:s14], $0x2000  }
0x1b6: {  	[sflag:s14] =	ssyncset.done $0x0  }
0x1b7: {  	s18 =	rddreg [dreg:$0xd];
	[sflag:s14] =	ssyncadd.s32 $0xFFFFE000  }
0x1b8: {  	[hbm4b:s18+s11] =	stream.strided.scatter [tilespmem:s13], [sflag:$0x6], $0x2000, s12, s11, $0x38;
	[tilespmem:$0x1F800] =	vst v63  }
0x1b9: {  	_ =	swait.ge [sflag:s14], $0x2000  }
0x1ba: {  	[sflag:s14] =	ssyncset.done $0x0  }
0x1bb: {  	[sflag:s14] =	ssyncadd.s32 $0xFFFFE000  }
0x1bc: {  	[tilespmem:s13], [sflag:$0x6] =	stream.linear.gather [spmem:s20], $0x2000, $0x38;
	[tilespmem:$0x1F800] =	vst v63  }
0x1bd: {  	_ =	swait.ge [sflag:s14], $0x2000  }
0x1be: {  	[sflag:s14] =	ssyncset.done $0x0  }
0x1bf: {  	s6 =	rddreg [dreg:$0xe];
	[sflag:s14] =	ssyncadd.s32 $0xFFFFE000  }
0x1c0: {  	[hbm4b:s6+s11] =	stream.strided.scatter [tilespmem:s13], [sflag:$0x6], $0x2000, s12, s11, $0x38;
	[tilespmem:$0x1F800] =	vst v63  }
0x1c1: {  	_ =	swait.ge [sflag:s14], $0x2000  }
0x1c2: {  	[sflag:s14] =	ssyncset.done $0x0  }
0x1c3: {  	[sflag:s14] =	ssyncadd.s32 $0xFFFFE000  }
0x1c4: {  	[tilespmem:s13], [sflag:$0x6] =	stream.linear.gather [spmem:s22], $0x2000, $0x38;
	[tilespmem:$0x1F800] =	vst v63  }
0x1c5: {  	_ =	swait.ge [sflag:s14], $0x2000  }
0x1c6: {  	[sflag:s14] =	ssyncset.done $0x0  }
0x1c7: {  	s8 =	rddreg [dreg:$0xf];
	[sflag:s14] =	ssyncadd.s32 $0xFFFFE000  }
0x1c8: {  	[hbm4b:s8+s11] =	stream.strided.scatter [tilespmem:s13], [sflag:$0x6], $0x2000, s12, s11, $0x38;
	[tilespmem:$0x1F800] =	vst v63  }
0x1c9: {  	_ =	swait.ge [sflag:s14], $0x2000  }
0x1ca: {  	[sflag:s14] =	ssyncset.done $0x0  }
0x1cb: {  	[sflag:s14] =	ssyncadd.s32 $0xFFFFE000  }
0x1cc: {  	[tilespmem:s13], [sflag:$0x6] =	stream.linear.gather [spmem:s24], $0x2000, $0x38;
	[tilespmem:$0x1F800] =	vst v63  }
0x1cd: {  	_ =	swait.ge [sflag:s14], $0x2000  }
0x1ce: {  	[sflag:s14] =	ssyncset.done $0x0  }
0x1cf: {  	s15 =	rddreg [dreg:$0x10];
	[sflag:s14] =	ssyncadd.s32 $0xFFFFE000  }
0x1d0: {  	[hbm4b:s15+s11] =	stream.strided.scatter [tilespmem:s13], [sflag:$0x6], $0x2000, s12, s11, $0x38;
	[tilespmem:$0x1F800] =	vst v63  }
0x1d1: {  	_ =	swait.ge [sflag:s14], $0x2000  }
0x1d2: {  	s1 =	sadd.s32 $0x1, s1;
	s18 =	rddreg [dreg:$0x1d]  }
0x1d3: {  	p1 =	sne.s32 s1, s18  }
.Ltmp4:
0x1d4: {  	_ = 	snop;
	(pc) =	sbr.rel @p1 .LBB2_1-.Ltmp4, $3  }
0x1d5: {  	_ =	sdelay $0x1  }
0x1d6: {  	[sflag:s14] =	ssyncset.done $0x0  }
0x1d7: {  	[sflag:s14] =	ssyncadd.s32 $0xFFFFE000  }
0x1d8: {  	_ =	sfence.sel $0x180000  }
0x1d9: {  	[bflag:$0x0] =	sbarrier.arrive $0xFFFF  }
0x1da: {  	_ =	strace $0x90000047  }
0x1db: {  	s0 =	stileid.u32;
	[bflag:$0x2] =	sbarrier.arrive $0xFFFF  }
0x1dc: {  	p0 =	sne.s32 s0, $0x0;
	s0 =	rddreg [dreg:$0x4]  }
0x1dd: {  	s0 =	sadd.s32 @!p0 $0x100000, s0  }
0x1de: {  	[sflag:s0] =	ssyncadd.tile.s32 @!p0 $0x1;
	_ =	shalt  }
.Lfunc_end2:
_tile_overlayer_lowered:
.L_overlay_start_2:
0x1df: {  	(tag) =	ssettag $0x2  }
0x1e0: {  	s0 =	rddreg [dreg:$0x0];
	s2 =	stileid.u32  }
0x1e1: {  	s1 =	rddreg [dreg:$0x1];
	p0 =	sne.s32 s2, $0x0  }
0x1e2: {  	s3 =	rddreg [dreg:$0x2];
	[bflag:$0x3] =	sbarrier.arrive $0xFFFF;
	s2 =	simm.s32 @!p0 $0x1C06  }
0x1e3: {  	[timem:s3], [sflag:s2] =	dma.local @!p0 [hbm:s0], s1  }
0x1e4: {  	s0 =	simm.s32 @!p0 $0x6  }
0x1e5: {  	_ =	swait.ge @!p0 [sflag:s0], s1  }
0x1e6: {  	s1 =	ssub.s32 @!p0 $0x0, s1;
	[sflag:s0] =	ssyncset.done @!p0 $0x0  }
0x1e7: {  	[sflag:s0] =	ssyncadd.s32 @!p0 s1  }
0x1e8: {  	[bflag:$0x3] =	sbarrier.arrive $0xFFFF  }
0x1e9: {  	_ =	shalt  }

// kernel: kernel.9.cloned.1.call-start
scs
__scs_entry_jumppad:
0x0: {  	(pc) =	sbr.rel $0x88, $3  }
0x1: {  	(tag) =	ssettag $0x0;
	lr =	simm.s32 $0x1  }
0x2: {  	[smem:$0x3F95] =	sst lr;
	_ =	strace $0xD0000000  }
0x3: {  	_ = 	snop  }
0x4: {  	_ = 	snop  }
0x5: {  	_ = 	snop  }
0x6: {  	_ = 	snop  }
0x7: {  	_ = 	snop  }
__scs_overlays_trampoline_lowered:
0x8: {  	[smem:$0x3FA4] =	sst s0  }
0x9: {  	[smem:$0x3FA5] =	sst s1  }
0xa: {  	[smem:$0x3FA6] =	sst s2  }
0xb: {  	[smem:$0x3FA7] =	sst s3  }
0xc: {  	[smem:$0x3FA8] =	sst s4  }
0xd: {  	[smem:$0x3FA9] =	sst s5  }
0xe: {  	[smem:$0x3FAA] =	sst s6  }
0xf: {  	[smem:$0x3FAB] =	sst s7  }
0x10: {  	[smem:$0x3FAC] =	sst s8  }
0x11: {  	[smem:$0x3FAD] =	sst s9;
	s0 =	simm.s32 @!p0 $0x0  }
0x12: {  	s1 =	sld [smem:$0x3F93];
	s0 =	simm.s32 @p0 $0x1  }
0x13: {  	[smem:$0x3FAE] =	sst s0;
	s0 =	simm.s32 @!p1 $0x0  }
0x14: {  	s2 =	sld [smem:$0x3F92];
	s0 =	simm.s32 @p1 $0x1  }
0x15: {  	[smem:$0x3FAF] =	sst s0;
	s0 =	simm.s32 @!p2 $0x0  }
0x16: {  	s3 =	sld [smem:$0x3FDB];
	s0 =	simm.s32 @p2 $0x1  }
0x17: {  	s4 =	simm.s32 $0x1BF5;
	[smem:$0x3FB1] =	sst s0  }
0x18: {  	s0 =	sld [smem:$0x3F94];
	_ =	swait.ge [sflag:s4], $0x0  }
0x19: {  	s7 =	sld [smem:$0x3F95]  }
0x1a: {  	s8 =	sadd.s32 $0xFFFFE003, lr  }
0x1b: {  	s9 =	sadd.s32 $0xFFFFFEF7, lr;
	s5 =	simm.s32 $0xFFFFFFFF;
	p2 =	slt.u32 s8, $0xFFFFF086  }
0x1c: {  	p1 =	slt.u32 s9, $0xF7A;
	s5 =	simm.s32 @!p2 $0x0  }
0x1d: {  	s5 =	simm.s32 @p1 $0x1;
	p0 =	seq.s32 s7, s2  }
0x1e: {  	s7 =	smul.u32 @!p0 $0xF7A, s2;
	p2 =	seq.s32 @!p0 s5, $0x0  }
0x1f: {  	s9 =	smul.u32 $0xF7A, s1;
	s8 =	simm.s32 @!p0 $0x1BF5;
	p2 =	por !p2, p0  }
0x20: {  	[sflag:s8] =	ssyncset.s32 @!p0 $0xFFFFF086;
	s6 =	sadd.s32 @!p0 s3, s7;
	s7 =	simm.s32 @!p0 $0x108  }
0x21: {  	s3 =	sadd.s32 s3, s9;
	s6 =	sadd.s32 @!p0 $0x88, s6;
	s7 =	simm.s32 @p2 $0x1082  }
0x22: {  	[simem:s7], [sflag:s8] =	dma.local @!p0 [hbm:s6], $0xF7A  }
0x23: {  	s9 =	sor.u32 $0xD0000000, s2;
	s6 =	simm.s32 $0x108;
	_ =	swait.ge @!p0 [sflag:s8], $0x0  }
0x24: {  	s3 =	sadd.s32 $0x88, s3;
	s6 =	simm.s32 @!p1 $0x1082;
	[sflag:s4] =	ssyncset.s32 $0xFFFFF086  }
0x25: {  	[simem:s6], [sflag:s4] =	dma.local [hbm:s3], $0xF7A  }
0x26: {  	[smem:$0x3F95] =	sst s1;
	(tag) =	ssettag s2;
	_ =	strace s9  }
0x27: {  	s1 =	sld [smem:$0x3FA5]  }
0x28: {  	s2 =	sld [smem:$0x3FA6]  }
0x29: {  	s4 =	sld [smem:$0x3FA8]  }
0x2a: {  	p0 =	seq.s32 s5, $0x0;
	s5 =	sld [smem:$0x3FA9]  }
0x2b: {  	s6 =	sld [smem:$0x3FAA]  }
0x2c: {  	s7 =	sld [smem:$0x3FAB]  }
0x2d: {  	s3 =	simm.s32 $0x108;
	s8 =	sld [smem:$0x3FAC]  }
0x2e: {  	s3 =	simm.s32 @!p0 $0x1082;
	s9 =	sld [smem:$0x3FAD]  }
0x2f: {  	lr =	sadd.s32 s0, s3;
	s0 =	sld [smem:$0x3FA4]  }
0x30: {  	s3 =	sld [smem:$0x3FA7]  }
0x31: {  	[smem:$0x3FB0] =	sst s10  }
0x32: {  	s10 =	sld [smem:$0x3FAE];
	_ =	sdelay $0x3  }
0x33: {  	p0 =	seq.s32 s10, $0x1;
	s10 =	sld [smem:$0x3FB0];
	_ =	sdelay $0x3  }
0x34: {  	[smem:$0x3FB0] =	sst s10  }
0x35: {  	s10 =	sld [smem:$0x3FAF];
	_ =	sdelay $0x3  }
0x36: {  	p1 =	seq.s32 s10, $0x1;
	s10 =	sld [smem:$0x3FB0];
	_ =	sdelay $0x3  }
0x37: {  	[smem:$0x3FB0] =	sst s10  }
0x38: {  	s10 =	sld [smem:$0x3FB1]  }
0x39: {  	_ = 	snop;
	(pc) =	sbr.ind lr, $3  }
0x3a: {  	_ = 	snop  }
0x3b: {  	_ = 	snop  }
0x3c: {  	p2 =	seq.s32 s10, $0x1;
	s10 =	sld [smem:$0x3FB0]  }
0x3d: {  	_ =	shalt  }
0x3e: {  	_ =	shalt  }
0x3f: {  	_ =	shalt  }
0x40: {  	_ =	shalt  }
0x41: {  	_ =	shalt  }
0x42: {  	_ =	shalt  }
0x43: {  	_ =	shalt  }
0x44: {  	_ =	shalt  }
0x45: {  	_ =	shalt  }
0x46: {  	_ =	shalt  }
0x47: {  	_ =	shalt  }
0x48: {  	_ =	shalt  }
0x49: {  	_ =	shalt  }
0x4a: {  	_ =	shalt  }
0x4b: {  	_ =	shalt  }
0x4c: {  	_ =	shalt  }
0x4d: {  	_ =	shalt  }
0x4e: {  	_ =	shalt  }
0x4f: {  	_ =	shalt  }
0x50: {  	_ =	shalt  }
0x51: {  	_ =	shalt  }
0x52: {  	_ =	shalt  }
0x53: {  	_ =	shalt  }
0x54: {  	_ =	shalt  }
0x55: {  	_ =	shalt  }
0x56: {  	_ =	shalt  }
0x57: {  	_ =	shalt  }
0x58: {  	_ =	shalt  }
0x59: {  	_ =	shalt  }
0x5a: {  	_ =	shalt  }
0x5b: {  	_ =	shalt  }
0x5c: {  	_ =	shalt  }
0x5d: {  	_ =	shalt  }
0x5e: {  	_ =	shalt  }
0x5f: {  	_ =	shalt  }
0x60: {  	_ =	shalt  }
0x61: {  	_ =	shalt  }
0x62: {  	_ =	shalt  }
0x63: {  	_ =	shalt  }
0x64: {  	_ =	shalt  }
0x65: {  	_ =	shalt  }
0x66: {  	_ =	shalt  }
0x67: {  	_ =	shalt  }
0x68: {  	_ =	shalt  }
0x69: {  	_ =	shalt  }
0x6a: {  	_ =	shalt  }
0x6b: {  	_ =	shalt  }
0x6c: {  	_ =	shalt  }
0x6d: {  	_ =	shalt  }
0x6e: {  	_ =	shalt  }
0x6f: {  	_ =	shalt  }
0x70: {  	_ =	shalt  }
0x71: {  	_ =	shalt  }
0x72: {  	_ =	shalt  }
0x73: {  	_ =	shalt  }
0x74: {  	_ =	shalt  }
0x75: {  	_ =	shalt  }
0x76: {  	_ =	shalt  }
0x77: {  	_ =	shalt  }
0x78: {  	_ =	shalt  }
0x79: {  	_ =	shalt  }
0x7a: {  	_ =	shalt  }
0x7b: {  	_ =	shalt  }
0x7c: {  	_ =	shalt  }
0x7d: {  	_ =	shalt  }
0x7e: {  	_ =	shalt  }
0x7f: {  	_ =	shalt  }
0x80: {  	_ =	shalt  }
0x81: {  	_ =	shalt  }
0x82: {  	_ =	shalt  }
0x83: {  	_ =	shalt  }
0x84: {  	_ =	shalt  }
0x85: {  	_ =	shalt  }
0x86: {  	_ =	shalt  }
0x87: {  	_ =	shalt  }
.Lfunc_end0:
.L_simem_size_0:
called_computation.1_lowered:
.L_overlay_start_0:
0x88: {  	s2 =	sld [smem:$0x3FD9]  }
0x89: {  	s3 =	sld [smem:$0x3FFE];
	_ =	sdelay $0x1  }
0x8a: {  	s1 =	srdreg.scid  }
0x8b: {  	s0 =	sand.u32 $0x1, s1  }
0x8c: {  	s17 =	sshll.u32 s0, $0xA;
	s2 =	sadd.s32 s3, s2  }
0x8d: {  	s2 =	sadd.s32 s2, s17  }
0x8e: {  	[smem:$0x3FBC] =	sst s2  }
0x8f: {  	_ = 	snop  }
0x90: {  	s2 =	sld [smem:$0x3FD0];
	(tm) =	ssettm $0x1  }
0x91: {  	s18 =	sld [smem:$0x3FFB];
	_ =	sdelay $0x3  }
0x92: {  	_ =	strace s18  }
0x93: {  	s3 =	sld [smem:$0x3FFC];
	_ =	sdelay $0x3  }
0x94: {  	_ =	strace s3  }
0x95: {  	s3 =	sld [smem:$0x3FFD];
	_ =	sdelay $0x3  }
0x96: {  	_ =	strace s3  }
0x97: {  	_ =	strace $0x8FFFFFFF  }
0x98: {  	s19 =	sld [smem:$0x3FDB];
	_ =	sdelay $0x1  }
0x99: {  	s4 =	simm.s32 $_scs_section_size  }
0x9a: {  	s5 =	simm.s32 $_size__tile_overlayer_lowered;
	s6 =	simm.s32 $_tile_overlayer_lowered  }
0x9b: {  	s22 =	simm.s32 $0x1BFF;
	s21 =	sshll.u32 s6, $0x1;
	s3 =	sadd.s32 s4, s19  }
0x9c: {  	s7 =	simm.s32 $0x0;
	s20 =	sshll.u32 s5, $0x1;
	s5 =	sadd.s32 s21, s3  }
0x9d: {  	[timem:s7], [sflag:s22] =	dma.local [hbm:s5], s20  }
0x9e: {  	_ =	swait.ge [sflag:s22], s20  }
0x9f: {  	s4 =	ssub.s32 $0x0, s20;
	[sflag:s22] =	ssyncset.done $0x0  }
0xa0: {  	[sflag:s22] =	ssyncadd.s32 s4;
	_ =	sdelay $0x1  }
0xa1: {  	s23 =	simm.s32 $0x1B8B  }
0xa2: {  	_ =	swait.ge [sflag:s23], $0x1  }
0xa3: {  	[sflag:s23] =	ssyncset.done $0x0  }
0xa4: {  	s25 =	simm.s32 $0x1B8E;
	s24 =	sld [smem:$0x3FFE];
	[sflag:s23] =	ssyncadd.s32 $0xFFFFFFFF  }
0xa5: {  	s26 =	simm.s32 $execute0_lowered;
	[smem:$0x3FD2] =	sst s25  }
0xa6: {  	s5 =	sshll.u32 s26, $0x1;
	_ =	strace $0x80000049;
	[dreg:$0x1] =	wrdreg $0xFFFFFFFF  }
0xa7: {  	s28 =	simm.s32 $_size_execute0_lowered;
	s3 =	sadd.s32 s3, s5;
	[dreg:$0x0] =	wrdreg $0x0  }
0xa8: {  	s5 =	sshll.u32 s28, $0x1;
	[dreg:$0x2] =	wrdreg s3  }
0xa9: {  	[dreg:$0x3] =	wrdreg s5  }
0xaa: {  	[dreg:$0x4] =	wrdreg $0xC0  }
0xab: {  	_ =	task [dreg:s7], $0x5FFFF  }
0xac: {  	[dreg:$0x1] =	wrdreg $0xFFFFFFFF  }
0xad: {  	[dreg:$0x0] =	wrdreg $0x60  }
0xae: {  	[dreg:$0x2] =	wrdreg s2  }
0xaf: {  	[dreg:$0x3] =	wrdreg s24  }
0xb0: {  	[dreg:$0x4] =	wrdreg $0x0  }
0xb1: {  	[dreg:$0x5] =	wrdreg $0xA0000  }
0xb2: {  	[dreg:$0x6] =	wrdreg $0x9  }
0xb3: {  	_ =	task.clear_ibuf [dreg:s7], $0x7FFFF;
	_ =	strace $0x90000049  }
0xb4: {  	s29 =	simm.s32 $0x9;
	_ =	strace $0x8000004B  }
0xb5: {  	_ =	swait.ge [sflag:s29], $0x1  }
0xb6: {  	[sflag:s29] =	ssyncadd.s32 $0xFFFFFFFF  }
0xb7: {  	_ =	strace $0x9000004B  }
0xb8: {  	_ =	sfence  }
0xb9: {  	s30 =	sld [smem:$0x0];
	_ =	sdelay $0x2  }
0xba: {  	s31 =	sshll.u32 s1, $0xD;
	s1 =	sshrl.u32 s1, $0x2  }
0xbb: {  	s3 =	sand.u32 $0x4000, s31;
	s1 =	sadd.s32 s1, s30  }
0xbc: {  	s0 =	sor.u32 s3, s0;
	s1 =	sshll.u32 s1, $0x11  }
0xbd: {  	s0 =	sor.u32 s1, s0  }
0xbe: {  	s0 =	sadd.s32 $0x8F2B, s0  }
0xbf: {  	[sflag:s0] =	ssyncadd.remote.s32 $0x1  }
0xc0: {  	_ =	sfence.sel $0xFFFF  }
0xc1: {  	[dreg:$0x0] =	wrdreg $0xFFFFFFFF;
	(pc) =	sbr.abs _section_cstart, $3  }
0xc2: {  	[dreg:$0x1] =	wrdreg $0xFFFFFFFF  }
0xc3: {  	_ =	task.clear_ibuf [dreg:s7], $0x2FFFF;
	_ =	strace $0x9FFFFFFF  }
0xc4: {  	(tm) =	ssettm $0x7FFFFFFF  }
0xc5: {  	_ =	shalt  }
tec
execute0_lowered:
.L_overlay_start_1:
0x0: {  	(tag) =	ssettag $0x1  }
0x1: {  	s0 =	rddreg [dreg:$0x0]  }
0x2: {  	s1 =	rddreg [dreg:$0x1]  }
0x3: {  	s2 =	rddreg [dreg:$0x2]  }
0x4: {  	s3 =	rddreg [dreg:$0x3];
	s19 =	stileid.u32  }
0x5: {  	s4 =	simm.s32 $0x0;
	s6 =	srdreg.scid;
	s5 =	smul.u32 $0x5000, s19  }
0x6: {  	s28 =	simm.s32 $0x2;
	s29 =	simm.s32 $0x18F80;
	s8 =	smul.u32 $0x280, s19  }
0x7: {  	s30 =	simm.s32 $0x15300;
	s31 =	simm.s32 $0x15380;
	s9 =	smul.u32 $0x14000, s19  }
0x8: {  	[smem:$0x7FF] =	sst s4;
	s6 =	sand.u32 $0x1, s6;
	s12 =	smul.u32 $0x28000, s19  }
0x9: {  	p0 =	seq.s32 s19, $0xF;
	s19 =	simm.s32 $0x1A400;
	_ =	strace $0x8000004A  }
0xa: {  	s7 =	ssub.s32 $0x2, s6;
	s11 =	sshll.u32 s6, $0x6;
	s6 =	sshll.u32 s6, $0x3  }
0xb: {  	s5 =	sshrl.u32 s5, $0x3;
	s10 =	sshrl.u32 s7, $0x1;
	s25 =	sor.u32 s11, s9  }
0xc: {  	s26 =	sadd.s32 $0x80, s8;
	s16 =	sshrl.u32 s12, $0x2;
	s21 =	sadd.s32 $0x100, s8  }
0xd: {  	s6 =	sadd.s32 s6, s0;
	s5 =	sadd.s32 s5, s1;
	s1 =	sadd.s32 $0x16800, s1  }
0xe: {  	s13 =	ssub.s32 s7, s10;
	s14 =	sshrl.u32 s25, $0x3;
	s18 =	sadd.s32 s16, s2  }
0xf: {  	s20 =	sshll.u32 s26, $0x7;
	s7 =	sadd.s32 s16, s3;
	s9 =	sshll.u32 s26, $0x6  }
0x10: {  	s22 =	sshll.u32 s21, $0x7;
	s12 =	sshll.u32 s21, $0x6;
	s17 =	sadd.s32 s0, s14  }
0x11: {  	[dreg:$0x6] =	wrdreg s18;
	s10 =	sor.u32 s11, s20;
	s23 =	sadd.s32 s9, s2  }
0x12: {  	s24 =	sor.u32 s11, s22;
	[dreg:$0x5] =	wrdreg s17;
	s15 =	sshrl.u32 s10, $0x3  }
0x13: {  	[dreg:$0x8] =	wrdreg s23;
	s10 =	sadd.s32 s9, s3;
	s9 =	sadd.s32 $0x180, s8  }
0x14: {  	s8 =	sadd.s32 $0x200, s8;
	s16 =	sadd.s32 s0, s15;
	s25 =	sshll.u32 s9, $0x7  }
0x15: {  	s18 =	sshll.u32 s8, $0x7;
	s20 =	sadd.s32 s1, s15;
	[dreg:$0x7] =	wrdreg s16  }
0x16: {  	s8 =	sshll.u32 s8, $0x6;
	s15 =	sadd.s32 $0x2A80, s5;
	[dreg:$0xd] =	wrdreg s20  }
0x17: {  	s16 =	sshrl.u32 s24, $0x3;
	s24 =	sadd.s32 s12, s2;
	[dreg:$0x17] =	wrdreg s15  }
0x18: {  	s20 =	sadd.s32 s12, s3;
	s12 =	sadd.s32 $0x2800, s5;
	[dreg:$0x11] =	wrdreg s24  }
0x19: {  	s17 =	sadd.s32 s0, s16;
	s21 =	sadd.s32 s1, s16;
	[dreg:$0x15] =	wrdreg s12  }
0x1a: {  	s24 =	sadd.s32 s8, s3;
	s16 =	sadd.s32 $0xCA80, s5;
	[dreg:$0x9] =	wrdreg s17  }
0x1b: {  	s12 =	simm.s32 $0x80;
	s17 =	sor.u32 s11, s25;
	[dreg:$0xe] =	wrdreg s21  }
0x1c: {  	s11 =	sor.u32 s11, s18;
	s18 =	sadd.s32 s1, s14;
	[dreg:$0x18] =	wrdreg s16  }
0x1d: {  	s25 =	sshll.u32 s9, $0x6;
	s9 =	sadd.s32 s8, s2;
	[dreg:$0xc] =	wrdreg s18  }
0x1e: {  	s14 =	sadd.s32 $0xC800, s5;
	s21 =	sadd.s32 $0x2F80, s5;
	[dreg:$0x13] =	wrdreg s9  }
0x1f: {  	s16 =	simm.s32 $0x17C00;
	s17 =	sshrl.u32 s17, $0x3;
	[dreg:$0x16] =	wrdreg s14  }
0x20: {  	s11 =	sshrl.u32 s11, $0x3;
	s18 =	sadd.s32 $0xCD00, s5;
	[dreg:$0x1b] =	wrdreg s21  }
0x21: {  	s9 =	sadd.s32 $0x9C000, s3;
	s26 =	sadd.s32 s0, s17;
	[dreg:$0x1a] =	wrdreg s18  }
0x22: {  	s14 =	simm.s32 $0x6;
	s0 =	sadd.s32 s0, s11;
	[dreg:$0xa] =	wrdreg s26  }
0x23: {  	s21 =	simm.s32 $0x7D;
	s22 =	sadd.s32 s1, s17;
	[dreg:$0xb] =	wrdreg s0  }
0x24: {  	s23 =	sadd.s32 s1, s11;
	s11 =	sadd.s32 $0x27000, s6;
	[dreg:$0xf] =	wrdreg s22  }
0x25: {  	s17 =	sadd.s32 $0x2D00, s5;
	s1 =	simm.s32 $0x0;
	[dreg:$0x10] =	wrdreg s23  }
0x26: {  	s26 =	sadd.s32 s25, s2;
	s22 =	sadd.s32 s25, s3;
	[dreg:$0x14] =	wrdreg s11  }
0x27: {  	[dreg:$0x19] =	wrdreg s17;
	s23 =	sadd.s32 $0xCF80, s5;
	s25 =	smax.u32 s13, $0x1  }
0x28: {  	s11 =	simm.s32 $0x40;
	s13 =	simm.s32 $0x1B800;
	[dreg:$0x12] =	wrdreg s26  }
0x29: {  	s17 =	simm.s32 $0x3;
	s0 =	simm.s32 $0x5;
	[dreg:$0x1c] =	wrdreg s23  }
0x2a: {  	[dreg:$0x1d] =	wrdreg s25;
	s26 =	sadd.s32 $0x9C000, s2;
	s23 =	simm.s32 $0x4  }
0x2b: {  	s25 =	simm.s32 $0x1D800;
	[dreg:$0x1e] =	wrdreg s26;
	s26 =	simm.s32 $0x1  }
.LBB2_1:
0x2c: {  	s5 =	rddreg [dreg:$0x5]  }
0x2d: {  	[tilespmem:s13], [sflag:$0x6] =	stream.strided.gather [hbm4b:s5+s11], $0x2000, s12, s11, $0x38;
	[tilespmem:$0x1F800] =	vst v63  }
0x2e: {  	_ =	swait.ge [sflag:s14], $0x2000  }
0x2f: {  	[sflag:s14] =	ssyncset.done $0x0  }
0x30: {  	s6 =	rddreg [dreg:$0x6];
	[sflag:s14] =	ssyncadd.s32 $0xFFFFE000  }
0x31: {  	[spmem:s6] =	stream.linear.scatter [tilespmem:s13], [sflag:$0x6], $0x2000, $0x38;
	[tilespmem:$0x1F800] =	vst v63  }
0x32: {  	_ =	swait.ge [sflag:s14], $0x2000  }
0x33: {  	[sflag:s14] =	ssyncset.done $0x0  }
0x34: {  	[sflag:s14] =	ssyncadd.s32 $0xFFFFE000  }
0x35: {  	[spmem:s7] =	stream.linear.scatter [tilespmem:s13], [sflag:$0x6], $0x2000, $0x38;
	[tilespmem:$0x1F800] =	vst v63  }
0x36: {  	_ =	swait.ge [sflag:s14], $0x2000  }
0x37: {  	[sflag:s14] =	ssyncset.done $0x0  }
0x38: {  	s8 =	rddreg [dreg:$0x7];
	[sflag:s14] =	ssyncadd.s32 $0xFFFFE000  }
0x39: {  	[tilespmem:s13], [sflag:$0x6] =	stream.strided.gather [hbm4b:s8+s11], $0x2000, s12, s11, $0x38;
	[tilespmem:$0x1F800] =	vst v63  }
0x3a: {  	_ =	swait.ge [sflag:s14], $0x2000  }
0x3b: {  	[sflag:s14] =	ssyncset.done $0x0  }
0x3c: {  	s15 =	rddreg [dreg:$0x8];
	[sflag:s14] =	ssyncadd.s32 $0xFFFFE000  }
0x3d: {  	[spmem:s15] =	stream.linear.scatter [tilespmem:s13], [sflag:$0x6], $0x2000, $0x38;
	[tilespmem:$0x1F800] =	vst v63  }
0x3e: {  	_ =	swait.ge [sflag:s14], $0x2000  }
0x3f: {  	[sflag:s14] =	ssyncset.done $0x0  }
0x40: {  	[sflag:s14] =	ssyncadd.s32 $0xFFFFE000  }
0x41: {  	[spmem:s10] =	stream.linear.scatter [tilespmem:s13], [sflag:$0x6], $0x2000, $0x38;
	[tilespmem:$0x1F800] =	vst v63  }
0x42: {  	_ =	swait.ge [sflag:s14], $0x2000  }
0x43: {  	[sflag:s14] =	ssyncset.done $0x0  }
0x44: {  	s18 =	rddreg [dreg:$0x9];
	[sflag:s14] =	ssyncadd.s32 $0xFFFFE000  }
0x45: {  	[tilespmem:s13], [sflag:$0x6] =	stream.strided.gather [hbm4b:s18+s11], $0x2000, s12, s11, $0x38;
	[tilespmem:$0x1F800] =	vst v63  }
0x46: {  	_ =	swait.ge [sflag:s14], $0x2000  }
0x47: {  	[sflag:s14] =	ssyncset.done $0x0  }
0x48: {  	s6 =	rddreg [dreg:$0x11];
	[sflag:s14] =	ssyncadd.s32 $0xFFFFE000  }
0x49: {  	[spmem:s6] =	stream.linear.scatter [tilespmem:s13], [sflag:$0x6], $0x2000, $0x38;
	[tilespmem:$0x1F800] =	vst v63  }
0x4a: {  	_ =	swait.ge [sflag:s14], $0x2000  }
0x4b: {  	[sflag:s14] =	ssyncset.done $0x0  }
0x4c: {  	[sflag:s14] =	ssyncadd.s32 $0xFFFFE000  }
0x4d: {  	[spmem:s20] =	stream.linear.scatter [tilespmem:s13], [sflag:$0x6], $0x2000, $0x38;
	[tilespmem:$0x1F800] =	vst v63  }
0x4e: {  	_ =	swait.ge [sflag:s14], $0x2000  }
0x4f: {  	[sflag:s14] =	ssyncset.done $0x0  }
0x50: {  	s5 =	simm.s32 @p0 $0x1B800;
	s15 =	simm.s32 @p0 $0x6;
	[sflag:s14] =	ssyncadd.s32 $0xFFFFE000  }
0x51: {  	[spmem:s22] =	stream.linear.scatter @p0 [tilespmem:s5], [sflag:$0x6], $0x2000, $0x38;
	[tilespmem:$0x1F800] =	vst v63  }
0x52: {  	_ =	swait.ge @p0 [sflag:s15], $0x2000  }
0x53: {  	[sflag:s15] =	ssyncset.done @p0 $0x0  }
0x54: {  	[sflag:s15] =	ssyncadd.s32 @p0 $0xFFFFE000  }
0x55: {  	[spmem:s24] =	stream.linear.scatter @p0 [tilespmem:s5], [sflag:$0x6], $0x2000, $0x38;
	[tilespmem:$0x1F800] =	vst v63  }
0x56: {  	_ =	swait.ge @p0 [sflag:s15], $0x2000  }
0x57: {  	s8 =	simm.s32 @p0 $0x80;
	[sflag:s15] =	ssyncset.done @p0 $0x0  }
0x58: {  	s6 =	simm.s32 @p0 $0x40;
	s18 =	rddreg [dreg:$0x14];
	[sflag:s15] =	ssyncadd.s32 @p0 $0xFFFFE000  }
0x59: {  	[tilespmem:s5], [sflag:$0x6] =	stream.strided.gather @p0 [hbm4b:s18+s6], $0x400, s8, s6, $0x38;
	[tilespmem:$0x1F800] =	vst v63  }
0x5a: {  	_ =	swait.ge @p0 [sflag:s15], $0x400  }
0x5b: {  	[sflag:s15] =	ssyncset.done @p0 $0x0  }
0x5c: {  	s6 =	rddreg [dreg:$0x1e];
	[sflag:s15] =	ssyncadd.s32 @p0 $0xFFFFFC00  }
0x5d: {  	[spmem:s6] =	stream.linear.scatter @p0 [tilespmem:s5], [sflag:$0x6], $0x400, $0x38;
	[tilespmem:$0x1F800] =	vst v63  }
0x5e: {  	_ =	swait.ge @p0 [sflag:s15], $0x400  }
0x5f: {  	[sflag:s15] =	ssyncset.done @p0 $0x0  }
0x60: {  	[sflag:s15] =	ssyncadd.s32 @p0 $0xFFFFFC00  }
0x61: {  	[spmem:s9] =	stream.linear.scatter @p0 [tilespmem:s5], [sflag:$0x6], $0x400, $0x38;
	[tilespmem:$0x1F800] =	vst v63  }
0x62: {  	_ =	swait.ge @p0 [sflag:s15], $0x400  }
0x63: {  	s8 =	simm.s32 @!p0 $0x1B800;
	s6 =	simm.s32 @!p0 $0x80;
	[sflag:s15] =	ssyncset.done @p0 $0x0  }
0x64: {  	s5 =	simm.s32 @!p0 $0x40;
	[sflag:s15] =	ssyncadd.s32 @p0 $0xFFFFFC00;
	s15 =	rddreg [dreg:$0xa]  }
0x65: {  	[tilespmem:s8], [sflag:$0x6] =	stream.strided.gather @!p0 [hbm4b:s15+s5], $0x2000, s6, s5, $0x38;
	[tilespmem:$0x1F800] =	vst v63  }
0x66: {  	s15 =	simm.s32 @!p0 $0x6  }
0x67: {  	_ =	swait.ge @!p0 [sflag:s15], $0x2000  }
0x68: {  	[sflag:s15] =	ssyncset.done @!p0 $0x0  }
0x69: {  	s18 =	rddreg [dreg:$0x12];
	[sflag:s15] =	ssyncadd.s32 @!p0 $0xFFFFE000  }
0x6a: {  	[spmem:s18] =	stream.linear.scatter @!p0 [tilespmem:s8], [sflag:$0x6], $0x2000, $0x38;
	[tilespmem:$0x1F800] =	vst v63  }
0x6b: {  	_ =	swait.ge @!p0 [sflag:s15], $0x2000  }
0x6c: {  	[sflag:s15] =	ssyncset.done @!p0 $0x0  }
0x6d: {  	[sflag:s15] =	ssyncadd.s32 @!p0 $0xFFFFE000  }
0x6e: {  	[spmem:s22] =	stream.linear.scatter @!p0 [tilespmem:s8], [sflag:$0x6], $0x2000, $0x38;
	[tilespmem:$0x1F800] =	vst v63  }
0x6f: {  	_ =	swait.ge @!p0 [sflag:s15], $0x2000  }
0x70: {  	[sflag:s15] =	ssyncset.done @!p0 $0x0  }
0x71: {  	s18 =	rddreg [dreg:$0xb];
	[sflag:s15] =	ssyncadd.s32 @!p0 $0xFFFFE000  }
0x72: {  	[tilespmem:s8], [sflag:$0x6] =	stream.strided.gather @!p0 [hbm4b:s18+s5], $0x2000, s6, s5, $0x38;
	[tilespmem:$0x1F800] =	vst v63  }
0x73: {  	_ =	swait.ge @!p0 [sflag:s15], $0x2000  }
0x74: {  	[sflag:s15] =	ssyncset.done @!p0 $0x0  }
0x75: {  	s5 =	rddreg [dreg:$0x13];
	[sflag:s15] =	ssyncadd.s32 @!p0 $0xFFFFE000  }
0x76: {  	[spmem:s5] =	stream.linear.scatter @!p0 [tilespmem:s8], [sflag:$0x6], $0x2000, $0x38;
	[tilespmem:$0x1F800] =	vst v63  }
0x77: {  	_ =	swait.ge @!p0 [sflag:s15], $0x2000  }
0x78: {  	[sflag:s15] =	ssyncset.done @!p0 $0x0  }
0x79: {  	[sflag:s15] =	ssyncadd.s32 @!p0 $0xFFFFE000  }
0x7a: {  	[spmem:s24] =	stream.linear.scatter @!p0 [tilespmem:s8], [sflag:$0x6], $0x2000, $0x38;
	[tilespmem:$0x1F800] =	vst v63  }
0x7b: {  	_ =	swait.ge @!p0 [sflag:s15], $0x2000  }
0x7c: {  	[sflag:s15] =	ssyncset.done @!p0 $0x0  }
0x7d: {  	[sflag:s15] =	ssyncadd.s32 @!p0 $0xFFFFE000  }
0x7e: {  	[bflag:$0x0] =	sbarrier.arrive $0xFFFF  }
0x7f: {  	s15 =	simm.s32 $0x14000;
	s8 =	rddreg [dreg:$0x15]  }
0x80: {  	[tilespmem:s15], [sflag:$0x3] =	stream.linear.gather [hbm4b:s8+s4], $0x1400, $0x38;
	[tilespmem:$0x1F800] =	vst v63  }
0x81: {  	s18 =	rddreg [dreg:$0x16]  }
0x82: {  	[tilespmem:s16], [sflag:$0x3] =	stream.linear.gather [hbm4b:s18+s4], $0x1400, $0x38;
	[tilespmem:$0x1F800] =	vst v63  }
0x83: {  	_ =	swait.ge [sflag:s17], $0x1400  }
0x84: {  	[sflag:s17] =	ssyncset.done $0x0  }
0x85: {  	[sflag:s17] =	ssyncadd.s32 $0xFFFFEC00  }
0x86: {  	_ =	swait.ge [sflag:s17], $0x1400  }
0x87: {  	[sflag:s17] =	ssyncset.done $0x0  }
0x88: {  	s8 =	simm.s32 $0x15400;
	s6 =	rddreg [dreg:$0x17];
	[sflag:s17] =	ssyncadd.s32 $0xFFFFEC00  }
0x89: {  	[tilespmem:s8], [sflag:$0x4] =	stream.linear.gather [hbm4b:s6+s4], $0x1400, $0x38;
	[tilespmem:$0x1F800] =	vst v63  }
0x8a: {  	s18 =	simm.s32 $0x19000;
	s15 =	rddreg [dreg:$0x18]  }
0x8b: {  	[tilespmem:s18], [sflag:$0x4] =	stream.linear.gather [hbm4b:s15+s4], $0x1400, $0x38;
	[tilespmem:$0x1F800] =	vst v63  }
0x8c: {  	s8 =	rddreg [dreg:$0x19];
	s15 =	simm.s32 $0x16800  }
0x8d: {  	[tilespmem:s15], [sflag:$0x5] =	stream.linear.gather [hbm4b:s8+s4], $0x1400, $0x38;
	[tilespmem:$0x1F800] =	vst v63  }
0x8e: {  	s18 =	rddreg [dreg:$0x1a]  }
0x8f: {  	[tilespmem:s19], [sflag:$0x5] =	stream.linear.gather [hbm4b:s18+s4], $0x1400, $0x38;
	[tilespmem:$0x1F800] =	vst v63  }
0x90: {  	_ = 	snop  }
0x91: {  	[tilespmem:s13], [sflag:$0x1] =	stream.indirect.gather [spmem:s2], $0x40, s16, s21, $0xb8;
	[tilespmem:$0x1F800] =	vst v63  }
0x92: {  	_ =	swait.ge [sflag:s23], $0x1400  }
0x93: {  	[sflag:s23] =	ssyncset.done $0x0  }
0x94: {  	[sflag:s23] =	ssyncadd.s32 $0xFFFFEC00  }
0x95: {  	_ =	swait.ge [sflag:s23], $0x1400  }
0x96: {  	[sflag:s23] =	ssyncset.done $0x0  }
0x97: {  	s6 =	simm.s32 $0x17C80;
	[sflag:s23] =	ssyncadd.s32 $0xFFFFEC00  }
0x98: {  	[tilespmem:s25], [sflag:$0x2] =	stream.indirect.gather [spmem:s2], $0x40, s6, s21, $0xb8;
	[tilespmem:$0x1F800] =	vst v63  }
0x99: {  	_ =	swait.ge [sflag:s26], $0x1F40  }
0x9a: {  	[sflag:s26] =	ssyncset.done $0x0  }
0x9b: {  	s8 =	simm.s32 $0x14000;
	[sflag:s26] =	ssyncadd.s32 $0xFFFFE0C0  }
0x9c: {  	[spmem:s3] =	stream.indirect.scatter.add.f32 [tilespmem:s13], [sflag:$0x6], $0x40, s8, s21, $0xb8;
	[tilespmem:$0x1F800] =	vst v63  }
0x9d: {  	_ =	swait.ge [sflag:s14], $0x1F40  }
0x9e: {  	[sflag:s14] =	ssyncset.done $0x0  }
0x9f: {  	s15 =	simm.s32 $0x17D00;
	[sflag:s14] =	ssyncadd.s32 $0xFFFFE0C0  }
0xa0: {  	[tilespmem:s13], [sflag:$0x1] =	stream.indirect.gather [spmem:s2], $0x40, s15, s21, $0xb8;
	[tilespmem:$0x1F800] =	vst v63  }
0xa1: {  	_ =	swait.ge [sflag:s28], $0x1F40  }
0xa2: {  	[sflag:s28] =	ssyncset.done $0x0  }
0xa3: {  	s18 =	simm.s32 $0x14080;
	[sflag:s28] =	ssyncadd.s32 $0xFFFFE0C0  }
0xa4: {  	[spmem:s3] =	stream.indirect.scatter.add.f32 [tilespmem:s25], [sflag:$0x6], $0x40, s18, s21, $0xb8;
	[tilespmem:$0x1F800] =	vst v63  }
0xa5: {  	_ =	swait.ge [sflag:s14], $0x1F40  }
0xa6: {  	s5 =	simm.s32 $0x800;
	s15 =	simm.s32 $0x100;
	[sflag:s14] =	ssyncset.done $0x0  }
.LBB2_2:
0xa7: {  	s6 =	sadd.s32 $0x17C80, s15  }
0xa8: {  	[sflag:s14] =	ssyncadd.s32 $0xFFFFE0C0;
	s8 =	smov.u32 s5;
	s18 =	sadd.s32 $0x400, s5  }
0xa9: {  	[tilespmem:s25], [sflag:$0x2] =	stream.indirect.gather [spmem:s2], $0x40, s6, s21, $0xb8;
	[tilespmem:$0x1F800] =	vst v63  }
0xaa: {  	p1 =	sne.s32 s5, $0x4800;
	_ =	swait.ge [sflag:s26], $0x1F40  }
0xab: {  	[sflag:s26] =	ssyncset.done $0x0  }
0xac: {  	s5 =	sadd.s32 $0x14000, s15;
	[sflag:s26] =	ssyncadd.s32 $0xFFFFE0C0  }
0xad: {  	[spmem:s3] =	stream.indirect.scatter.add.f32 [tilespmem:s13], [sflag:$0x6], $0x40, s5, s21, $0xb8;
	[tilespmem:$0x1F800] =	vst v63  }
0xae: {  	_ =	swait.ge [sflag:s14], $0x1F40  }
0xaf: {  	[sflag:s14] =	ssyncset.done $0x0  }
0xb0: {  	s5 =	sadd.s32 $0x17D00, s15;
	[sflag:s14] =	ssyncadd.s32 $0xFFFFE0C0  }
0xb1: {  	[tilespmem:s13], [sflag:$0x1] =	stream.indirect.gather [spmem:s2], $0x40, s5, s21, $0xb8;
	[tilespmem:$0x1F800] =	vst v63  }
0xb2: {  	_ =	swait.ge [sflag:s28], $0x1F40  }
.Ltmp0:
0xb3: {  	[sflag:s28] =	ssyncset.done $0x0;
	(pc) =	sbr.rel @p1 .LBB2_2-.Ltmp0, $4  }
0xb4: {  	s5 =	sadd.s32 $0x14080, s15;
	[sflag:s28] =	ssyncadd.s32 $0xFFFFE0C0  }
0xb5: {  	[spmem:s3] =	stream.indirect.scatter.add.f32 [tilespmem:s25], [sflag:$0x6], $0x40, s5, s21, $0xb8;
	[tilespmem:$0x1F800] =	vst v63  }
0xb6: {  	_ =	swait.ge [sflag:s14], $0x1F40  }
0xb7: {  	s15 =	sshra.s32 s8, $0x2;
	s5 =	smov.u32 s18;
	[sflag:s14] =	ssyncset.done $0x0  }
0xb8: {  	s5 =	sadd.s32 $0x17C80, s15;
	[sflag:s14] =	ssyncadd.s32 $0xFFFFE0C0  }
0xb9: {  	[tilespmem:s25], [sflag:$0x2] =	stream.indirect.gather [spmem:s2], $0x40, s5, s21, $0xb8;
	[tilespmem:$0x1F800] =	vst v63  }
0xba: {  	_ =	swait.ge [sflag:s26], $0x1F40  }
0xbb: {  	[sflag:s26] =	ssyncset.done $0x0  }
0xbc: {  	s8 =	sadd.s32 $0x14000, s15;
	[sflag:s26] =	ssyncadd.s32 $0xFFFFE0C0  }
0xbd: {  	[spmem:s3] =	stream.indirect.scatter.add.f32 [tilespmem:s13], [sflag:$0x6], $0x40, s8, s21, $0xb8;
	[tilespmem:$0x1F800] =	vst v63  }
0xbe: {  	_ =	swait.ge [sflag:s14], $0x1F40  }
0xbf: {  	[sflag:s14] =	ssyncset.done $0x0  }
0xc0: {  	s18 =	sadd.s32 $0x17D00, s15;
	[sflag:s14] =	ssyncadd.s32 $0xFFFFE0C0  }
0xc1: {  	[tilespmem:s13], [sflag:$0x1] =	stream.indirect.gather [spmem:s2], $0x40, s18, s21, $0xb8;
	[tilespmem:$0x1F800] =	vst v63  }
0xc2: {  	_ =	swait.ge [sflag:s28], $0x1F40  }
0xc3: {  	[sflag:s28] =	ssyncset.done $0x0  }
0xc4: {  	s6 =	sadd.s32 $0x14080, s15;
	[sflag:s28] =	ssyncadd.s32 $0xFFFFE0C0  }
0xc5: {  	[spmem:s3] =	stream.indirect.scatter.add.f32 [tilespmem:s25], [sflag:$0x6], $0x40, s6, s21, $0xb8;
	[tilespmem:$0x1F800] =	vst v63  }
0xc6: {  	_ =	swait.ge [sflag:s14], $0x1F40  }
0xc7: {  	[sflag:s14] =	ssyncset.done $0x0  }
0xc8: {  	[sflag:s14] =	ssyncadd.s32 $0xFFFFE0C0  }
0xc9: {  	[tilespmem:s25], [sflag:$0x2] =	stream.indirect.gather [spmem:s2], $0x40, s29, s21, $0xb8;
	[tilespmem:$0x1F800] =	vst v63  }
0xca: {  	_ =	swait.ge [sflag:s26], $0x1F40  }
0xcb: {  	[sflag:s26] =	ssyncset.done $0x0  }
0xcc: {  	[sflag:s26] =	ssyncadd.s32 $0xFFFFE0C0  }
0xcd: {  	[spmem:s3] =	stream.indirect.scatter.add.f32 [tilespmem:s13], [sflag:$0x6], $0x40, s30, s21, $0xb8;
	[tilespmem:$0x1F800] =	vst v63  }
0xce: {  	_ =	swait.ge [sflag:s14], $0x1F40  }
0xcf: {  	[sflag:s14] =	ssyncset.done $0x0  }
0xd0: {  	s8 =	simm.s32 $0x19000;
	[sflag:s14] =	ssyncadd.s32 $0xFFFFE0C0  }
0xd1: {  	[tilespmem:s13], [sflag:$0x1] =	stream.indirect.gather [spmem:s2], $0x40, s8, s21, $0xb8;
	[tilespmem:$0x1F800] =	vst v63  }
0xd2: {  	_ =	swait.ge [sflag:s28], $0x1F40  }
0xd3: {  	[sflag:s28] =	ssyncset.done $0x0  }
0xd4: {  	[sflag:s28] =	ssyncadd.s32 $0xFFFFE0C0  }
0xd5: {  	[spmem:s3] =	stream.indirect.scatter.add.f32 [tilespmem:s25], [sflag:$0x6], $0x40, s31, s21, $0xb8;
	[tilespmem:$0x1F800] =	vst v63  }
0xd6: {  	_ =	swait.ge [sflag:s14], $0x1F40  }
0xd7: {  	[sflag:s14] =	ssyncset.done $0x0  }
0xd8: {  	[sflag:s14] =	ssyncadd.s32 $0xFFFFE0C0  }
0xd9: {  	_ =	swait.ge [sflag:s0], $0x1400  }
0xda: {  	[sflag:s0] =	ssyncset.done $0x0  }
0xdb: {  	[sflag:s0] =	ssyncadd.s32 $0xFFFFEC00  }
0xdc: {  	_ =	swait.ge [sflag:s0], $0x1400  }
0xdd: {  	s15 =	simm.s32 $0x0;
	[sflag:s0] =	ssyncset.done $0x0  }
0xde: {  	s8 =	simm.s32 $0x14000;
	s6 =	rddreg [dreg:$0x1b];
	[sflag:s0] =	ssyncadd.s32 $0xFFFFEC00  }
0xdf: {  	[tilespmem:s8], [sflag:$0x3] =	stream.linear.gather [hbm4b:s6+s15], $0x1400, $0x38;
	[tilespmem:$0x1F800] =	vst v63  }
0xe0: {  	s18 =	rddreg [dreg:$0x1c]  }
0xe1: {  	[tilespmem:s16], [sflag:$0x3] =	stream.linear.gather [hbm4b:s18+s15], $0x1400, $0x38;
	[tilespmem:$0x1F800] =	vst v63  }
0xe2: {  	s6 =	simm.s32 $0x19080  }
0xe3: {  	[tilespmem:s25], [sflag:$0x2] =	stream.indirect.gather [spmem:s2], $0x40, s6, s21, $0xb8;
	[tilespmem:$0x1F800] =	vst v63  }
0xe4: {  	_ =	swait.ge [sflag:s26], $0x1F40  }
0xe5: {  	[sflag:s26] =	ssyncset.done $0x0  }
0xe6: {  	s8 =	simm.s32 $0x15400;
	[sflag:s26] =	ssyncadd.s32 $0xFFFFE0C0  }
0xe7: {  	[spmem:s3] =	stream.indirect.scatter.add.f32 [tilespmem:s13], [sflag:$0x6], $0x40, s8, s21, $0xb8;
	[tilespmem:$0x1F800] =	vst v63  }
0xe8: {  	_ =	swait.ge [sflag:s14], $0x1F40  }
0xe9: {  	[sflag:s14] =	ssyncset.done $0x0  }
0xea: {  	s15 =	simm.s32 $0x19100;
	[sflag:s14] =	ssyncadd.s32 $0xFFFFE0C0  }
0xeb: {  	[tilespmem:s13], [sflag:$0x1] =	stream.indirect.gather [spmem:s2], $0x40, s15, s21, $0xb8;
	[tilespmem:$0x1F800] =	vst v63  }
0xec: {  	_ =	swait.ge [sflag:s28], $0x1F40  }
0xed: {  	[sflag:s28] =	ssyncset.done $0x0  }
0xee: {  	s18 =	simm.s32 $0x15480;
	[sflag:s28] =	ssyncadd.s32 $0xFFFFE0C0  }
0xef: {  	[spmem:s3] =	stream.indirect.scatter.add.f32 [tilespmem:s25], [sflag:$0x6], $0x40, s18, s21, $0xb8;
	[tilespmem:$0x1F800] =	vst v63  }
0xf0: {  	_ =	swait.ge [sflag:s14], $0x1F40  }
0xf1: {  	s5 =	simm.s32 $0x800;
	s15 =	simm.s32 $0x100;
	[sflag:s14] =	ssyncset.done $0x0  }
.LBB2_4:
0xf2: {  	s6 =	sadd.s32 $0x19080, s15  }
0xf3: {  	[sflag:s14] =	ssyncadd.s32 $0xFFFFE0C0;
	s8 =	smov.u32 s5;
	s18 =	sadd.s32 $0x400, s5  }
0xf4: {  	[tilespmem:s25], [sflag:$0x2] =	stream.indirect.gather [spmem:s2], $0x40, s6, s21, $0xb8;
	[tilespmem:$0x1F800] =	vst v63  }
0xf5: {  	p1 =	sne.s32 s5, $0x4800;
	_ =	swait.ge [sflag:s26], $0x1F40  }
0xf6: {  	[sflag:s26] =	ssyncset.done $0x0  }
0xf7: {  	s5 =	sadd.s32 $0x15400, s15;
	[sflag:s26] =	ssyncadd.s32 $0xFFFFE0C0  }
0xf8: {  	[spmem:s3] =	stream.indirect.scatter.add.f32 [tilespmem:s13], [sflag:$0x6], $0x40, s5, s21, $0xb8;
	[tilespmem:$0x1F800] =	vst v63  }
0xf9: {  	_ =	swait.ge [sflag:s14], $0x1F40  }
0xfa: {  	[sflag:s14] =	ssyncset.done $0x0  }
0xfb: {  	s5 =	sadd.s32 $0x19100, s15;
	[sflag:s14] =	ssyncadd.s32 $0xFFFFE0C0  }
0xfc: {  	[tilespmem:s13], [sflag:$0x1] =	stream.indirect.gather [spmem:s2], $0x40, s5, s21, $0xb8;
	[tilespmem:$0x1F800] =	vst v63  }
0xfd: {  	_ =	swait.ge [sflag:s28], $0x1F40  }
.Ltmp1:
0xfe: {  	[sflag:s28] =	ssyncset.done $0x0;
	(pc) =	sbr.rel @p1 .LBB2_4-.Ltmp1, $4  }
0xff: {  	s5 =	sadd.s32 $0x15480, s15;
	[sflag:s28] =	ssyncadd.s32 $0xFFFFE0C0  }
0x100: {  	[spmem:s3] =	stream.indirect.scatter.add.f32 [tilespmem:s25], [sflag:$0x6], $0x40, s5, s21, $0xb8;
	[tilespmem:$0x1F800] =	vst v63  }
0x101: {  	_ =	swait.ge [sflag:s14], $0x1F40  }
0x102: {  	s15 =	sshra.s32 s8, $0x2;
	s5 =	smov.u32 s18;
	[sflag:s14] =	ssyncset.done $0x0  }
0x103: {  	s5 =	sadd.s32 $0x19080, s15;
	[sflag:s14] =	ssyncadd.s32 $0xFFFFE0C0  }
0x104: {  	[tilespmem:s25], [sflag:$0x2] =	stream.indirect.gather [spmem:s2], $0x40, s5, s21, $0xb8;
	[tilespmem:$0x1F800] =	vst v63  }
0x105: {  	_ =	swait.ge [sflag:s26], $0x1F40  }
0x106: {  	[sflag:s26] =	ssyncset.done $0x0  }
0x107: {  	s8 =	sadd.s32 $0x15400, s15;
	[sflag:s26] =	ssyncadd.s32 $0xFFFFE0C0  }
0x108: {  	[spmem:s3] =	stream.indirect.scatter.add.f32 [tilespmem:s13], [sflag:$0x6], $0x40, s8, s21, $0xb8;
	[tilespmem:$0x1F800] =	vst v63  }
0x109: {  	_ =	swait.ge [sflag:s14], $0x1F40  }
0x10a: {  	[sflag:s14] =	ssyncset.done $0x0  }
0x10b: {  	s18 =	sadd.s32 $0x19100, s15;
	[sflag:s14] =	ssyncadd.s32 $0xFFFFE0C0  }
0x10c: {  	[tilespmem:s13], [sflag:$0x1] =	stream.indirect.gather [spmem:s2], $0x40, s18, s21, $0xb8;
	[tilespmem:$0x1F800] =	vst v63  }
0x10d: {  	_ =	swait.ge [sflag:s28], $0x1F40  }
0x10e: {  	[sflag:s28] =	ssyncset.done $0x0  }
0x10f: {  	s6 =	sadd.s32 $0x15480, s15;
	[sflag:s28] =	ssyncadd.s32 $0xFFFFE0C0  }
0x110: {  	[spmem:s3] =	stream.indirect.scatter.add.f32 [tilespmem:s25], [sflag:$0x6], $0x40, s6, s21, $0xb8;
	[tilespmem:$0x1F800] =	vst v63  }
0x111: {  	_ =	swait.ge [sflag:s14], $0x1F40  }
0x112: {  	[sflag:s14] =	ssyncset.done $0x0  }
0x113: {  	s8 =	simm.s32 $0x1A380;
	[sflag:s14] =	ssyncadd.s32 $0xFFFFE0C0  }
0x114: {  	[tilespmem:s25], [sflag:$0x2] =	stream.indirect.gather [spmem:s2], $0x40, s8, s21, $0xb8;
	[tilespmem:$0x1F800] =	vst v63  }
0x115: {  	_ =	swait.ge [sflag:s26], $0x1F40  }
0x116: {  	[sflag:s26] =	ssyncset.done $0x0  }
0x117: {  	s15 =	simm.s32 $0x16700;
	[sflag:s26] =	ssyncadd.s32 $0xFFFFE0C0  }
0x118: {  	[spmem:s3] =	stream.indirect.scatter.add.f32 [tilespmem:s13], [sflag:$0x6], $0x40, s15, s21, $0xb8;
	[tilespmem:$0x1F800] =	vst v63  }
0x119: {  	_ =	swait.ge [sflag:s14], $0x1F40  }
0x11a: {  	[sflag:s14] =	ssyncset.done $0x0  }
0x11b: {  	[sflag:s14] =	ssyncadd.s32 $0xFFFFE0C0  }
0x11c: {  	[tilespmem:s13], [sflag:$0x1] =	stream.indirect.gather [spmem:s2], $0x40, s19, s21, $0xb8;
	[tilespmem:$0x1F800] =	vst v63  }
0x11d: {  	_ =	swait.ge [sflag:s28], $0x1F40  }
0x11e: {  	[sflag:s28] =	ssyncset.done $0x0  }
0x11f: {  	s18 =	simm.s32 $0x16780;
	[sflag:s28] =	ssyncadd.s32 $0xFFFFE0C0  }
0x120: {  	[spmem:s3] =	stream.indirect.scatter.add.f32 [tilespmem:s25], [sflag:$0x6], $0x40, s18, s21, $0xb8;
	[tilespmem:$0x1F800] =	vst v63  }
0x121: {  	_ =	swait.ge [sflag:s14], $0x1F40  }
0x122: {  	[sflag:s14] =	ssyncset.done $0x0  }
0x123: {  	[sflag:s14] =	ssyncadd.s32 $0xFFFFE0C0  }
0x124: {  	_ =	swait.ge [sflag:s17], $0x1400  }
0x125: {  	[sflag:s17] =	ssyncset.done $0x0  }
0x126: {  	[sflag:s17] =	ssyncadd.s32 $0xFFFFEC00  }
0x127: {  	_ =	swait.ge [sflag:s17], $0x1400  }
0x128: {  	[sflag:s17] =	ssyncset.done $0x0  }
0x129: {  	s6 =	simm.s32 $0x1A480;
	[sflag:s17] =	ssyncadd.s32 $0xFFFFEC00  }
0x12a: {  	[tilespmem:s25], [sflag:$0x2] =	stream.indirect.gather [spmem:s2], $0x40, s6, s21, $0xb8;
	[tilespmem:$0x1F800] =	vst v63  }
0x12b: {  	_ =	swait.ge [sflag:s26], $0x1F40  }
0x12c: {  	[sflag:s26] =	ssyncset.done $0x0  }
0x12d: {  	s8 =	simm.s32 $0x16800;
	[sflag:s26] =	ssyncadd.s32 $0xFFFFE0C0  }
0x12e: {  	[spmem:s3] =	stream.indirect.scatter.add.f32 [tilespmem:s13], [sflag:$0x6], $0x40, s8, s21, $0xb8;
	[tilespmem:$0x1F800] =	vst v63  }
0x12f: {  	_ =	swait.ge [sflag:s14], $0x1F40  }
0x130: {  	[sflag:s14] =	ssyncset.done $0x0  }
0x131: {  	s15 =	simm.s32 $0x1A500;
	[sflag:s14] =	ssyncadd.s32 $0xFFFFE0C0  }
0x132: {  	[tilespmem:s13], [sflag:$0x1] =	stream.indirect.gather [spmem:s2], $0x40, s15, s21, $0xb8;
	[tilespmem:$0x1F800] =	vst v63  }
0x133: {  	_ =	swait.ge [sflag:s28], $0x1F40  }
0x134: {  	[sflag:s28] =	ssyncset.done $0x0  }
0x135: {  	s18 =	simm.s32 $0x16880;
	[sflag:s28] =	ssyncadd.s32 $0xFFFFE0C0  }
0x136: {  	[spmem:s3] =	stream.indirect.scatter.add.f32 [tilespmem:s25], [sflag:$0x6], $0x40, s18, s21, $0xb8;
	[tilespmem:$0x1F800] =	vst v63  }
0x137: {  	_ =	swait.ge [sflag:s14], $0x1F40  }
0x138: {  	s5 =	simm.s32 $0x800;
	s15 =	simm.s32 $0x100;
	[sflag:s14] =	ssyncset.done $0x0  }
.LBB2_6:
0x139: {  	s6 =	sadd.s32 $0x1A480, s15  }
0x13a: {  	[sflag:s14] =	ssyncadd.s32 $0xFFFFE0C0;
	s8 =	smov.u32 s5;
	s18 =	sadd.s32 $0x400, s5  }
0x13b: {  	[tilespmem:s25], [sflag:$0x2] =	stream.indirect.gather [spmem:s2], $0x40, s6, s21, $0xb8;
	[tilespmem:$0x1F800] =	vst v63  }
0x13c: {  	p1 =	sne.s32 s5, $0x4800;
	_ =	swait.ge [sflag:s26], $0x1F40  }
0x13d: {  	[sflag:s26] =	ssyncset.done $0x0  }
0x13e: {  	s5 =	sadd.s32 $0x16800, s15;
	[sflag:s26] =	ssyncadd.s32 $0xFFFFE0C0  }
0x13f: {  	[spmem:s3] =	stream.indirect.scatter.add.f32 [tilespmem:s13], [sflag:$0x6], $0x40, s5, s21, $0xb8;
	[tilespmem:$0x1F800] =	vst v63  }
0x140: {  	_ =	swait.ge [sflag:s14], $0x1F40  }
0x141: {  	[sflag:s14] =	ssyncset.done $0x0  }
0x142: {  	s5 =	sadd.s32 $0x1A500, s15;
	[sflag:s14] =	ssyncadd.s32 $0xFFFFE0C0  }
0x143: {  	[tilespmem:s13], [sflag:$0x1] =	stream.indirect.gather [spmem:s2], $0x40, s5, s21, $0xb8;
	[tilespmem:$0x1F800] =	vst v63  }
0x144: {  	_ =	swait.ge [sflag:s28], $0x1F40  }
.Ltmp2:
0x145: {  	[sflag:s28] =	ssyncset.done $0x0;
	(pc) =	sbr.rel @p1 .LBB2_6-.Ltmp2, $4  }
0x146: {  	s5 =	sadd.s32 $0x16880, s15;
	[sflag:s28] =	ssyncadd.s32 $0xFFFFE0C0  }
0x147: {  	[spmem:s3] =	stream.indirect.scatter.add.f32 [tilespmem:s25], [sflag:$0x6], $0x40, s5, s21, $0xb8;
	[tilespmem:$0x1F800] =	vst v63  }
0x148: {  	_ =	swait.ge [sflag:s14], $0x1F40  }
0x149: {  	s15 =	sshra.s32 s8, $0x2;
	s5 =	smov.u32 s18;
	[sflag:s14] =	ssyncset.done $0x0  }
0x14a: {  	s5 =	sadd.s32 $0x1A480, s15;
	[sflag:s14] =	ssyncadd.s32 $0xFFFFE0C0  }
0x14b: {  	[tilespmem:s25], [sflag:$0x2] =	stream.indirect.gather [spmem:s2], $0x40, s5, s21, $0xb8;
	[tilespmem:$0x1F800] =	vst v63  }
0x14c: {  	_ =	swait.ge [sflag:s26], $0x1F40  }
0x14d: {  	[sflag:s26] =	ssyncset.done $0x0  }
0x14e: {  	s8 =	sadd.s32 $0x16800, s15;
	[sflag:s26] =	ssyncadd.s32 $0xFFFFE0C0  }
0x14f: {  	[spmem:s3] =	stream.indirect.scatter.add.f32 [tilespmem:s13], [sflag:$0x6], $0x40, s8, s21, $0xb8;
	[tilespmem:$0x1F800] =	vst v63  }
0x150: {  	_ =	swait.ge [sflag:s14], $0x1F40  }
0x151: {  	[sflag:s14] =	ssyncset.done $0x0  }
0x152: {  	s18 =	sadd.s32 $0x1A500, s15;
	[sflag:s14] =	ssyncadd.s32 $0xFFFFE0C0  }
0x153: {  	[tilespmem:s13], [sflag:$0x1] =	stream.indirect.gather [spmem:s2], $0x40, s18, s21, $0xb8;
	[tilespmem:$0x1F800] =	vst v63  }
0x154: {  	_ =	swait.ge [sflag:s28], $0x1F40  }
0x155: {  	[sflag:s28] =	ssyncset.done $0x0  }
0x156: {  	s6 =	sadd.s32 $0x16880, s15;
	[sflag:s28] =	ssyncadd.s32 $0xFFFFE0C0  }
0x157: {  	[spmem:s3] =	stream.indirect.scatter.add.f32 [tilespmem:s25], [sflag:$0x6], $0x40, s6, s21, $0xb8;
	[tilespmem:$0x1F800] =	vst v63  }
0x158: {  	_ =	swait.ge [sflag:s14], $0x1F40  }
0x159: {  	[sflag:s14] =	ssyncset.done $0x0  }
0x15a: {  	s8 =	simm.s32 $0x1B780;
	[sflag:s14] =	ssyncadd.s32 $0xFFFFE0C0  }
0x15b: {  	[tilespmem:s25], [sflag:$0x2] =	stream.indirect.gather [spmem:s2], $0x40, s8, s21, $0xb8;
	[tilespmem:$0x1F800] =	vst v63  }
0x15c: {  	_ =	swait.ge [sflag:s26], $0x1F40  }
0x15d: {  	[sflag:s26] =	ssyncset.done $0x0  }
0x15e: {  	s15 =	simm.s32 $0x17B00;
	[sflag:s26] =	ssyncadd.s32 $0xFFFFE0C0  }
0x15f: {  	[spmem:s3] =	stream.indirect.scatter.add.f32 [tilespmem:s13], [sflag:$0x6], $0x40, s15, s21, $0xb8;
	[tilespmem:$0x1F800] =	vst v63  }
0x160: {  	_ =	swait.ge [sflag:s14], $0x1F40  }
0x161: {  	[sflag:s14] =	ssyncset.done $0x0  }
0x162: {  	[sflag:s14] =	ssyncadd.s32 $0xFFFFE0C0  }
0x163: {  	[tilespmem:s13], [sflag:$0x1] =	stream.indirect.gather [spmem:s2], $0x40, s16, s21, $0xb8;
	[tilespmem:$0x1F800] =	vst v63  }
0x164: {  	_ =	swait.ge [sflag:s28], $0x1F40  }
0x165: {  	[sflag:s28] =	ssyncset.done $0x0  }
0x166: {  	s18 =	simm.s32 $0x17B80;
	[sflag:s28] =	ssyncadd.s32 $0xFFFFE0C0  }
0x167: {  	[spmem:s3] =	stream.indirect.scatter.add.f32 [tilespmem:s25], [sflag:$0x6], $0x40, s18, s21, $0xb8;
	[tilespmem:$0x1F800] =	vst v63  }
0x168: {  	_ =	swait.ge [sflag:s14], $0x1F40  }
0x169: {  	[sflag:s14] =	ssyncset.done $0x0  }
0x16a: {  	s6 =	simm.s32 $0x17C80;
	[sflag:s14] =	ssyncadd.s32 $0xFFFFE0C0  }
0x16b: {  	[tilespmem:s25], [sflag:$0x2] =	stream.indirect.gather [spmem:s2], $0x40, s6, s21, $0xb8;
	[tilespmem:$0x1F800] =	vst v63  }
0x16c: {  	_ =	swait.ge [sflag:s26], $0x1F40  }
0x16d: {  	[sflag:s26] =	ssyncset.done $0x0  }
0x16e: {  	s8 =	simm.s32 $0x14000;
	[sflag:s26] =	ssyncadd.s32 $0xFFFFE0C0  }
0x16f: {  	[spmem:s3] =	stream.indirect.scatter.add.f32 [tilespmem:s13], [sflag:$0x6], $0x40, s8, s21, $0xb8;
	[tilespmem:$0x1F800] =	vst v63  }
0x170: {  	_ =	swait.ge [sflag:s14], $0x1F40  }
0x171: {  	[sflag:s14] =	ssyncset.done $0x0  }
0x172: {  	s15 =	simm.s32 $0x17D00;
	[sflag:s14] =	ssyncadd.s32 $0xFFFFE0C0  }
0x173: {  	[tilespmem:s13], [sflag:$0x1] =	stream.indirect.gather [spmem:s2], $0x40, s15, s21, $0xb8;
	[tilespmem:$0x1F800] =	vst v63  }
0x174: {  	_ =	swait.ge [sflag:s28], $0x1F40  }
0x175: {  	[sflag:s28] =	ssyncset.done $0x0  }
0x176: {  	s18 =	simm.s32 $0x14080;
	[sflag:s28] =	ssyncadd.s32 $0xFFFFE0C0  }
0x177: {  	[spmem:s3] =	stream.indirect.scatter.add.f32 [tilespmem:s25], [sflag:$0x6], $0x40, s18, s21, $0xb8;
	[tilespmem:$0x1F800] =	vst v63  }
0x178: {  	_ =	swait.ge [sflag:s14], $0x1F40  }
0x179: {  	s5 =	simm.s32 $0x800;
	s15 =	simm.s32 $0x100;
	[sflag:s14] =	ssyncset.done $0x0  }
.LBB2_8:
0x17a: {  	s6 =	sadd.s32 $0x17C80, s15  }
0x17b: {  	[sflag:s14] =	ssyncadd.s32 $0xFFFFE0C0;
	s8 =	smov.u32 s5;
	s18 =	sadd.s32 $0x400, s5  }
0x17c: {  	[tilespmem:s25], [sflag:$0x2] =	stream.indirect.gather [spmem:s2], $0x40, s6, s21, $0xb8;
	[tilespmem:$0x1F800] =	vst v63  }
0x17d: {  	p1 =	sne.s32 s5, $0x4800;
	_ =	swait.ge [sflag:s26], $0x1F40  }
0x17e: {  	[sflag:s26] =	ssyncset.done $0x0  }
0x17f: {  	s5 =	sadd.s32 $0x14000, s15;
	[sflag:s26] =	ssyncadd.s32 $0xFFFFE0C0  }
0x180: {  	[spmem:s3] =	stream.indirect.scatter.add.f32 [tilespmem:s13], [sflag:$0x6], $0x40, s5, s21, $0xb8;
	[tilespmem:$0x1F800] =	vst v63  }
0x181: {  	_ =	swait.ge [sflag:s14], $0x1F40  }
0x182: {  	[sflag:s14] =	ssyncset.done $0x0  }
0x183: {  	s5 =	sadd.s32 $0x17D00, s15;
	[sflag:s14] =	ssyncadd.s32 $0xFFFFE0C0  }
0x184: {  	[tilespmem:s13], [sflag:$0x1] =	stream.indirect.gather [spmem:s2], $0x40, s5, s21, $0xb8;
	[tilespmem:$0x1F800] =	vst v63  }
0x185: {  	_ =	swait.ge [sflag:s28], $0x1F40  }
.Ltmp3:
0x186: {  	[sflag:s28] =	ssyncset.done $0x0;
	(pc) =	sbr.rel @p1 .LBB2_8-.Ltmp3, $4  }
0x187: {  	s5 =	sadd.s32 $0x14080, s15;
	[sflag:s28] =	ssyncadd.s32 $0xFFFFE0C0  }
0x188: {  	[spmem:s3] =	stream.indirect.scatter.add.f32 [tilespmem:s25], [sflag:$0x6], $0x40, s5, s21, $0xb8;
	[tilespmem:$0x1F800] =	vst v63  }
0x189: {  	_ =	swait.ge [sflag:s14], $0x1F40  }
0x18a: {  	s15 =	sshra.s32 s8, $0x2;
	s5 =	smov.u32 s18;
	[sflag:s14] =	ssyncset.done $0x0  }
0x18b: {  	s5 =	sadd.s32 $0x17C80, s15;
	[sflag:s14] =	ssyncadd.s32 $0xFFFFE0C0  }
0x18c: {  	[tilespmem:s25], [sflag:$0x2] =	stream.indirect.gather [spmem:s2], $0x40, s5, s21, $0xb8;
	[tilespmem:$0x1F800] =	vst v63  }
0x18d: {  	_ =	swait.ge [sflag:s26], $0x1F40  }
0x18e: {  	[sflag:s26] =	ssyncset.done $0x0  }
0x18f: {  	s18 =	sadd.s32 $0x14000, s15;
	[sflag:s26] =	ssyncadd.s32 $0xFFFFE0C0  }
0x190: {  	[spmem:s3] =	stream.indirect.scatter.add.f32 [tilespmem:s13], [sflag:$0x6], $0x40, s18, s21, $0xb8;
	[tilespmem:$0x1F800] =	vst v63  }
0x191: {  	_ =	swait.ge [sflag:s14], $0x1F40  }
0x192: {  	[sflag:s14] =	ssyncset.done $0x0  }
0x193: {  	s6 =	sadd.s32 $0x17D00, s15;
	[sflag:s14] =	ssyncadd.s32 $0xFFFFE0C0  }
0x194: {  	[tilespmem:s13], [sflag:$0x1] =	stream.indirect.gather [spmem:s2], $0x40, s6, s21, $0xb8;
	[tilespmem:$0x1F800] =	vst v63  }
0x195: {  	_ =	swait.ge [sflag:s28], $0x1F40  }
0x196: {  	[sflag:s28] =	ssyncset.done $0x0  }
0x197: {  	s8 =	sadd.s32 $0x14080, s15;
	[sflag:s28] =	ssyncadd.s32 $0xFFFFE0C0  }
0x198: {  	[spmem:s3] =	stream.indirect.scatter.add.f32 [tilespmem:s25], [sflag:$0x6], $0x40, s8, s21, $0xb8;
	[tilespmem:$0x1F800] =	vst v63  }
0x199: {  	_ =	swait.ge [sflag:s14], $0x1F40  }
0x19a: {  	[sflag:s14] =	ssyncset.done $0x0  }
0x19b: {  	[sflag:s14] =	ssyncadd.s32 $0xFFFFE0C0  }
0x19c: {  	[tilespmem:s25], [sflag:$0x2] =	stream.indirect.gather [spmem:s2], $0x40, s29, s21, $0xb8;
	[tilespmem:$0x1F800] =	vst v63  }
0x19d: {  	_ =	swait.ge [sflag:s26], $0x1F40  }
0x19e: {  	[sflag:s26] =	ssyncset.done $0x0  }
0x19f: {  	[sflag:s26] =	ssyncadd.s32 $0xFFFFE0C0  }
0x1a0: {  	[spmem:s3] =	stream.indirect.scatter.add.f32 [tilespmem:s13], [sflag:$0x6], $0x40, s30, s21, $0xb8;
	[tilespmem:$0x1F800] =	vst v63  }
0x1a1: {  	_ =	swait.ge [sflag:s14], $0x1F40  }
0x1a2: {  	[sflag:s14] =	ssyncset.done $0x0  }
0x1a3: {  	[sflag:s14] =	ssyncadd.s32 $0xFFFFE0C0  }
0x1a4: {  	_ =	swait.ge [sflag:s28], $0x1F40  }
0x1a5: {  	[sflag:s28] =	ssyncset.done $0x0  }
0x1a6: {  	[sflag:s28] =	ssyncadd.s32 $0xFFFFE0C0  }
0x1a7: {  	[spmem:s3] =	stream.indirect.scatter.add.f32 [tilespmem:s25], [sflag:$0x6], $0x40, s31, s21, $0xb8;
	[tilespmem:$0x1F800] =	vst v63  }
0x1a8: {  	_ =	swait.ge [sflag:s14], $0x1F40  }
0x1a9: {  	[sflag:s14] =	ssyncset.done $0x0  }
0x1aa: {  	[sflag:s14] =	ssyncadd.s32 $0xFFFFE0C0  }
0x1ab: {  	[bflag:$0x0] =	sbarrier.arrive $0xFFFF  }
0x1ac: {  	[tilespmem:s13], [sflag:$0x6] =	stream.linear.gather [spmem:s7], $0x2000, $0x38;
	[tilespmem:$0x1F800] =	vst v63  }
0x1ad: {  	_ =	swait.ge [sflag:s14], $0x2000  }
0x1ae: {  	[sflag:s14] =	ssyncset.done $0x0  }
0x1af: {  	s15 =	rddreg [dreg:$0xc];
	[sflag:s14] =	ssyncadd.s32 $0xFFFFE000  }
0x1b0: {  	[hbm4b:s15+s11] =	stream.strided.scatter [tilespmem:s13], [sflag:$0x6], $0x2000, s12, s11, $0x38;
	[tilespmem:$0x1F800] =	vst v63  }
0x1b1: {  	_ =	swait.ge [sflag:s14], $0x2000  }
0x1b2: {  	[sflag:s14] =	ssyncset.done $0x0  }
0x1b3: {  	[sflag:s14] =	ssyncadd.s32 $0xFFFFE000  }
0x1b4: {  	[tilespmem:s13], [sflag:$0x6] =	stream.linear.gather [spmem:s10], $0x2000, $0x38;
	[tilespmem:$0x1F800] =	vst v63  }
0x1b5: {  	_ =	swait.ge [sflag:s14], $0x2000  }
0x1b6: {  	[sflag:s14] =	ssyncset.done $0x0  }
0x1b7: {  	s18 =	rddreg [dreg:$0xd];
	[sflag:s14] =	ssyncadd.s32 $0xFFFFE000  }
0x1b8: {  	[hbm4b:s18+s11] =	stream.strided.scatter [tilespmem:s13], [sflag:$0x6], $0x2000, s12, s11, $0x38;
	[tilespmem:$0x1F800] =	vst v63  }
0x1b9: {  	_ =	swait.ge [sflag:s14], $0x2000  }
0x1ba: {  	[sflag:s14] =	ssyncset.done $0x0  }
0x1bb: {  	[sflag:s14] =	ssyncadd.s32 $0xFFFFE000  }
0x1bc: {  	[tilespmem:s13], [sflag:$0x6] =	stream.linear.gather [spmem:s20], $0x2000, $0x38;
	[tilespmem:$0x1F800] =	vst v63  }
0x1bd: {  	_ =	swait.ge [sflag:s14], $0x2000  }
0x1be: {  	[sflag:s14] =	ssyncset.done $0x0  }
0x1bf: {  	s6 =	rddreg [dreg:$0xe];
	[sflag:s14] =	ssyncadd.s32 $0xFFFFE000  }
0x1c0: {  	[hbm4b:s6+s11] =	stream.strided.scatter [tilespmem:s13], [sflag:$0x6], $0x2000, s12, s11, $0x38;
	[tilespmem:$0x1F800] =	vst v63  }
0x1c1: {  	_ =	swait.ge [sflag:s14], $0x2000  }
0x1c2: {  	[sflag:s14] =	ssyncset.done $0x0  }
0x1c3: {  	[sflag:s14] =	ssyncadd.s32 $0xFFFFE000  }
0x1c4: {  	[tilespmem:s13], [sflag:$0x6] =	stream.linear.gather [spmem:s22], $0x2000, $0x38;
	[tilespmem:$0x1F800] =	vst v63  }
0x1c5: {  	_ =	swait.ge [sflag:s14], $0x2000  }
0x1c6: {  	[sflag:s14] =	ssyncset.done $0x0  }
0x1c7: {  	s8 =	rddreg [dreg:$0xf];
	[sflag:s14] =	ssyncadd.s32 $0xFFFFE000  }
0x1c8: {  	[hbm4b:s8+s11] =	stream.strided.scatter [tilespmem:s13], [sflag:$0x6], $0x2000, s12, s11, $0x38;
	[tilespmem:$0x1F800] =	vst v63  }
0x1c9: {  	_ =	swait.ge [sflag:s14], $0x2000  }
0x1ca: {  	[sflag:s14] =	ssyncset.done $0x0  }
0x1cb: {  	[sflag:s14] =	ssyncadd.s32 $0xFFFFE000  }
0x1cc: {  	[tilespmem:s13], [sflag:$0x6] =	stream.linear.gather [spmem:s24], $0x2000, $0x38;
	[tilespmem:$0x1F800] =	vst v63  }
0x1cd: {  	_ =	swait.ge [sflag:s14], $0x2000  }
0x1ce: {  	[sflag:s14] =	ssyncset.done $0x0  }
0x1cf: {  	s15 =	rddreg [dreg:$0x10];
	[sflag:s14] =	ssyncadd.s32 $0xFFFFE000  }
0x1d0: {  	[hbm4b:s15+s11] =	stream.strided.scatter [tilespmem:s13], [sflag:$0x6], $0x2000, s12, s11, $0x38;
	[tilespmem:$0x1F800] =	vst v63  }
0x1d1: {  	_ =	swait.ge [sflag:s14], $0x2000  }
0x1d2: {  	s1 =	sadd.s32 $0x1, s1;
	s18 =	rddreg [dreg:$0x1d]  }
0x1d3: {  	p1 =	sne.s32 s1, s18  }
.Ltmp4:
0x1d4: {  	_ = 	snop;
	(pc) =	sbr.rel @p1 .LBB2_1-.Ltmp4, $3  }
0x1d5: {  	_ =	sdelay $0x1  }
0x1d6: {  	[sflag:s14] =	ssyncset.done $0x0  }
0x1d7: {  	[sflag:s14] =	ssyncadd.s32 $0xFFFFE000  }
0x1d8: {  	_ =	sfence.sel $0x180000  }
0x1d9: {  	[bflag:$0x0] =	sbarrier.arrive $0xFFFF  }
0x1da: {  	_ =	strace $0x9000004A  }
0x1db: {  	s0 =	stileid.u32;
	[bflag:$0x2] =	sbarrier.arrive $0xFFFF  }
0x1dc: {  	p0 =	sne.s32 s0, $0x0;
	s0 =	rddreg [dreg:$0x4]  }
0x1dd: {  	s0 =	sadd.s32 @!p0 $0x100000, s0  }
0x1de: {  	[sflag:s0] =	ssyncadd.tile.s32 @!p0 $0x1;
	_ =	shalt  }
.Lfunc_end2:
_tile_overlayer_lowered:
.L_overlay_start_2:
0x1df: {  	(tag) =	ssettag $0x2  }
0x1e0: {  	s0 =	rddreg [dreg:$0x0];
	s2 =	stileid.u32  }
0x1e1: {  	s1 =	rddreg [dreg:$0x1];
	p0 =	sne.s32 s2, $0x0  }
0x1e2: {  	s3 =	rddreg [dreg:$0x2];
	[bflag:$0x3] =	sbarrier.arrive $0xFFFF;
	s2 =	simm.s32 @!p0 $0x1C06  }
0x1e3: {  	[timem:s3], [sflag:s2] =	dma.local @!p0 [hbm:s0], s1  }
0x1e4: {  	s0 =	simm.s32 @!p0 $0x6  }
0x1e5: {  	_ =	swait.ge @!p0 [sflag:s0], s1  }
0x1e6: {  	s1 =	ssub.s32 @!p0 $0x0, s1;
	[sflag:s0] =	ssyncset.done @!p0 $0x0  }
0x1e7: {  	[sflag:s0] =	ssyncadd.s32 @!p0 s1  }
0x1e8: {  	[bflag:$0x3] =	sbarrier.arrive $0xFFFF  }
0x1e9: {  	_ =	shalt  }

</sc_bundles>
